<compile_context>
chip_gen: v7x
topology: tpu7x:2x2x1
jax: 0.10.2.dev20260603
libtpu: 0.0.44.dev20260713+nightly
codegen_flags: <defaults>
</compile_context>

<pallas_src>
import functools

import jax
import jax.numpy as jnp
from jax import lax
from jax.experimental import pallas as pl
from jax.experimental.pallas import tpu as pltpu
from jax.experimental.pallas import tpu_sc as plsc

L = 16
NC, NS = 2, 16
NW = NC * NS
GROUP_PAD = 4 * L

_GDN = lax.GatherDimensionNumbers(
    offset_dims=(), collapsed_slice_dims=(0,), start_index_map=(0,))


def _perm(v, idx):
    return lax.gather(v, idx[:, None], dimension_numbers=_GDN,
                      slice_sizes=(1,),
                      mode=lax.GatherScatterMode.PROMISE_IN_BOUNDS)


def _lane():
    return lax.iota(jnp.int32, L)


def _ce(k1, k2, payloads, j, k):
    ln = _lane()
    pidx = ln ^ j
    asc = (ln & k) == 0
    ks = asc == ((ln & j) == 0)
    p1 = _perm(k1, pidx)
    p2 = _perm(k2, pidx)
    less = (p1 < k1) | ((p1 == k1) & (p2 < k2))
    take = jnp.where(ks, less, ~less)
    o1 = jnp.where(take, p1, k1)
    o2 = jnp.where(take, p2, k2)
    pays = tuple(jnp.where(take, _perm(p, pidx), p) for p in payloads)
    return o1, o2, pays


def _merge16(k1, k2, payloads=()):
    for j in (8, 4, 2, 1):
        k1, k2, payloads = _ce(k1, k2, payloads, j, 32)
    return k1, k2, payloads


def _ce_explicit(k1, k2, payloads, pidx, ks):
    p1 = _perm(k1, pidx)
    p2 = _perm(k2, pidx)
    less = (p1 < k1) | ((p1 == k1) & (p2 < k2))
    lessi = less.astype(jnp.int32) ^ ks
    take = lessi != 0
    o1 = jnp.where(take, p1, k1)
    o2 = jnp.where(take, p2, k2)
    pays = tuple(jnp.where(take, _perm(p, pidx), p) for p in payloads)
    return o1, o2, pays


def _sort16_hw(k1, k2, payloads=()):
    k1, k2 = plsc.sort_key_val(k1, k2)
    ln = _lane()
    k1, k2, payloads = _ce_explicit(k1, k2, payloads, ln ^ 1, ln & 1)
    pidx = jnp.clip(((ln + 1) ^ 1) - 1, 0, L - 1)
    k1, k2, payloads = _ce_explicit(k1, k2, payloads, pidx, (ln & 1) ^ 1)
    return k1, k2, payloads


def _ce_pair(a1, a2, apays, b1, b2, bpays):
    bless = (b1 < a1) | ((b1 == a1) & (b2 < a2))
    lo1 = jnp.where(bless, b1, a1)
    lo2 = jnp.where(bless, b2, a2)
    hi1 = jnp.where(bless, a1, b1)
    hi2 = jnp.where(bless, a2, b2)
    lop = tuple(jnp.where(bless, bp, ap) for ap, bp in zip(apays, bpays))
    hip = tuple(jnp.where(bless, ap, bp) for ap, bp in zip(apays, bpays))
    return (lo1, lo2, lop), (hi1, hi2, hip)


def _rev(v):
    return lax.rev(v, dimensions=(0,))


def _merge_new(c0d, c0i, c1d, c1i, nd, ni):
    (s1d, s1i, _), _ = _ce_pair(c1d, c1i, (), _rev(nd), _rev(ni), ())
    s1d, s1i, _ = _merge16(s1d, s1i)
    (lod, loi, _), (hid, hii, _) = _ce_pair(c0d, c0i, (), _rev(s1d), _rev(s1i), ())
    lod, loi, _ = _merge16(lod, loi)
    hid, hii, _ = _merge16(hid, hii)
    return lod, loi, hid, hii


def _newton_sqrt(v):
    b = lax.bitcast_convert_type(v, jnp.int32)
    g = lax.bitcast_convert_type((b >> 1) + jnp.int32(0x1FBD1DF5), jnp.float32)
    for _ in range(4):
        g = 0.5 * (g + v / g)
    return g


def _vsplat(s):
    return jnp.full((L,), s, dtype=jnp.float32)


def _rerank(c0d, c0i, c1d, c1i, px0, py0, pz0, px1, py1, pz1):
    lane = _lane()
    mx = (_vsplat(jnp.sum(px0)) + _vsplat(jnp.sum(px1))) * (1.0 / 32.0)
    my = (_vsplat(jnp.sum(py0)) + _vsplat(jnp.sum(py1))) * (1.0 / 32.0)
    mz = (_vsplat(jnp.sum(pz0)) + _vsplat(jnp.sum(pz1))) * (1.0 / 32.0)
    ex0, ex1 = px0 - mx, px1 - mx
    ey0, ey1 = py0 - my, py1 - my
    ez0, ez1 = pz0 - mz, pz1 - mz
    ssd0 = (ex0 * ex0 + ey0 * ey0) + ez0 * ez0
    ssd1 = (ex1 * ex1 + ey1 * ey1) + ez1 * ez1
    vx = _vsplat(jnp.sum(ex0 * ex0)) + _vsplat(jnp.sum(ex1 * ex1))
    vy = _vsplat(jnp.sum(ey0 * ey0)) + _vsplat(jnp.sum(ey1 * ey1))
    vz = _vsplat(jnp.sum(ez0 * ez0)) + _vsplat(jnp.sum(ez1 * ez1))
    var_vec = jnp.where(lane == 0, vx, jnp.where(lane == 1, vy, vz))
    var_vec = var_vec / jnp.full((L,), 31.0, dtype=jnp.float32)
    std_vec = _newton_sqrt(var_vec)
    eps = jnp.full((L,), 1e-6, dtype=jnp.float32)
    s0 = _perm(std_vec, jnp.zeros((L,), jnp.int32)) + eps
    s1 = _perm(std_vec, jnp.full((L,), 1, jnp.int32)) + eps
    s2 = _perm(std_vec, jnp.full((L,), 2, jnp.int32)) + eps
    meanstd = ((s0 + s1) + s2) / jnp.full((L,), 3.0, dtype=jnp.float32)
    w0 = jnp.exp(-(ssd0 / meanstd))
    w1 = jnp.exp(-(ssd1 / meanstd))
    wd0 = c0d * w0
    wd1 = c1d * w1
    wd0, pos0, _ = _sort16_hw(wd0, lane)
    wd1, pos1, _ = _sort16_hw(wd1, lane)
    pos1 = pos1 + L
    (lwd, lpos, _), _ = _ce_pair(wd0, pos0, (), _rev(wd1), _rev(pos1), ())
    _, lpos, _ = _merge16(lwd, lpos)
    return lpos


def _knn_body(nq_per_worker, n_points, xt_hbm, qt_hbm, out_hbm,
              x_v, y_v, z_v, qx_v, qy_v, qz_v,
              pend_d, pend_i, cand_d, cand_i, out_v, smem):
    wid = lax.axis_index("s") * NC + lax.axis_index("c")
    n_per_batch = n_points
    workers_per_batch = n_per_batch // nq_per_worker
    b = wid // workers_per_batch
    qoff = (wid % workers_per_batch) * nq_per_worker
    plane = 3 * n_points
    base = b * plane
    pltpu.sync_copy(xt_hbm.at[pl.ds(base, n_points)], x_v.at[pl.ds(0, n_points)])
    pltpu.sync_copy(xt_hbm.at[pl.ds(base + n_points, n_points)],
                    y_v.at[pl.ds(0, n_points)])
    pltpu.sync_copy(xt_hbm.at[pl.ds(base + 2 * n_points, n_points)],
                    z_v.at[pl.ds(0, n_points)])
    pltpu.sync_copy(qt_hbm.at[pl.ds(base + qoff, nq_per_worker)], qx_v)
    pltpu.sync_copy(qt_hbm.at[pl.ds(base + n_points + qoff, nq_per_worker)], qy_v)
    pltpu.sync_copy(qt_hbm.at[pl.ds(base + 2 * n_points + qoff, nq_per_worker)], qz_v)

    lane = _lane()
    inf_v = jnp.full((L,), jnp.inf, dtype=jnp.float32)
    n_chunks = n_points // L
    for t in range(GROUP_PAD // L):
        x_v[pl.ds(n_points + t * L, L)] = inf_v
        y_v[pl.ds(n_points + t * L, L)] = inf_v
        z_v[pl.ds(n_points + t * L, L)] = inf_v

    def per_query(q, _):
        qblk = pl.multiple_of((q // L) * L, L)
        qsel = jnp.full((L,), q % L, dtype=jnp.int32)

        def bcast(ref):
            return _perm(ref[pl.ds(qblk, L)], qsel)

        qx = bcast(qx_v)
        qy = bcast(qy_v)
        qz = bcast(qz_v)
        smem[0] = 0

        def dist_at(off):
            xv = x_v[pl.ds(off, L)]
            yv = y_v[pl.ds(off, L)]
            zv = z_v[pl.ds(off, L)]
            dx = xv - qx
            dy = yv - qy
            dz = zv - qz
            return (dx * dx + dy * dy) + dz * dz

        d0 = dist_at(0)
        d1 = dist_at(L)
        i0 = lane
        i1 = lane + L
        d0, i0, _ = _sort16_hw(d0, i0)
        d1, i1, _ = _sort16_hw(d1, i1)
        (lod, loi, _), (hid, hii, _) = _ce_pair(d0, i0, (), _rev(d1), _rev(i1), ())
        lod, loi, _ = _merge16(lod, loi)
        hid, hii, _ = _merge16(hid, hii)
        thr0 = _perm(hid, jnp.full((L,), L - 1, jnp.int32))

        def flush_fn(carry):
            c0d, c0i, c1d, c1i, thr = carry
            p_d = pend_d[pl.ds(0, L)]
            p_i = pend_i[pl.ds(0, L)]
            p_d, p_i, _ = _sort16_hw(p_d, p_i)
            c0d, c0i, c1d, c1i = _merge_new(c0d, c0i, c1d, c1i, p_d, p_i)
            pend_d[pl.ds(0, L)] = pend_d[pl.ds(L, L)]
            pend_i[pl.ds(0, L)] = pend_i[pl.ds(L, L)]
            smem[0] = smem[0] - L
            thr = _perm(c1d, jnp.full((L,), L - 1, jnp.int32))
            return (c0d, c0i, c1d, c1i, thr)

        def per_chunk(j, carry):
            off = pl.multiple_of(2 * L + j * L, L)
            d = dist_at(off)
            m = d < carry[4]
            pcnt = smem[0]
            pos = pcnt + jnp.cumsum(m.astype(jnp.int32)) - 1
            idxv = jnp.int32(off) + lane
            plsc.store_scatter(pend_d, [pos], d, mask=m)
            plsc.store_scatter(pend_i, [pos], idxv, mask=m)
            cnt = plsc.all_reduce_population_count(m)[0]
            smem[0] = pcnt + cnt
            return lax.cond(pcnt + cnt >= L, flush_fn, lambda a: a, carry)

        carry = lax.fori_loop(0, n_chunks - 2, per_chunk,
                              (lod, loi, hid, hii, thr0), unroll=6)

        def final_fn(carry):
            c0d, c0i, c1d, c1i, thr = carry
            fcnt = smem[0]
            p_d = pend_d[pl.ds(0, L)]
            p_i = pend_i[pl.ds(0, L)]
            mfin = lane < fcnt
            p_d = jnp.where(mfin, p_d, jnp.inf)
            p_i = jnp.where(mfin, p_i, jnp.int32(3 * n_points) + lane)
            p_d, p_i, _ = _sort16_hw(p_d, p_i)
            c0d, c0i, c1d, c1i = _merge_new(c0d, c0i, c1d, c1i, p_d, p_i)
            return (c0d, c0i, c1d, c1i, thr)

        carry = lax.cond(smem[0] > 0, final_fn, lambda a: a, carry)
        c0d, c0i, c1d, c1i, _ = carry
        cand_i[pl.ds(0, L)] = c0i
        cand_i[pl.ds(L, L)] = c1i
        px0 = plsc.load_gather(x_v, [c0i])
        py0 = plsc.load_gather(y_v, [c0i])
        pz0 = plsc.load_gather(z_v, [c0i])
        px1 = plsc.load_gather(x_v, [c1i])
        py1 = plsc.load_gather(y_v, [c1i])
        pz1 = plsc.load_gather(z_v, [c1i])
        lpos = _rerank(c0d, c0i, c1d, c1i, px0, py0, pz0, px1, py1, pz1)
        lidx = plsc.load_gather(cand_i, [lpos])
        out_v[pl.ds(pl.multiple_of(q * L, L), L)] = lidx
        return 0

    lax.fori_loop(0, nq_per_worker, per_query, 0, unroll=False)
    pltpu.sync_copy(out_v, out_hbm.at[pl.ds(wid * nq_per_worker * L,
                                            nq_per_worker * L)])


def _knn_sc(xt, qt, b, n, m):
    nq_per_worker = (b * m) // NW
    body = functools.partial(_knn_body, nq_per_worker, n)
    mesh = plsc.VectorSubcoreMesh(core_axis_name="c", subcore_axis_name="s")
    f = pl.kernel(
        body,
        out_type=jax.ShapeDtypeStruct((b * m * 16,), jnp.int32),
        mesh=mesh,
        compiler_params=pltpu.CompilerParams(needs_layout_passes=False),
        scratch_types=[
            pltpu.VMEM((n + GROUP_PAD,), jnp.float32),
            pltpu.VMEM((n + GROUP_PAD,), jnp.float32),
            pltpu.VMEM((n + GROUP_PAD,), jnp.float32),
            pltpu.VMEM((nq_per_worker,), jnp.float32),
            pltpu.VMEM((nq_per_worker,), jnp.float32),
            pltpu.VMEM((nq_per_worker,), jnp.float32),
            pltpu.VMEM((3 * L,), jnp.float32),
            pltpu.VMEM((3 * L,), jnp.int32),
            pltpu.VMEM((2 * L,), jnp.float32),
            pltpu.VMEM((2 * L,), jnp.int32),
            pltpu.VMEM((nq_per_worker * L,), jnp.int32),
            pltpu.SMEM((8,), jnp.int32),
        ],
    )
    return f(xt, qt)


def kernel(xyz, new_xyz=None):
    if new_xyz is None:
        new_xyz = xyz
    b, n, _ = xyz.shape
    m = new_xyz.shape[1]
    xt = jnp.transpose(xyz, (0, 2, 1)).reshape(-1)
    qt = jnp.transpose(new_xyz, (0, 2, 1)).reshape(-1)
    out = _knn_sc(xt, qt, b, n, m)
    return out.reshape(b, m, 16)

# --- scband reference (transcript-rebuilt; emitter-appended) ---
"""Pipeline reference for scband-knn-11003706212674 (READ-ONLY COPY).

The authoritative reference and input builder live on the scoring server;
editing this copy changes nothing except your own understanding.
"""

import jax, jax.numpy as jnp
import numpy as np

K = 16
KK = 32  # min(2*k, n_points)

def setup_inputs(seed: int = 0) -> dict:
    key = jax.random.key(seed)
    xyz = jax.random.normal(key, (4, 2048, 3), dtype=jnp.float32)
    return {"xyz": xyz, "new_xyz": xyz}

def _knn_point(xyz_b, query):
    # xyz_b: [N, 3], query: [3]
    diff = xyz_b - query[None, :]
    dist = jnp.sum(diff * diff, axis=-1)  # [N]
    # torch.topk(dist, kk, largest=False) -> kk smallest dists, ascending
    _, top_k_idx = jax.lax.top_k(-dist, KK)
    local_points = xyz_b[top_k_idx]  # [KK, 3]
    local_mean = jnp.mean(local_points, axis=0)
    local_std = jnp.std(local_points, axis=0, ddof=1)  # torch.std is unbiased
    weights = jnp.exp(-jnp.sum((local_points - local_mean) ** 2, axis=-1) / jnp.mean(local_std + 1e-6))
    weighted_dist = dist[top_k_idx] * weights
    idx_sorted = jnp.argsort(weighted_dist)
    return top_k_idx[idx_sorted[:K]]

def _knn_batch(xyz, new_xyz):
    per_batch = jax.vmap(lambda xb, qb: jax.vmap(lambda q: _knn_point(xb, q))(qb))
    return per_batch(xyz, new_xyz)

def reference(xyz, new_xyz=None):
    if new_xyz is None:
        new_xyz = xyz
    idx = _knn_batch(xyz, new_xyz)  # [B, M, K] integer indices
    return idx.astype(jnp.int32)

if __name__ == "__main__":
    import jax
    _d = setup_inputs()
    print(jax.jit(kernel)(*tuple(_d.values())))

</pallas_src>

<mosaic_0001>
#map = affine_map<(d0, d1) -> (0)>
module attributes {stable_mosaic.version = 14 : i64} {
  func.func @_knn_body(%arg0: i32, %arg1: i32, %arg2: memref<24576xf32, #tpu.memory_space<hbm>>, %arg3: memref<24576xf32, #tpu.memory_space<hbm>>, %arg4: memref<131072xi32, #tpu.memory_space<hbm>>, %arg5: memref<2112xf32, #tpu.memory_space<vmem>>, %arg6: memref<2112xf32, #tpu.memory_space<vmem>>, %arg7: memref<2112xf32, #tpu.memory_space<vmem>>, %arg8: memref<256xf32, #tpu.memory_space<vmem>>, %arg9: memref<256xf32, #tpu.memory_space<vmem>>, %arg10: memref<256xf32, #tpu.memory_space<vmem>>, %arg11: memref<48xf32, #tpu.memory_space<vmem>>, %arg12: memref<48xi32, #tpu.memory_space<vmem>>, %arg13: memref<32xf32, #tpu.memory_space<vmem>>, %arg14: memref<32xi32, #tpu.memory_space<vmem>>, %arg15: memref<4096xi32, #tpu.memory_space<vmem>>, %arg16: memref<8xi32, #tpu.memory_space<smem>>) attributes {dimension_semantics = [#tpu.dimension_semantics<core_parallel>, #tpu.dimension_semantics<subcore_parallel>], iteration_bounds = array<i64: 2, 16>, scalar_prefetch = 0 : i64, scratch_operands = 12 : i64, tpu.core_type = #tpu.core_type<sc_vector_subcore>, window_params = [{transform_indices = #map}, {transform_indices = #map}, {transform_indices = #map}]} {
    %mul3A = arith.constant 2 : i32
    %mul3A_0 = arith.muli %arg1, %mul3A : i32
    %add3A = arith.addi %mul3A_0, %arg0 : i32
    %jit3A = arith.constant 8 : i32
    %div3A = arith.divsi %add3A, %jit3A : i32
    %sign3A = arith.constant 0 : i32
    %sign3A_1 = arith.cmpi sgt, %add3A, %sign3A : i32
    %sign3A_2 = arith.extui %sign3A_1 : i1 to i32
    %sign3A_3 = arith.constant 0 : i32
    %sign3A_4 = arith.cmpi slt, %add3A, %sign3A_3 : i32
    %sign3A_5 = arith.extui %sign3A_4 : i1 to i32
    %sign3A_6 = arith.subi %sign3A_2, %sign3A_5 : i32
    %sign3A_7 = arith.constant 0 : i32
    %sign3A_8 = arith.cmpi sgt, %jit3A, %sign3A_7 : i32
    %sign3A_9 = arith.extui %sign3A_8 : i1 to i32
    %sign3A_10 = arith.constant 0 : i32
    %sign3A_11 = arith.cmpi slt, %jit3A, %sign3A_10 : i32
    %sign3A_12 = arith.extui %sign3A_11 : i1 to i32
    %sign3A_13 = arith.subi %sign3A_9, %sign3A_12 : i32
    %ne3A = arith.cmpi ne, %sign3A_6, %sign3A_13 : i32
    %rem3A = arith.remsi %add3A, %jit3A : i32
    %ne3A_14 = arith.constant 0 : i32
    %ne3A_15 = arith.cmpi ne, %rem3A, %ne3A_14 : i32
    %and3A = arith.andi %ne3A, %ne3A_15 : i1
    %sub3A = arith.constant 1 : i32
    %sub3A_16 = arith.subi %div3A, %sub3A : i32
    %select_n3A = arith.select %and3A, %sub3A_16, %div3A : i32
    %jit3A_17 = arith.constant 8 : i32
    %eq3A = arith.constant 0 : i32
    %eq3A_18 = arith.cmpi eq, %jit3A_17, %eq3A : i32
    %jit3A_19 = arith.constant 1 : i32
    %select_n3A_20 = arith.select %eq3A_18, %jit3A_19, %jit3A_17 : i32
    %rem3A_21 = arith.remsi %add3A, %select_n3A_20 : i32
    %ne3A_22 = arith.constant 0 : i32
    %ne3A_23 = arith.cmpi ne, %rem3A_21, %ne3A_22 : i32
    %lt3A = arith.constant 0 : i32
    %lt3A_24 = arith.cmpi slt, %rem3A_21, %lt3A : i32
    %lt3A_25 = arith.constant 0 : i32
    %lt3A_26 = arith.cmpi slt, %select_n3A_20, %lt3A_25 : i32
    %ne3A_27 = arith.xori %lt3A_24, %lt3A_26 : i1
    %and3A_28 = arith.andi %ne3A_27, %ne3A_23 : i1
    %add3A_29 = arith.addi %rem3A_21, %select_n3A_20 : i32
    %select_n3A_30 = arith.select %and3A_28, %add3A_29, %rem3A_21 : i32
    %mul3A_31 = arith.constant 256 : i32
    %mul3A_32 = arith.muli %select_n3A_30, %mul3A_31 : i32
    %mul3A_33 = arith.constant 6144 : i32
    %mul3A_34 = arith.muli %select_n3A, %mul3A_33 : i32
    "tpu.region"() ({
      %run_scoped3A = tpu.sem_alloc : memref<!tpu.dma_semaphore, #tpu.memory_space<semaphore_mem>>
      %dma_start3A = arith.constant 0 : i32
      %dma_start3A_80 = tpu.memref_slice %arg5[%dma_start3A] : memref<2112xf32, #tpu.memory_space<vmem>> -> memref<2048xf32, #tpu.memory_space<vmem>>
      %dma_start3A_81 = tpu.memref_slice %arg2[%mul3A_34] : memref<24576xf32, #tpu.memory_space<hbm>> -> memref<2048xf32, #tpu.memory_space<hbm>>
      %dma_start3A_82 = arith.constant 0 : i32
      %dma_start3A_83 = tpu.memref_slice %arg5[%dma_start3A_82] : memref<2112xf32, #tpu.memory_space<vmem>> -> memref<2048xf32, #tpu.memory_space<vmem>>
      %dma_start3A_84 = tpu.memref_slice %arg2[%mul3A_34] : memref<24576xf32, #tpu.memory_space<hbm>> -> memref<2048xf32, #tpu.memory_space<hbm>>
      tpu.enqueue_dma source(%dma_start3A_84 : memref<2048xf32, #tpu.memory_space<hbm>>) target(%dma_start3A_83 : memref<2048xf32, #tpu.memory_space<vmem>>) target_semaphore(%run_scoped3A : memref<!tpu.dma_semaphore, #tpu.memory_space<semaphore_mem>>)
      %dma_wait3A = arith.constant 0 : i32
      %dma_wait3A_85 = tpu.memref_slice %arg5[%dma_wait3A] : memref<2112xf32, #tpu.memory_space<vmem>> -> memref<2048xf32, #tpu.memory_space<vmem>>
      %dma_wait3A_86 = tpu.memref_slice %arg2[%mul3A_34] : memref<24576xf32, #tpu.memory_space<hbm>> -> memref<2048xf32, #tpu.memory_space<hbm>>
      %dma_wait3A_87 = arith.constant 0 : i32
      %dma_wait3A_88 = tpu.memref_slice %arg5[%dma_wait3A_87] : memref<2112xf32, #tpu.memory_space<vmem>> -> memref<2048xf32, #tpu.memory_space<vmem>>
      %dma_wait3A_89 = tpu.memref_slice %arg2[%mul3A_34] : memref<24576xf32, #tpu.memory_space<hbm>> -> memref<2048xf32, #tpu.memory_space<hbm>>
      tpu.wait_dma2 semaphore(%run_scoped3A : memref<!tpu.dma_semaphore, #tpu.memory_space<semaphore_mem>>) src(%dma_wait3A_89 : memref<2048xf32, #tpu.memory_space<hbm>>) dst(%dma_wait3A_88 : memref<2048xf32, #tpu.memory_space<vmem>>)
      tpu.yield
    }) : () -> ()
    %add3A_35 = arith.constant 2048 : i32
    %add3A_36 = arith.addi %mul3A_34, %add3A_35 : i32
    "tpu.region"() ({
      %run_scoped3A = tpu.sem_alloc : memref<!tpu.dma_semaphore, #tpu.memory_space<semaphore_mem>>
      %dma_start3A = arith.constant 0 : i32
      %dma_start3A_80 = tpu.memref_slice %arg6[%dma_start3A] : memref<2112xf32, #tpu.memory_space<vmem>> -> memref<2048xf32, #tpu.memory_space<vmem>>
      %dma_start3A_81 = tpu.memref_slice %arg2[%add3A_36] : memref<24576xf32, #tpu.memory_space<hbm>> -> memref<2048xf32, #tpu.memory_space<hbm>>
      %dma_start3A_82 = arith.constant 0 : i32
      %dma_start3A_83 = tpu.memref_slice %arg6[%dma_start3A_82] : memref<2112xf32, #tpu.memory_space<vmem>> -> memref<2048xf32, #tpu.memory_space<vmem>>
      %dma_start3A_84 = tpu.memref_slice %arg2[%add3A_36] : memref<24576xf32, #tpu.memory_space<hbm>> -> memref<2048xf32, #tpu.memory_space<hbm>>
      tpu.enqueue_dma source(%dma_start3A_84 : memref<2048xf32, #tpu.memory_space<hbm>>) target(%dma_start3A_83 : memref<2048xf32, #tpu.memory_space<vmem>>) target_semaphore(%run_scoped3A : memref<!tpu.dma_semaphore, #tpu.memory_space<semaphore_mem>>)
      %dma_wait3A = arith.constant 0 : i32
      %dma_wait3A_85 = tpu.memref_slice %arg6[%dma_wait3A] : memref<2112xf32, #tpu.memory_space<vmem>> -> memref<2048xf32, #tpu.memory_space<vmem>>
      %dma_wait3A_86 = tpu.memref_slice %arg2[%add3A_36] : memref<24576xf32, #tpu.memory_space<hbm>> -> memref<2048xf32, #tpu.memory_space<hbm>>
      %dma_wait3A_87 = arith.constant 0 : i32
      %dma_wait3A_88 = tpu.memref_slice %arg6[%dma_wait3A_87] : memref<2112xf32, #tpu.memory_space<vmem>> -> memref<2048xf32, #tpu.memory_space<vmem>>
      %dma_wait3A_89 = tpu.memref_slice %arg2[%add3A_36] : memref<24576xf32, #tpu.memory_space<hbm>> -> memref<2048xf32, #tpu.memory_space<hbm>>
      tpu.wait_dma2 semaphore(%run_scoped3A : memref<!tpu.dma_semaphore, #tpu.memory_space<semaphore_mem>>) src(%dma_wait3A_89 : memref<2048xf32, #tpu.memory_space<hbm>>) dst(%dma_wait3A_88 : memref<2048xf32, #tpu.memory_space<vmem>>)
      tpu.yield
    }) : () -> ()
    %add3A_37 = arith.constant 4096 : i32
    %add3A_38 = arith.addi %mul3A_34, %add3A_37 : i32
    "tpu.region"() ({
      %run_scoped3A = tpu.sem_alloc : memref<!tpu.dma_semaphore, #tpu.memory_space<semaphore_mem>>
      %dma_start3A = arith.constant 0 : i32
      %dma_start3A_80 = tpu.memref_slice %arg7[%dma_start3A] : memref<2112xf32, #tpu.memory_space<vmem>> -> memref<2048xf32, #tpu.memory_space<vmem>>
      %dma_start3A_81 = tpu.memref_slice %arg2[%add3A_38] : memref<24576xf32, #tpu.memory_space<hbm>> -> memref<2048xf32, #tpu.memory_space<hbm>>
      %dma_start3A_82 = arith.constant 0 : i32
      %dma_start3A_83 = tpu.memref_slice %arg7[%dma_start3A_82] : memref<2112xf32, #tpu.memory_space<vmem>> -> memref<2048xf32, #tpu.memory_space<vmem>>
      %dma_start3A_84 = tpu.memref_slice %arg2[%add3A_38] : memref<24576xf32, #tpu.memory_space<hbm>> -> memref<2048xf32, #tpu.memory_space<hbm>>
      tpu.enqueue_dma source(%dma_start3A_84 : memref<2048xf32, #tpu.memory_space<hbm>>) target(%dma_start3A_83 : memref<2048xf32, #tpu.memory_space<vmem>>) target_semaphore(%run_scoped3A : memref<!tpu.dma_semaphore, #tpu.memory_space<semaphore_mem>>)
      %dma_wait3A = arith.constant 0 : i32
      %dma_wait3A_85 = tpu.memref_slice %arg7[%dma_wait3A] : memref<2112xf32, #tpu.memory_space<vmem>> -> memref<2048xf32, #tpu.memory_space<vmem>>
      %dma_wait3A_86 = tpu.memref_slice %arg2[%add3A_38] : memref<24576xf32, #tpu.memory_space<hbm>> -> memref<2048xf32, #tpu.memory_space<hbm>>
      %dma_wait3A_87 = arith.constant 0 : i32
      %dma_wait3A_88 = tpu.memref_slice %arg7[%dma_wait3A_87] : memref<2112xf32, #tpu.memory_space<vmem>> -> memref<2048xf32, #tpu.memory_space<vmem>>
      %dma_wait3A_89 = tpu.memref_slice %arg2[%add3A_38] : memref<24576xf32, #tpu.memory_space<hbm>> -> memref<2048xf32, #tpu.memory_space<hbm>>
      tpu.wait_dma2 semaphore(%run_scoped3A : memref<!tpu.dma_semaphore, #tpu.memory_space<semaphore_mem>>) src(%dma_wait3A_89 : memref<2048xf32, #tpu.memory_space<hbm>>) dst(%dma_wait3A_88 : memref<2048xf32, #tpu.memory_space<vmem>>)
      tpu.yield
    }) : () -> ()
    %add3A_39 = arith.addi %mul3A_34, %mul3A_32 : i32
    "tpu.region"() ({
      %run_scoped3A = tpu.sem_alloc : memref<!tpu.dma_semaphore, #tpu.memory_space<semaphore_mem>>
      %dma_start3A = tpu.memref_slice %arg3[%add3A_39] : memref<24576xf32, #tpu.memory_space<hbm>> -> memref<256xf32, #tpu.memory_space<hbm>>
      %dma_start3A_80 = tpu.memref_slice %arg3[%add3A_39] : memref<24576xf32, #tpu.memory_space<hbm>> -> memref<256xf32, #tpu.memory_space<hbm>>
      tpu.enqueue_dma source(%dma_start3A_80 : memref<256xf32, #tpu.memory_space<hbm>>) target(%arg8 : memref<256xf32, #tpu.memory_space<vmem>>) target_semaphore(%run_scoped3A : memref<!tpu.dma_semaphore, #tpu.memory_space<semaphore_mem>>)
      %dma_wait3A = tpu.memref_slice %arg3[%add3A_39] : memref<24576xf32, #tpu.memory_space<hbm>> -> memref<256xf32, #tpu.memory_space<hbm>>
      %dma_wait3A_81 = tpu.memref_slice %arg3[%add3A_39] : memref<24576xf32, #tpu.memory_space<hbm>> -> memref<256xf32, #tpu.memory_space<hbm>>
      tpu.wait_dma2 semaphore(%run_scoped3A : memref<!tpu.dma_semaphore, #tpu.memory_space<semaphore_mem>>) src(%dma_wait3A_81 : memref<256xf32, #tpu.memory_space<hbm>>) dst(%arg8 : memref<256xf32, #tpu.memory_space<vmem>>)
      tpu.yield
    }) : () -> ()
    %add3A_40 = arith.constant 2048 : i32
    %add3A_41 = arith.addi %mul3A_34, %add3A_40 : i32
    %add3A_42 = arith.addi %add3A_41, %mul3A_32 : i32
    "tpu.region"() ({
      %run_scoped3A = tpu.sem_alloc : memref<!tpu.dma_semaphore, #tpu.memory_space<semaphore_mem>>
      %dma_start3A = tpu.memref_slice %arg3[%add3A_42] : memref<24576xf32, #tpu.memory_space<hbm>> -> memref<256xf32, #tpu.memory_space<hbm>>
      %dma_start3A_80 = tpu.memref_slice %arg3[%add3A_42] : memref<24576xf32, #tpu.memory_space<hbm>> -> memref<256xf32, #tpu.memory_space<hbm>>
      tpu.enqueue_dma source(%dma_start3A_80 : memref<256xf32, #tpu.memory_space<hbm>>) target(%arg9 : memref<256xf32, #tpu.memory_space<vmem>>) target_semaphore(%run_scoped3A : memref<!tpu.dma_semaphore, #tpu.memory_space<semaphore_mem>>)
      %dma_wait3A = tpu.memref_slice %arg3[%add3A_42] : memref<24576xf32, #tpu.memory_space<hbm>> -> memref<256xf32, #tpu.memory_space<hbm>>
      %dma_wait3A_81 = tpu.memref_slice %arg3[%add3A_42] : memref<24576xf32, #tpu.memory_space<hbm>> -> memref<256xf32, #tpu.memory_space<hbm>>
      tpu.wait_dma2 semaphore(%run_scoped3A : memref<!tpu.dma_semaphore, #tpu.memory_space<semaphore_mem>>) src(%dma_wait3A_81 : memref<256xf32, #tpu.memory_space<hbm>>) dst(%arg9 : memref<256xf32, #tpu.memory_space<vmem>>)
      tpu.yield
    }) : () -> ()
    %add3A_43 = arith.constant 4096 : i32
    %add3A_44 = arith.addi %mul3A_34, %add3A_43 : i32
    %add3A_45 = arith.addi %add3A_44, %mul3A_32 : i32
    "tpu.region"() ({
      %run_scoped3A = tpu.sem_alloc : memref<!tpu.dma_semaphore, #tpu.memory_space<semaphore_mem>>
      %dma_start3A = tpu.memref_slice %arg3[%add3A_45] : memref<24576xf32, #tpu.memory_space<hbm>> -> memref<256xf32, #tpu.memory_space<hbm>>
      %dma_start3A_80 = tpu.memref_slice %arg3[%add3A_45] : memref<24576xf32, #tpu.memory_space<hbm>> -> memref<256xf32, #tpu.memory_space<hbm>>
      tpu.enqueue_dma source(%dma_start3A_80 : memref<256xf32, #tpu.memory_space<hbm>>) target(%arg10 : memref<256xf32, #tpu.memory_space<vmem>>) target_semaphore(%run_scoped3A : memref<!tpu.dma_semaphore, #tpu.memory_space<semaphore_mem>>)
      %dma_wait3A = tpu.memref_slice %arg3[%add3A_45] : memref<24576xf32, #tpu.memory_space<hbm>> -> memref<256xf32, #tpu.memory_space<hbm>>
      %dma_wait3A_81 = tpu.memref_slice %arg3[%add3A_45] : memref<24576xf32, #tpu.memory_space<hbm>> -> memref<256xf32, #tpu.memory_space<hbm>>
      tpu.wait_dma2 semaphore(%run_scoped3A : memref<!tpu.dma_semaphore, #tpu.memory_space<semaphore_mem>>) src(%dma_wait3A_81 : memref<256xf32, #tpu.memory_space<hbm>>) dst(%arg10 : memref<256xf32, #tpu.memory_space<vmem>>)
      tpu.yield
    }) : () -> ()
    %iota3A = tpu.iota {dimensions = array<i32: 0>} : vector<16xi32>
    %broadcast_in_dim3A = arith.constant 0x7F800000 : f32
    %broadcast_in_dim3A_46 = vector.broadcast %broadcast_in_dim3A : f32 to vector<16xf32>
    %swap3A = arith.constant 2048 : index
    %swap3A_47 = tpu.vector_load %arg5[%swap3A] {strides = array<i32>} : memref<2112xf32, #tpu.memory_space<vmem>>, vector<16xf32>,
    tpu.vector_store %arg5[%swap3A], %broadcast_in_dim3A_46 {strides = array<i32>} : memref<2112xf32, #tpu.memory_space<vmem>>, vector<16xf32>,
    %swap3A_48 = arith.constant 2048 : index
    %swap3A_49 = tpu.vector_load %arg6[%swap3A_48] {strides = array<i32>} : memref<2112xf32, #tpu.memory_space<vmem>>, vector<16xf32>,
    tpu.vector_store %arg6[%swap3A_48], %broadcast_in_dim3A_46 {strides = array<i32>} : memref<2112xf32, #tpu.memory_space<vmem>>, vector<16xf32>,
    %swap3A_50 = arith.constant 2048 : index
    %swap3A_51 = tpu.vector_load %arg7[%swap3A_50] {strides = array<i32>} : memref<2112xf32, #tpu.memory_space<vmem>>, vector<16xf32>,
    tpu.vector_store %arg7[%swap3A_50], %broadcast_in_dim3A_46 {strides = array<i32>} : memref<2112xf32, #tpu.memory_space<vmem>>, vector<16xf32>,
    %swap3A_52 = arith.constant 2064 : index
    %swap3A_53 = tpu.vector_load %arg5[%swap3A_52] {strides = array<i32>} : memref<2112xf32, #tpu.memory_space<vmem>>, vector<16xf32>,
    tpu.vector_store %arg5[%swap3A_52], %broadcast_in_dim3A_46 {strides = array<i32>} : memref<2112xf32, #tpu.memory_space<vmem>>, vector<16xf32>,
    %swap3A_54 = arith.constant 2064 : index
    %swap3A_55 = tpu.vector_load %arg6[%swap3A_54] {strides = array<i32>} : memref<2112xf32, #tpu.memory_space<vmem>>, vector<16xf32>,
    tpu.vector_store %arg6[%swap3A_54], %broadcast_in_dim3A_46 {strides = array<i32>} : memref<2112xf32, #tpu.memory_space<vmem>>, vector<16xf32>,
    %swap3A_56 = arith.constant 2064 : index
    %swap3A_57 = tpu.vector_load %arg7[%swap3A_56] {strides = array<i32>} : memref<2112xf32, #tpu.memory_space<vmem>>, vector<16xf32>,
    tpu.vector_store %arg7[%swap3A_56], %broadcast_in_dim3A_46 {strides = array<i32>} : memref<2112xf32, #tpu.memory_space<vmem>>, vector<16xf32>,
    %swap3A_58 = arith.constant 2080 : index
    %swap3A_59 = tpu.vector_load %arg5[%swap3A_58] {strides = array<i32>} : memref<2112xf32, #tpu.memory_space<vmem>>, vector<16xf32>,
    tpu.vector_store %arg5[%swap3A_58], %broadcast_in_dim3A_46 {strides = array<i32>} : memref<2112xf32, #tpu.memory_space<vmem>>, vector<16xf32>,
    %swap3A_60 = arith.constant 2080 : index
    %swap3A_61 = tpu.vector_load %arg6[%swap3A_60] {strides = array<i32>} : memref<2112xf32, #tpu.memory_space<vmem>>, vector<16xf32>,
    tpu.vector_store %arg6[%swap3A_60], %broadcast_in_dim3A_46 {strides = array<i32>} : memref<2112xf32, #tpu.memory_space<vmem>>, vector<16xf32>,
    %swap3A_62 = arith.constant 2080 : index
    %swap3A_63 = tpu.vector_load %arg7[%swap3A_62] {strides = array<i32>} : memref<2112xf32, #tpu.memory_space<vmem>>, vector<16xf32>,
    tpu.vector_store %arg7[%swap3A_62], %broadcast_in_dim3A_46 {strides = array<i32>} : memref<2112xf32, #tpu.memory_space<vmem>>, vector<16xf32>,
    %swap3A_64 = arith.constant 2096 : index
    %swap3A_65 = tpu.vector_load %arg5[%swap3A_64] {strides = array<i32>} : memref<2112xf32, #tpu.memory_space<vmem>>, vector<16xf32>,
    tpu.vector_store %arg5[%swap3A_64], %broadcast_in_dim3A_46 {strides = array<i32>} : memref<2112xf32, #tpu.memory_space<vmem>>, vector<16xf32>,
    %swap3A_66 = arith.constant 2096 : index
    %swap3A_67 = tpu.vector_load %arg6[%swap3A_66] {strides = array<i32>} : memref<2112xf32, #tpu.memory_space<vmem>>, vector<16xf32>,
    tpu.vector_store %arg6[%swap3A_66], %broadcast_in_dim3A_46 {strides = array<i32>} : memref<2112xf32, #tpu.memory_space<vmem>>, vector<16xf32>,
    %swap3A_68 = arith.constant 2096 : index
    %swap3A_69 = tpu.vector_load %arg7[%swap3A_68] {strides = array<i32>} : memref<2112xf32, #tpu.memory_space<vmem>>, vector<16xf32>,
    tpu.vector_store %arg7[%swap3A_68], %broadcast_in_dim3A_46 {strides = array<i32>} : memref<2112xf32, #tpu.memory_space<vmem>>, vector<16xf32>,
    %scan3A = arith.constant 0 : i32
    %scan3A_70 = arith.constant 0 : i32
    %scan3A_71 = arith.constant 256 : i32
    %scan3A_72 = arith.addi %scan3A_70, %scan3A_71 : i32
    %scan3A_73 = arith.constant 1 : i32
    %scan3A_74 = scf.for %scan3A_80 = %scan3A_70 to %scan3A_72 step %scan3A_73 iter_args(%scan3A_81 = %scan3A) -> (i32)  : i32 {
      %jit3A_82 = arith.constant 16 : i32
      %div3A_83 = arith.divsi %scan3A_80, %jit3A_82 : i32
      %sign3A_84 = arith.constant 0 : i32
      %sign3A_85 = arith.cmpi sgt, %scan3A_80, %sign3A_84 : i32
      %sign3A_86 = arith.extui %sign3A_85 : i1 to i32
      %sign3A_87 = arith.constant 0 : i32
      %sign3A_88 = arith.cmpi slt, %scan3A_80, %sign3A_87 : i32
      %sign3A_89 = arith.extui %sign3A_88 : i1 to i32
      %sign3A_90 = arith.subi %sign3A_86, %sign3A_89 : i32
      %sign3A_91 = arith.constant 0 : i32
      %sign3A_92 = arith.cmpi sgt, %jit3A_82, %sign3A_91 : i32
      %sign3A_93 = arith.extui %sign3A_92 : i1 to i32
      %sign3A_94 = arith.constant 0 : i32
      %sign3A_95 = arith.cmpi slt, %jit3A_82, %sign3A_94 : i32
      %sign3A_96 = arith.extui %sign3A_95 : i1 to i32
      %sign3A_97 = arith.subi %sign3A_93, %sign3A_96 : i32
      %ne3A_98 = arith.cmpi ne, %sign3A_90, %sign3A_97 : i32
      %rem3A_99 = arith.remsi %scan3A_80, %jit3A_82 : i32
      %ne3A_100 = arith.constant 0 : i32
      %ne3A_101 = arith.cmpi ne, %rem3A_99, %ne3A_100 : i32
      %and3A_102 = arith.andi %ne3A_98, %ne3A_101 : i1
      %sub3A_103 = arith.constant 1 : i32
      %sub3A_104 = arith.subi %div3A_83, %sub3A_103 : i32
      %select_n3A_105 = arith.select %and3A_102, %sub3A_104, %div3A_83 : i32
      %mul3A_106 = arith.constant 16 : i32
      %mul3A_107 = arith.muli %select_n3A_105, %mul3A_106 : i32
      %multiple_of3A = tpu.assume_multiple %mul3A_107, 16 : i32
      %jit3A_108 = arith.constant 16 : i32
      %eq3A_109 = arith.constant 0 : i32
      %eq3A_110 = arith.cmpi eq, %jit3A_108, %eq3A_109 : i32
      %jit3A_111 = arith.constant 1 : i32
      %select_n3A_112 = arith.select %eq3A_110, %jit3A_111, %jit3A_108 : i32
      %rem3A_113 = arith.remsi %scan3A_80, %select_n3A_112 : i32
      %ne3A_114 = arith.constant 0 : i32
      %ne3A_115 = arith.cmpi ne, %rem3A_113, %ne3A_114 : i32
      %lt3A_116 = arith.constant 0 : i32
      %lt3A_117 = arith.cmpi slt, %rem3A_113, %lt3A_116 : i32
      %lt3A_118 = arith.constant 0 : i32
      %lt3A_119 = arith.cmpi slt, %select_n3A_112, %lt3A_118 : i32
      %ne3A_120 = arith.xori %lt3A_117, %lt3A_119 : i1
      %and3A_121 = arith.andi %ne3A_120, %ne3A_115 : i1
      %add3A_122 = arith.addi %rem3A_113, %select_n3A_112 : i32
      %select_n3A_123 = arith.select %and3A_121, %add3A_122, %rem3A_113 : i32
      %broadcast_in_dim3A_124 = vector.broadcast %select_n3A_123 : i32 to vector<16xi32>
      %get3A = arith.index_cast %multiple_of3A : i32 to index
      %get3A_125 = tpu.vector_load %arg8[%get3A] {strides = array<i32>} : memref<256xf32, #tpu.memory_space<vmem>>, vector<16xf32>,
      %broadcast_in_dim3A_126 = vector.shape_cast %broadcast_in_dim3A_124 : vector<16xi32> to vector<16x1xi32>
      %gather3A = vector.shape_cast %broadcast_in_dim3A_126 : vector<16x1xi32> to vector<16xi32>
      %gather3A_127 = tpu.dynamic_gather %get3A_125[%gather3A] in [0] : vector<16xf32>, vector<16xi32> -> vector<16xf32>
      %get3A_128 = arith.index_cast %multiple_of3A : i32 to index
      %get3A_129 = tpu.vector_load %arg9[%get3A_128] {strides = array<i32>} : memref<256xf32, #tpu.memory_space<vmem>>, vector<16xf32>,
      %broadcast_in_dim3A_130 = vector.shape_cast %broadcast_in_dim3A_124 : vector<16xi32> to vector<16x1xi32>
      %gather3A_131 = vector.shape_cast %broadcast_in_dim3A_130 : vector<16x1xi32> to vector<16xi32>
      %gather3A_132 = tpu.dynamic_gather %get3A_129[%gather3A_131] in [0] : vector<16xf32>, vector<16xi32> -> vector<16xf32>
      %get3A_133 = arith.index_cast %multiple_of3A : i32 to index
      %get3A_134 = tpu.vector_load %arg10[%get3A_133] {strides = array<i32>} : memref<256xf32, #tpu.memory_space<vmem>>, vector<16xf32>,
      %broadcast_in_dim3A_135 = vector.shape_cast %broadcast_in_dim3A_124 : vector<16xi32> to vector<16x1xi32>
      %gather3A_136 = vector.shape_cast %broadcast_in_dim3A_135 : vector<16x1xi32> to vector<16xi32>
      %gather3A_137 = tpu.dynamic_gather %get3A_134[%gather3A_136] in [0] : vector<16xf32>, vector<16xi32> -> vector<16xf32>
      %swap3A_138 = arith.constant 0 : i32
      %swap3A_139 = arith.constant 0 : i32
      %swap3A_140 = arith.index_cast %swap3A_139 : i32 to index
      %swap3A_141 = memref.load %arg16[%swap3A_140] : memref<8xi32, #tpu.memory_space<smem>>
      memref.store %swap3A_138, %arg16[%swap3A_140] : memref<8xi32, #tpu.memory_space<smem>>
      %get3A_142 = arith.constant 0 : index
      %get3A_143 = tpu.vector_load %arg5[%get3A_142] {strides = array<i32>} : memref<2112xf32, #tpu.memory_space<vmem>>, vector<16xf32>,
      %get3A_144 = arith.constant 0 : index
      %get3A_145 = tpu.vector_load %arg6[%get3A_144] {strides = array<i32>} : memref<2112xf32, #tpu.memory_space<vmem>>, vector<16xf32>,
      %get3A_146 = arith.constant 0 : index
      %get3A_147 = tpu.vector_load %arg7[%get3A_146] {strides = array<i32>} : memref<2112xf32, #tpu.memory_space<vmem>>, vector<16xf32>,
      %sub3A_148 = arith.subf %get3A_143, %gather3A_127 : vector<16xf32>
      %sub3A_149 = arith.subf %get3A_145, %gather3A_132 : vector<16xf32>
      %sub3A_150 = arith.subf %get3A_147, %gather3A_137 : vector<16xf32>
      %mul3A_151 = arith.mulf %sub3A_148, %sub3A_148 : vector<16xf32>
      %mul3A_152 = arith.mulf %sub3A_149, %sub3A_149 : vector<16xf32>
      %add3A_153 = arith.addf %mul3A_151, %mul3A_152 : vector<16xf32>
      %mul3A_154 = arith.mulf %sub3A_150, %sub3A_150 : vector<16xf32>
      %add3A_155 = arith.addf %add3A_153, %mul3A_154 : vector<16xf32>
      %get3A_156 = arith.constant 16 : index
      %get3A_157 = tpu.vector_load %arg5[%get3A_156] {strides = array<i32>} : memref<2112xf32, #tpu.memory_space<vmem>>, vector<16xf32>,
      %get3A_158 = arith.constant 16 : index
      %get3A_159 = tpu.vector_load %arg6[%get3A_158] {strides = array<i32>} : memref<2112xf32, #tpu.memory_space<vmem>>, vector<16xf32>,
      %get3A_160 = arith.constant 16 : index
      %get3A_161 = tpu.vector_load %arg7[%get3A_160] {strides = array<i32>} : memref<2112xf32, #tpu.memory_space<vmem>>, vector<16xf32>,
      %sub3A_162 = arith.subf %get3A_157, %gather3A_127 : vector<16xf32>
      %sub3A_163 = arith.subf %get3A_159, %gather3A_132 : vector<16xf32>
      %sub3A_164 = arith.subf %get3A_161, %gather3A_137 : vector<16xf32>
      %mul3A_165 = arith.mulf %sub3A_162, %sub3A_162 : vector<16xf32>
      %mul3A_166 = arith.mulf %sub3A_163, %sub3A_163 : vector<16xf32>
      %add3A_167 = arith.addf %mul3A_165, %mul3A_166 : vector<16xf32>
      %mul3A_168 = arith.mulf %sub3A_164, %sub3A_164 : vector<16xf32>
      %add3A_169 = arith.addf %add3A_167, %mul3A_168 : vector<16xf32>
      %add3A_170 = arith.constant 16 : i32
      %add3A_171 = vector.broadcast %add3A_170 : i32 to vector<16xi32>
      %add3A_172 = arith.addi %iota3A, %add3A_171 : vector<16xi32>
      %masked_sort3A = arith.constant dense<true> : vector<16xi1>
      %masked_sort3A_173, %masked_sort3A_174, %masked_sort3A_175 = tpu.sort %add3A_155, %iota3A masked %masked_sort3A : (vector<16xf32>, vector<16xi32>, vector<16xi1>) -> (vector<16xi1>, vector<16xf32>, vector<16xi32>)
      %iota3A_176 = tpu.iota {dimensions = array<i32: 0>} : vector<16xi32>
      %xor3A = arith.constant 1 : i32
      %xor3A_177 = vector.broadcast %xor3A : i32 to vector<16xi32>
      %xor3A_178 = arith.xori %iota3A_176, %xor3A_177 : vector<16xi32>
      %and3A_179 = arith.constant 1 : i32
      %and3A_180 = vector.broadcast %and3A_179 : i32 to vector<16xi32>
      %and3A_181 = arith.andi %iota3A_176, %and3A_180 : vector<16xi32>
      %broadcast_in_dim3A_182 = vector.shape_cast %xor3A_178 : vector<16xi32> to vector<16x1xi32>
      %gather3A_183 = vector.shape_cast %broadcast_in_dim3A_182 : vector<16x1xi32> to vector<16xi32>
      %gather3A_184 = tpu.dynamic_gather %masked_sort3A_174[%gather3A_183] in [0] : vector<16xf32>, vector<16xi32> -> vector<16xf32>
      %broadcast_in_dim3A_185 = vector.shape_cast %xor3A_178 : vector<16xi32> to vector<16x1xi32>
      %gather3A_186 = vector.shape_cast %broadcast_in_dim3A_185 : vector<16x1xi32> to vector<16xi32>
      %gather3A_187 = tpu.dynamic_gather %masked_sort3A_175[%gather3A_186] in [0] : vector<16xi32>, vector<16xi32> -> vector<16xi32>
      %lt3A_188 = arith.cmpf olt, %gather3A_184, %masked_sort3A_174 : vector<16xf32>
      %eq3A_189 = arith.cmpf oeq, %gather3A_184, %masked_sort3A_174 : vector<16xf32>
      %lt3A_190 = arith.cmpi slt, %gather3A_187, %masked_sort3A_175 : vector<16xi32>
      %and3A_191 = arith.andi %eq3A_189, %lt3A_190 : vector<16xi1>
      %or3A = arith.ori %lt3A_188, %and3A_191 : vector<16xi1>
      %convert_element_type3A = arith.extui %or3A : vector<16xi1> to vector<16xi32>
      %xor3A_192 = arith.xori %convert_element_type3A, %and3A_181 : vector<16xi32>
      %ne3A_193 = arith.constant 0 : i32
      %ne3A_194 = vector.broadcast %ne3A_193 : i32 to vector<16xi32>
      %ne3A_195 = arith.cmpi ne, %xor3A_192, %ne3A_194 : vector<16xi32>
      %select_n3A_196 = arith.select %ne3A_195, %gather3A_184, %masked_sort3A_174 : vector<16xi1>, vector<16xf32>
      %select_n3A_197 = arith.select %ne3A_195, %gather3A_187, %masked_sort3A_175 : vector<16xi1>, vector<16xi32>
      %add3A_198 = arith.constant 1 : i32
      %add3A_199 = vector.broadcast %add3A_198 : i32 to vector<16xi32>
      %add3A_200 = arith.addi %iota3A_176, %add3A_199 : vector<16xi32>
      %xor3A_201 = arith.constant 1 : i32
      %xor3A_202 = vector.broadcast %xor3A_201 : i32 to vector<16xi32>
      %xor3A_203 = arith.xori %add3A_200, %xor3A_202 : vector<16xi32>
      %sub3A_204 = arith.constant 1 : i32
      %sub3A_205 = vector.broadcast %sub3A_204 : i32 to vector<16xi32>
      %sub3A_206 = arith.subi %xor3A_203, %sub3A_205 : vector<16xi32>
      %jit3A_207 = arith.constant 0 : i32
      %jit3A_208 = arith.constant 15 : i32
      %max3A = vector.broadcast %jit3A_207 : i32 to vector<16xi32>
      %max3A_209 = arith.maxsi %max3A, %sub3A_206 : vector<16xi32>
      %min3A = vector.broadcast %jit3A_208 : i32 to vector<16xi32>
      %min3A_210 = arith.minsi %min3A, %max3A_209 : vector<16xi32>
      %and3A_211 = arith.constant 1 : i32
      %and3A_212 = vector.broadcast %and3A_211 : i32 to vector<16xi32>
      %and3A_213 = arith.andi %iota3A_176, %and3A_212 : vector<16xi32>
      %xor3A_214 = arith.constant 1 : i32
      %xor3A_215 = vector.broadcast %xor3A_214 : i32 to vector<16xi32>
      %xor3A_216 = arith.xori %and3A_213, %xor3A_215 : vector<16xi32>
      %broadcast_in_dim3A_217 = vector.shape_cast %min3A_210 : vector<16xi32> to vector<16x1xi32>
      %gather3A_218 = vector.shape_cast %broadcast_in_dim3A_217 : vector<16x1xi32> to vector<16xi32>
      %gather3A_219 = tpu.dynamic_gather %select_n3A_196[%gather3A_218] in [0] : vector<16xf32>, vector<16xi32> -> vector<16xf32>
      %broadcast_in_dim3A_220 = vector.shape_cast %min3A_210 : vector<16xi32> to vector<16x1xi32>
      %gather3A_221 = vector.shape_cast %broadcast_in_dim3A_220 : vector<16x1xi32> to vector<16xi32>
      %gather3A_222 = tpu.dynamic_gather %select_n3A_197[%gather3A_221] in [0] : vector<16xi32>, vector<16xi32> -> vector<16xi32>
      %lt3A_223 = arith.cmpf olt, %gather3A_219, %select_n3A_196 : vector<16xf32>
      %eq3A_224 = arith.cmpf oeq, %gather3A_219, %select_n3A_196 : vector<16xf32>
      %lt3A_225 = arith.cmpi slt, %gather3A_222, %select_n3A_197 : vector<16xi32>
      %and3A_226 = arith.andi %eq3A_224, %lt3A_225 : vector<16xi1>
      %or3A_227 = arith.ori %lt3A_223, %and3A_226 : vector<16xi1>
      %convert_element_type3A_228 = arith.extui %or3A_227 : vector<16xi1> to vector<16xi32>
      %xor3A_229 = arith.xori %convert_element_type3A_228, %xor3A_216 : vector<16xi32>
      %ne3A_230 = arith.constant 0 : i32
      %ne3A_231 = vector.broadcast %ne3A_230 : i32 to vector<16xi32>
      %ne3A_232 = arith.cmpi ne, %xor3A_229, %ne3A_231 : vector<16xi32>
      %select_n3A_233 = arith.select %ne3A_232, %gather3A_219, %select_n3A_196 : vector<16xi1>, vector<16xf32>
      %select_n3A_234 = arith.select %ne3A_232, %gather3A_222, %select_n3A_197 : vector<16xi1>, vector<16xi32>
      %masked_sort3A_235 = arith.constant dense<true> : vector<16xi1>
      %masked_sort3A_236, %masked_sort3A_237, %masked_sort3A_238 = tpu.sort %add3A_169, %add3A_172 masked %masked_sort3A_235 : (vector<16xf32>, vector<16xi32>, vector<16xi1>) -> (vector<16xi1>, vector<16xf32>, vector<16xi32>)
      %iota3A_239 = tpu.iota {dimensions = array<i32: 0>} : vector<16xi32>
      %xor3A_240 = arith.constant 1 : i32
      %xor3A_241 = vector.broadcast %xor3A_240 : i32 to vector<16xi32>
      %xor3A_242 = arith.xori %iota3A_239, %xor3A_241 : vector<16xi32>
      %and3A_243 = arith.constant 1 : i32
      %and3A_244 = vector.broadcast %and3A_243 : i32 to vector<16xi32>
      %and3A_245 = arith.andi %iota3A_239, %and3A_244 : vector<16xi32>
      %broadcast_in_dim3A_246 = vector.shape_cast %xor3A_242 : vector<16xi32> to vector<16x1xi32>
      %gather3A_247 = vector.shape_cast %broadcast_in_dim3A_246 : vector<16x1xi32> to vector<16xi32>
      %gather3A_248 = tpu.dynamic_gather %masked_sort3A_237[%gather3A_247] in [0] : vector<16xf32>, vector<16xi32> -> vector<16xf32>
      %broadcast_in_dim3A_249 = vector.shape_cast %xor3A_242 : vector<16xi32> to vector<16x1xi32>
      %gather3A_250 = vector.shape_cast %broadcast_in_dim3A_249 : vector<16x1xi32> to vector<16xi32>
      %gather3A_251 = tpu.dynamic_gather %masked_sort3A_238[%gather3A_250] in [0] : vector<16xi32>, vector<16xi32> -> vector<16xi32>
      %lt3A_252 = arith.cmpf olt, %gather3A_248, %masked_sort3A_237 : vector<16xf32>
      %eq3A_253 = arith.cmpf oeq, %gather3A_248, %masked_sort3A_237 : vector<16xf32>
      %lt3A_254 = arith.cmpi slt, %gather3A_251, %masked_sort3A_238 : vector<16xi32>
      %and3A_255 = arith.andi %eq3A_253, %lt3A_254 : vector<16xi1>
      %or3A_256 = arith.ori %lt3A_252, %and3A_255 : vector<16xi1>
      %convert_element_type3A_257 = arith.extui %or3A_256 : vector<16xi1> to vector<16xi32>
      %xor3A_258 = arith.xori %convert_element_type3A_257, %and3A_245 : vector<16xi32>
      %ne3A_259 = arith.constant 0 : i32
      %ne3A_260 = vector.broadcast %ne3A_259 : i32 to vector<16xi32>
      %ne3A_261 = arith.cmpi ne, %xor3A_258, %ne3A_260 : vector<16xi32>
      %select_n3A_262 = arith.select %ne3A_261, %gather3A_248, %masked_sort3A_237 : vector<16xi1>, vector<16xf32>
      %select_n3A_263 = arith.select %ne3A_261, %gather3A_251, %masked_sort3A_238 : vector<16xi1>, vector<16xi32>
      %add3A_264 = arith.constant 1 : i32
      %add3A_265 = vector.broadcast %add3A_264 : i32 to vector<16xi32>
      %add3A_266 = arith.addi %iota3A_239, %add3A_265 : vector<16xi32>
      %xor3A_267 = arith.constant 1 : i32
      %xor3A_268 = vector.broadcast %xor3A_267 : i32 to vector<16xi32>
      %xor3A_269 = arith.xori %add3A_266, %xor3A_268 : vector<16xi32>
      %sub3A_270 = arith.constant 1 : i32
      %sub3A_271 = vector.broadcast %sub3A_270 : i32 to vector<16xi32>
      %sub3A_272 = arith.subi %xor3A_269, %sub3A_271 : vector<16xi32>
      %jit3A_273 = arith.constant 0 : i32
      %jit3A_274 = arith.constant 15 : i32
      %max3A_275 = vector.broadcast %jit3A_273 : i32 to vector<16xi32>
      %max3A_276 = arith.maxsi %max3A_275, %sub3A_272 : vector<16xi32>
      %min3A_277 = vector.broadcast %jit3A_274 : i32 to vector<16xi32>
      %min3A_278 = arith.minsi %min3A_277, %max3A_276 : vector<16xi32>
      %and3A_279 = arith.constant 1 : i32
      %and3A_280 = vector.broadcast %and3A_279 : i32 to vector<16xi32>
      %and3A_281 = arith.andi %iota3A_239, %and3A_280 : vector<16xi32>
      %xor3A_282 = arith.constant 1 : i32
      %xor3A_283 = vector.broadcast %xor3A_282 : i32 to vector<16xi32>
      %xor3A_284 = arith.xori %and3A_281, %xor3A_283 : vector<16xi32>
      %broadcast_in_dim3A_285 = vector.shape_cast %min3A_278 : vector<16xi32> to vector<16x1xi32>
      %gather3A_286 = vector.shape_cast %broadcast_in_dim3A_285 : vector<16x1xi32> to vector<16xi32>
      %gather3A_287 = tpu.dynamic_gather %select_n3A_262[%gather3A_286] in [0] : vector<16xf32>, vector<16xi32> -> vector<16xf32>
      %broadcast_in_dim3A_288 = vector.shape_cast %min3A_278 : vector<16xi32> to vector<16x1xi32>
      %gather3A_289 = vector.shape_cast %broadcast_in_dim3A_288 : vector<16x1xi32> to vector<16xi32>
      %gather3A_290 = tpu.dynamic_gather %select_n3A_263[%gather3A_289] in [0] : vector<16xi32>, vector<16xi32> -> vector<16xi32>
      %lt3A_291 = arith.cmpf olt, %gather3A_287, %select_n3A_262 : vector<16xf32>
      %eq3A_292 = arith.cmpf oeq, %gather3A_287, %select_n3A_262 : vector<16xf32>
      %lt3A_293 = arith.cmpi slt, %gather3A_290, %select_n3A_263 : vector<16xi32>
      %and3A_294 = arith.andi %eq3A_292, %lt3A_293 : vector<16xi1>
      %or3A_295 = arith.ori %lt3A_291, %and3A_294 : vector<16xi1>
      %convert_element_type3A_296 = arith.extui %or3A_295 : vector<16xi1> to vector<16xi32>
      %xor3A_297 = arith.xori %convert_element_type3A_296, %xor3A_284 : vector<16xi32>
      %ne3A_298 = arith.constant 0 : i32
      %ne3A_299 = vector.broadcast %ne3A_298 : i32 to vector<16xi32>
      %ne3A_300 = arith.cmpi ne, %xor3A_297, %ne3A_299 : vector<16xi32>
      %select_n3A_301 = arith.select %ne3A_300, %gather3A_287, %select_n3A_262 : vector<16xi1>, vector<16xf32>
      %select_n3A_302 = arith.select %ne3A_300, %gather3A_290, %select_n3A_263 : vector<16xi1>, vector<16xi32>
      %rev3A = arith.constant 15 : i32
      %rev3A_303 = vector.broadcast %rev3A : i32 to vector<16xi32>
      %rev3A_304 = tpu.iota {dimensions = array<i32: 0>} : vector<16xi32>
      %rev3A_305 = arith.subi %rev3A_303, %rev3A_304 : vector<16xi32>
      %rev3A_306 = tpu.dynamic_gather %select_n3A_301[%rev3A_305] in [0] : vector<16xf32>, vector<16xi32> -> vector<16xf32>
      %rev3A_307 = arith.constant 15 : i32
      %rev3A_308 = vector.broadcast %rev3A_307 : i32 to vector<16xi32>
      %rev3A_309 = tpu.iota {dimensions = array<i32: 0>} : vector<16xi32>
      %rev3A_310 = arith.subi %rev3A_308, %rev3A_309 : vector<16xi32>
      %rev3A_311 = tpu.dynamic_gather %select_n3A_302[%rev3A_310] in [0] : vector<16xi32>, vector<16xi32> -> vector<16xi32>
      %lt3A_312 = arith.cmpf olt, %rev3A_306, %select_n3A_233 : vector<16xf32>
      %eq3A_313 = arith.cmpf oeq, %rev3A_306, %select_n3A_233 : vector<16xf32>
      %lt3A_314 = arith.cmpi slt, %rev3A_311, %select_n3A_234 : vector<16xi32>
      %and3A_315 = arith.andi %eq3A_313, %lt3A_314 : vector<16xi1>
      %or3A_316 = arith.ori %lt3A_312, %and3A_315 : vector<16xi1>
      %select_n3A_317 = arith.select %or3A_316, %rev3A_306, %select_n3A_233 : vector<16xi1>, vector<16xf32>
      %select_n3A_318 = arith.select %or3A_316, %rev3A_311, %select_n3A_234 : vector<16xi1>, vector<16xi32>
      %select_n3A_319 = arith.select %or3A_316, %select_n3A_233, %rev3A_306 : vector<16xi1>, vector<16xf32>
      %select_n3A_320 = arith.select %or3A_316, %select_n3A_234, %rev3A_311 : vector<16xi1>, vector<16xi32>
      %iota3A_321 = tpu.iota {dimensions = array<i32: 0>} : vector<16xi32>
      %xor3A_322 = arith.constant 8 : i32
      %xor3A_323 = vector.broadcast %xor3A_322 : i32 to vector<16xi32>
      %xor3A_324 = arith.xori %iota3A_321, %xor3A_323 : vector<16xi32>
      %and3A_325 = arith.constant 32 : i32
      %and3A_326 = vector.broadcast %and3A_325 : i32 to vector<16xi32>
      %and3A_327 = arith.andi %iota3A_321, %and3A_326 : vector<16xi32>
      %eq3A_328 = arith.constant 0 : i32
      %eq3A_329 = vector.broadcast %eq3A_328 : i32 to vector<16xi32>
      %eq3A_330 = arith.cmpi eq, %and3A_327, %eq3A_329 : vector<16xi32>
      %and3A_331 = arith.constant 8 : i32
      %and3A_332 = vector.broadcast %and3A_331 : i32 to vector<16xi32>
      %and3A_333 = arith.andi %iota3A_321, %and3A_332 : vector<16xi32>
      %eq3A_334 = arith.constant 0 : i32
      %eq3A_335 = vector.broadcast %eq3A_334 : i32 to vector<16xi32>
      %eq3A_336 = arith.cmpi eq, %and3A_333, %eq3A_335 : vector<16xi32>
      %eq3A_337 = arith.xori %eq3A_330, %eq3A_336 : vector<16xi1>
      %eq3A_338 = arith.constant dense<true> : vector<16xi1>
      %eq3A_339 = arith.xori %eq3A_337, %eq3A_338 : vector<16xi1>
      %broadcast_in_dim3A_340 = vector.shape_cast %xor3A_324 : vector<16xi32> to vector<16x1xi32>
      %gather3A_341 = vector.shape_cast %broadcast_in_dim3A_340 : vector<16x1xi32> to vector<16xi32>
      %gather3A_342 = tpu.dynamic_gather %select_n3A_317[%gather3A_341] in [0] : vector<16xf32>, vector<16xi32> -> vector<16xf32>
      %broadcast_in_dim3A_343 = vector.shape_cast %xor3A_324 : vector<16xi32> to vector<16x1xi32>
      %gather3A_344 = vector.shape_cast %broadcast_in_dim3A_343 : vector<16x1xi32> to vector<16xi32>
      %gather3A_345 = tpu.dynamic_gather %select_n3A_318[%gather3A_344] in [0] : vector<16xi32>, vector<16xi32> -> vector<16xi32>
      %lt3A_346 = arith.cmpf olt, %gather3A_342, %select_n3A_317 : vector<16xf32>
      %eq3A_347 = arith.cmpf oeq, %gather3A_342, %select_n3A_317 : vector<16xf32>
      %lt3A_348 = arith.cmpi slt, %gather3A_345, %select_n3A_318 : vector<16xi32>
      %and3A_349 = arith.andi %eq3A_347, %lt3A_348 : vector<16xi1>
      %or3A_350 = arith.ori %lt3A_346, %and3A_349 : vector<16xi1>
      %not3A = arith.constant dense<true> : vector<16xi1>
      %not3A_351 = arith.xori %or3A_350, %not3A : vector<16xi1>
      %select_n3A_352 = arith.select %eq3A_339, %or3A_350, %not3A_351 : vector<16xi1>, vector<16xi1>
      %select_n3A_353 = arith.select %select_n3A_352, %gather3A_342, %select_n3A_317 : vector<16xi1>, vector<16xf32>
      %select_n3A_354 = arith.select %select_n3A_352, %gather3A_345, %select_n3A_318 : vector<16xi1>, vector<16xi32>
      %iota3A_355 = tpu.iota {dimensions = array<i32: 0>} : vector<16xi32>
      %xor3A_356 = arith.constant 4 : i32
      %xor3A_357 = vector.broadcast %xor3A_356 : i32 to vector<16xi32>
      %xor3A_358 = arith.xori %iota3A_355, %xor3A_357 : vector<16xi32>
      %and3A_359 = arith.constant 32 : i32
      %and3A_360 = vector.broadcast %and3A_359 : i32 to vector<16xi32>
      %and3A_361 = arith.andi %iota3A_355, %and3A_360 : vector<16xi32>
      %eq3A_362 = arith.constant 0 : i32
      %eq3A_363 = vector.broadcast %eq3A_362 : i32 to vector<16xi32>
      %eq3A_364 = arith.cmpi eq, %and3A_361, %eq3A_363 : vector<16xi32>
      %and3A_365 = arith.constant 4 : i32
      %and3A_366 = vector.broadcast %and3A_365 : i32 to vector<16xi32>
      %and3A_367 = arith.andi %iota3A_355, %and3A_366 : vector<16xi32>
      %eq3A_368 = arith.constant 0 : i32
      %eq3A_369 = vector.broadcast %eq3A_368 : i32 to vector<16xi32>
      %eq3A_370 = arith.cmpi eq, %and3A_367, %eq3A_369 : vector<16xi32>
      %eq3A_371 = arith.xori %eq3A_364, %eq3A_370 : vector<16xi1>
      %eq3A_372 = arith.constant dense<true> : vector<16xi1>
      %eq3A_373 = arith.xori %eq3A_371, %eq3A_372 : vector<16xi1>
      %broadcast_in_dim3A_374 = vector.shape_cast %xor3A_358 : vector<16xi32> to vector<16x1xi32>
      %gather3A_375 = vector.shape_cast %broadcast_in_dim3A_374 : vector<16x1xi32> to vector<16xi32>
      %gather3A_376 = tpu.dynamic_gather %select_n3A_353[%gather3A_375] in [0] : vector<16xf32>, vector<16xi32> -> vector<16xf32>
      %broadcast_in_dim3A_377 = vector.shape_cast %xor3A_358 : vector<16xi32> to vector<16x1xi32>
      %gather3A_378 = vector.shape_cast %broadcast_in_dim3A_377 : vector<16x1xi32> to vector<16xi32>
      %gather3A_379 = tpu.dynamic_gather %select_n3A_354[%gather3A_378] in [0] : vector<16xi32>, vector<16xi32> -> vector<16xi32>
      %lt3A_380 = arith.cmpf olt, %gather3A_376, %select_n3A_353 : vector<16xf32>
      %eq3A_381 = arith.cmpf oeq, %gather3A_376, %select_n3A_353 : vector<16xf32>
      %lt3A_382 = arith.cmpi slt, %gather3A_379, %select_n3A_354 : vector<16xi32>
      %and3A_383 = arith.andi %eq3A_381, %lt3A_382 : vector<16xi1>
      %or3A_384 = arith.ori %lt3A_380, %and3A_383 : vector<16xi1>
      %not3A_385 = arith.constant dense<true> : vector<16xi1>
      %not3A_386 = arith.xori %or3A_384, %not3A_385 : vector<16xi1>
      %select_n3A_387 = arith.select %eq3A_373, %or3A_384, %not3A_386 : vector<16xi1>, vector<16xi1>
      %select_n3A_388 = arith.select %select_n3A_387, %gather3A_376, %select_n3A_353 : vector<16xi1>, vector<16xf32>
      %select_n3A_389 = arith.select %select_n3A_387, %gather3A_379, %select_n3A_354 : vector<16xi1>, vector<16xi32>
      %iota3A_390 = tpu.iota {dimensions = array<i32: 0>} : vector<16xi32>
      %xor3A_391 = arith.constant 2 : i32
      %xor3A_392 = vector.broadcast %xor3A_391 : i32 to vector<16xi32>
      %xor3A_393 = arith.xori %iota3A_390, %xor3A_392 : vector<16xi32>
      %and3A_394 = arith.constant 32 : i32
      %and3A_395 = vector.broadcast %and3A_394 : i32 to vector<16xi32>
      %and3A_396 = arith.andi %iota3A_390, %and3A_395 : vector<16xi32>
      %eq3A_397 = arith.constant 0 : i32
      %eq3A_398 = vector.broadcast %eq3A_397 : i32 to vector<16xi32>
      %eq3A_399 = arith.cmpi eq, %and3A_396, %eq3A_398 : vector<16xi32>
      %and3A_400 = arith.constant 2 : i32
      %and3A_401 = vector.broadcast %and3A_400 : i32 to vector<16xi32>
      %and3A_402 = arith.andi %iota3A_390, %and3A_401 : vector<16xi32>
      %eq3A_403 = arith.constant 0 : i32
      %eq3A_404 = vector.broadcast %eq3A_403 : i32 to vector<16xi32>
      %eq3A_405 = arith.cmpi eq, %and3A_402, %eq3A_404 : vector<16xi32>
      %eq3A_406 = arith.xori %eq3A_399, %eq3A_405 : vector<16xi1>
      %eq3A_407 = arith.constant dense<true> : vector<16xi1>
      %eq3A_408 = arith.xori %eq3A_406, %eq3A_407 : vector<16xi1>
      %broadcast_in_dim3A_409 = vector.shape_cast %xor3A_393 : vector<16xi32> to vector<16x1xi32>
      %gather3A_410 = vector.shape_cast %broadcast_in_dim3A_409 : vector<16x1xi32> to vector<16xi32>
      %gather3A_411 = tpu.dynamic_gather %select_n3A_388[%gather3A_410] in [0] : vector<16xf32>, vector<16xi32> -> vector<16xf32>
      %broadcast_in_dim3A_412 = vector.shape_cast %xor3A_393 : vector<16xi32> to vector<16x1xi32>
      %gather3A_413 = vector.shape_cast %broadcast_in_dim3A_412 : vector<16x1xi32> to vector<16xi32>
      %gather3A_414 = tpu.dynamic_gather %select_n3A_389[%gather3A_413] in [0] : vector<16xi32>, vector<16xi32> -> vector<16xi32>
      %lt3A_415 = arith.cmpf olt, %gather3A_411, %select_n3A_388 : vector<16xf32>
      %eq3A_416 = arith.cmpf oeq, %gather3A_411, %select_n3A_388 : vector<16xf32>
      %lt3A_417 = arith.cmpi slt, %gather3A_414, %select_n3A_389 : vector<16xi32>
      %and3A_418 = arith.andi %eq3A_416, %lt3A_417 : vector<16xi1>
      %or3A_419 = arith.ori %lt3A_415, %and3A_418 : vector<16xi1>
      %not3A_420 = arith.constant dense<true> : vector<16xi1>
      %not3A_421 = arith.xori %or3A_419, %not3A_420 : vector<16xi1>
      %select_n3A_422 = arith.select %eq3A_408, %or3A_419, %not3A_421 : vector<16xi1>, vector<16xi1>
      %select_n3A_423 = arith.select %select_n3A_422, %gather3A_411, %select_n3A_388 : vector<16xi1>, vector<16xf32>
      %select_n3A_424 = arith.select %select_n3A_422, %gather3A_414, %select_n3A_389 : vector<16xi1>, vector<16xi32>
      %iota3A_425 = tpu.iota {dimensions = array<i32: 0>} : vector<16xi32>
      %xor3A_426 = arith.constant 1 : i32
      %xor3A_427 = vector.broadcast %xor3A_426 : i32 to vector<16xi32>
      %xor3A_428 = arith.xori %iota3A_425, %xor3A_427 : vector<16xi32>
      %and3A_429 = arith.constant 32 : i32
      %and3A_430 = vector.broadcast %and3A_429 : i32 to vector<16xi32>
      %and3A_431 = arith.andi %iota3A_425, %and3A_430 : vector<16xi32>
      %eq3A_432 = arith.constant 0 : i32
      %eq3A_433 = vector.broadcast %eq3A_432 : i32 to vector<16xi32>
      %eq3A_434 = arith.cmpi eq, %and3A_431, %eq3A_433 : vector<16xi32>
      %and3A_435 = arith.constant 1 : i32
      %and3A_436 = vector.broadcast %and3A_435 : i32 to vector<16xi32>
      %and3A_437 = arith.andi %iota3A_425, %and3A_436 : vector<16xi32>
      %eq3A_438 = arith.constant 0 : i32
      %eq3A_439 = vector.broadcast %eq3A_438 : i32 to vector<16xi32>
      %eq3A_440 = arith.cmpi eq, %and3A_437, %eq3A_439 : vector<16xi32>
      %eq3A_441 = arith.xori %eq3A_434, %eq3A_440 : vector<16xi1>
      %eq3A_442 = arith.constant dense<true> : vector<16xi1>
      %eq3A_443 = arith.xori %eq3A_441, %eq3A_442 : vector<16xi1>
      %broadcast_in_dim3A_444 = vector.shape_cast %xor3A_428 : vector<16xi32> to vector<16x1xi32>
      %gather3A_445 = vector.shape_cast %broadcast_in_dim3A_444 : vector<16x1xi32> to vector<16xi32>
      %gather3A_446 = tpu.dynamic_gather %select_n3A_423[%gather3A_445] in [0] : vector<16xf32>, vector<16xi32> -> vector<16xf32>
      %broadcast_in_dim3A_447 = vector.shape_cast %xor3A_428 : vector<16xi32> to vector<16x1xi32>
      %gather3A_448 = vector.shape_cast %broadcast_in_dim3A_447 : vector<16x1xi32> to vector<16xi32>
      %gather3A_449 = tpu.dynamic_gather %select_n3A_424[%gather3A_448] in [0] : vector<16xi32>, vector<16xi32> -> vector<16xi32>
      %lt3A_450 = arith.cmpf olt, %gather3A_446, %select_n3A_423 : vector<16xf32>
      %eq3A_451 = arith.cmpf oeq, %gather3A_446, %select_n3A_423 : vector<16xf32>
      %lt3A_452 = arith.cmpi slt, %gather3A_449, %select_n3A_424 : vector<16xi32>
      %and3A_453 = arith.andi %eq3A_451, %lt3A_452 : vector<16xi1>
      %or3A_454 = arith.ori %lt3A_450, %and3A_453 : vector<16xi1>
      %not3A_455 = arith.constant dense<true> : vector<16xi1>
      %not3A_456 = arith.xori %or3A_454, %not3A_455 : vector<16xi1>
      %select_n3A_457 = arith.select %eq3A_443, %or3A_454, %not3A_456 : vector<16xi1>, vector<16xi1>
      %select_n3A_458 = arith.select %select_n3A_457, %gather3A_446, %select_n3A_423 : vector<16xi1>, vector<16xf32>
      %select_n3A_459 = arith.select %select_n3A_457, %gather3A_449, %select_n3A_424 : vector<16xi1>, vector<16xi32>
      %iota3A_460 = tpu.iota {dimensions = array<i32: 0>} : vector<16xi32>
      %xor3A_461 = arith.constant 8 : i32
      %xor3A_462 = vector.broadcast %xor3A_461 : i32 to vector<16xi32>
      %xor3A_463 = arith.xori %iota3A_460, %xor3A_462 : vector<16xi32>
      %and3A_464 = arith.constant 32 : i32
      %and3A_465 = vector.broadcast %and3A_464 : i32 to vector<16xi32>
      %and3A_466 = arith.andi %iota3A_460, %and3A_465 : vector<16xi32>
      %eq3A_467 = arith.constant 0 : i32
      %eq3A_468 = vector.broadcast %eq3A_467 : i32 to vector<16xi32>
      %eq3A_469 = arith.cmpi eq, %and3A_466, %eq3A_468 : vector<16xi32>
      %and3A_470 = arith.constant 8 : i32
      %and3A_471 = vector.broadcast %and3A_470 : i32 to vector<16xi32>
      %and3A_472 = arith.andi %iota3A_460, %and3A_471 : vector<16xi32>
      %eq3A_473 = arith.constant 0 : i32
      %eq3A_474 = vector.broadcast %eq3A_473 : i32 to vector<16xi32>
      %eq3A_475 = arith.cmpi eq, %and3A_472, %eq3A_474 : vector<16xi32>
      %eq3A_476 = arith.xori %eq3A_469, %eq3A_475 : vector<16xi1>
      %eq3A_477 = arith.constant dense<true> : vector<16xi1>
      %eq3A_478 = arith.xori %eq3A_476, %eq3A_477 : vector<16xi1>
      %broadcast_in_dim3A_479 = vector.shape_cast %xor3A_463 : vector<16xi32> to vector<16x1xi32>
      %gather3A_480 = vector.shape_cast %broadcast_in_dim3A_479 : vector<16x1xi32> to vector<16xi32>
      %gather3A_481 = tpu.dynamic_gather %select_n3A_319[%gather3A_480] in [0] : vector<16xf32>, vector<16xi32> -> vector<16xf32>
      %broadcast_in_dim3A_482 = vector.shape_cast %xor3A_463 : vector<16xi32> to vector<16x1xi32>
      %gather3A_483 = vector.shape_cast %broadcast_in_dim3A_482 : vector<16x1xi32> to vector<16xi32>
      %gather3A_484 = tpu.dynamic_gather %select_n3A_320[%gather3A_483] in [0] : vector<16xi32>, vector<16xi32> -> vector<16xi32>
      %lt3A_485 = arith.cmpf olt, %gather3A_481, %select_n3A_319 : vector<16xf32>
      %eq3A_486 = arith.cmpf oeq, %gather3A_481, %select_n3A_319 : vector<16xf32>
      %lt3A_487 = arith.cmpi slt, %gather3A_484, %select_n3A_320 : vector<16xi32>
      %and3A_488 = arith.andi %eq3A_486, %lt3A_487 : vector<16xi1>
      %or3A_489 = arith.ori %lt3A_485, %and3A_488 : vector<16xi1>
      %not3A_490 = arith.constant dense<true> : vector<16xi1>
      %not3A_491 = arith.xori %or3A_489, %not3A_490 : vector<16xi1>
      %select_n3A_492 = arith.select %eq3A_478, %or3A_489, %not3A_491 : vector<16xi1>, vector<16xi1>
      %select_n3A_493 = arith.select %select_n3A_492, %gather3A_481, %select_n3A_319 : vector<16xi1>, vector<16xf32>
      %select_n3A_494 = arith.select %select_n3A_492, %gather3A_484, %select_n3A_320 : vector<16xi1>, vector<16xi32>
      %iota3A_495 = tpu.iota {dimensions = array<i32: 0>} : vector<16xi32>
      %xor3A_496 = arith.constant 4 : i32
      %xor3A_497 = vector.broadcast %xor3A_496 : i32 to vector<16xi32>
      %xor3A_498 = arith.xori %iota3A_495, %xor3A_497 : vector<16xi32>
      %and3A_499 = arith.constant 32 : i32
      %and3A_500 = vector.broadcast %and3A_499 : i32 to vector<16xi32>
      %and3A_501 = arith.andi %iota3A_495, %and3A_500 : vector<16xi32>
      %eq3A_502 = arith.constant 0 : i32
      %eq3A_503 = vector.broadcast %eq3A_502 : i32 to vector<16xi32>
      %eq3A_504 = arith.cmpi eq, %and3A_501, %eq3A_503 : vector<16xi32>
      %and3A_505 = arith.constant 4 : i32
      %and3A_506 = vector.broadcast %and3A_505 : i32 to vector<16xi32>
      %and3A_507 = arith.andi %iota3A_495, %and3A_506 : vector<16xi32>
      %eq3A_508 = arith.constant 0 : i32
      %eq3A_509 = vector.broadcast %eq3A_508 : i32 to vector<16xi32>
      %eq3A_510 = arith.cmpi eq, %and3A_507, %eq3A_509 : vector<16xi32>
      %eq3A_511 = arith.xori %eq3A_504, %eq3A_510 : vector<16xi1>
      %eq3A_512 = arith.constant dense<true> : vector<16xi1>
      %eq3A_513 = arith.xori %eq3A_511, %eq3A_512 : vector<16xi1>
      %broadcast_in_dim3A_514 = vector.shape_cast %xor3A_498 : vector<16xi32> to vector<16x1xi32>
      %gather3A_515 = vector.shape_cast %broadcast_in_dim3A_514 : vector<16x1xi32> to vector<16xi32>
      %gather3A_516 = tpu.dynamic_gather %select_n3A_493[%gather3A_515] in [0] : vector<16xf32>, vector<16xi32> -> vector<16xf32>
      %broadcast_in_dim3A_517 = vector.shape_cast %xor3A_498 : vector<16xi32> to vector<16x1xi32>
      %gather3A_518 = vector.shape_cast %broadcast_in_dim3A_517 : vector<16x1xi32> to vector<16xi32>
      %gather3A_519 = tpu.dynamic_gather %select_n3A_494[%gather3A_518] in [0] : vector<16xi32>, vector<16xi32> -> vector<16xi32>
      %lt3A_520 = arith.cmpf olt, %gather3A_516, %select_n3A_493 : vector<16xf32>
      %eq3A_521 = arith.cmpf oeq, %gather3A_516, %select_n3A_493 : vector<16xf32>
      %lt3A_522 = arith.cmpi slt, %gather3A_519, %select_n3A_494 : vector<16xi32>
      %and3A_523 = arith.andi %eq3A_521, %lt3A_522 : vector<16xi1>
      %or3A_524 = arith.ori %lt3A_520, %and3A_523 : vector<16xi1>
      %not3A_525 = arith.constant dense<true> : vector<16xi1>
      %not3A_526 = arith.xori %or3A_524, %not3A_525 : vector<16xi1>
      %select_n3A_527 = arith.select %eq3A_513, %or3A_524, %not3A_526 : vector<16xi1>, vector<16xi1>
      %select_n3A_528 = arith.select %select_n3A_527, %gather3A_516, %select_n3A_493 : vector<16xi1>, vector<16xf32>
      %select_n3A_529 = arith.select %select_n3A_527, %gather3A_519, %select_n3A_494 : vector<16xi1>, vector<16xi32>
      %iota3A_530 = tpu.iota {dimensions = array<i32: 0>} : vector<16xi32>
      %xor3A_531 = arith.constant 2 : i32
      %xor3A_532 = vector.broadcast %xor3A_531 : i32 to vector<16xi32>
      %xor3A_533 = arith.xori %iota3A_530, %xor3A_532 : vector<16xi32>
      %and3A_534 = arith.constant 32 : i32
      %and3A_535 = vector.broadcast %and3A_534 : i32 to vector<16xi32>
      %and3A_536 = arith.andi %iota3A_530, %and3A_535 : vector<16xi32>
      %eq3A_537 = arith.constant 0 : i32
      %eq3A_538 = vector.broadcast %eq3A_537 : i32 to vector<16xi32>
      %eq3A_539 = arith.cmpi eq, %and3A_536, %eq3A_538 : vector<16xi32>
      %and3A_540 = arith.constant 2 : i32
      %and3A_541 = vector.broadcast %and3A_540 : i32 to vector<16xi32>
      %and3A_542 = arith.andi %iota3A_530, %and3A_541 : vector<16xi32>
      %eq3A_543 = arith.constant 0 : i32
      %eq3A_544 = vector.broadcast %eq3A_543 : i32 to vector<16xi32>
      %eq3A_545 = arith.cmpi eq, %and3A_542, %eq3A_544 : vector<16xi32>
      %eq3A_546 = arith.xori %eq3A_539, %eq3A_545 : vector<16xi1>
      %eq3A_547 = arith.constant dense<true> : vector<16xi1>
      %eq3A_548 = arith.xori %eq3A_546, %eq3A_547 : vector<16xi1>
      %broadcast_in_dim3A_549 = vector.shape_cast %xor3A_533 : vector<16xi32> to vector<16x1xi32>
      %gather3A_550 = vector.shape_cast %broadcast_in_dim3A_549 : vector<16x1xi32> to vector<16xi32>
      %gather3A_551 = tpu.dynamic_gather %select_n3A_528[%gather3A_550] in [0] : vector<16xf32>, vector<16xi32> -> vector<16xf32>
      %broadcast_in_dim3A_552 = vector.shape_cast %xor3A_533 : vector<16xi32> to vector<16x1xi32>
      %gather3A_553 = vector.shape_cast %broadcast_in_dim3A_552 : vector<16x1xi32> to vector<16xi32>
      %gather3A_554 = tpu.dynamic_gather %select_n3A_529[%gather3A_553] in [0] : vector<16xi32>, vector<16xi32> -> vector<16xi32>
      %lt3A_555 = arith.cmpf olt, %gather3A_551, %select_n3A_528 : vector<16xf32>
      %eq3A_556 = arith.cmpf oeq, %gather3A_551, %select_n3A_528 : vector<16xf32>
      %lt3A_557 = arith.cmpi slt, %gather3A_554, %select_n3A_529 : vector<16xi32>
      %and3A_558 = arith.andi %eq3A_556, %lt3A_557 : vector<16xi1>
      %or3A_559 = arith.ori %lt3A_555, %and3A_558 : vector<16xi1>
      %not3A_560 = arith.constant dense<true> : vector<16xi1>
      %not3A_561 = arith.xori %or3A_559, %not3A_560 : vector<16xi1>
      %select_n3A_562 = arith.select %eq3A_548, %or3A_559, %not3A_561 : vector<16xi1>, vector<16xi1>
      %select_n3A_563 = arith.select %select_n3A_562, %gather3A_551, %select_n3A_528 : vector<16xi1>, vector<16xf32>
      %select_n3A_564 = arith.select %select_n3A_562, %gather3A_554, %select_n3A_529 : vector<16xi1>, vector<16xi32>
      %iota3A_565 = tpu.iota {dimensions = array<i32: 0>} : vector<16xi32>
      %xor3A_566 = arith.constant 1 : i32
      %xor3A_567 = vector.broadcast %xor3A_566 : i32 to vector<16xi32>
      %xor3A_568 = arith.xori %iota3A_565, %xor3A_567 : vector<16xi32>
      %and3A_569 = arith.constant 32 : i32
      %and3A_570 = vector.broadcast %and3A_569 : i32 to vector<16xi32>
      %and3A_571 = arith.andi %iota3A_565, %and3A_570 : vector<16xi32>
      %eq3A_572 = arith.constant 0 : i32
      %eq3A_573 = vector.broadcast %eq3A_572 : i32 to vector<16xi32>
      %eq3A_574 = arith.cmpi eq, %and3A_571, %eq3A_573 : vector<16xi32>
      %and3A_575 = arith.constant 1 : i32
      %and3A_576 = vector.broadcast %and3A_575 : i32 to vector<16xi32>
      %and3A_577 = arith.andi %iota3A_565, %and3A_576 : vector<16xi32>
      %eq3A_578 = arith.constant 0 : i32
      %eq3A_579 = vector.broadcast %eq3A_578 : i32 to vector<16xi32>
      %eq3A_580 = arith.cmpi eq, %and3A_577, %eq3A_579 : vector<16xi32>
      %eq3A_581 = arith.xori %eq3A_574, %eq3A_580 : vector<16xi1>
      %eq3A_582 = arith.constant dense<true> : vector<16xi1>
      %eq3A_583 = arith.xori %eq3A_581, %eq3A_582 : vector<16xi1>
      %broadcast_in_dim3A_584 = vector.shape_cast %xor3A_568 : vector<16xi32> to vector<16x1xi32>
      %gather3A_585 = vector.shape_cast %broadcast_in_dim3A_584 : vector<16x1xi32> to vector<16xi32>
      %gather3A_586 = tpu.dynamic_gather %select_n3A_563[%gather3A_585] in [0] : vector<16xf32>, vector<16xi32> -> vector<16xf32>
      %broadcast_in_dim3A_587 = vector.shape_cast %xor3A_568 : vector<16xi32> to vector<16x1xi32>
      %gather3A_588 = vector.shape_cast %broadcast_in_dim3A_587 : vector<16x1xi32> to vector<16xi32>
      %gather3A_589 = tpu.dynamic_gather %select_n3A_564[%gather3A_588] in [0] : vector<16xi32>, vector<16xi32> -> vector<16xi32>
      %lt3A_590 = arith.cmpf olt, %gather3A_586, %select_n3A_563 : vector<16xf32>
      %eq3A_591 = arith.cmpf oeq, %gather3A_586, %select_n3A_563 : vector<16xf32>
      %lt3A_592 = arith.cmpi slt, %gather3A_589, %select_n3A_564 : vector<16xi32>
      %and3A_593 = arith.andi %eq3A_591, %lt3A_592 : vector<16xi1>
      %or3A_594 = arith.ori %lt3A_590, %and3A_593 : vector<16xi1>
      %not3A_595 = arith.constant dense<true> : vector<16xi1>
      %not3A_596 = arith.xori %or3A_594, %not3A_595 : vector<16xi1>
      %select_n3A_597 = arith.select %eq3A_583, %or3A_594, %not3A_596 : vector<16xi1>, vector<16xi1>
      %select_n3A_598 = arith.select %select_n3A_597, %gather3A_586, %select_n3A_563 : vector<16xi1>, vector<16xf32>
      %select_n3A_599 = arith.select %select_n3A_597, %gather3A_589, %select_n3A_564 : vector<16xi1>, vector<16xi32>
      %broadcast_in_dim3A_600 = arith.constant 15 : i32
      %broadcast_in_dim3A_601 = vector.broadcast %broadcast_in_dim3A_600 : i32 to vector<16xi32>
      %broadcast_in_dim3A_602 = vector.shape_cast %broadcast_in_dim3A_601 : vector<16xi32> to vector<16x1xi32>
      %gather3A_603 = vector.shape_cast %broadcast_in_dim3A_602 : vector<16x1xi32> to vector<16xi32>
      %gather3A_604 = tpu.dynamic_gather %select_n3A_598[%gather3A_603] in [0] : vector<16xf32>, vector<16xi32> -> vector<16xf32>
      %scan3A_605 = arith.constant 0 : i32
      %scan3A_606 = arith.constant 126 : i32
      %scan3A_607 = arith.addi %scan3A_605, %scan3A_606 : i32
      %scan3A_608 = arith.constant 6 : i32
      %scan3A_609:5 = scf.for %scan3A_1102 = %scan3A_605 to %scan3A_607 step %scan3A_608 iter_args(%scan3A_1103 = %select_n3A_458, %scan3A_1104 = %select_n3A_459, %scan3A_1105 = %select_n3A_598, %scan3A_1106 = %select_n3A_599, %scan3A_1107 = %gather3A_604) -> (vector<16xf32>, vector<16xi32>, vector<16xf32>, vector<16xi32>, vector<16xf32>)  : i32 {
        %mul3A_1108 = arith.constant 16 : i32
        %mul3A_1109 = arith.muli %scan3A_1102, %mul3A_1108 : i32
        %add3A_1110 = arith.constant 32 : i32
        %add3A_1111 = arith.addi %add3A_1110, %mul3A_1109 : i32
        %multiple_of3A_1112 = tpu.assume_multiple %add3A_1111, 16 : i32
        %get3A_1113 = arith.index_cast %multiple_of3A_1112 : i32 to index
        %get3A_1114 = tpu.vector_load %arg5[%get3A_1113] {strides = array<i32>} : memref<2112xf32, #tpu.memory_space<vmem>>, vector<16xf32>,
        %get3A_1115 = arith.index_cast %multiple_of3A_1112 : i32 to index
        %get3A_1116 = tpu.vector_load %arg6[%get3A_1115] {strides = array<i32>} : memref<2112xf32, #tpu.memory_space<vmem>>, vector<16xf32>,
        %get3A_1117 = arith.index_cast %multiple_of3A_1112 : i32 to index
        %get3A_1118 = tpu.vector_load %arg7[%get3A_1117] {strides = array<i32>} : memref<2112xf32, #tpu.memory_space<vmem>>, vector<16xf32>,
        %sub3A_1119 = arith.subf %get3A_1114, %gather3A_127 : vector<16xf32>
        %sub3A_1120 = arith.subf %get3A_1116, %gather3A_132 : vector<16xf32>
        %sub3A_1121 = arith.subf %get3A_1118, %gather3A_137 : vector<16xf32>
        %mul3A_1122 = arith.mulf %sub3A_1119, %sub3A_1119 : vector<16xf32>
        %mul3A_1123 = arith.mulf %sub3A_1120, %sub3A_1120 : vector<16xf32>
        %add3A_1124 = arith.addf %mul3A_1122, %mul3A_1123 : vector<16xf32>
        %mul3A_1125 = arith.mulf %sub3A_1121, %sub3A_1121 : vector<16xf32>
        %add3A_1126 = arith.addf %add3A_1124, %mul3A_1125 : vector<16xf32>
        %lt3A_1127 = arith.cmpf olt, %add3A_1126, %scan3A_1107 : vector<16xf32>
        %get3A_1128 = arith.constant 0 : i32
        %get3A_1129 = arith.index_cast %get3A_1128 : i32 to index
        %get3A_1130 = memref.load %arg16[%get3A_1129] : memref<8xi32, #tpu.memory_space<smem>>
        %convert_element_type3A_1131 = arith.extui %lt3A_1127 : vector<16xi1> to vector<16xi32>
        %cumsum3A = arith.constant true
        %cumsum3A_1132 = vector.broadcast %cumsum3A : i1 to vector<16xi1>
        %cumsum3A_1133 = tpu.scan <sum>, %convert_element_type3A_1131 masked %cumsum3A_1132 : vector<16xi32>, vector<16xi1> -> vector<16xi32>
        %add3A_1134 = vector.broadcast %get3A_1130 : i32 to vector<16xi32>
        %add3A_1135 = arith.addi %add3A_1134, %cumsum3A_1133 : vector<16xi32>
        %sub3A_1136 = arith.constant 1 : i32
        %sub3A_1137 = vector.broadcast %sub3A_1136 : i32 to vector<16xi32>
        %sub3A_1138 = arith.subi %add3A_1135, %sub3A_1137 : vector<16xi32>
        %add3A_1139 = vector.broadcast %multiple_of3A_1112 : i32 to vector<16xi32>
        %add3A_1140 = arith.addi %add3A_1139, %iota3A : vector<16xi32>
        tpu.vector_store_idx %arg11[%sub3A_1138], %add3A_1126 masked %lt3A_1127 : memref<48xf32, #tpu.memory_space<vmem>>[vector<16xi32>], vector<16xf32>, vector<16xi1>
        tpu.vector_store_idx %arg12[%sub3A_1138], %add3A_1140 masked %lt3A_1127 : memref<48xi32, #tpu.memory_space<vmem>>[vector<16xi32>], vector<16xi32>, vector<16xi1>
        %all_reduce_population_count3A = tpu.all_reduce %lt3A_1127 {dim = 0 : i64, kind = #tpu.reduction_kind<sum>} : vector<16xi1> -> vector<16xi32>
        %slice3A = vector.extract_strided_slice %all_reduce_population_count3A {offsets = [0], sizes = [1], strides = [1]} : vector<16xi32> to vector<1xi32>
        %squeeze3A = vector.extract %slice3A[0] : i32 from vector<1xi32>
        %add3A_1141 = arith.addi %get3A_1130, %squeeze3A : i32
        %swap3A_1142 = arith.constant 0 : i32
        %swap3A_1143 = arith.index_cast %swap3A_1142 : i32 to index
        %swap3A_1144 = memref.load %arg16[%swap3A_1143] : memref<8xi32, #tpu.memory_space<smem>>
        memref.store %add3A_1141, %arg16[%swap3A_1143] : memref<8xi32, #tpu.memory_space<smem>>
        %add3A_1145 = arith.addi %get3A_1130, %squeeze3A : i32
        %ge3A = arith.constant 16 : i32
        %ge3A_1146 = arith.cmpi sge, %add3A_1145, %ge3A : i32
        %convert_element_type3A_1147 = arith.extui %ge3A_1146 : i1 to i32
        %cond3A_1148 = arith.constant 0 : i32
        %cond3A_1149 = arith.cmpi ne, %convert_element_type3A_1147, %cond3A_1148 : i32
        %cond3A_1150:5 = scf.if %cond3A_1149 -> (vector<16xf32>, vector<16xi32>, vector<16xf32>, vector<16xi32>, vector<16xf32>) {
          %get3A_1401 = arith.constant 0 : index
          %get3A_1402 = tpu.vector_load %arg11[%get3A_1401] {strides = array<i32>} : memref<48xf32, #tpu.memory_space<vmem>>, vector<16xf32>,
          %get3A_1403 = arith.constant 0 : index
          %get3A_1404 = tpu.vector_load %arg12[%get3A_1403] {strides = array<i32>} : memref<48xi32, #tpu.memory_space<vmem>>, vector<16xi32>,
          %masked_sort3A_1405 = arith.constant dense<true> : vector<16xi1>
          %masked_sort3A_1406, %masked_sort3A_1407, %masked_sort3A_1408 = tpu.sort %get3A_1402, %get3A_1404 masked %masked_sort3A_1405 : (vector<16xf32>, vector<16xi32>, vector<16xi1>) -> (vector<16xi1>, vector<16xf32>, vector<16xi32>)
          %iota3A_1409 = tpu.iota {dimensions = array<i32: 0>} : vector<16xi32>
          %xor3A_1410 = arith.constant 1 : i32
          %xor3A_1411 = vector.broadcast %xor3A_1410 : i32 to vector<16xi32>
          %xor3A_1412 = arith.xori %iota3A_1409, %xor3A_1411 : vector<16xi32>
          %and3A_1413 = arith.constant 1 : i32
          %and3A_1414 = vector.broadcast %and3A_1413 : i32 to vector<16xi32>
          %and3A_1415 = arith.andi %iota3A_1409, %and3A_1414 : vector<16xi32>
          %broadcast_in_dim3A_1416 = vector.shape_cast %xor3A_1412 : vector<16xi32> to vector<16x1xi32>
          %gather3A_1417 = vector.shape_cast %broadcast_in_dim3A_1416 : vector<16x1xi32> to vector<16xi32>
          %gather3A_1418 = tpu.dynamic_gather %masked_sort3A_1407[%gather3A_1417] in [0] : vector<16xf32>, vector<16xi32> -> vector<16xf32>
          %broadcast_in_dim3A_1419 = vector.shape_cast %xor3A_1412 : vector<16xi32> to vector<16x1xi32>
          %gather3A_1420 = vector.shape_cast %broadcast_in_dim3A_1419 : vector<16x1xi32> to vector<16xi32>
          %gather3A_1421 = tpu.dynamic_gather %masked_sort3A_1408[%gather3A_1420] in [0] : vector<16xi32>, vector<16xi32> -> vector<16xi32>
          %lt3A_1422 = arith.cmpf olt, %gather3A_1418, %masked_sort3A_1407 : vector<16xf32>
          %eq3A_1423 = arith.cmpf oeq, %gather3A_1418, %masked_sort3A_1407 : vector<16xf32>
          %lt3A_1424 = arith.cmpi slt, %gather3A_1421, %masked_sort3A_1408 : vector<16xi32>
          %and3A_1425 = arith.andi %eq3A_1423, %lt3A_1424 : vector<16xi1>
          %or3A_1426 = arith.ori %lt3A_1422, %and3A_1425 : vector<16xi1>
          %convert_element_type3A_1427 = arith.extui %or3A_1426 : vector<16xi1> to vector<16xi32>
          %xor3A_1428 = arith.xori %convert_element_type3A_1427, %and3A_1415 : vector<16xi32>
          %ne3A_1429 = arith.constant 0 : i32
          %ne3A_1430 = vector.broadcast %ne3A_1429 : i32 to vector<16xi32>
          %ne3A_1431 = arith.cmpi ne, %xor3A_1428, %ne3A_1430 : vector<16xi32>
          %select_n3A_1432 = arith.select %ne3A_1431, %gather3A_1418, %masked_sort3A_1407 : vector<16xi1>, vector<16xf32>
          %select_n3A_1433 = arith.select %ne3A_1431, %gather3A_1421, %masked_sort3A_1408 : vector<16xi1>, vector<16xi32>
          %add3A_1434 = arith.constant 1 : i32
          %add3A_1435 = vector.broadcast %add3A_1434 : i32 to vector<16xi32>
          %add3A_1436 = arith.addi %iota3A_1409, %add3A_1435 : vector<16xi32>
          %xor3A_1437 = arith.constant 1 : i32
          %xor3A_1438 = vector.broadcast %xor3A_1437 : i32 to vector<16xi32>
          %xor3A_1439 = arith.xori %add3A_1436, %xor3A_1438 : vector<16xi32>
          %sub3A_1440 = arith.constant 1 : i32
          %sub3A_1441 = vector.broadcast %sub3A_1440 : i32 to vector<16xi32>
          %sub3A_1442 = arith.subi %xor3A_1439, %sub3A_1441 : vector<16xi32>
          %jit3A_1443 = arith.constant 0 : i32
          %jit3A_1444 = arith.constant 15 : i32
          %max3A_1445 = vector.broadcast %jit3A_1443 : i32 to vector<16xi32>
          %max3A_1446 = arith.maxsi %max3A_1445, %sub3A_1442 : vector<16xi32>
          %min3A_1447 = vector.broadcast %jit3A_1444 : i32 to vector<16xi32>
          %min3A_1448 = arith.minsi %min3A_1447, %max3A_1446 : vector<16xi32>
          %and3A_1449 = arith.constant 1 : i32
          %and3A_1450 = vector.broadcast %and3A_1449 : i32 to vector<16xi32>
          %and3A_1451 = arith.andi %iota3A_1409, %and3A_1450 : vector<16xi32>
          %xor3A_1452 = arith.constant 1 : i32
          %xor3A_1453 = vector.broadcast %xor3A_1452 : i32 to vector<16xi32>
          %xor3A_1454 = arith.xori %and3A_1451, %xor3A_1453 : vector<16xi32>
          %broadcast_in_dim3A_1455 = vector.shape_cast %min3A_1448 : vector<16xi32> to vector<16x1xi32>
          %gather3A_1456 = vector.shape_cast %broadcast_in_dim3A_1455 : vector<16x1xi32> to vector<16xi32>
          %gather3A_1457 = tpu.dynamic_gather %select_n3A_1432[%gather3A_1456] in [0] : vector<16xf32>, vector<16xi32> -> vector<16xf32>
          %broadcast_in_dim3A_1458 = vector.shape_cast %min3A_1448 : vector<16xi32> to vector<16x1xi32>
          %gather3A_1459 = vector.shape_cast %broadcast_in_dim3A_1458 : vector<16x1xi32> to vector<16xi32>
          %gather3A_1460 = tpu.dynamic_gather %select_n3A_1433[%gather3A_1459] in [0] : vector<16xi32>, vector<16xi32> -> vector<16xi32>
          %lt3A_1461 = arith.cmpf olt, %gather3A_1457, %select_n3A_1432 : vector<16xf32>
          %eq3A_1462 = arith.cmpf oeq, %gather3A_1457, %select_n3A_1432 : vector<16xf32>
          %lt3A_1463 = arith.cmpi slt, %gather3A_1460, %select_n3A_1433 : vector<16xi32>
          %and3A_1464 = arith.andi %eq3A_1462, %lt3A_1463 : vector<16xi1>
          %or3A_1465 = arith.ori %lt3A_1461, %and3A_1464 : vector<16xi1>
          %convert_element_type3A_1466 = arith.extui %or3A_1465 : vector<16xi1> to vector<16xi32>
          %xor3A_1467 = arith.xori %convert_element_type3A_1466, %xor3A_1454 : vector<16xi32>
          %ne3A_1468 = arith.constant 0 : i32
          %ne3A_1469 = vector.broadcast %ne3A_1468 : i32 to vector<16xi32>
          %ne3A_1470 = arith.cmpi ne, %xor3A_1467, %ne3A_1469 : vector<16xi32>
          %select_n3A_1471 = arith.select %ne3A_1470, %gather3A_1457, %select_n3A_1432 : vector<16xi1>, vector<16xf32>
          %select_n3A_1472 = arith.select %ne3A_1470, %gather3A_1460, %select_n3A_1433 : vector<16xi1>, vector<16xi32>
          %rev3A_1473 = arith.constant 15 : i32
          %rev3A_1474 = vector.broadcast %rev3A_1473 : i32 to vector<16xi32>
          %rev3A_1475 = tpu.iota {dimensions = array<i32: 0>} : vector<16xi32>
          %rev3A_1476 = arith.subi %rev3A_1474, %rev3A_1475 : vector<16xi32>
          %rev3A_1477 = tpu.dynamic_gather %select_n3A_1471[%rev3A_1476] in [0] : vector<16xf32>, vector<16xi32> -> vector<16xf32>
          %rev3A_1478 = arith.constant 15 : i32
          %rev3A_1479 = vector.broadcast %rev3A_1478 : i32 to vector<16xi32>
          %rev3A_1480 = tpu.iota {dimensions = array<i32: 0>} : vector<16xi32>
          %rev3A_1481 = arith.subi %rev3A_1479, %rev3A_1480 : vector<16xi32>
          %rev3A_1482 = tpu.dynamic_gather %select_n3A_1472[%rev3A_1481] in [0] : vector<16xi32>, vector<16xi32> -> vector<16xi32>
          %lt3A_1483 = arith.cmpf olt, %rev3A_1477, %scan3A_1105 : vector<16xf32>
          %eq3A_1484 = arith.cmpf oeq, %rev3A_1477, %scan3A_1105 : vector<16xf32>
          %lt3A_1485 = arith.cmpi slt, %rev3A_1482, %scan3A_1106 : vector<16xi32>
          %and3A_1486 = arith.andi %eq3A_1484, %lt3A_1485 : vector<16xi1>
          %or3A_1487 = arith.ori %lt3A_1483, %and3A_1486 : vector<16xi1>
          %select_n3A_1488 = arith.select %or3A_1487, %rev3A_1477, %scan3A_1105 : vector<16xi1>, vector<16xf32>
          %select_n3A_1489 = arith.select %or3A_1487, %rev3A_1482, %scan3A_1106 : vector<16xi1>, vector<16xi32>
          %select_n3A_1490 = arith.select %or3A_1487, %scan3A_1105, %rev3A_1477 : vector<16xi1>, vector<16xf32>
          %select_n3A_1491 = arith.select %or3A_1487, %scan3A_1106, %rev3A_1482 : vector<16xi1>, vector<16xi32>
          %iota3A_1492 = tpu.iota {dimensions = array<i32: 0>} : vector<16xi32>
          %xor3A_1493 = arith.constant 8 : i32
          %xor3A_1494 = vector.broadcast %xor3A_1493 : i32 to vector<16xi32>
          %xor3A_1495 = arith.xori %iota3A_1492, %xor3A_1494 : vector<16xi32>
          %and3A_1496 = arith.constant 32 : i32
          %and3A_1497 = vector.broadcast %and3A_1496 : i32 to vector<16xi32>
          %and3A_1498 = arith.andi %iota3A_1492, %and3A_1497 : vector<16xi32>
          %eq3A_1499 = arith.constant 0 : i32
          %eq3A_1500 = vector.broadcast %eq3A_1499 : i32 to vector<16xi32>
          %eq3A_1501 = arith.cmpi eq, %and3A_1498, %eq3A_1500 : vector<16xi32>
          %and3A_1502 = arith.constant 8 : i32
          %and3A_1503 = vector.broadcast %and3A_1502 : i32 to vector<16xi32>
          %and3A_1504 = arith.andi %iota3A_1492, %and3A_1503 : vector<16xi32>
          %eq3A_1505 = arith.constant 0 : i32
          %eq3A_1506 = vector.broadcast %eq3A_1505 : i32 to vector<16xi32>
          %eq3A_1507 = arith.cmpi eq, %and3A_1504, %eq3A_1506 : vector<16xi32>
          %eq3A_1508 = arith.xori %eq3A_1501, %eq3A_1507 : vector<16xi1>
          %eq3A_1509 = arith.constant dense<true> : vector<16xi1>
          %eq3A_1510 = arith.xori %eq3A_1508, %eq3A_1509 : vector<16xi1>
          %broadcast_in_dim3A_1511 = vector.shape_cast %xor3A_1495 : vector<16xi32> to vector<16x1xi32>
          %gather3A_1512 = vector.shape_cast %broadcast_in_dim3A_1511 : vector<16x1xi32> to vector<16xi32>
          %gather3A_1513 = tpu.dynamic_gather %select_n3A_1488[%gather3A_1512] in [0] : vector<16xf32>, vector<16xi32> -> vector<16xf32>
          %broadcast_in_dim3A_1514 = vector.shape_cast %xor3A_1495 : vector<16xi32> to vector<16x1xi32>
          %gather3A_1515 = vector.shape_cast %broadcast_in_dim3A_1514 : vector<16x1xi32> to vector<16xi32>
          %gather3A_1516 = tpu.dynamic_gather %select_n3A_1489[%gather3A_1515] in [0] : vector<16xi32>, vector<16xi32> -> vector<16xi32>
          %lt3A_1517 = arith.cmpf olt, %gather3A_1513, %select_n3A_1488 : vector<16xf32>
          %eq3A_1518 = arith.cmpf oeq, %gather3A_1513, %select_n3A_1488 : vector<16xf32>
          %lt3A_1519 = arith.cmpi slt, %gather3A_1516, %select_n3A_1489 : vector<16xi32>
          %and3A_1520 = arith.andi %eq3A_1518, %lt3A_1519 : vector<16xi1>
          %or3A_1521 = arith.ori %lt3A_1517, %and3A_1520 : vector<16xi1>
          %not3A_1522 = arith.constant dense<true> : vector<16xi1>
          %not3A_1523 = arith.xori %or3A_1521, %not3A_1522 : vector<16xi1>
          %select_n3A_1524 = arith.select %eq3A_1510, %or3A_1521, %not3A_1523 : vector<16xi1>, vector<16xi1>
          %select_n3A_1525 = arith.select %select_n3A_1524, %gather3A_1513, %select_n3A_1488 : vector<16xi1>, vector<16xf32>
          %select_n3A_1526 = arith.select %select_n3A_1524, %gather3A_1516, %select_n3A_1489 : vector<16xi1>, vector<16xi32>
          %iota3A_1527 = tpu.iota {dimensions = array<i32: 0>} : vector<16xi32>
          %xor3A_1528 = arith.constant 4 : i32
          %xor3A_1529 = vector.broadcast %xor3A_1528 : i32 to vector<16xi32>
          %xor3A_1530 = arith.xori %iota3A_1527, %xor3A_1529 : vector<16xi32>
          %and3A_1531 = arith.constant 32 : i32
          %and3A_1532 = vector.broadcast %and3A_1531 : i32 to vector<16xi32>
          %and3A_1533 = arith.andi %iota3A_1527, %and3A_1532 : vector<16xi32>
          %eq3A_1534 = arith.constant 0 : i32
          %eq3A_1535 = vector.broadcast %eq3A_1534 : i32 to vector<16xi32>
          %eq3A_1536 = arith.cmpi eq, %and3A_1533, %eq3A_1535 : vector<16xi32>
          %and3A_1537 = arith.constant 4 : i32
          %and3A_1538 = vector.broadcast %and3A_1537 : i32 to vector<16xi32>
          %and3A_1539 = arith.andi %iota3A_1527, %and3A_1538 : vector<16xi32>
          %eq3A_1540 = arith.constant 0 : i32
          %eq3A_1541 = vector.broadcast %eq3A_1540 : i32 to vector<16xi32>
          %eq3A_1542 = arith.cmpi eq, %and3A_1539, %eq3A_1541 : vector<16xi32>
          %eq3A_1543 = arith.xori %eq3A_1536, %eq3A_1542 : vector<16xi1>
          %eq3A_1544 = arith.constant dense<true> : vector<16xi1>
          %eq3A_1545 = arith.xori %eq3A_1543, %eq3A_1544 : vector<16xi1>
          %broadcast_in_dim3A_1546 = vector.shape_cast %xor3A_1530 : vector<16xi32> to vector<16x1xi32>
          %gather3A_1547 = vector.shape_cast %broadcast_in_dim3A_1546 : vector<16x1xi32> to vector<16xi32>
          %gather3A_1548 = tpu.dynamic_gather %select_n3A_1525[%gather3A_1547] in [0] : vector<16xf32>, vector<16xi32> -> vector<16xf32>
          %broadcast_in_dim3A_1549 = vector.shape_cast %xor3A_1530 : vector<16xi32> to vector<16x1xi32>
          %gather3A_1550 = vector.shape_cast %broadcast_in_dim3A_1549 : vector<16x1xi32> to vector<16xi32>
          %gather3A_1551 = tpu.dynamic_gather %select_n3A_1526[%gather3A_1550] in [0] : vector<16xi32>, vector<16xi32> -> vector<16xi32>
          %lt3A_1552 = arith.cmpf olt, %gather3A_1548, %select_n3A_1525 : vector<16xf32>
          %eq3A_1553 = arith.cmpf oeq, %gather3A_1548, %select_n3A_1525 : vector<16xf32>
          %lt3A_1554 = arith.cmpi slt, %gather3A_1551, %select_n3A_1526 : vector<16xi32>
          %and3A_1555 = arith.andi %eq3A_1553, %lt3A_1554 : vector<16xi1>
          %or3A_1556 = arith.ori %lt3A_1552, %and3A_1555 : vector<16xi1>
          %not3A_1557 = arith.constant dense<true> : vector<16xi1>
          %not3A_1558 = arith.xori %or3A_1556, %not3A_1557 : vector<16xi1>
          %select_n3A_1559 = arith.select %eq3A_1545, %or3A_1556, %not3A_1558 : vector<16xi1>, vector<16xi1>
          %select_n3A_1560 = arith.select %select_n3A_1559, %gather3A_1548, %select_n3A_1525 : vector<16xi1>, vector<16xf32>
          %select_n3A_1561 = arith.select %select_n3A_1559, %gather3A_1551, %select_n3A_1526 : vector<16xi1>, vector<16xi32>
          %iota3A_1562 = tpu.iota {dimensions = array<i32: 0>} : vector<16xi32>
          %xor3A_1563 = arith.constant 2 : i32
          %xor3A_1564 = vector.broadcast %xor3A_1563 : i32 to vector<16xi32>
          %xor3A_1565 = arith.xori %iota3A_1562, %xor3A_1564 : vector<16xi32>
          %and3A_1566 = arith.constant 32 : i32
          %and3A_1567 = vector.broadcast %and3A_1566 : i32 to vector<16xi32>
          %and3A_1568 = arith.andi %iota3A_1562, %and3A_1567 : vector<16xi32>
          %eq3A_1569 = arith.constant 0 : i32
          %eq3A_1570 = vector.broadcast %eq3A_1569 : i32 to vector<16xi32>
          %eq3A_1571 = arith.cmpi eq, %and3A_1568, %eq3A_1570 : vector<16xi32>
          %and3A_1572 = arith.constant 2 : i32
          %and3A_1573 = vector.broadcast %and3A_1572 : i32 to vector<16xi32>
          %and3A_1574 = arith.andi %iota3A_1562, %and3A_1573 : vector<16xi32>
          %eq3A_1575 = arith.constant 0 : i32
          %eq3A_1576 = vector.broadcast %eq3A_1575 : i32 to vector<16xi32>
          %eq3A_1577 = arith.cmpi eq, %and3A_1574, %eq3A_1576 : vector<16xi32>
          %eq3A_1578 = arith.xori %eq3A_1571, %eq3A_1577 : vector<16xi1>
          %eq3A_1579 = arith.constant dense<true> : vector<16xi1>
          %eq3A_1580 = arith.xori %eq3A_1578, %eq3A_1579 : vector<16xi1>
          %broadcast_in_dim3A_1581 = vector.shape_cast %xor3A_1565 : vector<16xi32> to vector<16x1xi32>
          %gather3A_1582 = vector.shape_cast %broadcast_in_dim3A_1581 : vector<16x1xi32> to vector<16xi32>
          %gather3A_1583 = tpu.dynamic_gather %select_n3A_1560[%gather3A_1582] in [0] : vector<16xf32>, vector<16xi32> -> vector<16xf32>
          %broadcast_in_dim3A_1584 = vector.shape_cast %xor3A_1565 : vector<16xi32> to vector<16x1xi32>
          %gather3A_1585 = vector.shape_cast %broadcast_in_dim3A_1584 : vector<16x1xi32> to vector<16xi32>
          %gather3A_1586 = tpu.dynamic_gather %select_n3A_1561[%gather3A_1585] in [0] : vector<16xi32>, vector<16xi32> -> vector<16xi32>
          %lt3A_1587 = arith.cmpf olt, %gather3A_1583, %select_n3A_1560 : vector<16xf32>
          %eq3A_1588 = arith.cmpf oeq, %gather3A_1583, %select_n3A_1560 : vector<16xf32>
          %lt3A_1589 = arith.cmpi slt, %gather3A_1586, %select_n3A_1561 : vector<16xi32>
          %and3A_1590 = arith.andi %eq3A_1588, %lt3A_1589 : vector<16xi1>
          %or3A_1591 = arith.ori %lt3A_1587, %and3A_1590 : vector<16xi1>
          %not3A_1592 = arith.constant dense<true> : vector<16xi1>
          %not3A_1593 = arith.xori %or3A_1591, %not3A_1592 : vector<16xi1>
          %select_n3A_1594 = arith.select %eq3A_1580, %or3A_1591, %not3A_1593 : vector<16xi1>, vector<16xi1>
          %select_n3A_1595 = arith.select %select_n3A_1594, %gather3A_1583, %select_n3A_1560 : vector<16xi1>, vector<16xf32>
          %select_n3A_1596 = arith.select %select_n3A_1594, %gather3A_1586, %select_n3A_1561 : vector<16xi1>, vector<16xi32>
          %iota3A_1597 = tpu.iota {dimensions = array<i32: 0>} : vector<16xi32>
          %xor3A_1598 = arith.constant 1 : i32
          %xor3A_1599 = vector.broadcast %xor3A_1598 : i32 to vector<16xi32>
          %xor3A_1600 = arith.xori %iota3A_1597, %xor3A_1599 : vector<16xi32>
          %and3A_1601 = arith.constant 32 : i32
          %and3A_1602 = vector.broadcast %and3A_1601 : i32 to vector<16xi32>
          %and3A_1603 = arith.andi %iota3A_1597, %and3A_1602 : vector<16xi32>
          %eq3A_1604 = arith.constant 0 : i32
          %eq3A_1605 = vector.broadcast %eq3A_1604 : i32 to vector<16xi32>
          %eq3A_1606 = arith.cmpi eq, %and3A_1603, %eq3A_1605 : vector<16xi32>
          %and3A_1607 = arith.constant 1 : i32
          %and3A_1608 = vector.broadcast %and3A_1607 : i32 to vector<16xi32>
          %and3A_1609 = arith.andi %iota3A_1597, %and3A_1608 : vector<16xi32>
          %eq3A_1610 = arith.constant 0 : i32
          %eq3A_1611 = vector.broadcast %eq3A_1610 : i32 to vector<16xi32>
          %eq3A_1612 = arith.cmpi eq, %and3A_1609, %eq3A_1611 : vector<16xi32>
          %eq3A_1613 = arith.xori %eq3A_1606, %eq3A_1612 : vector<16xi1>
          %eq3A_1614 = arith.constant dense<true> : vector<16xi1>
          %eq3A_1615 = arith.xori %eq3A_1613, %eq3A_1614 : vector<16xi1>
          %broadcast_in_dim3A_1616 = vector.shape_cast %xor3A_1600 : vector<16xi32> to vector<16x1xi32>
          %gather3A_1617 = vector.shape_cast %broadcast_in_dim3A_1616 : vector<16x1xi32> to vector<16xi32>
          %gather3A_1618 = tpu.dynamic_gather %select_n3A_1595[%gather3A_1617] in [0] : vector<16xf32>, vector<16xi32> -> vector<16xf32>
          %broadcast_in_dim3A_1619 = vector.shape_cast %xor3A_1600 : vector<16xi32> to vector<16x1xi32>
          %gather3A_1620 = vector.shape_cast %broadcast_in_dim3A_1619 : vector<16x1xi32> to vector<16xi32>
          %gather3A_1621 = tpu.dynamic_gather %select_n3A_1596[%gather3A_1620] in [0] : vector<16xi32>, vector<16xi32> -> vector<16xi32>
          %lt3A_1622 = arith.cmpf olt, %gather3A_1618, %select_n3A_1595 : vector<16xf32>
          %eq3A_1623 = arith.cmpf oeq, %gather3A_1618, %select_n3A_1595 : vector<16xf32>
          %lt3A_1624 = arith.cmpi slt, %gather3A_1621, %select_n3A_1596 : vector<16xi32>
          %and3A_1625 = arith.andi %eq3A_1623, %lt3A_1624 : vector<16xi1>
          %or3A_1626 = arith.ori %lt3A_1622, %and3A_1625 : vector<16xi1>
          %not3A_1627 = arith.constant dense<true> : vector<16xi1>
          %not3A_1628 = arith.xori %or3A_1626, %not3A_1627 : vector<16xi1>
          %select_n3A_1629 = arith.select %eq3A_1615, %or3A_1626, %not3A_1628 : vector<16xi1>, vector<16xi1>
          %select_n3A_1630 = arith.select %select_n3A_1629, %gather3A_1618, %select_n3A_1595 : vector<16xi1>, vector<16xf32>
          %select_n3A_1631 = arith.select %select_n3A_1629, %gather3A_1621, %select_n3A_1596 : vector<16xi1>, vector<16xi32>
          %rev3A_1632 = arith.constant 15 : i32
          %rev3A_1633 = vector.broadcast %rev3A_1632 : i32 to vector<16xi32>
          %rev3A_1634 = tpu.iota {dimensions = array<i32: 0>} : vector<16xi32>
          %rev3A_1635 = arith.subi %rev3A_1633, %rev3A_1634 : vector<16xi32>
          %rev3A_1636 = tpu.dynamic_gather %select_n3A_1630[%rev3A_1635] in [0] : vector<16xf32>, vector<16xi32> -> vector<16xf32>
          %rev3A_1637 = arith.constant 15 : i32
          %rev3A_1638 = vector.broadcast %rev3A_1637 : i32 to vector<16xi32>
          %rev3A_1639 = tpu.iota {dimensions = array<i32: 0>} : vector<16xi32>
          %rev3A_1640 = arith.subi %rev3A_1638, %rev3A_1639 : vector<16xi32>
          %rev3A_1641 = tpu.dynamic_gather %select_n3A_1631[%rev3A_1640] in [0] : vector<16xi32>, vector<16xi32> -> vector<16xi32>
          %lt3A_1642 = arith.cmpf olt, %rev3A_1636, %scan3A_1103 : vector<16xf32>
          %eq3A_1643 = arith.cmpf oeq, %rev3A_1636, %scan3A_1103 : vector<16xf32>
          %lt3A_1644 = arith.cmpi slt, %rev3A_1641, %scan3A_1104 : vector<16xi32>
          %and3A_1645 = arith.andi %eq3A_1643, %lt3A_1644 : vector<16xi1>
          %or3A_1646 = arith.ori %lt3A_1642, %and3A_1645 : vector<16xi1>
          %select_n3A_1647 = arith.select %or3A_1646, %rev3A_1636, %scan3A_1103 : vector<16xi1>, vector<16xf32>
          %select_n3A_1648 = arith.select %or3A_1646, %rev3A_1641, %scan3A_1104 : vector<16xi1>, vector<16xi32>
          %select_n3A_1649 = arith.select %or3A_1646, %scan3A_1103, %rev3A_1636 : vector<16xi1>, vector<16xf32>
          %select_n3A_1650 = arith.select %or3A_1646, %scan3A_1104, %rev3A_1641 : vector<16xi1>, vector<16xi32>
          %iota3A_1651 = tpu.iota {dimensions = array<i32: 0>} : vector<16xi32>
          %xor3A_1652 = arith.constant 8 : i32
          %xor3A_1653 = vector.broadcast %xor3A_1652 : i32 to vector<16xi32>
          %xor3A_1654 = arith.xori %iota3A_1651, %xor3A_1653 : vector<16xi32>
          %and3A_1655 = arith.constant 32 : i32
          %and3A_1656 = vector.broadcast %and3A_1655 : i32 to vector<16xi32>
          %and3A_1657 = arith.andi %iota3A_1651, %and3A_1656 : vector<16xi32>
          %eq3A_1658 = arith.constant 0 : i32
          %eq3A_1659 = vector.broadcast %eq3A_1658 : i32 to vector<16xi32>
          %eq3A_1660 = arith.cmpi eq, %and3A_1657, %eq3A_1659 : vector<16xi32>
          %and3A_1661 = arith.constant 8 : i32
          %and3A_1662 = vector.broadcast %and3A_1661 : i32 to vector<16xi32>
          %and3A_1663 = arith.andi %iota3A_1651, %and3A_1662 : vector<16xi32>
          %eq3A_1664 = arith.constant 0 : i32
          %eq3A_1665 = vector.broadcast %eq3A_1664 : i32 to vector<16xi32>
          %eq3A_1666 = arith.cmpi eq, %and3A_1663, %eq3A_1665 : vector<16xi32>
          %eq3A_1667 = arith.xori %eq3A_1660, %eq3A_1666 : vector<16xi1>
          %eq3A_1668 = arith.constant dense<true> : vector<16xi1>
          %eq3A_1669 = arith.xori %eq3A_1667, %eq3A_1668 : vector<16xi1>
          %broadcast_in_dim3A_1670 = vector.shape_cast %xor3A_1654 : vector<16xi32> to vector<16x1xi32>
          %gather3A_1671 = vector.shape_cast %broadcast_in_dim3A_1670 : vector<16x1xi32> to vector<16xi32>
          %gather3A_1672 = tpu.dynamic_gather %select_n3A_1647[%gather3A_1671] in [0] : vector<16xf32>, vector<16xi32> -> vector<16xf32>
          %broadcast_in_dim3A_1673 = vector.shape_cast %xor3A_1654 : vector<16xi32> to vector<16x1xi32>
          %gather3A_1674 = vector.shape_cast %broadcast_in_dim3A_1673 : vector<16x1xi32> to vector<16xi32>
          %gather3A_1675 = tpu.dynamic_gather %select_n3A_1648[%gather3A_1674] in [0] : vector<16xi32>, vector<16xi32> -> vector<16xi32>
          %lt3A_1676 = arith.cmpf olt, %gather3A_1672, %select_n3A_1647 : vector<16xf32>
          %eq3A_1677 = arith.cmpf oeq, %gather3A_1672, %select_n3A_1647 : vector<16xf32>
          %lt3A_1678 = arith.cmpi slt, %gather3A_1675, %select_n3A_1648 : vector<16xi32>
          %and3A_1679 = arith.andi %eq3A_1677, %lt3A_1678 : vector<16xi1>
          %or3A_1680 = arith.ori %lt3A_1676, %and3A_1679 : vector<16xi1>
          %not3A_1681 = arith.constant dense<true> : vector<16xi1>
          %not3A_1682 = arith.xori %or3A_1680, %not3A_1681 : vector<16xi1>
          %select_n3A_1683 = arith.select %eq3A_1669, %or3A_1680, %not3A_1682 : vector<16xi1>, vector<16xi1>
          %select_n3A_1684 = arith.select %select_n3A_1683, %gather3A_1672, %select_n3A_1647 : vector<16xi1>, vector<16xf32>
          %select_n3A_1685 = arith.select %select_n3A_1683, %gather3A_1675, %select_n3A_1648 : vector<16xi1>, vector<16xi32>
          %iota3A_1686 = tpu.iota {dimensions = array<i32: 0>} : vector<16xi32>
          %xor3A_1687 = arith.constant 4 : i32
          %xor3A_1688 = vector.broadcast %xor3A_1687 : i32 to vector<16xi32>
          %xor3A_1689 = arith.xori %iota3A_1686, %xor3A_1688 : vector<16xi32>
          %and3A_1690 = arith.constant 32 : i32
          %and3A_1691 = vector.broadcast %and3A_1690 : i32 to vector<16xi32>
          %and3A_1692 = arith.andi %iota3A_1686, %and3A_1691 : vector<16xi32>
          %eq3A_1693 = arith.constant 0 : i32
          %eq3A_1694 = vector.broadcast %eq3A_1693 : i32 to vector<16xi32>
          %eq3A_1695 = arith.cmpi eq, %and3A_1692, %eq3A_1694 : vector<16xi32>
          %and3A_1696 = arith.constant 4 : i32
          %and3A_1697 = vector.broadcast %and3A_1696 : i32 to vector<16xi32>
          %and3A_1698 = arith.andi %iota3A_1686, %and3A_1697 : vector<16xi32>
          %eq3A_1699 = arith.constant 0 : i32
          %eq3A_1700 = vector.broadcast %eq3A_1699 : i32 to vector<16xi32>
          %eq3A_1701 = arith.cmpi eq, %and3A_1698, %eq3A_1700 : vector<16xi32>
          %eq3A_1702 = arith.xori %eq3A_1695, %eq3A_1701 : vector<16xi1>
          %eq3A_1703 = arith.constant dense<true> : vector<16xi1>
          %eq3A_1704 = arith.xori %eq3A_1702, %eq3A_1703 : vector<16xi1>
          %broadcast_in_dim3A_1705 = vector.shape_cast %xor3A_1689 : vector<16xi32> to vector<16x1xi32>
          %gather3A_1706 = vector.shape_cast %broadcast_in_dim3A_1705 : vector<16x1xi32> to vector<16xi32>
          %gather3A_1707 = tpu.dynamic_gather %select_n3A_1684[%gather3A_1706] in [0] : vector<16xf32>, vector<16xi32> -> vector<16xf32>
          %broadcast_in_dim3A_1708 = vector.shape_cast %xor3A_1689 : vector<16xi32> to vector<16x1xi32>
          %gather3A_1709 = vector.shape_cast %broadcast_in_dim3A_1708 : vector<16x1xi32> to vector<16xi32>
          %gather3A_1710 = tpu.dynamic_gather %select_n3A_1685[%gather3A_1709] in [0] : vector<16xi32>, vector<16xi32> -> vector<16xi32>
          %lt3A_1711 = arith.cmpf olt, %gather3A_1707, %select_n3A_1684 : vector<16xf32>
          %eq3A_1712 = arith.cmpf oeq, %gather3A_1707, %select_n3A_1684 : vector<16xf32>
          %lt3A_1713 = arith.cmpi slt, %gather3A_1710, %select_n3A_1685 : vector<16xi32>
          %and3A_1714 = arith.andi %eq3A_1712, %lt3A_1713 : vector<16xi1>
          %or3A_1715 = arith.ori %lt3A_1711, %and3A_1714 : vector<16xi1>
          %not3A_1716 = arith.constant dense<true> : vector<16xi1>
          %not3A_1717 = arith.xori %or3A_1715, %not3A_1716 : vector<16xi1>
          %select_n3A_1718 = arith.select %eq3A_1704, %or3A_1715, %not3A_1717 : vector<16xi1>, vector<16xi1>
          %select_n3A_1719 = arith.select %select_n3A_1718, %gather3A_1707, %select_n3A_1684 : vector<16xi1>, vector<16xf32>
          %select_n3A_1720 = arith.select %select_n3A_1718, %gather3A_1710, %select_n3A_1685 : vector<16xi1>, vector<16xi32>
          %iota3A_1721 = tpu.iota {dimensions = array<i32: 0>} : vector<16xi32>
          %xor3A_1722 = arith.constant 2 : i32
          %xor3A_1723 = vector.broadcast %xor3A_1722 : i32 to vector<16xi32>
          %xor3A_1724 = arith.xori %iota3A_1721, %xor3A_1723 : vector<16xi32>
          %and3A_1725 = arith.constant 32 : i32
          %and3A_1726 = vector.broadcast %and3A_1725 : i32 to vector<16xi32>
          %and3A_1727 = arith.andi %iota3A_1721, %and3A_1726 : vector<16xi32>
          %eq3A_1728 = arith.constant 0 : i32
          %eq3A_1729 = vector.broadcast %eq3A_1728 : i32 to vector<16xi32>
          %eq3A_1730 = arith.cmpi eq, %and3A_1727, %eq3A_1729 : vector<16xi32>
          %and3A_1731 = arith.constant 2 : i32
          %and3A_1732 = vector.broadcast %and3A_1731 : i32 to vector<16xi32>
          %and3A_1733 = arith.andi %iota3A_1721, %and3A_1732 : vector<16xi32>
          %eq3A_1734 = arith.constant 0 : i32
          %eq3A_1735 = vector.broadcast %eq3A_1734 : i32 to vector<16xi32>
          %eq3A_1736 = arith.cmpi eq, %and3A_1733, %eq3A_1735 : vector<16xi32>
          %eq3A_1737 = arith.xori %eq3A_1730, %eq3A_1736 : vector<16xi1>
          %eq3A_1738 = arith.constant dense<true> : vector<16xi1>
          %eq3A_1739 = arith.xori %eq3A_1737, %eq3A_1738 : vector<16xi1>
          %broadcast_in_dim3A_1740 = vector.shape_cast %xor3A_1724 : vector<16xi32> to vector<16x1xi32>
          %gather3A_1741 = vector.shape_cast %broadcast_in_dim3A_1740 : vector<16x1xi32> to vector<16xi32>
          %gather3A_1742 = tpu.dynamic_gather %select_n3A_1719[%gather3A_1741] in [0] : vector<16xf32>, vector<16xi32> -> vector<16xf32>
          %broadcast_in_dim3A_1743 = vector.shape_cast %xor3A_1724 : vector<16xi32> to vector<16x1xi32>
          %gather3A_1744 = vector.shape_cast %broadcast_in_dim3A_1743 : vector<16x1xi32> to vector<16xi32>
          %gather3A_1745 = tpu.dynamic_gather %select_n3A_1720[%gather3A_1744] in [0] : vector<16xi32>, vector<16xi32> -> vector<16xi32>
          %lt3A_1746 = arith.cmpf olt, %gather3A_1742, %select_n3A_1719 : vector<16xf32>
          %eq3A_1747 = arith.cmpf oeq, %gather3A_1742, %select_n3A_1719 : vector<16xf32>
          %lt3A_1748 = arith.cmpi slt, %gather3A_1745, %select_n3A_1720 : vector<16xi32>
          %and3A_1749 = arith.andi %eq3A_1747, %lt3A_1748 : vector<16xi1>
          %or3A_1750 = arith.ori %lt3A_1746, %and3A_1749 : vector<16xi1>
          %not3A_1751 = arith.constant dense<true> : vector<16xi1>
          %not3A_1752 = arith.xori %or3A_1750, %not3A_1751 : vector<16xi1>
          %select_n3A_1753 = arith.select %eq3A_1739, %or3A_1750, %not3A_1752 : vector<16xi1>, vector<16xi1>
          %select_n3A_1754 = arith.select %select_n3A_1753, %gather3A_1742, %select_n3A_1719 : vector<16xi1>, vector<16xf32>
          %select_n3A_1755 = arith.select %select_n3A_1753, %gather3A_1745, %select_n3A_1720 : vector<16xi1>, vector<16xi32>
          %iota3A_1756 = tpu.iota {dimensions = array<i32: 0>} : vector<16xi32>
          %xor3A_1757 = arith.constant 1 : i32
          %xor3A_1758 = vector.broadcast %xor3A_1757 : i32 to vector<16xi32>
          %xor3A_1759 = arith.xori %iota3A_1756, %xor3A_1758 : vector<16xi32>
          %and3A_1760 = arith.constant 32 : i32
          %and3A_1761 = vector.broadcast %and3A_1760 : i32 to vector<16xi32>
          %and3A_1762 = arith.andi %iota3A_1756, %and3A_1761 : vector<16xi32>
          %eq3A_1763 = arith.constant 0 : i32
          %eq3A_1764 = vector.broadcast %eq3A_1763 : i32 to vector<16xi32>
          %eq3A_1765 = arith.cmpi eq, %and3A_1762, %eq3A_1764 : vector<16xi32>
          %and3A_1766 = arith.constant 1 : i32
          %and3A_1767 = vector.broadcast %and3A_1766 : i32 to vector<16xi32>
          %and3A_1768 = arith.andi %iota3A_1756, %and3A_1767 : vector<16xi32>
          %eq3A_1769 = arith.constant 0 : i32
          %eq3A_1770 = vector.broadcast %eq3A_1769 : i32 to vector<16xi32>
          %eq3A_1771 = arith.cmpi eq, %and3A_1768, %eq3A_1770 : vector<16xi32>
          %eq3A_1772 = arith.xori %eq3A_1765, %eq3A_1771 : vector<16xi1>
          %eq3A_1773 = arith.constant dense<true> : vector<16xi1>
          %eq3A_1774 = arith.xori %eq3A_1772, %eq3A_1773 : vector<16xi1>
          %broadcast_in_dim3A_1775 = vector.shape_cast %xor3A_1759 : vector<16xi32> to vector<16x1xi32>
          %gather3A_1776 = vector.shape_cast %broadcast_in_dim3A_1775 : vector<16x1xi32> to vector<16xi32>
          %gather3A_1777 = tpu.dynamic_gather %select_n3A_1754[%gather3A_1776] in [0] : vector<16xf32>, vector<16xi32> -> vector<16xf32>
          %broadcast_in_dim3A_1778 = vector.shape_cast %xor3A_1759 : vector<16xi32> to vector<16x1xi32>
          %gather3A_1779 = vector.shape_cast %broadcast_in_dim3A_1778 : vector<16x1xi32> to vector<16xi32>
          %gather3A_1780 = tpu.dynamic_gather %select_n3A_1755[%gather3A_1779] in [0] : vector<16xi32>, vector<16xi32> -> vector<16xi32>
          %lt3A_1781 = arith.cmpf olt, %gather3A_1777, %select_n3A_1754 : vector<16xf32>
          %eq3A_1782 = arith.cmpf oeq, %gather3A_1777, %select_n3A_1754 : vector<16xf32>
          %lt3A_1783 = arith.cmpi slt, %gather3A_1780, %select_n3A_1755 : vector<16xi32>
          %and3A_1784 = arith.andi %eq3A_1782, %lt3A_1783 : vector<16xi1>
          %or3A_1785 = arith.ori %lt3A_1781, %and3A_1784 : vector<16xi1>
          %not3A_1786 = arith.constant dense<true> : vector<16xi1>
          %not3A_1787 = arith.xori %or3A_1785, %not3A_1786 : vector<16xi1>
          %select_n3A_1788 = arith.select %eq3A_1774, %or3A_1785, %not3A_1787 : vector<16xi1>, vector<16xi1>
          %select_n3A_1789 = arith.select %select_n3A_1788, %gather3A_1777, %select_n3A_1754 : vector<16xi1>, vector<16xf32>
          %select_n3A_1790 = arith.select %select_n3A_1788, %gather3A_1780, %select_n3A_1755 : vector<16xi1>, vector<16xi32>
          %iota3A_1791 = tpu.iota {dimensions = array<i32: 0>} : vector<16xi32>
          %xor3A_1792 = arith.constant 8 : i32
          %xor3A_1793 = vector.broadcast %xor3A_1792 : i32 to vector<16xi32>
          %xor3A_1794 = arith.xori %iota3A_1791, %xor3A_1793 : vector<16xi32>
          %and3A_1795 = arith.constant 32 : i32
          %and3A_1796 = vector.broadcast %and3A_1795 : i32 to vector<16xi32>
          %and3A_1797 = arith.andi %iota3A_1791, %and3A_1796 : vector<16xi32>
          %eq3A_1798 = arith.constant 0 : i32
          %eq3A_1799 = vector.broadcast %eq3A_1798 : i32 to vector<16xi32>
          %eq3A_1800 = arith.cmpi eq, %and3A_1797, %eq3A_1799 : vector<16xi32>
          %and3A_1801 = arith.constant 8 : i32
          %and3A_1802 = vector.broadcast %and3A_1801 : i32 to vector<16xi32>
          %and3A_1803 = arith.andi %iota3A_1791, %and3A_1802 : vector<16xi32>
          %eq3A_1804 = arith.constant 0 : i32
          %eq3A_1805 = vector.broadcast %eq3A_1804 : i32 to vector<16xi32>
          %eq3A_1806 = arith.cmpi eq, %and3A_1803, %eq3A_1805 : vector<16xi32>
          %eq3A_1807 = arith.xori %eq3A_1800, %eq3A_1806 : vector<16xi1>
          %eq3A_1808 = arith.constant dense<true> : vector<16xi1>
          %eq3A_1809 = arith.xori %eq3A_1807, %eq3A_1808 : vector<16xi1>
          %broadcast_in_dim3A_1810 = vector.shape_cast %xor3A_1794 : vector<16xi32> to vector<16x1xi32>
          %gather3A_1811 = vector.shape_cast %broadcast_in_dim3A_1810 : vector<16x1xi32> to vector<16xi32>
          %gather3A_1812 = tpu.dynamic_gather %select_n3A_1649[%gather3A_1811] in [0] : vector<16xf32>, vector<16xi32> -> vector<16xf32>
          %broadcast_in_dim3A_1813 = vector.shape_cast %xor3A_1794 : vector<16xi32> to vector<16x1xi32>
          %gather3A_1814 = vector.shape_cast %broadcast_in_dim3A_1813 : vector<16x1xi32> to vector<16xi32>
          %gather3A_1815 = tpu.dynamic_gather %select_n3A_1650[%gather3A_1814] in [0] : vector<16xi32>, vector<16xi32> -> vector<16xi32>
          %lt3A_1816 = arith.cmpf olt, %gather3A_1812, %select_n3A_1649 : vector<16xf32>
          %eq3A_1817 = arith.cmpf oeq, %gather3A_1812, %select_n3A_1649 : vector<16xf32>
          %lt3A_1818 = arith.cmpi slt, %gather3A_1815, %select_n3A_1650 : vector<16xi32>
          %and3A_1819 = arith.andi %eq3A_1817, %lt3A_1818 : vector<16xi1>
          %or3A_1820 = arith.ori %lt3A_1816, %and3A_1819 : vector<16xi1>
          %not3A_1821 = arith.constant dense<true> : vector<16xi1>
          %not3A_1822 = arith.xori %or3A_1820, %not3A_1821 : vector<16xi1>
          %select_n3A_1823 = arith.select %eq3A_1809, %or3A_1820, %not3A_1822 : vector<16xi1>, vector<16xi1>
          %select_n3A_1824 = arith.select %select_n3A_1823, %gather3A_1812, %select_n3A_1649 : vector<16xi1>, vector<16xf32>
          %select_n3A_1825 = arith.select %select_n3A_1823, %gather3A_1815, %select_n3A_1650 : vector<16xi1>, vector<16xi32>
          %iota3A_1826 = tpu.iota {dimensions = array<i32: 0>} : vector<16xi32>
          %xor3A_1827 = arith.constant 4 : i32
          %xor3A_1828 = vector.broadcast %xor3A_1827 : i32 to vector<16xi32>
          %xor3A_1829 = arith.xori %iota3A_1826, %xor3A_1828 : vector<16xi32>
          %and3A_1830 = arith.constant 32 : i32
          %and3A_1831 = vector.broadcast %and3A_1830 : i32 to vector<16xi32>
          %and3A_1832 = arith.andi %iota3A_1826, %and3A_1831 : vector<16xi32>
          %eq3A_1833 = arith.constant 0 : i32
          %eq3A_1834 = vector.broadcast %eq3A_1833 : i32 to vector<16xi32>
          %eq3A_1835 = arith.cmpi eq, %and3A_1832, %eq3A_1834 : vector<16xi32>
          %and3A_1836 = arith.constant 4 : i32
          %and3A_1837 = vector.broadcast %and3A_1836 : i32 to vector<16xi32>
          %and3A_1838 = arith.andi %iota3A_1826, %and3A_1837 : vector<16xi32>
          %eq3A_1839 = arith.constant 0 : i32
          %eq3A_1840 = vector.broadcast %eq3A_1839 : i32 to vector<16xi32>
          %eq3A_1841 = arith.cmpi eq, %and3A_1838, %eq3A_1840 : vector<16xi32>
          %eq3A_1842 = arith.xori %eq3A_1835, %eq3A_1841 : vector<16xi1>
          %eq3A_1843 = arith.constant dense<true> : vector<16xi1>
          %eq3A_1844 = arith.xori %eq3A_1842, %eq3A_1843 : vector<16xi1>
          %broadcast_in_dim3A_1845 = vector.shape_cast %xor3A_1829 : vector<16xi32> to vector<16x1xi32>
          %gather3A_1846 = vector.shape_cast %broadcast_in_dim3A_1845 : vector<16x1xi32> to vector<16xi32>
          %gather3A_1847 = tpu.dynamic_gather %select_n3A_1824[%gather3A_1846] in [0] : vector<16xf32>, vector<16xi32> -> vector<16xf32>
          %broadcast_in_dim3A_1848 = vector.shape_cast %xor3A_1829 : vector<16xi32> to vector<16x1xi32>
          %gather3A_1849 = vector.shape_cast %broadcast_in_dim3A_1848 : vector<16x1xi32> to vector<16xi32>
          %gather3A_1850 = tpu.dynamic_gather %select_n3A_1825[%gather3A_1849] in [0] : vector<16xi32>, vector<16xi32> -> vector<16xi32>
          %lt3A_1851 = arith.cmpf olt, %gather3A_1847, %select_n3A_1824 : vector<16xf32>
          %eq3A_1852 = arith.cmpf oeq, %gather3A_1847, %select_n3A_1824 : vector<16xf32>
          %lt3A_1853 = arith.cmpi slt, %gather3A_1850, %select_n3A_1825 : vector<16xi32>
          %and3A_1854 = arith.andi %eq3A_1852, %lt3A_1853 : vector<16xi1>
          %or3A_1855 = arith.ori %lt3A_1851, %and3A_1854 : vector<16xi1>
          %not3A_1856 = arith.constant dense<true> : vector<16xi1>
          %not3A_1857 = arith.xori %or3A_1855, %not3A_1856 : vector<16xi1>
          %select_n3A_1858 = arith.select %eq3A_1844, %or3A_1855, %not3A_1857 : vector<16xi1>, vector<16xi1>
          %select_n3A_1859 = arith.select %select_n3A_1858, %gather3A_1847, %select_n3A_1824 : vector<16xi1>, vector<16xf32>
          %select_n3A_1860 = arith.select %select_n3A_1858, %gather3A_1850, %select_n3A_1825 : vector<16xi1>, vector<16xi32>
          %iota3A_1861 = tpu.iota {dimensions = array<i32: 0>} : vector<16xi32>
          %xor3A_1862 = arith.constant 2 : i32
          %xor3A_1863 = vector.broadcast %xor3A_1862 : i32 to vector<16xi32>
          %xor3A_1864 = arith.xori %iota3A_1861, %xor3A_1863 : vector<16xi32>
          %and3A_1865 = arith.constant 32 : i32
          %and3A_1866 = vector.broadcast %and3A_1865 : i32 to vector<16xi32>
          %and3A_1867 = arith.andi %iota3A_1861, %and3A_1866 : vector<16xi32>
          %eq3A_1868 = arith.constant 0 : i32
          %eq3A_1869 = vector.broadcast %eq3A_1868 : i32 to vector<16xi32>
          %eq3A_1870 = arith.cmpi eq, %and3A_1867, %eq3A_1869 : vector<16xi32>
          %and3A_1871 = arith.constant 2 : i32
          %and3A_1872 = vector.broadcast %and3A_1871 : i32 to vector<16xi32>
          %and3A_1873 = arith.andi %iota3A_1861, %and3A_1872 : vector<16xi32>
          %eq3A_1874 = arith.constant 0 : i32
          %eq3A_1875 = vector.broadcast %eq3A_1874 : i32 to vector<16xi32>
          %eq3A_1876 = arith.cmpi eq, %and3A_1873, %eq3A_1875 : vector<16xi32>
          %eq3A_1877 = arith.xori %eq3A_1870, %eq3A_1876 : vector<16xi1>
          %eq3A_1878 = arith.constant dense<true> : vector<16xi1>
          %eq3A_1879 = arith.xori %eq3A_1877, %eq3A_1878 : vector<16xi1>
          %broadcast_in_dim3A_1880 = vector.shape_cast %xor3A_1864 : vector<16xi32> to vector<16x1xi32>
          %gather3A_1881 = vector.shape_cast %broadcast_in_dim3A_1880 : vector<16x1xi32> to vector<16xi32>
          %gather3A_1882 = tpu.dynamic_gather %select_n3A_1859[%gather3A_1881] in [0] : vector<16xf32>, vector<16xi32> -> vector<16xf32>
          %broadcast_in_dim3A_1883 = vector.shape_cast %xor3A_1864 : vector<16xi32> to vector<16x1xi32>
          %gather3A_1884 = vector.shape_cast %broadcast_in_dim3A_1883 : vector<16x1xi32> to vector<16xi32>
          %gather3A_1885 = tpu.dynamic_gather %select_n3A_1860[%gather3A_1884] in [0] : vector<16xi32>, vector<16xi32> -> vector<16xi32>
          %lt3A_1886 = arith.cmpf olt, %gather3A_1882, %select_n3A_1859 : vector<16xf32>
          %eq3A_1887 = arith.cmpf oeq, %gather3A_1882, %select_n3A_1859 : vector<16xf32>
          %lt3A_1888 = arith.cmpi slt, %gather3A_1885, %select_n3A_1860 : vector<16xi32>
          %and3A_1889 = arith.andi %eq3A_1887, %lt3A_1888 : vector<16xi1>
          %or3A_1890 = arith.ori %lt3A_1886, %and3A_1889 : vector<16xi1>
          %not3A_1891 = arith.constant dense<true> : vector<16xi1>
          %not3A_1892 = arith.xori %or3A_1890, %not3A_1891 : vector<16xi1>
          %select_n3A_1893 = arith.select %eq3A_1879, %or3A_1890, %not3A_1892 : vector<16xi1>, vector<16xi1>
          %select_n3A_1894 = arith.select %select_n3A_1893, %gather3A_1882, %select_n3A_1859 : vector<16xi1>, vector<16xf32>
          %select_n3A_1895 = arith.select %select_n3A_1893, %gather3A_1885, %select_n3A_1860 : vector<16xi1>, vector<16xi32>
          %iota3A_1896 = tpu.iota {dimensions = array<i32: 0>} : vector<16xi32>
          %xor3A_1897 = arith.constant 1 : i32
          %xor3A_1898 = vector.broadcast %xor3A_1897 : i32 to vector<16xi32>
          %xor3A_1899 = arith.xori %iota3A_1896, %xor3A_1898 : vector<16xi32>
          %and3A_1900 = arith.constant 32 : i32
          %and3A_1901 = vector.broadcast %and3A_1900 : i32 to vector<16xi32>
          %and3A_1902 = arith.andi %iota3A_1896, %and3A_1901 : vector<16xi32>
          %eq3A_1903 = arith.constant 0 : i32
          %eq3A_1904 = vector.broadcast %eq3A_1903 : i32 to vector<16xi32>
          %eq3A_1905 = arith.cmpi eq, %and3A_1902, %eq3A_1904 : vector<16xi32>
          %and3A_1906 = arith.constant 1 : i32
          %and3A_1907 = vector.broadcast %and3A_1906 : i32 to vector<16xi32>
          %and3A_1908 = arith.andi %iota3A_1896, %and3A_1907 : vector<16xi32>
          %eq3A_1909 = arith.constant 0 : i32
          %eq3A_1910 = vector.broadcast %eq3A_1909 : i32 to vector<16xi32>
          %eq3A_1911 = arith.cmpi eq, %and3A_1908, %eq3A_1910 : vector<16xi32>
          %eq3A_1912 = arith.xori %eq3A_1905, %eq3A_1911 : vector<16xi1>
          %eq3A_1913 = arith.constant dense<true> : vector<16xi1>
          %eq3A_1914 = arith.xori %eq3A_1912, %eq3A_1913 : vector<16xi1>
          %broadcast_in_dim3A_1915 = vector.shape_cast %xor3A_1899 : vector<16xi32> to vector<16x1xi32>
          %gather3A_1916 = vector.shape_cast %broadcast_in_dim3A_1915 : vector<16x1xi32> to vector<16xi32>
          %gather3A_1917 = tpu.dynamic_gather %select_n3A_1894[%gather3A_1916] in [0] : vector<16xf32>, vector<16xi32> -> vector<16xf32>
          %broadcast_in_dim3A_1918 = vector.shape_cast %xor3A_1899 : vector<16xi32> to vector<16x1xi32>
          %gather3A_1919 = vector.shape_cast %broadcast_in_dim3A_1918 : vector<16x1xi32> to vector<16xi32>
          %gather3A_1920 = tpu.dynamic_gather %select_n3A_1895[%gather3A_1919] in [0] : vector<16xi32>, vector<16xi32> -> vector<16xi32>
          %lt3A_1921 = arith.cmpf olt, %gather3A_1917, %select_n3A_1894 : vector<16xf32>
          %eq3A_1922 = arith.cmpf oeq, %gather3A_1917, %select_n3A_1894 : vector<16xf32>
          %lt3A_1923 = arith.cmpi slt, %gather3A_1920, %select_n3A_1895 : vector<16xi32>
          %and3A_1924 = arith.andi %eq3A_1922, %lt3A_1923 : vector<16xi1>
          %or3A_1925 = arith.ori %lt3A_1921, %and3A_1924 : vector<16xi1>
          %not3A_1926 = arith.constant dense<true> : vector<16xi1>
          %not3A_1927 = arith.xori %or3A_1925, %not3A_1926 : vector<16xi1>
          %select_n3A_1928 = arith.select %eq3A_1914, %or3A_1925, %not3A_1927 : vector<16xi1>, vector<16xi1>
          %select_n3A_1929 = arith.select %select_n3A_1928, %gather3A_1917, %select_n3A_1894 : vector<16xi1>, vector<16xf32>
          %select_n3A_1930 = arith.select %select_n3A_1928, %gather3A_1920, %select_n3A_1895 : vector<16xi1>, vector<16xi32>
          %get3A_1931 = arith.constant 16 : index
          %get3A_1932 = tpu.vector_load %arg11[%get3A_1931] {strides = array<i32>} : memref<48xf32, #tpu.memory_space<vmem>>, vector<16xf32>,
          %swap3A_1933 = arith.constant 0 : index
          %swap3A_1934 = tpu.vector_load %arg11[%swap3A_1933] {strides = array<i32>} : memref<48xf32, #tpu.memory_space<vmem>>, vector<16xf32>,
          tpu.vector_store %arg11[%swap3A_1933], %get3A_1932 {strides = array<i32>} : memref<48xf32, #tpu.memory_space<vmem>>, vector<16xf32>,
          %get3A_1935 = arith.constant 16 : index
          %get3A_1936 = tpu.vector_load %arg12[%get3A_1935] {strides = array<i32>} : memref<48xi32, #tpu.memory_space<vmem>>, vector<16xi32>,
          %swap3A_1937 = arith.constant 0 : index
          %swap3A_1938 = tpu.vector_load %arg12[%swap3A_1937] {strides = array<i32>} : memref<48xi32, #tpu.memory_space<vmem>>, vector<16xi32>,
          tpu.vector_store %arg12[%swap3A_1937], %get3A_1936 {strides = array<i32>} : memref<48xi32, #tpu.memory_space<vmem>>, vector<16xi32>,
          %get3A_1939 = arith.constant 0 : i32
          %get3A_1940 = arith.index_cast %get3A_1939 : i32 to index
          %get3A_1941 = memref.load %arg16[%get3A_1940] : memref<8xi32, #tpu.memory_space<smem>>
          %sub3A_1942 = arith.constant 16 : i32
          %sub3A_1943 = arith.subi %get3A_1941, %sub3A_1942 : i32
          %swap3A_1944 = arith.constant 0 : i32
          %swap3A_1945 = arith.index_cast %swap3A_1944 : i32 to index
          %swap3A_1946 = memref.load %arg16[%swap3A_1945] : memref<8xi32, #tpu.memory_space<smem>>
          memref.store %sub3A_1943, %arg16[%swap3A_1945] : memref<8xi32, #tpu.memory_space<smem>>
          %broadcast_in_dim3A_1947 = arith.constant 15 : i32
          %broadcast_in_dim3A_1948 = vector.broadcast %broadcast_in_dim3A_1947 : i32 to vector<16xi32>
          %broadcast_in_dim3A_1949 = vector.shape_cast %broadcast_in_dim3A_1948 : vector<16xi32> to vector<16x1xi32>
          %gather3A_1950 = vector.shape_cast %broadcast_in_dim3A_1949 : vector<16x1xi32> to vector<16xi32>
          %gather3A_1951 = tpu.dynamic_gather %select_n3A_1929[%gather3A_1950] in [0] : vector<16xf32>, vector<16xi32> -> vector<16xf32>
          scf.yield %select_n3A_1789, %select_n3A_1790, %select_n3A_1929, %select_n3A_1930, %gather3A_1951 : vector<16xf32>, vector<16xi32>, vector<16xf32>, vector<16xi32>, vector<16xf32>
        } else {
          scf.yield %scan3A_1103, %scan3A_1104, %scan3A_1105, %scan3A_1106, %scan3A_1107 : vector<16xf32>, vector<16xi32>, vector<16xf32>, vector<16xi32>, vector<16xf32>
        }
        %scan3A_1151 = arith.constant 1 : i32
        %scan3A_1152 = arith.addi %scan3A_1102, %scan3A_1151 : i32
        %mul3A_1153 = arith.constant 16 : i32
        %mul3A_1154 = arith.muli %scan3A_1152, %mul3A_1153 : i32
        %add3A_1155 = arith.constant 32 : i32
        %add3A_1156 = arith.addi %add3A_1155, %mul3A_1154 : i32
        %multiple_of3A_1157 = tpu.assume_multiple %add3A_1156, 16 : i32
        %get3A_1158 = arith.index_cast %multiple_of3A_1157 : i32 to index
        %get3A_1159 = tpu.vector_load %arg5[%get3A_1158] {strides = array<i32>} : memref<2112xf32, #tpu.memory_space<vmem>>, vector<16xf32>,
        %get3A_1160 = arith.index_cast %multiple_of3A_1157 : i32 to index
        %get3A_1161 = tpu.vector_load %arg6[%get3A_1160] {strides = array<i32>} : memref<2112xf32, #tpu.memory_space<vmem>>, vector<16xf32>,
        %get3A_1162 = arith.index_cast %multiple_of3A_1157 : i32 to index
        %get3A_1163 = tpu.vector_load %arg7[%get3A_1162] {strides = array<i32>} : memref<2112xf32, #tpu.memory_space<vmem>>, vector<16xf32>,
        %sub3A_1164 = arith.subf %get3A_1159, %gather3A_127 : vector<16xf32>
        %sub3A_1165 = arith.subf %get3A_1161, %gather3A_132 : vector<16xf32>
        %sub3A_1166 = arith.subf %get3A_1163, %gather3A_137 : vector<16xf32>
        %mul3A_1167 = arith.mulf %sub3A_1164, %sub3A_1164 : vector<16xf32>
        %mul3A_1168 = arith.mulf %sub3A_1165, %sub3A_1165 : vector<16xf32>
        %add3A_1169 = arith.addf %mul3A_1167, %mul3A_1168 : vector<16xf32>
        %mul3A_1170 = arith.mulf %sub3A_1166, %sub3A_1166 : vector<16xf32>
        %add3A_1171 = arith.addf %add3A_1169, %mul3A_1170 : vector<16xf32>
        %lt3A_1172 = arith.cmpf olt, %add3A_1171, %cond3A_1150#4 : vector<16xf32>
        %get3A_1173 = arith.constant 0 : i32
        %get3A_1174 = arith.index_cast %get3A_1173 : i32 to index
        %get3A_1175 = memref.load %arg16[%get3A_1174] : memref<8xi32, #tpu.memory_space<smem>>
        %convert_element_type3A_1176 = arith.extui %lt3A_1172 : vector<16xi1> to vector<16xi32>
        %cumsum3A_1177 = arith.constant true
        %cumsum3A_1178 = vector.broadcast %cumsum3A_1177 : i1 to vector<16xi1>
        %cumsum3A_1179 = tpu.scan <sum>, %convert_element_type3A_1176 masked %cumsum3A_1178 : vector<16xi32>, vector<16xi1> -> vector<16xi32>
        %add3A_1180 = vector.broadcast %get3A_1175 : i32 to vector<16xi32>
        %add3A_1181 = arith.addi %add3A_1180, %cumsum3A_1179 : vector<16xi32>
        %sub3A_1182 = arith.constant 1 : i32
        %sub3A_1183 = vector.broadcast %sub3A_1182 : i32 to vector<16xi32>
        %sub3A_1184 = arith.subi %add3A_1181, %sub3A_1183 : vector<16xi32>
        %add3A_1185 = vector.broadcast %multiple_of3A_1157 : i32 to vector<16xi32>
        %add3A_1186 = arith.addi %add3A_1185, %iota3A : vector<16xi32>
        tpu.vector_store_idx %arg11[%sub3A_1184], %add3A_1171 masked %lt3A_1172 : memref<48xf32, #tpu.memory_space<vmem>>[vector<16xi32>], vector<16xf32>, vector<16xi1>
        tpu.vector_store_idx %arg12[%sub3A_1184], %add3A_1186 masked %lt3A_1172 : memref<48xi32, #tpu.memory_space<vmem>>[vector<16xi32>], vector<16xi32>, vector<16xi1>
        %all_reduce_population_count3A_1187 = tpu.all_reduce %lt3A_1172 {dim = 0 : i64, kind = #tpu.reduction_kind<sum>} : vector<16xi1> -> vector<16xi32>
        %slice3A_1188 = vector.extract_strided_slice %all_reduce_population_count3A_1187 {offsets = [0], sizes = [1], strides = [1]} : vector<16xi32> to vector<1xi32>
        %squeeze3A_1189 = vector.extract %slice3A_1188[0] : i32 from vector<1xi32>
        %add3A_1190 = arith.addi %get3A_1175, %squeeze3A_1189 : i32
        %swap3A_1191 = arith.constant 0 : i32
        %swap3A_1192 = arith.index_cast %swap3A_1191 : i32 to index
        %swap3A_1193 = memref.load %arg16[%swap3A_1192] : memref<8xi32, #tpu.memory_space<smem>>
        memref.store %add3A_1190, %arg16[%swap3A_1192] : memref<8xi32, #tpu.memory_space<smem>>
        %add3A_1194 = arith.addi %get3A_1175, %squeeze3A_1189 : i32
        %ge3A_1195 = arith.constant 16 : i32
        %ge3A_1196 = arith.cmpi sge, %add3A_1194, %ge3A_1195 : i32
        %convert_element_type3A_1197 = arith.extui %ge3A_1196 : i1 to i32
        %cond3A_1198 = arith.constant 0 : i32
        %cond3A_1199 = arith.cmpi ne, %convert_element_type3A_1197, %cond3A_1198 : i32
        %cond3A_1200:5 = scf.if %cond3A_1199 -> (vector<16xf32>, vector<16xi32>, vector<16xf32>, vector<16xi32>, vector<16xf32>) {
          %get3A_1401 = arith.constant 0 : index
          %get3A_1402 = tpu.vector_load %arg11[%get3A_1401] {strides = array<i32>} : memref<48xf32, #tpu.memory_space<vmem>>, vector<16xf32>,
          %get3A_1403 = arith.constant 0 : index
          %get3A_1404 = tpu.vector_load %arg12[%get3A_1403] {strides = array<i32>} : memref<48xi32, #tpu.memory_space<vmem>>, vector<16xi32>,
          %masked_sort3A_1405 = arith.constant dense<true> : vector<16xi1>
          %masked_sort3A_1406, %masked_sort3A_1407, %masked_sort3A_1408 = tpu.sort %get3A_1402, %get3A_1404 masked %masked_sort3A_1405 : (vector<16xf32>, vector<16xi32>, vector<16xi1>) -> (vector<16xi1>, vector<16xf32>, vector<16xi32>)
          %iota3A_1409 = tpu.iota {dimensions = array<i32: 0>} : vector<16xi32>
          %xor3A_1410 = arith.constant 1 : i32
          %xor3A_1411 = vector.broadcast %xor3A_1410 : i32 to vector<16xi32>
          %xor3A_1412 = arith.xori %iota3A_1409, %xor3A_1411 : vector<16xi32>
          %and3A_1413 = arith.constant 1 : i32
          %and3A_1414 = vector.broadcast %and3A_1413 : i32 to vector<16xi32>
          %and3A_1415 = arith.andi %iota3A_1409, %and3A_1414 : vector<16xi32>
          %broadcast_in_dim3A_1416 = vector.shape_cast %xor3A_1412 : vector<16xi32> to vector<16x1xi32>
          %gather3A_1417 = vector.shape_cast %broadcast_in_dim3A_1416 : vector<16x1xi32> to vector<16xi32>
          %gather3A_1418 = tpu.dynamic_gather %masked_sort3A_1407[%gather3A_1417] in [0] : vector<16xf32>, vector<16xi32> -> vector<16xf32>
          %broadcast_in_dim3A_1419 = vector.shape_cast %xor3A_1412 : vector<16xi32> to vector<16x1xi32>
          %gather3A_1420 = vector.shape_cast %broadcast_in_dim3A_1419 : vector<16x1xi32> to vector<16xi32>
          %gather3A_1421 = tpu.dynamic_gather %masked_sort3A_1408[%gather3A_1420] in [0] : vector<16xi32>, vector<16xi32> -> vector<16xi32>
          %lt3A_1422 = arith.cmpf olt, %gather3A_1418, %masked_sort3A_1407 : vector<16xf32>
          %eq3A_1423 = arith.cmpf oeq, %gather3A_1418, %masked_sort3A_1407 : vector<16xf32>
          %lt3A_1424 = arith.cmpi slt, %gather3A_1421, %masked_sort3A_1408 : vector<16xi32>
          %and3A_1425 = arith.andi %eq3A_1423, %lt3A_1424 : vector<16xi1>
          %or3A_1426 = arith.ori %lt3A_1422, %and3A_1425 : vector<16xi1>
          %convert_element_type3A_1427 = arith.extui %or3A_1426 : vector<16xi1> to vector<16xi32>
          %xor3A_1428 = arith.xori %convert_element_type3A_1427, %and3A_1415 : vector<16xi32>
          %ne3A_1429 = arith.constant 0 : i32
          %ne3A_1430 = vector.broadcast %ne3A_1429 : i32 to vector<16xi32>
          %ne3A_1431 = arith.cmpi ne, %xor3A_1428, %ne3A_1430 : vector<16xi32>
          %select_n3A_1432 = arith.select %ne3A_1431, %gather3A_1418, %masked_sort3A_1407 : vector<16xi1>, vector<16xf32>
          %select_n3A_1433 = arith.select %ne3A_1431, %gather3A_1421, %masked_sort3A_1408 : vector<16xi1>, vector<16xi32>
          %add3A_1434 = arith.constant 1 : i32
          %add3A_1435 = vector.broadcast %add3A_1434 : i32 to vector<16xi32>
          %add3A_1436 = arith.addi %iota3A_1409, %add3A_1435 : vector<16xi32>
          %xor3A_1437 = arith.constant 1 : i32
          %xor3A_1438 = vector.broadcast %xor3A_1437 : i32 to vector<16xi32>
          %xor3A_1439 = arith.xori %add3A_1436, %xor3A_1438 : vector<16xi32>
          %sub3A_1440 = arith.constant 1 : i32
          %sub3A_1441 = vector.broadcast %sub3A_1440 : i32 to vector<16xi32>
          %sub3A_1442 = arith.subi %xor3A_1439, %sub3A_1441 : vector<16xi32>
          %jit3A_1443 = arith.constant 0 : i32
          %jit3A_1444 = arith.constant 15 : i32
          %max3A_1445 = vector.broadcast %jit3A_1443 : i32 to vector<16xi32>
          %max3A_1446 = arith.maxsi %max3A_1445, %sub3A_1442 : vector<16xi32>
          %min3A_1447 = vector.broadcast %jit3A_1444 : i32 to vector<16xi32>
          %min3A_1448 = arith.minsi %min3A_1447, %max3A_1446 : vector<16xi32>
          %and3A_1449 = arith.constant 1 : i32
          %and3A_1450 = vector.broadcast %and3A_1449 : i32 to vector<16xi32>
          %and3A_1451 = arith.andi %iota3A_1409, %and3A_1450 : vector<16xi32>
          %xor3A_1452 = arith.constant 1 : i32
          %xor3A_1453 = vector.broadcast %xor3A_1452 : i32 to vector<16xi32>
          %xor3A_1454 = arith.xori %and3A_1451, %xor3A_1453 : vector<16xi32>
          %broadcast_in_dim3A_1455 = vector.shape_cast %min3A_1448 : vector<16xi32> to vector<16x1xi32>
          %gather3A_1456 = vector.shape_cast %broadcast_in_dim3A_1455 : vector<16x1xi32> to vector<16xi32>
          %gather3A_1457 = tpu.dynamic_gather %select_n3A_1432[%gather3A_1456] in [0] : vector<16xf32>, vector<16xi32> -> vector<16xf32>
          %broadcast_in_dim3A_1458 = vector.shape_cast %min3A_1448 : vector<16xi32> to vector<16x1xi32>
          %gather3A_1459 = vector.shape_cast %broadcast_in_dim3A_1458 : vector<16x1xi32> to vector<16xi32>
          %gather3A_1460 = tpu.dynamic_gather %select_n3A_1433[%gather3A_1459] in [0] : vector<16xi32>, vector<16xi32> -> vector<16xi32>
          %lt3A_1461 = arith.cmpf olt, %gather3A_1457, %select_n3A_1432 : vector<16xf32>
          %eq3A_1462 = arith.cmpf oeq, %gather3A_1457, %select_n3A_1432 : vector<16xf32>
          %lt3A_1463 = arith.cmpi slt, %gather3A_1460, %select_n3A_1433 : vector<16xi32>
          %and3A_1464 = arith.andi %eq3A_1462, %lt3A_1463 : vector<16xi1>
          %or3A_1465 = arith.ori %lt3A_1461, %and3A_1464 : vector<16xi1>
          %convert_element_type3A_1466 = arith.extui %or3A_1465 : vector<16xi1> to vector<16xi32>
          %xor3A_1467 = arith.xori %convert_element_type3A_1466, %xor3A_1454 : vector<16xi32>
          %ne3A_1468 = arith.constant 0 : i32
          %ne3A_1469 = vector.broadcast %ne3A_1468 : i32 to vector<16xi32>
          %ne3A_1470 = arith.cmpi ne, %xor3A_1467, %ne3A_1469 : vector<16xi32>
          %select_n3A_1471 = arith.select %ne3A_1470, %gather3A_1457, %select_n3A_1432 : vector<16xi1>, vector<16xf32>
          %select_n3A_1472 = arith.select %ne3A_1470, %gather3A_1460, %select_n3A_1433 : vector<16xi1>, vector<16xi32>
          %rev3A_1473 = arith.constant 15 : i32
          %rev3A_1474 = vector.broadcast %rev3A_1473 : i32 to vector<16xi32>
          %rev3A_1475 = tpu.iota {dimensions = array<i32: 0>} : vector<16xi32>
          %rev3A_1476 = arith.subi %rev3A_1474, %rev3A_1475 : vector<16xi32>
          %rev3A_1477 = tpu.dynamic_gather %select_n3A_1471[%rev3A_1476] in [0] : vector<16xf32>, vector<16xi32> -> vector<16xf32>
          %rev3A_1478 = arith.constant 15 : i32
          %rev3A_1479 = vector.broadcast %rev3A_1478 : i32 to vector<16xi32>
          %rev3A_1480 = tpu.iota {dimensions = array<i32: 0>} : vector<16xi32>
          %rev3A_1481 = arith.subi %rev3A_1479, %rev3A_1480 : vector<16xi32>
          %rev3A_1482 = tpu.dynamic_gather %select_n3A_1472[%rev3A_1481] in [0] : vector<16xi32>, vector<16xi32> -> vector<16xi32>
          %lt3A_1483 = arith.cmpf olt, %rev3A_1477, %cond3A_1150#2 : vector<16xf32>
          %eq3A_1484 = arith.cmpf oeq, %rev3A_1477, %cond3A_1150#2 : vector<16xf32>
          %lt3A_1485 = arith.cmpi slt, %rev3A_1482, %cond3A_1150#3 : vector<16xi32>
          %and3A_1486 = arith.andi %eq3A_1484, %lt3A_1485 : vector<16xi1>
          %or3A_1487 = arith.ori %lt3A_1483, %and3A_1486 : vector<16xi1>
          %select_n3A_1488 = arith.select %or3A_1487, %rev3A_1477, %cond3A_1150#2 : vector<16xi1>, vector<16xf32>
          %select_n3A_1489 = arith.select %or3A_1487, %rev3A_1482, %cond3A_1150#3 : vector<16xi1>, vector<16xi32>
          %select_n3A_1490 = arith.select %or3A_1487, %cond3A_1150#2, %rev3A_1477 : vector<16xi1>, vector<16xf32>
          %select_n3A_1491 = arith.select %or3A_1487, %cond3A_1150#3, %rev3A_1482 : vector<16xi1>, vector<16xi32>
          %iota3A_1492 = tpu.iota {dimensions = array<i32: 0>} : vector<16xi32>
          %xor3A_1493 = arith.constant 8 : i32
          %xor3A_1494 = vector.broadcast %xor3A_1493 : i32 to vector<16xi32>
          %xor3A_1495 = arith.xori %iota3A_1492, %xor3A_1494 : vector<16xi32>
          %and3A_1496 = arith.constant 32 : i32
          %and3A_1497 = vector.broadcast %and3A_1496 : i32 to vector<16xi32>
          %and3A_1498 = arith.andi %iota3A_1492, %and3A_1497 : vector<16xi32>
          %eq3A_1499 = arith.constant 0 : i32
          %eq3A_1500 = vector.broadcast %eq3A_1499 : i32 to vector<16xi32>
          %eq3A_1501 = arith.cmpi eq, %and3A_1498, %eq3A_1500 : vector<16xi32>
          %and3A_1502 = arith.constant 8 : i32
          %and3A_1503 = vector.broadcast %and3A_1502 : i32 to vector<16xi32>
          %and3A_1504 = arith.andi %iota3A_1492, %and3A_1503 : vector<16xi32>
          %eq3A_1505 = arith.constant 0 : i32
          %eq3A_1506 = vector.broadcast %eq3A_1505 : i32 to vector<16xi32>
          %eq3A_1507 = arith.cmpi eq, %and3A_1504, %eq3A_1506 : vector<16xi32>
          %eq3A_1508 = arith.xori %eq3A_1501, %eq3A_1507 : vector<16xi1>
          %eq3A_1509 = arith.constant dense<true> : vector<16xi1>
          %eq3A_1510 = arith.xori %eq3A_1508, %eq3A_1509 : vector<16xi1>
          %broadcast_in_dim3A_1511 = vector.shape_cast %xor3A_1495 : vector<16xi32> to vector<16x1xi32>
          %gather3A_1512 = vector.shape_cast %broadcast_in_dim3A_1511 : vector<16x1xi32> to vector<16xi32>
          %gather3A_1513 = tpu.dynamic_gather %select_n3A_1488[%gather3A_1512] in [0] : vector<16xf32>, vector<16xi32> -> vector<16xf32>
          %broadcast_in_dim3A_1514 = vector.shape_cast %xor3A_1495 : vector<16xi32> to vector<16x1xi32>
          %gather3A_1515 = vector.shape_cast %broadcast_in_dim3A_1514 : vector<16x1xi32> to vector<16xi32>
          %gather3A_1516 = tpu.dynamic_gather %select_n3A_1489[%gather3A_1515] in [0] : vector<16xi32>, vector<16xi32> -> vector<16xi32>
          %lt3A_1517 = arith.cmpf olt, %gather3A_1513, %select_n3A_1488 : vector<16xf32>
          %eq3A_1518 = arith.cmpf oeq, %gather3A_1513, %select_n3A_1488 : vector<16xf32>
          %lt3A_1519 = arith.cmpi slt, %gather3A_1516, %select_n3A_1489 : vector<16xi32>
          %and3A_1520 = arith.andi %eq3A_1518, %lt3A_1519 : vector<16xi1>
          %or3A_1521 = arith.ori %lt3A_1517, %and3A_1520 : vector<16xi1>
          %not3A_1522 = arith.constant dense<true> : vector<16xi1>
          %not3A_1523 = arith.xori %or3A_1521, %not3A_1522 : vector<16xi1>
          %select_n3A_1524 = arith.select %eq3A_1510, %or3A_1521, %not3A_1523 : vector<16xi1>, vector<16xi1>
          %select_n3A_1525 = arith.select %select_n3A_1524, %gather3A_1513, %select_n3A_1488 : vector<16xi1>, vector<16xf32>
          %select_n3A_1526 = arith.select %select_n3A_1524, %gather3A_1516, %select_n3A_1489 : vector<16xi1>, vector<16xi32>
          %iota3A_1527 = tpu.iota {dimensions = array<i32: 0>} : vector<16xi32>
          %xor3A_1528 = arith.constant 4 : i32
          %xor3A_1529 = vector.broadcast %xor3A_1528 : i32 to vector<16xi32>
          %xor3A_1530 = arith.xori %iota3A_1527, %xor3A_1529 : vector<16xi32>
          %and3A_1531 = arith.constant 32 : i32
          %and3A_1532 = vector.broadcast %and3A_1531 : i32 to vector<16xi32>
          %and3A_1533 = arith.andi %iota3A_1527, %and3A_1532 : vector<16xi32>
          %eq3A_1534 = arith.constant 0 : i32
          %eq3A_1535 = vector.broadcast %eq3A_1534 : i32 to vector<16xi32>
          %eq3A_1536 = arith.cmpi eq, %and3A_1533, %eq3A_1535 : vector<16xi32>
          %and3A_1537 = arith.constant 4 : i32
          %and3A_1538 = vector.broadcast %and3A_1537 : i32 to vector<16xi32>
          %and3A_1539 = arith.andi %iota3A_1527, %and3A_1538 : vector<16xi32>
          %eq3A_1540 = arith.constant 0 : i32
          %eq3A_1541 = vector.broadcast %eq3A_1540 : i32 to vector<16xi32>
          %eq3A_1542 = arith.cmpi eq, %and3A_1539, %eq3A_1541 : vector<16xi32>
          %eq3A_1543 = arith.xori %eq3A_1536, %eq3A_1542 : vector<16xi1>
          %eq3A_1544 = arith.constant dense<true> : vector<16xi1>
          %eq3A_1545 = arith.xori %eq3A_1543, %eq3A_1544 : vector<16xi1>
          %broadcast_in_dim3A_1546 = vector.shape_cast %xor3A_1530 : vector<16xi32> to vector<16x1xi32>
          %gather3A_1547 = vector.shape_cast %broadcast_in_dim3A_1546 : vector<16x1xi32> to vector<16xi32>
          %gather3A_1548 = tpu.dynamic_gather %select_n3A_1525[%gather3A_1547] in [0] : vector<16xf32>, vector<16xi32> -> vector<16xf32>
          %broadcast_in_dim3A_1549 = vector.shape_cast %xor3A_1530 : vector<16xi32> to vector<16x1xi32>
          %gather3A_1550 = vector.shape_cast %broadcast_in_dim3A_1549 : vector<16x1xi32> to vector<16xi32>
          %gather3A_1551 = tpu.dynamic_gather %select_n3A_1526[%gather3A_1550] in [0] : vector<16xi32>, vector<16xi32> -> vector<16xi32>
          %lt3A_1552 = arith.cmpf olt, %gather3A_1548, %select_n3A_1525 : vector<16xf32>
          %eq3A_1553 = arith.cmpf oeq, %gather3A_1548, %select_n3A_1525 : vector<16xf32>
          %lt3A_1554 = arith.cmpi slt, %gather3A_1551, %select_n3A_1526 : vector<16xi32>
          %and3A_1555 = arith.andi %eq3A_1553, %lt3A_1554 : vector<16xi1>
          %or3A_1556 = arith.ori %lt3A_1552, %and3A_1555 : vector<16xi1>
          %not3A_1557 = arith.constant dense<true> : vector<16xi1>
          %not3A_1558 = arith.xori %or3A_1556, %not3A_1557 : vector<16xi1>
          %select_n3A_1559 = arith.select %eq3A_1545, %or3A_1556, %not3A_1558 : vector<16xi1>, vector<16xi1>
          %select_n3A_1560 = arith.select %select_n3A_1559, %gather3A_1548, %select_n3A_1525 : vector<16xi1>, vector<16xf32>
          %select_n3A_1561 = arith.select %select_n3A_1559, %gather3A_1551, %select_n3A_1526 : vector<16xi1>, vector<16xi32>
          %iota3A_1562 = tpu.iota {dimensions = array<i32: 0>} : vector<16xi32>
          %xor3A_1563 = arith.constant 2 : i32
          %xor3A_1564 = vector.broadcast %xor3A_1563 : i32 to vector<16xi32>
          %xor3A_1565 = arith.xori %iota3A_1562, %xor3A_1564 : vector<16xi32>
          %and3A_1566 = arith.constant 32 : i32
          %and3A_1567 = vector.broadcast %and3A_1566 : i32 to vector<16xi32>
          %and3A_1568 = arith.andi %iota3A_1562, %and3A_1567 : vector<16xi32>
          %eq3A_1569 = arith.constant 0 : i32
          %eq3A_1570 = vector.broadcast %eq3A_1569 : i32 to vector<16xi32>
          %eq3A_1571 = arith.cmpi eq, %and3A_1568, %eq3A_1570 : vector<16xi32>
          %and3A_1572 = arith.constant 2 : i32
          %and3A_1573 = vector.broadcast %and3A_1572 : i32 to vector<16xi32>
          %and3A_1574 = arith.andi %iota3A_1562, %and3A_1573 : vector<16xi32>
          %eq3A_1575 = arith.constant 0 : i32
          %eq3A_1576 = vector.broadcast %eq3A_1575 : i32 to vector<16xi32>
          %eq3A_1577 = arith.cmpi eq, %and3A_1574, %eq3A_1576 : vector<16xi32>
          %eq3A_1578 = arith.xori %eq3A_1571, %eq3A_1577 : vector<16xi1>
          %eq3A_1579 = arith.constant dense<true> : vector<16xi1>
          %eq3A_1580 = arith.xori %eq3A_1578, %eq3A_1579 : vector<16xi1>
          %broadcast_in_dim3A_1581 = vector.shape_cast %xor3A_1565 : vector<16xi32> to vector<16x1xi32>
          %gather3A_1582 = vector.shape_cast %broadcast_in_dim3A_1581 : vector<16x1xi32> to vector<16xi32>
          %gather3A_1583 = tpu.dynamic_gather %select_n3A_1560[%gather3A_1582] in [0] : vector<16xf32>, vector<16xi32> -> vector<16xf32>
          %broadcast_in_dim3A_1584 = vector.shape_cast %xor3A_1565 : vector<16xi32> to vector<16x1xi32>
          %gather3A_1585 = vector.shape_cast %broadcast_in_dim3A_1584 : vector<16x1xi32> to vector<16xi32>
          %gather3A_1586 = tpu.dynamic_gather %select_n3A_1561[%gather3A_1585] in [0] : vector<16xi32>, vector<16xi32> -> vector<16xi32>
          %lt3A_1587 = arith.cmpf olt, %gather3A_1583, %select_n3A_1560 : vector<16xf32>
          %eq3A_1588 = arith.cmpf oeq, %gather3A_1583, %select_n3A_1560 : vector<16xf32>
          %lt3A_1589 = arith.cmpi slt, %gather3A_1586, %select_n3A_1561 : vector<16xi32>
          %and3A_1590 = arith.andi %eq3A_1588, %lt3A_1589 : vector<16xi1>
          %or3A_1591 = arith.ori %lt3A_1587, %and3A_1590 : vector<16xi1>
          %not3A_1592 = arith.constant dense<true> : vector<16xi1>
          %not3A_1593 = arith.xori %or3A_1591, %not3A_1592 : vector<16xi1>
          %select_n3A_1594 = arith.select %eq3A_1580, %or3A_1591, %not3A_1593 : vector<16xi1>, vector<16xi1>
          %select_n3A_1595 = arith.select %select_n3A_1594, %gather3A_1583, %select_n3A_1560 : vector<16xi1>, vector<16xf32>
          %select_n3A_1596 = arith.select %select_n3A_1594, %gather3A_1586, %select_n3A_1561 : vector<16xi1>, vector<16xi32>
          %iota3A_1597 = tpu.iota {dimensions = array<i32: 0>} : vector<16xi32>
          %xor3A_1598 = arith.constant 1 : i32
          %xor3A_1599 = vector.broadcast %xor3A_1598 : i32 to vector<16xi32>
          %xor3A_1600 = arith.xori %iota3A_1597, %xor3A_1599 : vector<16xi32>
          %and3A_1601 = arith.constant 32 : i32
          %and3A_1602 = vector.broadcast %and3A_1601 : i32 to vector<16xi32>
          %and3A_1603 = arith.andi %iota3A_1597, %and3A_1602 : vector<16xi32>
          %eq3A_1604 = arith.constant 0 : i32
          %eq3A_1605 = vector.broadcast %eq3A_1604 : i32 to vector<16xi32>
          %eq3A_1606 = arith.cmpi eq, %and3A_1603, %eq3A_1605 : vector<16xi32>
          %and3A_1607 = arith.constant 1 : i32
          %and3A_1608 = vector.broadcast %and3A_1607 : i32 to vector<16xi32>
          %and3A_1609 = arith.andi %iota3A_1597, %and3A_1608 : vector<16xi32>
          %eq3A_1610 = arith.constant 0 : i32
          %eq3A_1611 = vector.broadcast %eq3A_1610 : i32 to vector<16xi32>
          %eq3A_1612 = arith.cmpi eq, %and3A_1609, %eq3A_1611 : vector<16xi32>
          %eq3A_1613 = arith.xori %eq3A_1606, %eq3A_1612 : vector<16xi1>
          %eq3A_1614 = arith.constant dense<true> : vector<16xi1>
          %eq3A_1615 = arith.xori %eq3A_1613, %eq3A_1614 : vector<16xi1>
          %broadcast_in_dim3A_1616 = vector.shape_cast %xor3A_1600 : vector<16xi32> to vector<16x1xi32>
          %gather3A_1617 = vector.shape_cast %broadcast_in_dim3A_1616 : vector<16x1xi32> to vector<16xi32>
          %gather3A_1618 = tpu.dynamic_gather %select_n3A_1595[%gather3A_1617] in [0] : vector<16xf32>, vector<16xi32> -> vector<16xf32>
          %broadcast_in_dim3A_1619 = vector.shape_cast %xor3A_1600 : vector<16xi32> to vector<16x1xi32>
          %gather3A_1620 = vector.shape_cast %broadcast_in_dim3A_1619 : vector<16x1xi32> to vector<16xi32>
          %gather3A_1621 = tpu.dynamic_gather %select_n3A_1596[%gather3A_1620] in [0] : vector<16xi32>, vector<16xi32> -> vector<16xi32>
          %lt3A_1622 = arith.cmpf olt, %gather3A_1618, %select_n3A_1595 : vector<16xf32>
          %eq3A_1623 = arith.cmpf oeq, %gather3A_1618, %select_n3A_1595 : vector<16xf32>
          %lt3A_1624 = arith.cmpi slt, %gather3A_1621, %select_n3A_1596 : vector<16xi32>
          %and3A_1625 = arith.andi %eq3A_1623, %lt3A_1624 : vector<16xi1>
          %or3A_1626 = arith.ori %lt3A_1622, %and3A_1625 : vector<16xi1>
          %not3A_1627 = arith.constant dense<true> : vector<16xi1>
          %not3A_1628 = arith.xori %or3A_1626, %not3A_1627 : vector<16xi1>
          %select_n3A_1629 = arith.select %eq3A_1615, %or3A_1626, %not3A_1628 : vector<16xi1>, vector<16xi1>
          %select_n3A_1630 = arith.select %select_n3A_1629, %gather3A_1618, %select_n3A_1595 : vector<16xi1>, vector<16xf32>
          %select_n3A_1631 = arith.select %select_n3A_1629, %gather3A_1621, %select_n3A_1596 : vector<16xi1>, vector<16xi32>
          %rev3A_1632 = arith.constant 15 : i32
          %rev3A_1633 = vector.broadcast %rev3A_1632 : i32 to vector<16xi32>
          %rev3A_1634 = tpu.iota {dimensions = array<i32: 0>} : vector<16xi32>
          %rev3A_1635 = arith.subi %rev3A_1633, %rev3A_1634 : vector<16xi32>
          %rev3A_1636 = tpu.dynamic_gather %select_n3A_1630[%rev3A_1635] in [0] : vector<16xf32>, vector<16xi32> -> vector<16xf32>
          %rev3A_1637 = arith.constant 15 : i32
          %rev3A_1638 = vector.broadcast %rev3A_1637 : i32 to vector<16xi32>
          %rev3A_1639 = tpu.iota {dimensions = array<i32: 0>} : vector<16xi32>
          %rev3A_1640 = arith.subi %rev3A_1638, %rev3A_1639 : vector<16xi32>
          %rev3A_1641 = tpu.dynamic_gather %select_n3A_1631[%rev3A_1640] in [0] : vector<16xi32>, vector<16xi32> -> vector<16xi32>
          %lt3A_1642 = arith.cmpf olt, %rev3A_1636, %cond3A_1150#0 : vector<16xf32>
          %eq3A_1643 = arith.cmpf oeq, %rev3A_1636, %cond3A_1150#0 : vector<16xf32>
          %lt3A_1644 = arith.cmpi slt, %rev3A_1641, %cond3A_1150#1 : vector<16xi32>
          %and3A_1645 = arith.andi %eq3A_1643, %lt3A_1644 : vector<16xi1>
          %or3A_1646 = arith.ori %lt3A_1642, %and3A_1645 : vector<16xi1>
          %select_n3A_1647 = arith.select %or3A_1646, %rev3A_1636, %cond3A_1150#0 : vector<16xi1>, vector<16xf32>
          %select_n3A_1648 = arith.select %or3A_1646, %rev3A_1641, %cond3A_1150#1 : vector<16xi1>, vector<16xi32>
          %select_n3A_1649 = arith.select %or3A_1646, %cond3A_1150#0, %rev3A_1636 : vector<16xi1>, vector<16xf32>
          %select_n3A_1650 = arith.select %or3A_1646, %cond3A_1150#1, %rev3A_1641 : vector<16xi1>, vector<16xi32>
          %iota3A_1651 = tpu.iota {dimensions = array<i32: 0>} : vector<16xi32>
          %xor3A_1652 = arith.constant 8 : i32
          %xor3A_1653 = vector.broadcast %xor3A_1652 : i32 to vector<16xi32>
          %xor3A_1654 = arith.xori %iota3A_1651, %xor3A_1653 : vector<16xi32>
          %and3A_1655 = arith.constant 32 : i32
          %and3A_1656 = vector.broadcast %and3A_1655 : i32 to vector<16xi32>
          %and3A_1657 = arith.andi %iota3A_1651, %and3A_1656 : vector<16xi32>
          %eq3A_1658 = arith.constant 0 : i32
          %eq3A_1659 = vector.broadcast %eq3A_1658 : i32 to vector<16xi32>
          %eq3A_1660 = arith.cmpi eq, %and3A_1657, %eq3A_1659 : vector<16xi32>
          %and3A_1661 = arith.constant 8 : i32
          %and3A_1662 = vector.broadcast %and3A_1661 : i32 to vector<16xi32>
          %and3A_1663 = arith.andi %iota3A_1651, %and3A_1662 : vector<16xi32>
          %eq3A_1664 = arith.constant 0 : i32
          %eq3A_1665 = vector.broadcast %eq3A_1664 : i32 to vector<16xi32>
          %eq3A_1666 = arith.cmpi eq, %and3A_1663, %eq3A_1665 : vector<16xi32>
          %eq3A_1667 = arith.xori %eq3A_1660, %eq3A_1666 : vector<16xi1>
          %eq3A_1668 = arith.constant dense<true> : vector<16xi1>
          %eq3A_1669 = arith.xori %eq3A_1667, %eq3A_1668 : vector<16xi1>
          %broadcast_in_dim3A_1670 = vector.shape_cast %xor3A_1654 : vector<16xi32> to vector<16x1xi32>
          %gather3A_1671 = vector.shape_cast %broadcast_in_dim3A_1670 : vector<16x1xi32> to vector<16xi32>
          %gather3A_1672 = tpu.dynamic_gather %select_n3A_1647[%gather3A_1671] in [0] : vector<16xf32>, vector<16xi32> -> vector<16xf32>
          %broadcast_in_dim3A_1673 = vector.shape_cast %xor3A_1654 : vector<16xi32> to vector<16x1xi32>
          %gather3A_1674 = vector.shape_cast %broadcast_in_dim3A_1673 : vector<16x1xi32> to vector<16xi32>
          %gather3A_1675 = tpu.dynamic_gather %select_n3A_1648[%gather3A_1674] in [0] : vector<16xi32>, vector<16xi32> -> vector<16xi32>
          %lt3A_1676 = arith.cmpf olt, %gather3A_1672, %select_n3A_1647 : vector<16xf32>
          %eq3A_1677 = arith.cmpf oeq, %gather3A_1672, %select_n3A_1647 : vector<16xf32>
          %lt3A_1678 = arith.cmpi slt, %gather3A_1675, %select_n3A_1648 : vector<16xi32>
          %and3A_1679 = arith.andi %eq3A_1677, %lt3A_1678 : vector<16xi1>
          %or3A_1680 = arith.ori %lt3A_1676, %and3A_1679 : vector<16xi1>
          %not3A_1681 = arith.constant dense<true> : vector<16xi1>
          %not3A_1682 = arith.xori %or3A_1680, %not3A_1681 : vector<16xi1>
          %select_n3A_1683 = arith.select %eq3A_1669, %or3A_1680, %not3A_1682 : vector<16xi1>, vector<16xi1>
          %select_n3A_1684 = arith.select %select_n3A_1683, %gather3A_1672, %select_n3A_1647 : vector<16xi1>, vector<16xf32>
          %select_n3A_1685 = arith.select %select_n3A_1683, %gather3A_1675, %select_n3A_1648 : vector<16xi1>, vector<16xi32>
          %iota3A_1686 = tpu.iota {dimensions = array<i32: 0>} : vector<16xi32>
          %xor3A_1687 = arith.constant 4 : i32
          %xor3A_1688 = vector.broadcast %xor3A_1687 : i32 to vector<16xi32>
          %xor3A_1689 = arith.xori %iota3A_1686, %xor3A_1688 : vector<16xi32>
          %and3A_1690 = arith.constant 32 : i32
          %and3A_1691 = vector.broadcast %and3A_1690 : i32 to vector<16xi32>
          %and3A_1692 = arith.andi %iota3A_1686, %and3A_1691 : vector<16xi32>
          %eq3A_1693 = arith.constant 0 : i32
          %eq3A_1694 = vector.broadcast %eq3A_1693 : i32 to vector<16xi32>
          %eq3A_1695 = arith.cmpi eq, %and3A_1692, %eq3A_1694 : vector<16xi32>
          %and3A_1696 = arith.constant 4 : i32
          %and3A_1697 = vector.broadcast %and3A_1696 : i32 to vector<16xi32>
          %and3A_1698 = arith.andi %iota3A_1686, %and3A_1697 : vector<16xi32>
          %eq3A_1699 = arith.constant 0 : i32
          %eq3A_1700 = vector.broadcast %eq3A_1699 : i32 to vector<16xi32>
          %eq3A_1701 = arith.cmpi eq, %and3A_1698, %eq3A_1700 : vector<16xi32>
          %eq3A_1702 = arith.xori %eq3A_1695, %eq3A_1701 : vector<16xi1>
          %eq3A_1703 = arith.constant dense<true> : vector<16xi1>
          %eq3A_1704 = arith.xori %eq3A_1702, %eq3A_1703 : vector<16xi1>
          %broadcast_in_dim3A_1705 = vector.shape_cast %xor3A_1689 : vector<16xi32> to vector<16x1xi32>
          %gather3A_1706 = vector.shape_cast %broadcast_in_dim3A_1705 : vector<16x1xi32> to vector<16xi32>
          %gather3A_1707 = tpu.dynamic_gather %select_n3A_1684[%gather3A_1706] in [0] : vector<16xf32>, vector<16xi32> -> vector<16xf32>
          %broadcast_in_dim3A_1708 = vector.shape_cast %xor3A_1689 : vector<16xi32> to vector<16x1xi32>
          %gather3A_1709 = vector.shape_cast %broadcast_in_dim3A_1708 : vector<16x1xi32> to vector<16xi32>
          %gather3A_1710 = tpu.dynamic_gather %select_n3A_1685[%gather3A_1709] in [0] : vector<16xi32>, vector<16xi32> -> vector<16xi32>
          %lt3A_1711 = arith.cmpf olt, %gather3A_1707, %select_n3A_1684 : vector<16xf32>
          %eq3A_1712 = arith.cmpf oeq, %gather3A_1707, %select_n3A_1684 : vector<16xf32>
          %lt3A_1713 = arith.cmpi slt, %gather3A_1710, %select_n3A_1685 : vector<16xi32>
          %and3A_1714 = arith.andi %eq3A_1712, %lt3A_1713 : vector<16xi1>
          %or3A_1715 = arith.ori %lt3A_1711, %and3A_1714 : vector<16xi1>
          %not3A_1716 = arith.constant dense<true> : vector<16xi1>
          %not3A_1717 = arith.xori %or3A_1715, %not3A_1716 : vector<16xi1>
          %select_n3A_1718 = arith.select %eq3A_1704, %or3A_1715, %not3A_1717 : vector<16xi1>, vector<16xi1>
          %select_n3A_1719 = arith.select %select_n3A_1718, %gather3A_1707, %select_n3A_1684 : vector<16xi1>, vector<16xf32>
          %select_n3A_1720 = arith.select %select_n3A_1718, %gather3A_1710, %select_n3A_1685 : vector<16xi1>, vector<16xi32>
          %iota3A_1721 = tpu.iota {dimensions = array<i32: 0>} : vector<16xi32>
          %xor3A_1722 = arith.constant 2 : i32
          %xor3A_1723 = vector.broadcast %xor3A_1722 : i32 to vector<16xi32>
          %xor3A_1724 = arith.xori %iota3A_1721, %xor3A_1723 : vector<16xi32>
          %and3A_1725 = arith.constant 32 : i32
          %and3A_1726 = vector.broadcast %and3A_1725 : i32 to vector<16xi32>
          %and3A_1727 = arith.andi %iota3A_1721, %and3A_1726 : vector<16xi32>
          %eq3A_1728 = arith.constant 0 : i32
          %eq3A_1729 = vector.broadcast %eq3A_1728 : i32 to vector<16xi32>
          %eq3A_1730 = arith.cmpi eq, %and3A_1727, %eq3A_1729 : vector<16xi32>
          %and3A_1731 = arith.constant 2 : i32
          %and3A_1732 = vector.broadcast %and3A_1731 : i32 to vector<16xi32>
          %and3A_1733 = arith.andi %iota3A_1721, %and3A_1732 : vector<16xi32>
          %eq3A_1734 = arith.constant 0 : i32
          %eq3A_1735 = vector.broadcast %eq3A_1734 : i32 to vector<16xi32>
          %eq3A_1736 = arith.cmpi eq, %and3A_1733, %eq3A_1735 : vector<16xi32>
          %eq3A_1737 = arith.xori %eq3A_1730, %eq3A_1736 : vector<16xi1>
          %eq3A_1738 = arith.constant dense<true> : vector<16xi1>
          %eq3A_1739 = arith.xori %eq3A_1737, %eq3A_1738 : vector<16xi1>
          %broadcast_in_dim3A_1740 = vector.shape_cast %xor3A_1724 : vector<16xi32> to vector<16x1xi32>
          %gather3A_1741 = vector.shape_cast %broadcast_in_dim3A_1740 : vector<16x1xi32> to vector<16xi32>
          %gather3A_1742 = tpu.dynamic_gather %select_n3A_1719[%gather3A_1741] in [0] : vector<16xf32>, vector<16xi32> -> vector<16xf32>
          %broadcast_in_dim3A_1743 = vector.shape_cast %xor3A_1724 : vector<16xi32> to vector<16x1xi32>
          %gather3A_1744 = vector.shape_cast %broadcast_in_dim3A_1743 : vector<16x1xi32> to vector<16xi32>
          %gather3A_1745 = tpu.dynamic_gather %select_n3A_1720[%gather3A_1744] in [0] : vector<16xi32>, vector<16xi32> -> vector<16xi32>
          %lt3A_1746 = arith.cmpf olt, %gather3A_1742, %select_n3A_1719 : vector<16xf32>
          %eq3A_1747 = arith.cmpf oeq, %gather3A_1742, %select_n3A_1719 : vector<16xf32>
          %lt3A_1748 = arith.cmpi slt, %gather3A_1745, %select_n3A_1720 : vector<16xi32>
          %and3A_1749 = arith.andi %eq3A_1747, %lt3A_1748 : vector<16xi1>
          %or3A_1750 = arith.ori %lt3A_1746, %and3A_1749 : vector<16xi1>
          %not3A_1751 = arith.constant dense<true> : vector<16xi1>
          %not3A_1752 = arith.xori %or3A_1750, %not3A_1751 : vector<16xi1>
          %select_n3A_1753 = arith.select %eq3A_1739, %or3A_1750, %not3A_1752 : vector<16xi1>, vector<16xi1>
          %select_n3A_1754 = arith.select %select_n3A_1753, %gather3A_1742, %select_n3A_1719 : vector<16xi1>, vector<16xf32>
          %select_n3A_1755 = arith.select %select_n3A_1753, %gather3A_1745, %select_n3A_1720 : vector<16xi1>, vector<16xi32>
          %iota3A_1756 = tpu.iota {dimensions = array<i32: 0>} : vector<16xi32>
          %xor3A_1757 = arith.constant 1 : i32
          %xor3A_1758 = vector.broadcast %xor3A_1757 : i32 to vector<16xi32>
          %xor3A_1759 = arith.xori %iota3A_1756, %xor3A_1758 : vector<16xi32>
          %and3A_1760 = arith.constant 32 : i32
          %and3A_1761 = vector.broadcast %and3A_1760 : i32 to vector<16xi32>
          %and3A_1762 = arith.andi %iota3A_1756, %and3A_1761 : vector<16xi32>
          %eq3A_1763 = arith.constant 0 : i32
          %eq3A_1764 = vector.broadcast %eq3A_1763 : i32 to vector<16xi32>
          %eq3A_1765 = arith.cmpi eq, %and3A_1762, %eq3A_1764 : vector<16xi32>
          %and3A_1766 = arith.constant 1 : i32
          %and3A_1767 = vector.broadcast %and3A_1766 : i32 to vector<16xi32>
          %and3A_1768 = arith.andi %iota3A_1756, %and3A_1767 : vector<16xi32>
          %eq3A_1769 = arith.constant 0 : i32
          %eq3A_1770 = vector.broadcast %eq3A_1769 : i32 to vector<16xi32>
          %eq3A_1771 = arith.cmpi eq, %and3A_1768, %eq3A_1770 : vector<16xi32>
          %eq3A_1772 = arith.xori %eq3A_1765, %eq3A_1771 : vector<16xi1>
          %eq3A_1773 = arith.constant dense<true> : vector<16xi1>
          %eq3A_1774 = arith.xori %eq3A_1772, %eq3A_1773 : vector<16xi1>
          %broadcast_in_dim3A_1775 = vector.shape_cast %xor3A_1759 : vector<16xi32> to vector<16x1xi32>
          %gather3A_1776 = vector.shape_cast %broadcast_in_dim3A_1775 : vector<16x1xi32> to vector<16xi32>
          %gather3A_1777 = tpu.dynamic_gather %select_n3A_1754[%gather3A_1776] in [0] : vector<16xf32>, vector<16xi32> -> vector<16xf32>
          %broadcast_in_dim3A_1778 = vector.shape_cast %xor3A_1759 : vector<16xi32> to vector<16x1xi32>
          %gather3A_1779 = vector.shape_cast %broadcast_in_dim3A_1778 : vector<16x1xi32> to vector<16xi32>
          %gather3A_1780 = tpu.dynamic_gather %select_n3A_1755[%gather3A_1779] in [0] : vector<16xi32>, vector<16xi32> -> vector<16xi32>
          %lt3A_1781 = arith.cmpf olt, %gather3A_1777, %select_n3A_1754 : vector<16xf32>
          %eq3A_1782 = arith.cmpf oeq, %gather3A_1777, %select_n3A_1754 : vector<16xf32>
          %lt3A_1783 = arith.cmpi slt, %gather3A_1780, %select_n3A_1755 : vector<16xi32>
          %and3A_1784 = arith.andi %eq3A_1782, %lt3A_1783 : vector<16xi1>
          %or3A_1785 = arith.ori %lt3A_1781, %and3A_1784 : vector<16xi1>
          %not3A_1786 = arith.constant dense<true> : vector<16xi1>
          %not3A_1787 = arith.xori %or3A_1785, %not3A_1786 : vector<16xi1>
          %select_n3A_1788 = arith.select %eq3A_1774, %or3A_1785, %not3A_1787 : vector<16xi1>, vector<16xi1>
          %select_n3A_1789 = arith.select %select_n3A_1788, %gather3A_1777, %select_n3A_1754 : vector<16xi1>, vector<16xf32>
          %select_n3A_1790 = arith.select %select_n3A_1788, %gather3A_1780, %select_n3A_1755 : vector<16xi1>, vector<16xi32>
          %iota3A_1791 = tpu.iota {dimensions = array<i32: 0>} : vector<16xi32>
          %xor3A_1792 = arith.constant 8 : i32
          %xor3A_1793 = vector.broadcast %xor3A_1792 : i32 to vector<16xi32>
          %xor3A_1794 = arith.xori %iota3A_1791, %xor3A_1793 : vector<16xi32>
          %and3A_1795 = arith.constant 32 : i32
          %and3A_1796 = vector.broadcast %and3A_1795 : i32 to vector<16xi32>
          %and3A_1797 = arith.andi %iota3A_1791, %and3A_1796 : vector<16xi32>
          %eq3A_1798 = arith.constant 0 : i32
          %eq3A_1799 = vector.broadcast %eq3A_1798 : i32 to vector<16xi32>
          %eq3A_1800 = arith.cmpi eq, %and3A_1797, %eq3A_1799 : vector<16xi32>
          %and3A_1801 = arith.constant 8 : i32
          %and3A_1802 = vector.broadcast %and3A_1801 : i32 to vector<16xi32>
          %and3A_1803 = arith.andi %iota3A_1791, %and3A_1802 : vector<16xi32>
          %eq3A_1804 = arith.constant 0 : i32
          %eq3A_1805 = vector.broadcast %eq3A_1804 : i32 to vector<16xi32>
          %eq3A_1806 = arith.cmpi eq, %and3A_1803, %eq3A_1805 : vector<16xi32>
          %eq3A_1807 = arith.xori %eq3A_1800, %eq3A_1806 : vector<16xi1>
          %eq3A_1808 = arith.constant dense<true> : vector<16xi1>
          %eq3A_1809 = arith.xori %eq3A_1807, %eq3A_1808 : vector<16xi1>
          %broadcast_in_dim3A_1810 = vector.shape_cast %xor3A_1794 : vector<16xi32> to vector<16x1xi32>
          %gather3A_1811 = vector.shape_cast %broadcast_in_dim3A_1810 : vector<16x1xi32> to vector<16xi32>
          %gather3A_1812 = tpu.dynamic_gather %select_n3A_1649[%gather3A_1811] in [0] : vector<16xf32>, vector<16xi32> -> vector<16xf32>
          %broadcast_in_dim3A_1813 = vector.shape_cast %xor3A_1794 : vector<16xi32> to vector<16x1xi32>
          %gather3A_1814 = vector.shape_cast %broadcast_in_dim3A_1813 : vector<16x1xi32> to vector<16xi32>
          %gather3A_1815 = tpu.dynamic_gather %select_n3A_1650[%gather3A_1814] in [0] : vector<16xi32>, vector<16xi32> -> vector<16xi32>
          %lt3A_1816 = arith.cmpf olt, %gather3A_1812, %select_n3A_1649 : vector<16xf32>
          %eq3A_1817 = arith.cmpf oeq, %gather3A_1812, %select_n3A_1649 : vector<16xf32>
          %lt3A_1818 = arith.cmpi slt, %gather3A_1815, %select_n3A_1650 : vector<16xi32>
          %and3A_1819 = arith.andi %eq3A_1817, %lt3A_1818 : vector<16xi1>
          %or3A_1820 = arith.ori %lt3A_1816, %and3A_1819 : vector<16xi1>
          %not3A_1821 = arith.constant dense<true> : vector<16xi1>
          %not3A_1822 = arith.xori %or3A_1820, %not3A_1821 : vector<16xi1>
          %select_n3A_1823 = arith.select %eq3A_1809, %or3A_1820, %not3A_1822 : vector<16xi1>, vector<16xi1>
          %select_n3A_1824 = arith.select %select_n3A_1823, %gather3A_1812, %select_n3A_1649 : vector<16xi1>, vector<16xf32>
          %select_n3A_1825 = arith.select %select_n3A_1823, %gather3A_1815, %select_n3A_1650 : vector<16xi1>, vector<16xi32>
          %iota3A_1826 = tpu.iota {dimensions = array<i32: 0>} : vector<16xi32>
          %xor3A_1827 = arith.constant 4 : i32
          %xor3A_1828 = vector.broadcast %xor3A_1827 : i32 to vector<16xi32>
          %xor3A_1829 = arith.xori %iota3A_1826, %xor3A_1828 : vector<16xi32>
          %and3A_1830 = arith.constant 32 : i32
          %and3A_1831 = vector.broadcast %and3A_1830 : i32 to vector<16xi32>
          %and3A_1832 = arith.andi %iota3A_1826, %and3A_1831 : vector<16xi32>
          %eq3A_1833 = arith.constant 0 : i32
          %eq3A_1834 = vector.broadcast %eq3A_1833 : i32 to vector<16xi32>
          %eq3A_1835 = arith.cmpi eq, %and3A_1832, %eq3A_1834 : vector<16xi32>
          %and3A_1836 = arith.constant 4 : i32
          %and3A_1837 = vector.broadcast %and3A_1836 : i32 to vector<16xi32>
          %and3A_1838 = arith.andi %iota3A_1826, %and3A_1837 : vector<16xi32>
          %eq3A_1839 = arith.constant 0 : i32
          %eq3A_1840 = vector.broadcast %eq3A_1839 : i32 to vector<16xi32>
          %eq3A_1841 = arith.cmpi eq, %and3A_1838, %eq3A_1840 : vector<16xi32>
          %eq3A_1842 = arith.xori %eq3A_1835, %eq3A_1841 : vector<16xi1>
          %eq3A_1843 = arith.constant dense<true> : vector<16xi1>
          %eq3A_1844 = arith.xori %eq3A_1842, %eq3A_1843 : vector<16xi1>
          %broadcast_in_dim3A_1845 = vector.shape_cast %xor3A_1829 : vector<16xi32> to vector<16x1xi32>
          %gather3A_1846 = vector.shape_cast %broadcast_in_dim3A_1845 : vector<16x1xi32> to vector<16xi32>
          %gather3A_1847 = tpu.dynamic_gather %select_n3A_1824[%gather3A_1846] in [0] : vector<16xf32>, vector<16xi32> -> vector<16xf32>
          %broadcast_in_dim3A_1848 = vector.shape_cast %xor3A_1829 : vector<16xi32> to vector<16x1xi32>
          %gather3A_1849 = vector.shape_cast %broadcast_in_dim3A_1848 : vector<16x1xi32> to vector<16xi32>
          %gather3A_1850 = tpu.dynamic_gather %select_n3A_1825[%gather3A_1849] in [0] : vector<16xi32>, vector<16xi32> -> vector<16xi32>
          %lt3A_1851 = arith.cmpf olt, %gather3A_1847, %select_n3A_1824 : vector<16xf32>
          %eq3A_1852 = arith.cmpf oeq, %gather3A_1847, %select_n3A_1824 : vector<16xf32>
          %lt3A_1853 = arith.cmpi slt, %gather3A_1850, %select_n3A_1825 : vector<16xi32>
          %and3A_1854 = arith.andi %eq3A_1852, %lt3A_1853 : vector<16xi1>
          %or3A_1855 = arith.ori %lt3A_1851, %and3A_1854 : vector<16xi1>
          %not3A_1856 = arith.constant dense<true> : vector<16xi1>
          %not3A_1857 = arith.xori %or3A_1855, %not3A_1856 : vector<16xi1>
          %select_n3A_1858 = arith.select %eq3A_1844, %or3A_1855, %not3A_1857 : vector<16xi1>, vector<16xi1>
          %select_n3A_1859 = arith.select %select_n3A_1858, %gather3A_1847, %select_n3A_1824 : vector<16xi1>, vector<16xf32>
          %select_n3A_1860 = arith.select %select_n3A_1858, %gather3A_1850, %select_n3A_1825 : vector<16xi1>, vector<16xi32>
          %iota3A_1861 = tpu.iota {dimensions = array<i32: 0>} : vector<16xi32>
          %xor3A_1862 = arith.constant 2 : i32
          %xor3A_1863 = vector.broadcast %xor3A_1862 : i32 to vector<16xi32>
          %xor3A_1864 = arith.xori %iota3A_1861, %xor3A_1863 : vector<16xi32>
          %and3A_1865 = arith.constant 32 : i32
          %and3A_1866 = vector.broadcast %and3A_1865 : i32 to vector<16xi32>
          %and3A_1867 = arith.andi %iota3A_1861, %and3A_1866 : vector<16xi32>
          %eq3A_1868 = arith.constant 0 : i32
          %eq3A_1869 = vector.broadcast %eq3A_1868 : i32 to vector<16xi32>
          %eq3A_1870 = arith.cmpi eq, %and3A_1867, %eq3A_1869 : vector<16xi32>
          %and3A_1871 = arith.constant 2 : i32
          %and3A_1872 = vector.broadcast %and3A_1871 : i32 to vector<16xi32>
          %and3A_1873 = arith.andi %iota3A_1861, %and3A_1872 : vector<16xi32>
          %eq3A_1874 = arith.constant 0 : i32
          %eq3A_1875 = vector.broadcast %eq3A_1874 : i32 to vector<16xi32>
          %eq3A_1876 = arith.cmpi eq, %and3A_1873, %eq3A_1875 : vector<16xi32>
          %eq3A_1877 = arith.xori %eq3A_1870, %eq3A_1876 : vector<16xi1>
          %eq3A_1878 = arith.constant dense<true> : vector<16xi1>
          %eq3A_1879 = arith.xori %eq3A_1877, %eq3A_1878 : vector<16xi1>
          %broadcast_in_dim3A_1880 = vector.shape_cast %xor3A_1864 : vector<16xi32> to vector<16x1xi32>
          %gather3A_1881 = vector.shape_cast %broadcast_in_dim3A_1880 : vector<16x1xi32> to vector<16xi32>
          %gather3A_1882 = tpu.dynamic_gather %select_n3A_1859[%gather3A_1881] in [0] : vector<16xf32>, vector<16xi32> -> vector<16xf32>
          %broadcast_in_dim3A_1883 = vector.shape_cast %xor3A_1864 : vector<16xi32> to vector<16x1xi32>
          %gather3A_1884 = vector.shape_cast %broadcast_in_dim3A_1883 : vector<16x1xi32> to vector<16xi32>
          %gather3A_1885 = tpu.dynamic_gather %select_n3A_1860[%gather3A_1884] in [0] : vector<16xi32>, vector<16xi32> -> vector<16xi32>
          %lt3A_1886 = arith.cmpf olt, %gather3A_1882, %select_n3A_1859 : vector<16xf32>
          %eq3A_1887 = arith.cmpf oeq, %gather3A_1882, %select_n3A_1859 : vector<16xf32>
          %lt3A_1888 = arith.cmpi slt, %gather3A_1885, %select_n3A_1860 : vector<16xi32>
          %and3A_1889 = arith.andi %eq3A_1887, %lt3A_1888 : vector<16xi1>
          %or3A_1890 = arith.ori %lt3A_1886, %and3A_1889 : vector<16xi1>
          %not3A_1891 = arith.constant dense<true> : vector<16xi1>
          %not3A_1892 = arith.xori %or3A_1890, %not3A_1891 : vector<16xi1>
          %select_n3A_1893 = arith.select %eq3A_1879, %or3A_1890, %not3A_1892 : vector<16xi1>, vector<16xi1>
          %select_n3A_1894 = arith.select %select_n3A_1893, %gather3A_1882, %select_n3A_1859 : vector<16xi1>, vector<16xf32>
          %select_n3A_1895 = arith.select %select_n3A_1893, %gather3A_1885, %select_n3A_1860 : vector<16xi1>, vector<16xi32>
          %iota3A_1896 = tpu.iota {dimensions = array<i32: 0>} : vector<16xi32>
          %xor3A_1897 = arith.constant 1 : i32
          %xor3A_1898 = vector.broadcast %xor3A_1897 : i32 to vector<16xi32>
          %xor3A_1899 = arith.xori %iota3A_1896, %xor3A_1898 : vector<16xi32>
          %and3A_1900 = arith.constant 32 : i32
          %and3A_1901 = vector.broadcast %and3A_1900 : i32 to vector<16xi32>
          %and3A_1902 = arith.andi %iota3A_1896, %and3A_1901 : vector<16xi32>
          %eq3A_1903 = arith.constant 0 : i32
          %eq3A_1904 = vector.broadcast %eq3A_1903 : i32 to vector<16xi32>
          %eq3A_1905 = arith.cmpi eq, %and3A_1902, %eq3A_1904 : vector<16xi32>
          %and3A_1906 = arith.constant 1 : i32
          %and3A_1907 = vector.broadcast %and3A_1906 : i32 to vector<16xi32>
          %and3A_1908 = arith.andi %iota3A_1896, %and3A_1907 : vector<16xi32>
          %eq3A_1909 = arith.constant 0 : i32
          %eq3A_1910 = vector.broadcast %eq3A_1909 : i32 to vector<16xi32>
          %eq3A_1911 = arith.cmpi eq, %and3A_1908, %eq3A_1910 : vector<16xi32>
          %eq3A_1912 = arith.xori %eq3A_1905, %eq3A_1911 : vector<16xi1>
          %eq3A_1913 = arith.constant dense<true> : vector<16xi1>
          %eq3A_1914 = arith.xori %eq3A_1912, %eq3A_1913 : vector<16xi1>
          %broadcast_in_dim3A_1915 = vector.shape_cast %xor3A_1899 : vector<16xi32> to vector<16x1xi32>
          %gather3A_1916 = vector.shape_cast %broadcast_in_dim3A_1915 : vector<16x1xi32> to vector<16xi32>
          %gather3A_1917 = tpu.dynamic_gather %select_n3A_1894[%gather3A_1916] in [0] : vector<16xf32>, vector<16xi32> -> vector<16xf32>
          %broadcast_in_dim3A_1918 = vector.shape_cast %xor3A_1899 : vector<16xi32> to vector<16x1xi32>
          %gather3A_1919 = vector.shape_cast %broadcast_in_dim3A_1918 : vector<16x1xi32> to vector<16xi32>
          %gather3A_1920 = tpu.dynamic_gather %select_n3A_1895[%gather3A_1919] in [0] : vector<16xi32>, vector<16xi32> -> vector<16xi32>
          %lt3A_1921 = arith.cmpf olt, %gather3A_1917, %select_n3A_1894 : vector<16xf32>
          %eq3A_1922 = arith.cmpf oeq, %gather3A_1917, %select_n3A_1894 : vector<16xf32>
          %lt3A_1923 = arith.cmpi slt, %gather3A_1920, %select_n3A_1895 : vector<16xi32>
          %and3A_1924 = arith.andi %eq3A_1922, %lt3A_1923 : vector<16xi1>
          %or3A_1925 = arith.ori %lt3A_1921, %and3A_1924 : vector<16xi1>
          %not3A_1926 = arith.constant dense<true> : vector<16xi1>
          %not3A_1927 = arith.xori %or3A_1925, %not3A_1926 : vector<16xi1>
          %select_n3A_1928 = arith.select %eq3A_1914, %or3A_1925, %not3A_1927 : vector<16xi1>, vector<16xi1>
          %select_n3A_1929 = arith.select %select_n3A_1928, %gather3A_1917, %select_n3A_1894 : vector<16xi1>, vector<16xf32>
          %select_n3A_1930 = arith.select %select_n3A_1928, %gather3A_1920, %select_n3A_1895 : vector<16xi1>, vector<16xi32>
          %get3A_1931 = arith.constant 16 : index
          %get3A_1932 = tpu.vector_load %arg11[%get3A_1931] {strides = array<i32>} : memref<48xf32, #tpu.memory_space<vmem>>, vector<16xf32>,
          %swap3A_1933 = arith.constant 0 : index
          %swap3A_1934 = tpu.vector_load %arg11[%swap3A_1933] {strides = array<i32>} : memref<48xf32, #tpu.memory_space<vmem>>, vector<16xf32>,
          tpu.vector_store %arg11[%swap3A_1933], %get3A_1932 {strides = array<i32>} : memref<48xf32, #tpu.memory_space<vmem>>, vector<16xf32>,
          %get3A_1935 = arith.constant 16 : index
          %get3A_1936 = tpu.vector_load %arg12[%get3A_1935] {strides = array<i32>} : memref<48xi32, #tpu.memory_space<vmem>>, vector<16xi32>,
          %swap3A_1937 = arith.constant 0 : index
          %swap3A_1938 = tpu.vector_load %arg12[%swap3A_1937] {strides = array<i32>} : memref<48xi32, #tpu.memory_space<vmem>>, vector<16xi32>,
          tpu.vector_store %arg12[%swap3A_1937], %get3A_1936 {strides = array<i32>} : memref<48xi32, #tpu.memory_space<vmem>>, vector<16xi32>,
          %get3A_1939 = arith.constant 0 : i32
          %get3A_1940 = arith.index_cast %get3A_1939 : i32 to index
          %get3A_1941 = memref.load %arg16[%get3A_1940] : memref<8xi32, #tpu.memory_space<smem>>
          %sub3A_1942 = arith.constant 16 : i32
          %sub3A_1943 = arith.subi %get3A_1941, %sub3A_1942 : i32
          %swap3A_1944 = arith.constant 0 : i32
          %swap3A_1945 = arith.index_cast %swap3A_1944 : i32 to index
          %swap3A_1946 = memref.load %arg16[%swap3A_1945] : memref<8xi32, #tpu.memory_space<smem>>
          memref.store %sub3A_1943, %arg16[%swap3A_1945] : memref<8xi32, #tpu.memory_space<smem>>
          %broadcast_in_dim3A_1947 = arith.constant 15 : i32
          %broadcast_in_dim3A_1948 = vector.broadcast %broadcast_in_dim3A_1947 : i32 to vector<16xi32>
          %broadcast_in_dim3A_1949 = vector.shape_cast %broadcast_in_dim3A_1948 : vector<16xi32> to vector<16x1xi32>
          %gather3A_1950 = vector.shape_cast %broadcast_in_dim3A_1949 : vector<16x1xi32> to vector<16xi32>
          %gather3A_1951 = tpu.dynamic_gather %select_n3A_1929[%gather3A_1950] in [0] : vector<16xf32>, vector<16xi32> -> vector<16xf32>
          scf.yield %select_n3A_1789, %select_n3A_1790, %select_n3A_1929, %select_n3A_1930, %gather3A_1951 : vector<16xf32>, vector<16xi32>, vector<16xf32>, vector<16xi32>, vector<16xf32>
        } else {
          scf.yield %cond3A_1150#0, %cond3A_1150#1, %cond3A_1150#2, %cond3A_1150#3, %cond3A_1150#4 : vector<16xf32>, vector<16xi32>, vector<16xf32>, vector<16xi32>, vector<16xf32>
        }
        %scan3A_1201 = arith.constant 2 : i32
        %scan3A_1202 = arith.addi %scan3A_1102, %scan3A_1201 : i32
        %mul3A_1203 = arith.constant 16 : i32
        %mul3A_1204 = arith.muli %scan3A_1202, %mul3A_1203 : i32
        %add3A_1205 = arith.constant 32 : i32
        %add3A_1206 = arith.addi %add3A_1205, %mul3A_1204 : i32
        %multiple_of3A_1207 = tpu.assume_multiple %add3A_1206, 16 : i32
        %get3A_1208 = arith.index_cast %multiple_of3A_1207 : i32 to index
        %get3A_1209 = tpu.vector_load %arg5[%get3A_1208] {strides = array<i32>} : memref<2112xf32, #tpu.memory_space<vmem>>, vector<16xf32>,
        %get3A_1210 = arith.index_cast %multiple_of3A_1207 : i32 to index
        %get3A_1211 = tpu.vector_load %arg6[%get3A_1210] {strides = array<i32>} : memref<2112xf32, #tpu.memory_space<vmem>>, vector<16xf32>,
        %get3A_1212 = arith.index_cast %multiple_of3A_1207 : i32 to index
        %get3A_1213 = tpu.vector_load %arg7[%get3A_1212] {strides = array<i32>} : memref<2112xf32, #tpu.memory_space<vmem>>, vector<16xf32>,
        %sub3A_1214 = arith.subf %get3A_1209, %gather3A_127 : vector<16xf32>
        %sub3A_1215 = arith.subf %get3A_1211, %gather3A_132 : vector<16xf32>
        %sub3A_1216 = arith.subf %get3A_1213, %gather3A_137 : vector<16xf32>
        %mul3A_1217 = arith.mulf %sub3A_1214, %sub3A_1214 : vector<16xf32>
        %mul3A_1218 = arith.mulf %sub3A_1215, %sub3A_1215 : vector<16xf32>
        %add3A_1219 = arith.addf %mul3A_1217, %mul3A_1218 : vector<16xf32>
        %mul3A_1220 = arith.mulf %sub3A_1216, %sub3A_1216 : vector<16xf32>
        %add3A_1221 = arith.addf %add3A_1219, %mul3A_1220 : vector<16xf32>
        %lt3A_1222 = arith.cmpf olt, %add3A_1221, %cond3A_1200#4 : vector<16xf32>
        %get3A_1223 = arith.constant 0 : i32
        %get3A_1224 = arith.index_cast %get3A_1223 : i32 to index
        %get3A_1225 = memref.load %arg16[%get3A_1224] : memref<8xi32, #tpu.memory_space<smem>>
        %convert_element_type3A_1226 = arith.extui %lt3A_1222 : vector<16xi1> to vector<16xi32>
        %cumsum3A_1227 = arith.constant true
        %cumsum3A_1228 = vector.broadcast %cumsum3A_1227 : i1 to vector<16xi1>
        %cumsum3A_1229 = tpu.scan <sum>, %convert_element_type3A_1226 masked %cumsum3A_1228 : vector<16xi32>, vector<16xi1> -> vector<16xi32>
        %add3A_1230 = vector.broadcast %get3A_1225 : i32 to vector<16xi32>
        %add3A_1231 = arith.addi %add3A_1230, %cumsum3A_1229 : vector<16xi32>
        %sub3A_1232 = arith.constant 1 : i32
        %sub3A_1233 = vector.broadcast %sub3A_1232 : i32 to vector<16xi32>
        %sub3A_1234 = arith.subi %add3A_1231, %sub3A_1233 : vector<16xi32>
        %add3A_1235 = vector.broadcast %multiple_of3A_1207 : i32 to vector<16xi32>
        %add3A_1236 = arith.addi %add3A_1235, %iota3A : vector<16xi32>
        tpu.vector_store_idx %arg11[%sub3A_1234], %add3A_1221 masked %lt3A_1222 : memref<48xf32, #tpu.memory_space<vmem>>[vector<16xi32>], vector<16xf32>, vector<16xi1>
        tpu.vector_store_idx %arg12[%sub3A_1234], %add3A_1236 masked %lt3A_1222 : memref<48xi32, #tpu.memory_space<vmem>>[vector<16xi32>], vector<16xi32>, vector<16xi1>
        %all_reduce_population_count3A_1237 = tpu.all_reduce %lt3A_1222 {dim = 0 : i64, kind = #tpu.reduction_kind<sum>} : vector<16xi1> -> vector<16xi32>
        %slice3A_1238 = vector.extract_strided_slice %all_reduce_population_count3A_1237 {offsets = [0], sizes = [1], strides = [1]} : vector<16xi32> to vector<1xi32>
        %squeeze3A_1239 = vector.extract %slice3A_1238[0] : i32 from vector<1xi32>
        %add3A_1240 = arith.addi %get3A_1225, %squeeze3A_1239 : i32
        %swap3A_1241 = arith.constant 0 : i32
        %swap3A_1242 = arith.index_cast %swap3A_1241 : i32 to index
        %swap3A_1243 = memref.load %arg16[%swap3A_1242] : memref<8xi32, #tpu.memory_space<smem>>
        memref.store %add3A_1240, %arg16[%swap3A_1242] : memref<8xi32, #tpu.memory_space<smem>>
        %add3A_1244 = arith.addi %get3A_1225, %squeeze3A_1239 : i32
        %ge3A_1245 = arith.constant 16 : i32
        %ge3A_1246 = arith.cmpi sge, %add3A_1244, %ge3A_1245 : i32
        %convert_element_type3A_1247 = arith.extui %ge3A_1246 : i1 to i32
        %cond3A_1248 = arith.constant 0 : i32
        %cond3A_1249 = arith.cmpi ne, %convert_element_type3A_1247, %cond3A_1248 : i32
        %cond3A_1250:5 = scf.if %cond3A_1249 -> (vector<16xf32>, vector<16xi32>, vector<16xf32>, vector<16xi32>, vector<16xf32>) {
          %get3A_1401 = arith.constant 0 : index
          %get3A_1402 = tpu.vector_load %arg11[%get3A_1401] {strides = array<i32>} : memref<48xf32, #tpu.memory_space<vmem>>, vector<16xf32>,
          %get3A_1403 = arith.constant 0 : index
          %get3A_1404 = tpu.vector_load %arg12[%get3A_1403] {strides = array<i32>} : memref<48xi32, #tpu.memory_space<vmem>>, vector<16xi32>,
          %masked_sort3A_1405 = arith.constant dense<true> : vector<16xi1>
          %masked_sort3A_1406, %masked_sort3A_1407, %masked_sort3A_1408 = tpu.sort %get3A_1402, %get3A_1404 masked %masked_sort3A_1405 : (vector<16xf32>, vector<16xi32>, vector<16xi1>) -> (vector<16xi1>, vector<16xf32>, vector<16xi32>)
          %iota3A_1409 = tpu.iota {dimensions = array<i32: 0>} : vector<16xi32>
          %xor3A_1410 = arith.constant 1 : i32
          %xor3A_1411 = vector.broadcast %xor3A_1410 : i32 to vector<16xi32>
          %xor3A_1412 = arith.xori %iota3A_1409, %xor3A_1411 : vector<16xi32>
          %and3A_1413 = arith.constant 1 : i32
          %and3A_1414 = vector.broadcast %and3A_1413 : i32 to vector<16xi32>
          %and3A_1415 = arith.andi %iota3A_1409, %and3A_1414 : vector<16xi32>
          %broadcast_in_dim3A_1416 = vector.shape_cast %xor3A_1412 : vector<16xi32> to vector<16x1xi32>
          %gather3A_1417 = vector.shape_cast %broadcast_in_dim3A_1416 : vector<16x1xi32> to vector<16xi32>
          %gather3A_1418 = tpu.dynamic_gather %masked_sort3A_1407[%gather3A_1417] in [0] : vector<16xf32>, vector<16xi32> -> vector<16xf32>
          %broadcast_in_dim3A_1419 = vector.shape_cast %xor3A_1412 : vector<16xi32> to vector<16x1xi32>
          %gather3A_1420 = vector.shape_cast %broadcast_in_dim3A_1419 : vector<16x1xi32> to vector<16xi32>
          %gather3A_1421 = tpu.dynamic_gather %masked_sort3A_1408[%gather3A_1420] in [0] : vector<16xi32>, vector<16xi32> -> vector<16xi32>
          %lt3A_1422 = arith.cmpf olt, %gather3A_1418, %masked_sort3A_1407 : vector<16xf32>
          %eq3A_1423 = arith.cmpf oeq, %gather3A_1418, %masked_sort3A_1407 : vector<16xf32>
          %lt3A_1424 = arith.cmpi slt, %gather3A_1421, %masked_sort3A_1408 : vector<16xi32>
          %and3A_1425 = arith.andi %eq3A_1423, %lt3A_1424 : vector<16xi1>
          %or3A_1426 = arith.ori %lt3A_1422, %and3A_1425 : vector<16xi1>
          %convert_element_type3A_1427 = arith.extui %or3A_1426 : vector<16xi1> to vector<16xi32>
          %xor3A_1428 = arith.xori %convert_element_type3A_1427, %and3A_1415 : vector<16xi32>
          %ne3A_1429 = arith.constant 0 : i32
          %ne3A_1430 = vector.broadcast %ne3A_1429 : i32 to vector<16xi32>
          %ne3A_1431 = arith.cmpi ne, %xor3A_1428, %ne3A_1430 : vector<16xi32>
          %select_n3A_1432 = arith.select %ne3A_1431, %gather3A_1418, %masked_sort3A_1407 : vector<16xi1>, vector<16xf32>
          %select_n3A_1433 = arith.select %ne3A_1431, %gather3A_1421, %masked_sort3A_1408 : vector<16xi1>, vector<16xi32>
          %add3A_1434 = arith.constant 1 : i32
          %add3A_1435 = vector.broadcast %add3A_1434 : i32 to vector<16xi32>
          %add3A_1436 = arith.addi %iota3A_1409, %add3A_1435 : vector<16xi32>
          %xor3A_1437 = arith.constant 1 : i32
          %xor3A_1438 = vector.broadcast %xor3A_1437 : i32 to vector<16xi32>
          %xor3A_1439 = arith.xori %add3A_1436, %xor3A_1438 : vector<16xi32>
          %sub3A_1440 = arith.constant 1 : i32
          %sub3A_1441 = vector.broadcast %sub3A_1440 : i32 to vector<16xi32>
          %sub3A_1442 = arith.subi %xor3A_1439, %sub3A_1441 : vector<16xi32>
          %jit3A_1443 = arith.constant 0 : i32
          %jit3A_1444 = arith.constant 15 : i32
          %max3A_1445 = vector.broadcast %jit3A_1443 : i32 to vector<16xi32>
          %max3A_1446 = arith.maxsi %max3A_1445, %sub3A_1442 : vector<16xi32>
          %min3A_1447 = vector.broadcast %jit3A_1444 : i32 to vector<16xi32>
          %min3A_1448 = arith.minsi %min3A_1447, %max3A_1446 : vector<16xi32>
          %and3A_1449 = arith.constant 1 : i32
          %and3A_1450 = vector.broadcast %and3A_1449 : i32 to vector<16xi32>
          %and3A_1451 = arith.andi %iota3A_1409, %and3A_1450 : vector<16xi32>
          %xor3A_1452 = arith.constant 1 : i32
          %xor3A_1453 = vector.broadcast %xor3A_1452 : i32 to vector<16xi32>
          %xor3A_1454 = arith.xori %and3A_1451, %xor3A_1453 : vector<16xi32>
          %broadcast_in_dim3A_1455 = vector.shape_cast %min3A_1448 : vector<16xi32> to vector<16x1xi32>
          %gather3A_1456 = vector.shape_cast %broadcast_in_dim3A_1455 : vector<16x1xi32> to vector<16xi32>
          %gather3A_1457 = tpu.dynamic_gather %select_n3A_1432[%gather3A_1456] in [0] : vector<16xf32>, vector<16xi32> -> vector<16xf32>
          %broadcast_in_dim3A_1458 = vector.shape_cast %min3A_1448 : vector<16xi32> to vector<16x1xi32>
          %gather3A_1459 = vector.shape_cast %broadcast_in_dim3A_1458 : vector<16x1xi32> to vector<16xi32>
          %gather3A_1460 = tpu.dynamic_gather %select_n3A_1433[%gather3A_1459] in [0] : vector<16xi32>, vector<16xi32> -> vector<16xi32>
          %lt3A_1461 = arith.cmpf olt, %gather3A_1457, %select_n3A_1432 : vector<16xf32>
          %eq3A_1462 = arith.cmpf oeq, %gather3A_1457, %select_n3A_1432 : vector<16xf32>
          %lt3A_1463 = arith.cmpi slt, %gather3A_1460, %select_n3A_1433 : vector<16xi32>
          %and3A_1464 = arith.andi %eq3A_1462, %lt3A_1463 : vector<16xi1>
          %or3A_1465 = arith.ori %lt3A_1461, %and3A_1464 : vector<16xi1>
          %convert_element_type3A_1466 = arith.extui %or3A_1465 : vector<16xi1> to vector<16xi32>
          %xor3A_1467 = arith.xori %convert_element_type3A_1466, %xor3A_1454 : vector<16xi32>
          %ne3A_1468 = arith.constant 0 : i32
          %ne3A_1469 = vector.broadcast %ne3A_1468 : i32 to vector<16xi32>
          %ne3A_1470 = arith.cmpi ne, %xor3A_1467, %ne3A_1469 : vector<16xi32>
          %select_n3A_1471 = arith.select %ne3A_1470, %gather3A_1457, %select_n3A_1432 : vector<16xi1>, vector<16xf32>
          %select_n3A_1472 = arith.select %ne3A_1470, %gather3A_1460, %select_n3A_1433 : vector<16xi1>, vector<16xi32>
          %rev3A_1473 = arith.constant 15 : i32
          %rev3A_1474 = vector.broadcast %rev3A_1473 : i32 to vector<16xi32>
          %rev3A_1475 = tpu.iota {dimensions = array<i32: 0>} : vector<16xi32>
          %rev3A_1476 = arith.subi %rev3A_1474, %rev3A_1475 : vector<16xi32>
          %rev3A_1477 = tpu.dynamic_gather %select_n3A_1471[%rev3A_1476] in [0] : vector<16xf32>, vector<16xi32> -> vector<16xf32>
          %rev3A_1478 = arith.constant 15 : i32
          %rev3A_1479 = vector.broadcast %rev3A_1478 : i32 to vector<16xi32>
          %rev3A_1480 = tpu.iota {dimensions = array<i32: 0>} : vector<16xi32>
          %rev3A_1481 = arith.subi %rev3A_1479, %rev3A_1480 : vector<16xi32>
          %rev3A_1482 = tpu.dynamic_gather %select_n3A_1472[%rev3A_1481] in [0] : vector<16xi32>, vector<16xi32> -> vector<16xi32>
          %lt3A_1483 = arith.cmpf olt, %rev3A_1477, %cond3A_1200#2 : vector<16xf32>
          %eq3A_1484 = arith.cmpf oeq, %rev3A_1477, %cond3A_1200#2 : vector<16xf32>
          %lt3A_1485 = arith.cmpi slt, %rev3A_1482, %cond3A_1200#3 : vector<16xi32>
          %and3A_1486 = arith.andi %eq3A_1484, %lt3A_1485 : vector<16xi1>
          %or3A_1487 = arith.ori %lt3A_1483, %and3A_1486 : vector<16xi1>
          %select_n3A_1488 = arith.select %or3A_1487, %rev3A_1477, %cond3A_1200#2 : vector<16xi1>, vector<16xf32>
          %select_n3A_1489 = arith.select %or3A_1487, %rev3A_1482, %cond3A_1200#3 : vector<16xi1>, vector<16xi32>
          %select_n3A_1490 = arith.select %or3A_1487, %cond3A_1200#2, %rev3A_1477 : vector<16xi1>, vector<16xf32>
          %select_n3A_1491 = arith.select %or3A_1487, %cond3A_1200#3, %rev3A_1482 : vector<16xi1>, vector<16xi32>
          %iota3A_1492 = tpu.iota {dimensions = array<i32: 0>} : vector<16xi32>
          %xor3A_1493 = arith.constant 8 : i32
          %xor3A_1494 = vector.broadcast %xor3A_1493 : i32 to vector<16xi32>
          %xor3A_1495 = arith.xori %iota3A_1492, %xor3A_1494 : vector<16xi32>
          %and3A_1496 = arith.constant 32 : i32
          %and3A_1497 = vector.broadcast %and3A_1496 : i32 to vector<16xi32>
          %and3A_1498 = arith.andi %iota3A_1492, %and3A_1497 : vector<16xi32>
          %eq3A_1499 = arith.constant 0 : i32
          %eq3A_1500 = vector.broadcast %eq3A_1499 : i32 to vector<16xi32>
          %eq3A_1501 = arith.cmpi eq, %and3A_1498, %eq3A_1500 : vector<16xi32>
          %and3A_1502 = arith.constant 8 : i32
          %and3A_1503 = vector.broadcast %and3A_1502 : i32 to vector<16xi32>
          %and3A_1504 = arith.andi %iota3A_1492, %and3A_1503 : vector<16xi32>
          %eq3A_1505 = arith.constant 0 : i32
          %eq3A_1506 = vector.broadcast %eq3A_1505 : i32 to vector<16xi32>
          %eq3A_1507 = arith.cmpi eq, %and3A_1504, %eq3A_1506 : vector<16xi32>
          %eq3A_1508 = arith.xori %eq3A_1501, %eq3A_1507 : vector<16xi1>
          %eq3A_1509 = arith.constant dense<true> : vector<16xi1>
          %eq3A_1510 = arith.xori %eq3A_1508, %eq3A_1509 : vector<16xi1>
          %broadcast_in_dim3A_1511 = vector.shape_cast %xor3A_1495 : vector<16xi32> to vector<16x1xi32>
          %gather3A_1512 = vector.shape_cast %broadcast_in_dim3A_1511 : vector<16x1xi32> to vector<16xi32>
          %gather3A_1513 = tpu.dynamic_gather %select_n3A_1488[%gather3A_1512] in [0] : vector<16xf32>, vector<16xi32> -> vector<16xf32>
          %broadcast_in_dim3A_1514 = vector.shape_cast %xor3A_1495 : vector<16xi32> to vector<16x1xi32>
          %gather3A_1515 = vector.shape_cast %broadcast_in_dim3A_1514 : vector<16x1xi32> to vector<16xi32>
          %gather3A_1516 = tpu.dynamic_gather %select_n3A_1489[%gather3A_1515] in [0] : vector<16xi32>, vector<16xi32> -> vector<16xi32>
          %lt3A_1517 = arith.cmpf olt, %gather3A_1513, %select_n3A_1488 : vector<16xf32>
          %eq3A_1518 = arith.cmpf oeq, %gather3A_1513, %select_n3A_1488 : vector<16xf32>
          %lt3A_1519 = arith.cmpi slt, %gather3A_1516, %select_n3A_1489 : vector<16xi32>
          %and3A_1520 = arith.andi %eq3A_1518, %lt3A_1519 : vector<16xi1>
          %or3A_1521 = arith.ori %lt3A_1517, %and3A_1520 : vector<16xi1>
          %not3A_1522 = arith.constant dense<true> : vector<16xi1>
          %not3A_1523 = arith.xori %or3A_1521, %not3A_1522 : vector<16xi1>
          %select_n3A_1524 = arith.select %eq3A_1510, %or3A_1521, %not3A_1523 : vector<16xi1>, vector<16xi1>
          %select_n3A_1525 = arith.select %select_n3A_1524, %gather3A_1513, %select_n3A_1488 : vector<16xi1>, vector<16xf32>
          %select_n3A_1526 = arith.select %select_n3A_1524, %gather3A_1516, %select_n3A_1489 : vector<16xi1>, vector<16xi32>
          %iota3A_1527 = tpu.iota {dimensions = array<i32: 0>} : vector<16xi32>
          %xor3A_1528 = arith.constant 4 : i32
          %xor3A_1529 = vector.broadcast %xor3A_1528 : i32 to vector<16xi32>
          %xor3A_1530 = arith.xori %iota3A_1527, %xor3A_1529 : vector<16xi32>
          %and3A_1531 = arith.constant 32 : i32
          %and3A_1532 = vector.broadcast %and3A_1531 : i32 to vector<16xi32>
          %and3A_1533 = arith.andi %iota3A_1527, %and3A_1532 : vector<16xi32>
          %eq3A_1534 = arith.constant 0 : i32
          %eq3A_1535 = vector.broadcast %eq3A_1534 : i32 to vector<16xi32>
          %eq3A_1536 = arith.cmpi eq, %and3A_1533, %eq3A_1535 : vector<16xi32>
          %and3A_1537 = arith.constant 4 : i32
          %and3A_1538 = vector.broadcast %and3A_1537 : i32 to vector<16xi32>
          %and3A_1539 = arith.andi %iota3A_1527, %and3A_1538 : vector<16xi32>
          %eq3A_1540 = arith.constant 0 : i32
          %eq3A_1541 = vector.broadcast %eq3A_1540 : i32 to vector<16xi32>
          %eq3A_1542 = arith.cmpi eq, %and3A_1539, %eq3A_1541 : vector<16xi32>
          %eq3A_1543 = arith.xori %eq3A_1536, %eq3A_1542 : vector<16xi1>
          %eq3A_1544 = arith.constant dense<true> : vector<16xi1>
          %eq3A_1545 = arith.xori %eq3A_1543, %eq3A_1544 : vector<16xi1>
          %broadcast_in_dim3A_1546 = vector.shape_cast %xor3A_1530 : vector<16xi32> to vector<16x1xi32>
          %gather3A_1547 = vector.shape_cast %broadcast_in_dim3A_1546 : vector<16x1xi32> to vector<16xi32>
          %gather3A_1548 = tpu.dynamic_gather %select_n3A_1525[%gather3A_1547] in [0] : vector<16xf32>, vector<16xi32> -> vector<16xf32>
          %broadcast_in_dim3A_1549 = vector.shape_cast %xor3A_1530 : vector<16xi32> to vector<16x1xi32>
          %gather3A_1550 = vector.shape_cast %broadcast_in_dim3A_1549 : vector<16x1xi32> to vector<16xi32>
          %gather3A_1551 = tpu.dynamic_gather %select_n3A_1526[%gather3A_1550] in [0] : vector<16xi32>, vector<16xi32> -> vector<16xi32>
          %lt3A_1552 = arith.cmpf olt, %gather3A_1548, %select_n3A_1525 : vector<16xf32>
          %eq3A_1553 = arith.cmpf oeq, %gather3A_1548, %select_n3A_1525 : vector<16xf32>
          %lt3A_1554 = arith.cmpi slt, %gather3A_1551, %select_n3A_1526 : vector<16xi32>
          %and3A_1555 = arith.andi %eq3A_1553, %lt3A_1554 : vector<16xi1>
          %or3A_1556 = arith.ori %lt3A_1552, %and3A_1555 : vector<16xi1>
          %not3A_1557 = arith.constant dense<true> : vector<16xi1>
          %not3A_1558 = arith.xori %or3A_1556, %not3A_1557 : vector<16xi1>
          %select_n3A_1559 = arith.select %eq3A_1545, %or3A_1556, %not3A_1558 : vector<16xi1>, vector<16xi1>
          %select_n3A_1560 = arith.select %select_n3A_1559, %gather3A_1548, %select_n3A_1525 : vector<16xi1>, vector<16xf32>
          %select_n3A_1561 = arith.select %select_n3A_1559, %gather3A_1551, %select_n3A_1526 : vector<16xi1>, vector<16xi32>
          %iota3A_1562 = tpu.iota {dimensions = array<i32: 0>} : vector<16xi32>
          %xor3A_1563 = arith.constant 2 : i32
          %xor3A_1564 = vector.broadcast %xor3A_1563 : i32 to vector<16xi32>
          %xor3A_1565 = arith.xori %iota3A_1562, %xor3A_1564 : vector<16xi32>
          %and3A_1566 = arith.constant 32 : i32
          %and3A_1567 = vector.broadcast %and3A_1566 : i32 to vector<16xi32>
          %and3A_1568 = arith.andi %iota3A_1562, %and3A_1567 : vector<16xi32>
          %eq3A_1569 = arith.constant 0 : i32
          %eq3A_1570 = vector.broadcast %eq3A_1569 : i32 to vector<16xi32>
          %eq3A_1571 = arith.cmpi eq, %and3A_1568, %eq3A_1570 : vector<16xi32>
          %and3A_1572 = arith.constant 2 : i32
          %and3A_1573 = vector.broadcast %and3A_1572 : i32 to vector<16xi32>
          %and3A_1574 = arith.andi %iota3A_1562, %and3A_1573 : vector<16xi32>
          %eq3A_1575 = arith.constant 0 : i32
          %eq3A_1576 = vector.broadcast %eq3A_1575 : i32 to vector<16xi32>
          %eq3A_1577 = arith.cmpi eq, %and3A_1574, %eq3A_1576 : vector<16xi32>
          %eq3A_1578 = arith.xori %eq3A_1571, %eq3A_1577 : vector<16xi1>
          %eq3A_1579 = arith.constant dense<true> : vector<16xi1>
          %eq3A_1580 = arith.xori %eq3A_1578, %eq3A_1579 : vector<16xi1>
          %broadcast_in_dim3A_1581 = vector.shape_cast %xor3A_1565 : vector<16xi32> to vector<16x1xi32>
          %gather3A_1582 = vector.shape_cast %broadcast_in_dim3A_1581 : vector<16x1xi32> to vector<16xi32>
          %gather3A_1583 = tpu.dynamic_gather %select_n3A_1560[%gather3A_1582] in [0] : vector<16xf32>, vector<16xi32> -> vector<16xf32>
          %broadcast_in_dim3A_1584 = vector.shape_cast %xor3A_1565 : vector<16xi32> to vector<16x1xi32>
          %gather3A_1585 = vector.shape_cast %broadcast_in_dim3A_1584 : vector<16x1xi32> to vector<16xi32>
          %gather3A_1586 = tpu.dynamic_gather %select_n3A_1561[%gather3A_1585] in [0] : vector<16xi32>, vector<16xi32> -> vector<16xi32>
          %lt3A_1587 = arith.cmpf olt, %gather3A_1583, %select_n3A_1560 : vector<16xf32>
          %eq3A_1588 = arith.cmpf oeq, %gather3A_1583, %select_n3A_1560 : vector<16xf32>
          %lt3A_1589 = arith.cmpi slt, %gather3A_1586, %select_n3A_1561 : vector<16xi32>
          %and3A_1590 = arith.andi %eq3A_1588, %lt3A_1589 : vector<16xi1>
          %or3A_1591 = arith.ori %lt3A_1587, %and3A_1590 : vector<16xi1>
          %not3A_1592 = arith.constant dense<true> : vector<16xi1>
          %not3A_1593 = arith.xori %or3A_1591, %not3A_1592 : vector<16xi1>
          %select_n3A_1594 = arith.select %eq3A_1580, %or3A_1591, %not3A_1593 : vector<16xi1>, vector<16xi1>
          %select_n3A_1595 = arith.select %select_n3A_1594, %gather3A_1583, %select_n3A_1560 : vector<16xi1>, vector<16xf32>
          %select_n3A_1596 = arith.select %select_n3A_1594, %gather3A_1586, %select_n3A_1561 : vector<16xi1>, vector<16xi32>
          %iota3A_1597 = tpu.iota {dimensions = array<i32: 0>} : vector<16xi32>
          %xor3A_1598 = arith.constant 1 : i32
          %xor3A_1599 = vector.broadcast %xor3A_1598 : i32 to vector<16xi32>
          %xor3A_1600 = arith.xori %iota3A_1597, %xor3A_1599 : vector<16xi32>
          %and3A_1601 = arith.constant 32 : i32
          %and3A_1602 = vector.broadcast %and3A_1601 : i32 to vector<16xi32>
          %and3A_1603 = arith.andi %iota3A_1597, %and3A_1602 : vector<16xi32>
          %eq3A_1604 = arith.constant 0 : i32
          %eq3A_1605 = vector.broadcast %eq3A_1604 : i32 to vector<16xi32>
          %eq3A_1606 = arith.cmpi eq, %and3A_1603, %eq3A_1605 : vector<16xi32>
          %and3A_1607 = arith.constant 1 : i32
          %and3A_1608 = vector.broadcast %and3A_1607 : i32 to vector<16xi32>
          %and3A_1609 = arith.andi %iota3A_1597, %and3A_1608 : vector<16xi32>
          %eq3A_1610 = arith.constant 0 : i32
          %eq3A_1611 = vector.broadcast %eq3A_1610 : i32 to vector<16xi32>
          %eq3A_1612 = arith.cmpi eq, %and3A_1609, %eq3A_1611 : vector<16xi32>
          %eq3A_1613 = arith.xori %eq3A_1606, %eq3A_1612 : vector<16xi1>
          %eq3A_1614 = arith.constant dense<true> : vector<16xi1>
          %eq3A_1615 = arith.xori %eq3A_1613, %eq3A_1614 : vector<16xi1>
          %broadcast_in_dim3A_1616 = vector.shape_cast %xor3A_1600 : vector<16xi32> to vector<16x1xi32>
          %gather3A_1617 = vector.shape_cast %broadcast_in_dim3A_1616 : vector<16x1xi32> to vector<16xi32>
          %gather3A_1618 = tpu.dynamic_gather %select_n3A_1595[%gather3A_1617] in [0] : vector<16xf32>, vector<16xi32> -> vector<16xf32>
          %broadcast_in_dim3A_1619 = vector.shape_cast %xor3A_1600 : vector<16xi32> to vector<16x1xi32>
          %gather3A_1620 = vector.shape_cast %broadcast_in_dim3A_1619 : vector<16x1xi32> to vector<16xi32>
          %gather3A_1621 = tpu.dynamic_gather %select_n3A_1596[%gather3A_1620] in [0] : vector<16xi32>, vector<16xi32> -> vector<16xi32>
          %lt3A_1622 = arith.cmpf olt, %gather3A_1618, %select_n3A_1595 : vector<16xf32>
          %eq3A_1623 = arith.cmpf oeq, %gather3A_1618, %select_n3A_1595 : vector<16xf32>
          %lt3A_1624 = arith.cmpi slt, %gather3A_1621, %select_n3A_1596 : vector<16xi32>
          %and3A_1625 = arith.andi %eq3A_1623, %lt3A_1624 : vector<16xi1>
          %or3A_1626 = arith.ori %lt3A_1622, %and3A_1625 : vector<16xi1>
          %not3A_1627 = arith.constant dense<true> : vector<16xi1>
          %not3A_1628 = arith.xori %or3A_1626, %not3A_1627 : vector<16xi1>
          %select_n3A_1629 = arith.select %eq3A_1615, %or3A_1626, %not3A_1628 : vector<16xi1>, vector<16xi1>
          %select_n3A_1630 = arith.select %select_n3A_1629, %gather3A_1618, %select_n3A_1595 : vector<16xi1>, vector<16xf32>
          %select_n3A_1631 = arith.select %select_n3A_1629, %gather3A_1621, %select_n3A_1596 : vector<16xi1>, vector<16xi32>
          %rev3A_1632 = arith.constant 15 : i32
          %rev3A_1633 = vector.broadcast %rev3A_1632 : i32 to vector<16xi32>
          %rev3A_1634 = tpu.iota {dimensions = array<i32: 0>} : vector<16xi32>
          %rev3A_1635 = arith.subi %rev3A_1633, %rev3A_1634 : vector<16xi32>
          %rev3A_1636 = tpu.dynamic_gather %select_n3A_1630[%rev3A_1635] in [0] : vector<16xf32>, vector<16xi32> -> vector<16xf32>
          %rev3A_1637 = arith.constant 15 : i32
          %rev3A_1638 = vector.broadcast %rev3A_1637 : i32 to vector<16xi32>
          %rev3A_1639 = tpu.iota {dimensions = array<i32: 0>} : vector<16xi32>
          %rev3A_1640 = arith.subi %rev3A_1638, %rev3A_1639 : vector<16xi32>
          %rev3A_1641 = tpu.dynamic_gather %select_n3A_1631[%rev3A_1640] in [0] : vector<16xi32>, vector<16xi32> -> vector<16xi32>
          %lt3A_1642 = arith.cmpf olt, %rev3A_1636, %cond3A_1200#0 : vector<16xf32>
          %eq3A_1643 = arith.cmpf oeq, %rev3A_1636, %cond3A_1200#0 : vector<16xf32>
          %lt3A_1644 = arith.cmpi slt, %rev3A_1641, %cond3A_1200#1 : vector<16xi32>
          %and3A_1645 = arith.andi %eq3A_1643, %lt3A_1644 : vector<16xi1>
          %or3A_1646 = arith.ori %lt3A_1642, %and3A_1645 : vector<16xi1>
          %select_n3A_1647 = arith.select %or3A_1646, %rev3A_1636, %cond3A_1200#0 : vector<16xi1>, vector<16xf32>
          %select_n3A_1648 = arith.select %or3A_1646, %rev3A_1641, %cond3A_1200#1 : vector<16xi1>, vector<16xi32>
          %select_n3A_1649 = arith.select %or3A_1646, %cond3A_1200#0, %rev3A_1636 : vector<16xi1>, vector<16xf32>
          %select_n3A_1650 = arith.select %or3A_1646, %cond3A_1200#1, %rev3A_1641 : vector<16xi1>, vector<16xi32>
          %iota3A_1651 = tpu.iota {dimensions = array<i32: 0>} : vector<16xi32>
          %xor3A_1652 = arith.constant 8 : i32
          %xor3A_1653 = vector.broadcast %xor3A_1652 : i32 to vector<16xi32>
          %xor3A_1654 = arith.xori %iota3A_1651, %xor3A_1653 : vector<16xi32>
          %and3A_1655 = arith.constant 32 : i32
          %and3A_1656 = vector.broadcast %and3A_1655 : i32 to vector<16xi32>
          %and3A_1657 = arith.andi %iota3A_1651, %and3A_1656 : vector<16xi32>
          %eq3A_1658 = arith.constant 0 : i32
          %eq3A_1659 = vector.broadcast %eq3A_1658 : i32 to vector<16xi32>
          %eq3A_1660 = arith.cmpi eq, %and3A_1657, %eq3A_1659 : vector<16xi32>
          %and3A_1661 = arith.constant 8 : i32
          %and3A_1662 = vector.broadcast %and3A_1661 : i32 to vector<16xi32>
          %and3A_1663 = arith.andi %iota3A_1651, %and3A_1662 : vector<16xi32>
          %eq3A_1664 = arith.constant 0 : i32
          %eq3A_1665 = vector.broadcast %eq3A_1664 : i32 to vector<16xi32>
          %eq3A_1666 = arith.cmpi eq, %and3A_1663, %eq3A_1665 : vector<16xi32>
          %eq3A_1667 = arith.xori %eq3A_1660, %eq3A_1666 : vector<16xi1>
          %eq3A_1668 = arith.constant dense<true> : vector<16xi1>
          %eq3A_1669 = arith.xori %eq3A_1667, %eq3A_1668 : vector<16xi1>
          %broadcast_in_dim3A_1670 = vector.shape_cast %xor3A_1654 : vector<16xi32> to vector<16x1xi32>
          %gather3A_1671 = vector.shape_cast %broadcast_in_dim3A_1670 : vector<16x1xi32> to vector<16xi32>
          %gather3A_1672 = tpu.dynamic_gather %select_n3A_1647[%gather3A_1671] in [0] : vector<16xf32>, vector<16xi32> -> vector<16xf32>
          %broadcast_in_dim3A_1673 = vector.shape_cast %xor3A_1654 : vector<16xi32> to vector<16x1xi32>
          %gather3A_1674 = vector.shape_cast %broadcast_in_dim3A_1673 : vector<16x1xi32> to vector<16xi32>
          %gather3A_1675 = tpu.dynamic_gather %select_n3A_1648[%gather3A_1674] in [0] : vector<16xi32>, vector<16xi32> -> vector<16xi32>
          %lt3A_1676 = arith.cmpf olt, %gather3A_1672, %select_n3A_1647 : vector<16xf32>
          %eq3A_1677 = arith.cmpf oeq, %gather3A_1672, %select_n3A_1647 : vector<16xf32>
          %lt3A_1678 = arith.cmpi slt, %gather3A_1675, %select_n3A_1648 : vector<16xi32>
          %and3A_1679 = arith.andi %eq3A_1677, %lt3A_1678 : vector<16xi1>
          %or3A_1680 = arith.ori %lt3A_1676, %and3A_1679 : vector<16xi1>
          %not3A_1681 = arith.constant dense<true> : vector<16xi1>
          %not3A_1682 = arith.xori %or3A_1680, %not3A_1681 : vector<16xi1>
          %select_n3A_1683 = arith.select %eq3A_1669, %or3A_1680, %not3A_1682 : vector<16xi1>, vector<16xi1>
          %select_n3A_1684 = arith.select %select_n3A_1683, %gather3A_1672, %select_n3A_1647 : vector<16xi1>, vector<16xf32>
          %select_n3A_1685 = arith.select %select_n3A_1683, %gather3A_1675, %select_n3A_1648 : vector<16xi1>, vector<16xi32>
          %iota3A_1686 = tpu.iota {dimensions = array<i32: 0>} : vector<16xi32>
          %xor3A_1687 = arith.constant 4 : i32
          %xor3A_1688 = vector.broadcast %xor3A_1687 : i32 to vector<16xi32>
          %xor3A_1689 = arith.xori %iota3A_1686, %xor3A_1688 : vector<16xi32>
          %and3A_1690 = arith.constant 32 : i32
          %and3A_1691 = vector.broadcast %and3A_1690 : i32 to vector<16xi32>
          %and3A_1692 = arith.andi %iota3A_1686, %and3A_1691 : vector<16xi32>
          %eq3A_1693 = arith.constant 0 : i32
          %eq3A_1694 = vector.broadcast %eq3A_1693 : i32 to vector<16xi32>
          %eq3A_1695 = arith.cmpi eq, %and3A_1692, %eq3A_1694 : vector<16xi32>
          %and3A_1696 = arith.constant 4 : i32
          %and3A_1697 = vector.broadcast %and3A_1696 : i32 to vector<16xi32>
          %and3A_1698 = arith.andi %iota3A_1686, %and3A_1697 : vector<16xi32>
          %eq3A_1699 = arith.constant 0 : i32
          %eq3A_1700 = vector.broadcast %eq3A_1699 : i32 to vector<16xi32>
          %eq3A_1701 = arith.cmpi eq, %and3A_1698, %eq3A_1700 : vector<16xi32>
          %eq3A_1702 = arith.xori %eq3A_1695, %eq3A_1701 : vector<16xi1>
          %eq3A_1703 = arith.constant dense<true> : vector<16xi1>
          %eq3A_1704 = arith.xori %eq3A_1702, %eq3A_1703 : vector<16xi1>
          %broadcast_in_dim3A_1705 = vector.shape_cast %xor3A_1689 : vector<16xi32> to vector<16x1xi32>
          %gather3A_1706 = vector.shape_cast %broadcast_in_dim3A_1705 : vector<16x1xi32> to vector<16xi32>
          %gather3A_1707 = tpu.dynamic_gather %select_n3A_1684[%gather3A_1706] in [0] : vector<16xf32>, vector<16xi32> -> vector<16xf32>
          %broadcast_in_dim3A_1708 = vector.shape_cast %xor3A_1689 : vector<16xi32> to vector<16x1xi32>
          %gather3A_1709 = vector.shape_cast %broadcast_in_dim3A_1708 : vector<16x1xi32> to vector<16xi32>
          %gather3A_1710 = tpu.dynamic_gather %select_n3A_1685[%gather3A_1709] in [0] : vector<16xi32>, vector<16xi32> -> vector<16xi32>
          %lt3A_1711 = arith.cmpf olt, %gather3A_1707, %select_n3A_1684 : vector<16xf32>
          %eq3A_1712 = arith.cmpf oeq, %gather3A_1707, %select_n3A_1684 : vector<16xf32>
          %lt3A_1713 = arith.cmpi slt, %gather3A_1710, %select_n3A_1685 : vector<16xi32>
          %and3A_1714 = arith.andi %eq3A_1712, %lt3A_1713 : vector<16xi1>
          %or3A_1715 = arith.ori %lt3A_1711, %and3A_1714 : vector<16xi1>
          %not3A_1716 = arith.constant dense<true> : vector<16xi1>
          %not3A_1717 = arith.xori %or3A_1715, %not3A_1716 : vector<16xi1>
          %select_n3A_1718 = arith.select %eq3A_1704, %or3A_1715, %not3A_1717 : vector<16xi1>, vector<16xi1>
          %select_n3A_1719 = arith.select %select_n3A_1718, %gather3A_1707, %select_n3A_1684 : vector<16xi1>, vector<16xf32>
          %select_n3A_1720 = arith.select %select_n3A_1718, %gather3A_1710, %select_n3A_1685 : vector<16xi1>, vector<16xi32>
          %iota3A_1721 = tpu.iota {dimensions = array<i32: 0>} : vector<16xi32>
          %xor3A_1722 = arith.constant 2 : i32
          %xor3A_1723 = vector.broadcast %xor3A_1722 : i32 to vector<16xi32>
          %xor3A_1724 = arith.xori %iota3A_1721, %xor3A_1723 : vector<16xi32>
          %and3A_1725 = arith.constant 32 : i32
          %and3A_1726 = vector.broadcast %and3A_1725 : i32 to vector<16xi32>
          %and3A_1727 = arith.andi %iota3A_1721, %and3A_1726 : vector<16xi32>
          %eq3A_1728 = arith.constant 0 : i32
          %eq3A_1729 = vector.broadcast %eq3A_1728 : i32 to vector<16xi32>
          %eq3A_1730 = arith.cmpi eq, %and3A_1727, %eq3A_1729 : vector<16xi32>
          %and3A_1731 = arith.constant 2 : i32
          %and3A_1732 = vector.broadcast %and3A_1731 : i32 to vector<16xi32>
          %and3A_1733 = arith.andi %iota3A_1721, %and3A_1732 : vector<16xi32>
          %eq3A_1734 = arith.constant 0 : i32
          %eq3A_1735 = vector.broadcast %eq3A_1734 : i32 to vector<16xi32>
          %eq3A_1736 = arith.cmpi eq, %and3A_1733, %eq3A_1735 : vector<16xi32>
          %eq3A_1737 = arith.xori %eq3A_1730, %eq3A_1736 : vector<16xi1>
          %eq3A_1738 = arith.constant dense<true> : vector<16xi1>
          %eq3A_1739 = arith.xori %eq3A_1737, %eq3A_1738 : vector<16xi1>
          %broadcast_in_dim3A_1740 = vector.shape_cast %xor3A_1724 : vector<16xi32> to vector<16x1xi32>
          %gather3A_1741 = vector.shape_cast %broadcast_in_dim3A_1740 : vector<16x1xi32> to vector<16xi32>
          %gather3A_1742 = tpu.dynamic_gather %select_n3A_1719[%gather3A_1741] in [0] : vector<16xf32>, vector<16xi32> -> vector<16xf32>
          %broadcast_in_dim3A_1743 = vector.shape_cast %xor3A_1724 : vector<16xi32> to vector<16x1xi32>
          %gather3A_1744 = vector.shape_cast %broadcast_in_dim3A_1743 : vector<16x1xi32> to vector<16xi32>
          %gather3A_1745 = tpu.dynamic_gather %select_n3A_1720[%gather3A_1744] in [0] : vector<16xi32>, vector<16xi32> -> vector<16xi32>
          %lt3A_1746 = arith.cmpf olt, %gather3A_1742, %select_n3A_1719 : vector<16xf32>
          %eq3A_1747 = arith.cmpf oeq, %gather3A_1742, %select_n3A_1719 : vector<16xf32>
          %lt3A_1748 = arith.cmpi slt, %gather3A_1745, %select_n3A_1720 : vector<16xi32>
          %and3A_1749 = arith.andi %eq3A_1747, %lt3A_1748 : vector<16xi1>
          %or3A_1750 = arith.ori %lt3A_1746, %and3A_1749 : vector<16xi1>
          %not3A_1751 = arith.constant dense<true> : vector<16xi1>
          %not3A_1752 = arith.xori %or3A_1750, %not3A_1751 : vector<16xi1>
          %select_n3A_1753 = arith.select %eq3A_1739, %or3A_1750, %not3A_1752 : vector<16xi1>, vector<16xi1>
          %select_n3A_1754 = arith.select %select_n3A_1753, %gather3A_1742, %select_n3A_1719 : vector<16xi1>, vector<16xf32>
          %select_n3A_1755 = arith.select %select_n3A_1753, %gather3A_1745, %select_n3A_1720 : vector<16xi1>, vector<16xi32>
          %iota3A_1756 = tpu.iota {dimensions = array<i32: 0>} : vector<16xi32>
          %xor3A_1757 = arith.constant 1 : i32
          %xor3A_1758 = vector.broadcast %xor3A_1757 : i32 to vector<16xi32>
          %xor3A_1759 = arith.xori %iota3A_1756, %xor3A_1758 : vector<16xi32>
          %and3A_1760 = arith.constant 32 : i32
          %and3A_1761 = vector.broadcast %and3A_1760 : i32 to vector<16xi32>
          %and3A_1762 = arith.andi %iota3A_1756, %and3A_1761 : vector<16xi32>
          %eq3A_1763 = arith.constant 0 : i32
          %eq3A_1764 = vector.broadcast %eq3A_1763 : i32 to vector<16xi32>
          %eq3A_1765 = arith.cmpi eq, %and3A_1762, %eq3A_1764 : vector<16xi32>
          %and3A_1766 = arith.constant 1 : i32
          %and3A_1767 = vector.broadcast %and3A_1766 : i32 to vector<16xi32>
          %and3A_1768 = arith.andi %iota3A_1756, %and3A_1767 : vector<16xi32>
          %eq3A_1769 = arith.constant 0 : i32
          %eq3A_1770 = vector.broadcast %eq3A_1769 : i32 to vector<16xi32>
          %eq3A_1771 = arith.cmpi eq, %and3A_1768, %eq3A_1770 : vector<16xi32>
          %eq3A_1772 = arith.xori %eq3A_1765, %eq3A_1771 : vector<16xi1>
          %eq3A_1773 = arith.constant dense<true> : vector<16xi1>
          %eq3A_1774 = arith.xori %eq3A_1772, %eq3A_1773 : vector<16xi1>
          %broadcast_in_dim3A_1775 = vector.shape_cast %xor3A_1759 : vector<16xi32> to vector<16x1xi32>
          %gather3A_1776 = vector.shape_cast %broadcast_in_dim3A_1775 : vector<16x1xi32> to vector<16xi32>
          %gather3A_1777 = tpu.dynamic_gather %select_n3A_1754[%gather3A_1776] in [0] : vector<16xf32>, vector<16xi32> -> vector<16xf32>
          %broadcast_in_dim3A_1778 = vector.shape_cast %xor3A_1759 : vector<16xi32> to vector<16x1xi32>
          %gather3A_1779 = vector.shape_cast %broadcast_in_dim3A_1778 : vector<16x1xi32> to vector<16xi32>
          %gather3A_1780 = tpu.dynamic_gather %select_n3A_1755[%gather3A_1779] in [0] : vector<16xi32>, vector<16xi32> -> vector<16xi32>
          %lt3A_1781 = arith.cmpf olt, %gather3A_1777, %select_n3A_1754 : vector<16xf32>
          %eq3A_1782 = arith.cmpf oeq, %gather3A_1777, %select_n3A_1754 : vector<16xf32>
          %lt3A_1783 = arith.cmpi slt, %gather3A_1780, %select_n3A_1755 : vector<16xi32>
          %and3A_1784 = arith.andi %eq3A_1782, %lt3A_1783 : vector<16xi1>
          %or3A_1785 = arith.ori %lt3A_1781, %and3A_1784 : vector<16xi1>
          %not3A_1786 = arith.constant dense<true> : vector<16xi1>
          %not3A_1787 = arith.xori %or3A_1785, %not3A_1786 : vector<16xi1>
          %select_n3A_1788 = arith.select %eq3A_1774, %or3A_1785, %not3A_1787 : vector<16xi1>, vector<16xi1>
          %select_n3A_1789 = arith.select %select_n3A_1788, %gather3A_1777, %select_n3A_1754 : vector<16xi1>, vector<16xf32>
          %select_n3A_1790 = arith.select %select_n3A_1788, %gather3A_1780, %select_n3A_1755 : vector<16xi1>, vector<16xi32>
          %iota3A_1791 = tpu.iota {dimensions = array<i32: 0>} : vector<16xi32>
          %xor3A_1792 = arith.constant 8 : i32
          %xor3A_1793 = vector.broadcast %xor3A_1792 : i32 to vector<16xi32>
          %xor3A_1794 = arith.xori %iota3A_1791, %xor3A_1793 : vector<16xi32>
          %and3A_1795 = arith.constant 32 : i32
          %and3A_1796 = vector.broadcast %and3A_1795 : i32 to vector<16xi32>
          %and3A_1797 = arith.andi %iota3A_1791, %and3A_1796 : vector<16xi32>
          %eq3A_1798 = arith.constant 0 : i32
          %eq3A_1799 = vector.broadcast %eq3A_1798 : i32 to vector<16xi32>
          %eq3A_1800 = arith.cmpi eq, %and3A_1797, %eq3A_1799 : vector<16xi32>
          %and3A_1801 = arith.constant 8 : i32
          %and3A_1802 = vector.broadcast %and3A_1801 : i32 to vector<16xi32>
          %and3A_1803 = arith.andi %iota3A_1791, %and3A_1802 : vector<16xi32>
          %eq3A_1804 = arith.constant 0 : i32
          %eq3A_1805 = vector.broadcast %eq3A_1804 : i32 to vector<16xi32>
          %eq3A_1806 = arith.cmpi eq, %and3A_1803, %eq3A_1805 : vector<16xi32>
          %eq3A_1807 = arith.xori %eq3A_1800, %eq3A_1806 : vector<16xi1>
          %eq3A_1808 = arith.constant dense<true> : vector<16xi1>
          %eq3A_1809 = arith.xori %eq3A_1807, %eq3A_1808 : vector<16xi1>
          %broadcast_in_dim3A_1810 = vector.shape_cast %xor3A_1794 : vector<16xi32> to vector<16x1xi32>
          %gather3A_1811 = vector.shape_cast %broadcast_in_dim3A_1810 : vector<16x1xi32> to vector<16xi32>
          %gather3A_1812 = tpu.dynamic_gather %select_n3A_1649[%gather3A_1811] in [0] : vector<16xf32>, vector<16xi32> -> vector<16xf32>
          %broadcast_in_dim3A_1813 = vector.shape_cast %xor3A_1794 : vector<16xi32> to vector<16x1xi32>
          %gather3A_1814 = vector.shape_cast %broadcast_in_dim3A_1813 : vector<16x1xi32> to vector<16xi32>
          %gather3A_1815 = tpu.dynamic_gather %select_n3A_1650[%gather3A_1814] in [0] : vector<16xi32>, vector<16xi32> -> vector<16xi32>
          %lt3A_1816 = arith.cmpf olt, %gather3A_1812, %select_n3A_1649 : vector<16xf32>
          %eq3A_1817 = arith.cmpf oeq, %gather3A_1812, %select_n3A_1649 : vector<16xf32>
          %lt3A_1818 = arith.cmpi slt, %gather3A_1815, %select_n3A_1650 : vector<16xi32>
          %and3A_1819 = arith.andi %eq3A_1817, %lt3A_1818 : vector<16xi1>
          %or3A_1820 = arith.ori %lt3A_1816, %and3A_1819 : vector<16xi1>
          %not3A_1821 = arith.constant dense<true> : vector<16xi1>
          %not3A_1822 = arith.xori %or3A_1820, %not3A_1821 : vector<16xi1>
          %select_n3A_1823 = arith.select %eq3A_1809, %or3A_1820, %not3A_1822 : vector<16xi1>, vector<16xi1>
          %select_n3A_1824 = arith.select %select_n3A_1823, %gather3A_1812, %select_n3A_1649 : vector<16xi1>, vector<16xf32>
          %select_n3A_1825 = arith.select %select_n3A_1823, %gather3A_1815, %select_n3A_1650 : vector<16xi1>, vector<16xi32>
          %iota3A_1826 = tpu.iota {dimensions = array<i32: 0>} : vector<16xi32>
          %xor3A_1827 = arith.constant 4 : i32
          %xor3A_1828 = vector.broadcast %xor3A_1827 : i32 to vector<16xi32>
          %xor3A_1829 = arith.xori %iota3A_1826, %xor3A_1828 : vector<16xi32>
          %and3A_1830 = arith.constant 32 : i32
          %and3A_1831 = vector.broadcast %and3A_1830 : i32 to vector<16xi32>
          %and3A_1832 = arith.andi %iota3A_1826, %and3A_1831 : vector<16xi32>
          %eq3A_1833 = arith.constant 0 : i32
          %eq3A_1834 = vector.broadcast %eq3A_1833 : i32 to vector<16xi32>
          %eq3A_1835 = arith.cmpi eq, %and3A_1832, %eq3A_1834 : vector<16xi32>
          %and3A_1836 = arith.constant 4 : i32
          %and3A_1837 = vector.broadcast %and3A_1836 : i32 to vector<16xi32>
          %and3A_1838 = arith.andi %iota3A_1826, %and3A_1837 : vector<16xi32>
          %eq3A_1839 = arith.constant 0 : i32
          %eq3A_1840 = vector.broadcast %eq3A_1839 : i32 to vector<16xi32>
          %eq3A_1841 = arith.cmpi eq, %and3A_1838, %eq3A_1840 : vector<16xi32>
          %eq3A_1842 = arith.xori %eq3A_1835, %eq3A_1841 : vector<16xi1>
          %eq3A_1843 = arith.constant dense<true> : vector<16xi1>
          %eq3A_1844 = arith.xori %eq3A_1842, %eq3A_1843 : vector<16xi1>
          %broadcast_in_dim3A_1845 = vector.shape_cast %xor3A_1829 : vector<16xi32> to vector<16x1xi32>
          %gather3A_1846 = vector.shape_cast %broadcast_in_dim3A_1845 : vector<16x1xi32> to vector<16xi32>
          %gather3A_1847 = tpu.dynamic_gather %select_n3A_1824[%gather3A_1846] in [0] : vector<16xf32>, vector<16xi32> -> vector<16xf32>
          %broadcast_in_dim3A_1848 = vector.shape_cast %xor3A_1829 : vector<16xi32> to vector<16x1xi32>
          %gather3A_1849 = vector.shape_cast %broadcast_in_dim3A_1848 : vector<16x1xi32> to vector<16xi32>
          %gather3A_1850 = tpu.dynamic_gather %select_n3A_1825[%gather3A_1849] in [0] : vector<16xi32>, vector<16xi32> -> vector<16xi32>
          %lt3A_1851 = arith.cmpf olt, %gather3A_1847, %select_n3A_1824 : vector<16xf32>
          %eq3A_1852 = arith.cmpf oeq, %gather3A_1847, %select_n3A_1824 : vector<16xf32>
          %lt3A_1853 = arith.cmpi slt, %gather3A_1850, %select_n3A_1825 : vector<16xi32>
          %and3A_1854 = arith.andi %eq3A_1852, %lt3A_1853 : vector<16xi1>
          %or3A_1855 = arith.ori %lt3A_1851, %and3A_1854 : vector<16xi1>
          %not3A_1856 = arith.constant dense<true> : vector<16xi1>
          %not3A_1857 = arith.xori %or3A_1855, %not3A_1856 : vector<16xi1>
          %select_n3A_1858 = arith.select %eq3A_1844, %or3A_1855, %not3A_1857 : vector<16xi1>, vector<16xi1>
          %select_n3A_1859 = arith.select %select_n3A_1858, %gather3A_1847, %select_n3A_1824 : vector<16xi1>, vector<16xf32>
          %select_n3A_1860 = arith.select %select_n3A_1858, %gather3A_1850, %select_n3A_1825 : vector<16xi1>, vector<16xi32>
          %iota3A_1861 = tpu.iota {dimensions = array<i32: 0>} : vector<16xi32>
          %xor3A_1862 = arith.constant 2 : i32
          %xor3A_1863 = vector.broadcast %xor3A_1862 : i32 to vector<16xi32>
          %xor3A_1864 = arith.xori %iota3A_1861, %xor3A_1863 : vector<16xi32>
          %and3A_1865 = arith.constant 32 : i32
          %and3A_1866 = vector.broadcast %and3A_1865 : i32 to vector<16xi32>
          %and3A_1867 = arith.andi %iota3A_1861, %and3A_1866 : vector<16xi32>
          %eq3A_1868 = arith.constant 0 : i32
          %eq3A_1869 = vector.broadcast %eq3A_1868 : i32 to vector<16xi32>
          %eq3A_1870 = arith.cmpi eq, %and3A_1867, %eq3A_1869 : vector<16xi32>
          %and3A_1871 = arith.constant 2 : i32
          %and3A_1872 = vector.broadcast %and3A_1871 : i32 to vector<16xi32>
          %and3A_1873 = arith.andi %iota3A_1861, %and3A_1872 : vector<16xi32>
          %eq3A_1874 = arith.constant 0 : i32
          %eq3A_1875 = vector.broadcast %eq3A_1874 : i32 to vector<16xi32>
          %eq3A_1876 = arith.cmpi eq, %and3A_1873, %eq3A_1875 : vector<16xi32>
          %eq3A_1877 = arith.xori %eq3A_1870, %eq3A_1876 : vector<16xi1>
          %eq3A_1878 = arith.constant dense<true> : vector<16xi1>
          %eq3A_1879 = arith.xori %eq3A_1877, %eq3A_1878 : vector<16xi1>
          %broadcast_in_dim3A_1880 = vector.shape_cast %xor3A_1864 : vector<16xi32> to vector<16x1xi32>
          %gather3A_1881 = vector.shape_cast %broadcast_in_dim3A_1880 : vector<16x1xi32> to vector<16xi32>
          %gather3A_1882 = tpu.dynamic_gather %select_n3A_1859[%gather3A_1881] in [0] : vector<16xf32>, vector<16xi32> -> vector<16xf32>
          %broadcast_in_dim3A_1883 = vector.shape_cast %xor3A_1864 : vector<16xi32> to vector<16x1xi32>
          %gather3A_1884 = vector.shape_cast %broadcast_in_dim3A_1883 : vector<16x1xi32> to vector<16xi32>
          %gather3A_1885 = tpu.dynamic_gather %select_n3A_1860[%gather3A_1884] in [0] : vector<16xi32>, vector<16xi32> -> vector<16xi32>
          %lt3A_1886 = arith.cmpf olt, %gather3A_1882, %select_n3A_1859 : vector<16xf32>
          %eq3A_1887 = arith.cmpf oeq, %gather3A_1882, %select_n3A_1859 : vector<16xf32>
          %lt3A_1888 = arith.cmpi slt, %gather3A_1885, %select_n3A_1860 : vector<16xi32>
          %and3A_1889 = arith.andi %eq3A_1887, %lt3A_1888 : vector<16xi1>
          %or3A_1890 = arith.ori %lt3A_1886, %and3A_1889 : vector<16xi1>
          %not3A_1891 = arith.constant dense<true> : vector<16xi1>
          %not3A_1892 = arith.xori %or3A_1890, %not3A_1891 : vector<16xi1>
          %select_n3A_1893 = arith.select %eq3A_1879, %or3A_1890, %not3A_1892 : vector<16xi1>, vector<16xi1>
          %select_n3A_1894 = arith.select %select_n3A_1893, %gather3A_1882, %select_n3A_1859 : vector<16xi1>, vector<16xf32>
          %select_n3A_1895 = arith.select %select_n3A_1893, %gather3A_1885, %select_n3A_1860 : vector<16xi1>, vector<16xi32>
          %iota3A_1896 = tpu.iota {dimensions = array<i32: 0>} : vector<16xi32>
          %xor3A_1897 = arith.constant 1 : i32
          %xor3A_1898 = vector.broadcast %xor3A_1897 : i32 to vector<16xi32>
          %xor3A_1899 = arith.xori %iota3A_1896, %xor3A_1898 : vector<16xi32>
          %and3A_1900 = arith.constant 32 : i32
          %and3A_1901 = vector.broadcast %and3A_1900 : i32 to vector<16xi32>
          %and3A_1902 = arith.andi %iota3A_1896, %and3A_1901 : vector<16xi32>
          %eq3A_1903 = arith.constant 0 : i32
          %eq3A_1904 = vector.broadcast %eq3A_1903 : i32 to vector<16xi32>
          %eq3A_1905 = arith.cmpi eq, %and3A_1902, %eq3A_1904 : vector<16xi32>
          %and3A_1906 = arith.constant 1 : i32
          %and3A_1907 = vector.broadcast %and3A_1906 : i32 to vector<16xi32>
          %and3A_1908 = arith.andi %iota3A_1896, %and3A_1907 : vector<16xi32>
          %eq3A_1909 = arith.constant 0 : i32
          %eq3A_1910 = vector.broadcast %eq3A_1909 : i32 to vector<16xi32>
          %eq3A_1911 = arith.cmpi eq, %and3A_1908, %eq3A_1910 : vector<16xi32>
          %eq3A_1912 = arith.xori %eq3A_1905, %eq3A_1911 : vector<16xi1>
          %eq3A_1913 = arith.constant dense<true> : vector<16xi1>
          %eq3A_1914 = arith.xori %eq3A_1912, %eq3A_1913 : vector<16xi1>
          %broadcast_in_dim3A_1915 = vector.shape_cast %xor3A_1899 : vector<16xi32> to vector<16x1xi32>
          %gather3A_1916 = vector.shape_cast %broadcast_in_dim3A_1915 : vector<16x1xi32> to vector<16xi32>
          %gather3A_1917 = tpu.dynamic_gather %select_n3A_1894[%gather3A_1916] in [0] : vector<16xf32>, vector<16xi32> -> vector<16xf32>
          %broadcast_in_dim3A_1918 = vector.shape_cast %xor3A_1899 : vector<16xi32> to vector<16x1xi32>
          %gather3A_1919 = vector.shape_cast %broadcast_in_dim3A_1918 : vector<16x1xi32> to vector<16xi32>
          %gather3A_1920 = tpu.dynamic_gather %select_n3A_1895[%gather3A_1919] in [0] : vector<16xi32>, vector<16xi32> -> vector<16xi32>
          %lt3A_1921 = arith.cmpf olt, %gather3A_1917, %select_n3A_1894 : vector<16xf32>
          %eq3A_1922 = arith.cmpf oeq, %gather3A_1917, %select_n3A_1894 : vector<16xf32>
          %lt3A_1923 = arith.cmpi slt, %gather3A_1920, %select_n3A_1895 : vector<16xi32>
          %and3A_1924 = arith.andi %eq3A_1922, %lt3A_1923 : vector<16xi1>
          %or3A_1925 = arith.ori %lt3A_1921, %and3A_1924 : vector<16xi1>
          %not3A_1926 = arith.constant dense<true> : vector<16xi1>
          %not3A_1927 = arith.xori %or3A_1925, %not3A_1926 : vector<16xi1>
          %select_n3A_1928 = arith.select %eq3A_1914, %or3A_1925, %not3A_1927 : vector<16xi1>, vector<16xi1>
          %select_n3A_1929 = arith.select %select_n3A_1928, %gather3A_1917, %select_n3A_1894 : vector<16xi1>, vector<16xf32>
          %select_n3A_1930 = arith.select %select_n3A_1928, %gather3A_1920, %select_n3A_1895 : vector<16xi1>, vector<16xi32>
          %get3A_1931 = arith.constant 16 : index
          %get3A_1932 = tpu.vector_load %arg11[%get3A_1931] {strides = array<i32>} : memref<48xf32, #tpu.memory_space<vmem>>, vector<16xf32>,
          %swap3A_1933 = arith.constant 0 : index
          %swap3A_1934 = tpu.vector_load %arg11[%swap3A_1933] {strides = array<i32>} : memref<48xf32, #tpu.memory_space<vmem>>, vector<16xf32>,
          tpu.vector_store %arg11[%swap3A_1933], %get3A_1932 {strides = array<i32>} : memref<48xf32, #tpu.memory_space<vmem>>, vector<16xf32>,
          %get3A_1935 = arith.constant 16 : index
          %get3A_1936 = tpu.vector_load %arg12[%get3A_1935] {strides = array<i32>} : memref<48xi32, #tpu.memory_space<vmem>>, vector<16xi32>,
          %swap3A_1937 = arith.constant 0 : index
          %swap3A_1938 = tpu.vector_load %arg12[%swap3A_1937] {strides = array<i32>} : memref<48xi32, #tpu.memory_space<vmem>>, vector<16xi32>,
          tpu.vector_store %arg12[%swap3A_1937], %get3A_1936 {strides = array<i32>} : memref<48xi32, #tpu.memory_space<vmem>>, vector<16xi32>,
          %get3A_1939 = arith.constant 0 : i32
          %get3A_1940 = arith.index_cast %get3A_1939 : i32 to index
          %get3A_1941 = memref.load %arg16[%get3A_1940] : memref<8xi32, #tpu.memory_space<smem>>
          %sub3A_1942 = arith.constant 16 : i32
          %sub3A_1943 = arith.subi %get3A_1941, %sub3A_1942 : i32
          %swap3A_1944 = arith.constant 0 : i32
          %swap3A_1945 = arith.index_cast %swap3A_1944 : i32 to index
          %swap3A_1946 = memref.load %arg16[%swap3A_1945] : memref<8xi32, #tpu.memory_space<smem>>
          memref.store %sub3A_1943, %arg16[%swap3A_1945] : memref<8xi32, #tpu.memory_space<smem>>
          %broadcast_in_dim3A_1947 = arith.constant 15 : i32
          %broadcast_in_dim3A_1948 = vector.broadcast %broadcast_in_dim3A_1947 : i32 to vector<16xi32>
          %broadcast_in_dim3A_1949 = vector.shape_cast %broadcast_in_dim3A_1948 : vector<16xi32> to vector<16x1xi32>
          %gather3A_1950 = vector.shape_cast %broadcast_in_dim3A_1949 : vector<16x1xi32> to vector<16xi32>
          %gather3A_1951 = tpu.dynamic_gather %select_n3A_1929[%gather3A_1950] in [0] : vector<16xf32>, vector<16xi32> -> vector<16xf32>
          scf.yield %select_n3A_1789, %select_n3A_1790, %select_n3A_1929, %select_n3A_1930, %gather3A_1951 : vector<16xf32>, vector<16xi32>, vector<16xf32>, vector<16xi32>, vector<16xf32>
        } else {
          scf.yield %cond3A_1200#0, %cond3A_1200#1, %cond3A_1200#2, %cond3A_1200#3, %cond3A_1200#4 : vector<16xf32>, vector<16xi32>, vector<16xf32>, vector<16xi32>, vector<16xf32>
        }
        %scan3A_1251 = arith.constant 3 : i32
        %scan3A_1252 = arith.addi %scan3A_1102, %scan3A_1251 : i32
        %mul3A_1253 = arith.constant 16 : i32
        %mul3A_1254 = arith.muli %scan3A_1252, %mul3A_1253 : i32
        %add3A_1255 = arith.constant 32 : i32
        %add3A_1256 = arith.addi %add3A_1255, %mul3A_1254 : i32
        %multiple_of3A_1257 = tpu.assume_multiple %add3A_1256, 16 : i32
        %get3A_1258 = arith.index_cast %multiple_of3A_1257 : i32 to index
        %get3A_1259 = tpu.vector_load %arg5[%get3A_1258] {strides = array<i32>} : memref<2112xf32, #tpu.memory_space<vmem>>, vector<16xf32>,
        %get3A_1260 = arith.index_cast %multiple_of3A_1257 : i32 to index
        %get3A_1261 = tpu.vector_load %arg6[%get3A_1260] {strides = array<i32>} : memref<2112xf32, #tpu.memory_space<vmem>>, vector<16xf32>,
        %get3A_1262 = arith.index_cast %multiple_of3A_1257 : i32 to index
        %get3A_1263 = tpu.vector_load %arg7[%get3A_1262] {strides = array<i32>} : memref<2112xf32, #tpu.memory_space<vmem>>, vector<16xf32>,
        %sub3A_1264 = arith.subf %get3A_1259, %gather3A_127 : vector<16xf32>
        %sub3A_1265 = arith.subf %get3A_1261, %gather3A_132 : vector<16xf32>
        %sub3A_1266 = arith.subf %get3A_1263, %gather3A_137 : vector<16xf32>
        %mul3A_1267 = arith.mulf %sub3A_1264, %sub3A_1264 : vector<16xf32>
        %mul3A_1268 = arith.mulf %sub3A_1265, %sub3A_1265 : vector<16xf32>
        %add3A_1269 = arith.addf %mul3A_1267, %mul3A_1268 : vector<16xf32>
        %mul3A_1270 = arith.mulf %sub3A_1266, %sub3A_1266 : vector<16xf32>
        %add3A_1271 = arith.addf %add3A_1269, %mul3A_1270 : vector<16xf32>
        %lt3A_1272 = arith.cmpf olt, %add3A_1271, %cond3A_1250#4 : vector<16xf32>
        %get3A_1273 = arith.constant 0 : i32
        %get3A_1274 = arith.index_cast %get3A_1273 : i32 to index
        %get3A_1275 = memref.load %arg16[%get3A_1274] : memref<8xi32, #tpu.memory_space<smem>>
        %convert_element_type3A_1276 = arith.extui %lt3A_1272 : vector<16xi1> to vector<16xi32>
        %cumsum3A_1277 = arith.constant true
        %cumsum3A_1278 = vector.broadcast %cumsum3A_1277 : i1 to vector<16xi1>
        %cumsum3A_1279 = tpu.scan <sum>, %convert_element_type3A_1276 masked %cumsum3A_1278 : vector<16xi32>, vector<16xi1> -> vector<16xi32>
        %add3A_1280 = vector.broadcast %get3A_1275 : i32 to vector<16xi32>
        %add3A_1281 = arith.addi %add3A_1280, %cumsum3A_1279 : vector<16xi32>
        %sub3A_1282 = arith.constant 1 : i32
        %sub3A_1283 = vector.broadcast %sub3A_1282 : i32 to vector<16xi32>
        %sub3A_1284 = arith.subi %add3A_1281, %sub3A_1283 : vector<16xi32>
        %add3A_1285 = vector.broadcast %multiple_of3A_1257 : i32 to vector<16xi32>
        %add3A_1286 = arith.addi %add3A_1285, %iota3A : vector<16xi32>
        tpu.vector_store_idx %arg11[%sub3A_1284], %add3A_1271 masked %lt3A_1272 : memref<48xf32, #tpu.memory_space<vmem>>[vector<16xi32>], vector<16xf32>, vector<16xi1>
        tpu.vector_store_idx %arg12[%sub3A_1284], %add3A_1286 masked %lt3A_1272 : memref<48xi32, #tpu.memory_space<vmem>>[vector<16xi32>], vector<16xi32>, vector<16xi1>
        %all_reduce_population_count3A_1287 = tpu.all_reduce %lt3A_1272 {dim = 0 : i64, kind = #tpu.reduction_kind<sum>} : vector<16xi1> -> vector<16xi32>
        %slice3A_1288 = vector.extract_strided_slice %all_reduce_population_count3A_1287 {offsets = [0], sizes = [1], strides = [1]} : vector<16xi32> to vector<1xi32>
        %squeeze3A_1289 = vector.extract %slice3A_1288[0] : i32 from vector<1xi32>
        %add3A_1290 = arith.addi %get3A_1275, %squeeze3A_1289 : i32
        %swap3A_1291 = arith.constant 0 : i32
        %swap3A_1292 = arith.index_cast %swap3A_1291 : i32 to index
        %swap3A_1293 = memref.load %arg16[%swap3A_1292] : memref<8xi32, #tpu.memory_space<smem>>
        memref.store %add3A_1290, %arg16[%swap3A_1292] : memref<8xi32, #tpu.memory_space<smem>>
        %add3A_1294 = arith.addi %get3A_1275, %squeeze3A_1289 : i32
        %ge3A_1295 = arith.constant 16 : i32
        %ge3A_1296 = arith.cmpi sge, %add3A_1294, %ge3A_1295 : i32
        %convert_element_type3A_1297 = arith.extui %ge3A_1296 : i1 to i32
        %cond3A_1298 = arith.constant 0 : i32
        %cond3A_1299 = arith.cmpi ne, %convert_element_type3A_1297, %cond3A_1298 : i32
        %cond3A_1300:5 = scf.if %cond3A_1299 -> (vector<16xf32>, vector<16xi32>, vector<16xf32>, vector<16xi32>, vector<16xf32>) {
          %get3A_1401 = arith.constant 0 : index
          %get3A_1402 = tpu.vector_load %arg11[%get3A_1401] {strides = array<i32>} : memref<48xf32, #tpu.memory_space<vmem>>, vector<16xf32>,
          %get3A_1403 = arith.constant 0 : index
          %get3A_1404 = tpu.vector_load %arg12[%get3A_1403] {strides = array<i32>} : memref<48xi32, #tpu.memory_space<vmem>>, vector<16xi32>,
          %masked_sort3A_1405 = arith.constant dense<true> : vector<16xi1>
          %masked_sort3A_1406, %masked_sort3A_1407, %masked_sort3A_1408 = tpu.sort %get3A_1402, %get3A_1404 masked %masked_sort3A_1405 : (vector<16xf32>, vector<16xi32>, vector<16xi1>) -> (vector<16xi1>, vector<16xf32>, vector<16xi32>)
          %iota3A_1409 = tpu.iota {dimensions = array<i32: 0>} : vector<16xi32>
          %xor3A_1410 = arith.constant 1 : i32
          %xor3A_1411 = vector.broadcast %xor3A_1410 : i32 to vector<16xi32>
          %xor3A_1412 = arith.xori %iota3A_1409, %xor3A_1411 : vector<16xi32>
          %and3A_1413 = arith.constant 1 : i32
          %and3A_1414 = vector.broadcast %and3A_1413 : i32 to vector<16xi32>
          %and3A_1415 = arith.andi %iota3A_1409, %and3A_1414 : vector<16xi32>
          %broadcast_in_dim3A_1416 = vector.shape_cast %xor3A_1412 : vector<16xi32> to vector<16x1xi32>
          %gather3A_1417 = vector.shape_cast %broadcast_in_dim3A_1416 : vector<16x1xi32> to vector<16xi32>
          %gather3A_1418 = tpu.dynamic_gather %masked_sort3A_1407[%gather3A_1417] in [0] : vector<16xf32>, vector<16xi32> -> vector<16xf32>
          %broadcast_in_dim3A_1419 = vector.shape_cast %xor3A_1412 : vector<16xi32> to vector<16x1xi32>
          %gather3A_1420 = vector.shape_cast %broadcast_in_dim3A_1419 : vector<16x1xi32> to vector<16xi32>
          %gather3A_1421 = tpu.dynamic_gather %masked_sort3A_1408[%gather3A_1420] in [0] : vector<16xi32>, vector<16xi32> -> vector<16xi32>
          %lt3A_1422 = arith.cmpf olt, %gather3A_1418, %masked_sort3A_1407 : vector<16xf32>
          %eq3A_1423 = arith.cmpf oeq, %gather3A_1418, %masked_sort3A_1407 : vector<16xf32>
          %lt3A_1424 = arith.cmpi slt, %gather3A_1421, %masked_sort3A_1408 : vector<16xi32>
          %and3A_1425 = arith.andi %eq3A_1423, %lt3A_1424 : vector<16xi1>
          %or3A_1426 = arith.ori %lt3A_1422, %and3A_1425 : vector<16xi1>
          %convert_element_type3A_1427 = arith.extui %or3A_1426 : vector<16xi1> to vector<16xi32>
          %xor3A_1428 = arith.xori %convert_element_type3A_1427, %and3A_1415 : vector<16xi32>
          %ne3A_1429 = arith.constant 0 : i32
          %ne3A_1430 = vector.broadcast %ne3A_1429 : i32 to vector<16xi32>
          %ne3A_1431 = arith.cmpi ne, %xor3A_1428, %ne3A_1430 : vector<16xi32>
          %select_n3A_1432 = arith.select %ne3A_1431, %gather3A_1418, %masked_sort3A_1407 : vector<16xi1>, vector<16xf32>
          %select_n3A_1433 = arith.select %ne3A_1431, %gather3A_1421, %masked_sort3A_1408 : vector<16xi1>, vector<16xi32>
          %add3A_1434 = arith.constant 1 : i32
          %add3A_1435 = vector.broadcast %add3A_1434 : i32 to vector<16xi32>
          %add3A_1436 = arith.addi %iota3A_1409, %add3A_1435 : vector<16xi32>
          %xor3A_1437 = arith.constant 1 : i32
          %xor3A_1438 = vector.broadcast %xor3A_1437 : i32 to vector<16xi32>
          %xor3A_1439 = arith.xori %add3A_1436, %xor3A_1438 : vector<16xi32>
          %sub3A_1440 = arith.constant 1 : i32
          %sub3A_1441 = vector.broadcast %sub3A_1440 : i32 to vector<16xi32>
          %sub3A_1442 = arith.subi %xor3A_1439, %sub3A_1441 : vector<16xi32>
          %jit3A_1443 = arith.constant 0 : i32
          %jit3A_1444 = arith.constant 15 : i32
          %max3A_1445 = vector.broadcast %jit3A_1443 : i32 to vector<16xi32>
          %max3A_1446 = arith.maxsi %max3A_1445, %sub3A_1442 : vector<16xi32>
          %min3A_1447 = vector.broadcast %jit3A_1444 : i32 to vector<16xi32>
          %min3A_1448 = arith.minsi %min3A_1447, %max3A_1446 : vector<16xi32>
          %and3A_1449 = arith.constant 1 : i32
          %and3A_1450 = vector.broadcast %and3A_1449 : i32 to vector<16xi32>
          %and3A_1451 = arith.andi %iota3A_1409, %and3A_1450 : vector<16xi32>
          %xor3A_1452 = arith.constant 1 : i32
          %xor3A_1453 = vector.broadcast %xor3A_1452 : i32 to vector<16xi32>
          %xor3A_1454 = arith.xori %and3A_1451, %xor3A_1453 : vector<16xi32>
          %broadcast_in_dim3A_1455 = vector.shape_cast %min3A_1448 : vector<16xi32> to vector<16x1xi32>
          %gather3A_1456 = vector.shape_cast %broadcast_in_dim3A_1455 : vector<16x1xi32> to vector<16xi32>
          %gather3A_1457 = tpu.dynamic_gather %select_n3A_1432[%gather3A_1456] in [0] : vector<16xf32>, vector<16xi32> -> vector<16xf32>
          %broadcast_in_dim3A_1458 = vector.shape_cast %min3A_1448 : vector<16xi32> to vector<16x1xi32>
          %gather3A_1459 = vector.shape_cast %broadcast_in_dim3A_1458 : vector<16x1xi32> to vector<16xi32>
          %gather3A_1460 = tpu.dynamic_gather %select_n3A_1433[%gather3A_1459] in [0] : vector<16xi32>, vector<16xi32> -> vector<16xi32>
          %lt3A_1461 = arith.cmpf olt, %gather3A_1457, %select_n3A_1432 : vector<16xf32>
          %eq3A_1462 = arith.cmpf oeq, %gather3A_1457, %select_n3A_1432 : vector<16xf32>
          %lt3A_1463 = arith.cmpi slt, %gather3A_1460, %select_n3A_1433 : vector<16xi32>
          %and3A_1464 = arith.andi %eq3A_1462, %lt3A_1463 : vector<16xi1>
          %or3A_1465 = arith.ori %lt3A_1461, %and3A_1464 : vector<16xi1>
          %convert_element_type3A_1466 = arith.extui %or3A_1465 : vector<16xi1> to vector<16xi32>
          %xor3A_1467 = arith.xori %convert_element_type3A_1466, %xor3A_1454 : vector<16xi32>
          %ne3A_1468 = arith.constant 0 : i32
          %ne3A_1469 = vector.broadcast %ne3A_1468 : i32 to vector<16xi32>
          %ne3A_1470 = arith.cmpi ne, %xor3A_1467, %ne3A_1469 : vector<16xi32>
          %select_n3A_1471 = arith.select %ne3A_1470, %gather3A_1457, %select_n3A_1432 : vector<16xi1>, vector<16xf32>
          %select_n3A_1472 = arith.select %ne3A_1470, %gather3A_1460, %select_n3A_1433 : vector<16xi1>, vector<16xi32>
          %rev3A_1473 = arith.constant 15 : i32
          %rev3A_1474 = vector.broadcast %rev3A_1473 : i32 to vector<16xi32>
          %rev3A_1475 = tpu.iota {dimensions = array<i32: 0>} : vector<16xi32>
          %rev3A_1476 = arith.subi %rev3A_1474, %rev3A_1475 : vector<16xi32>
          %rev3A_1477 = tpu.dynamic_gather %select_n3A_1471[%rev3A_1476] in [0] : vector<16xf32>, vector<16xi32> -> vector<16xf32>
          %rev3A_1478 = arith.constant 15 : i32
          %rev3A_1479 = vector.broadcast %rev3A_1478 : i32 to vector<16xi32>
          %rev3A_1480 = tpu.iota {dimensions = array<i32: 0>} : vector<16xi32>
          %rev3A_1481 = arith.subi %rev3A_1479, %rev3A_1480 : vector<16xi32>
          %rev3A_1482 = tpu.dynamic_gather %select_n3A_1472[%rev3A_1481] in [0] : vector<16xi32>, vector<16xi32> -> vector<16xi32>
          %lt3A_1483 = arith.cmpf olt, %rev3A_1477, %cond3A_1250#2 : vector<16xf32>
          %eq3A_1484 = arith.cmpf oeq, %rev3A_1477, %cond3A_1250#2 : vector<16xf32>
          %lt3A_1485 = arith.cmpi slt, %rev3A_1482, %cond3A_1250#3 : vector<16xi32>
          %and3A_1486 = arith.andi %eq3A_1484, %lt3A_1485 : vector<16xi1>
          %or3A_1487 = arith.ori %lt3A_1483, %and3A_1486 : vector<16xi1>
          %select_n3A_1488 = arith.select %or3A_1487, %rev3A_1477, %cond3A_1250#2 : vector<16xi1>, vector<16xf32>
          %select_n3A_1489 = arith.select %or3A_1487, %rev3A_1482, %cond3A_1250#3 : vector<16xi1>, vector<16xi32>
          %select_n3A_1490 = arith.select %or3A_1487, %cond3A_1250#2, %rev3A_1477 : vector<16xi1>, vector<16xf32>
          %select_n3A_1491 = arith.select %or3A_1487, %cond3A_1250#3, %rev3A_1482 : vector<16xi1>, vector<16xi32>
          %iota3A_1492 = tpu.iota {dimensions = array<i32: 0>} : vector<16xi32>
          %xor3A_1493 = arith.constant 8 : i32
          %xor3A_1494 = vector.broadcast %xor3A_1493 : i32 to vector<16xi32>
          %xor3A_1495 = arith.xori %iota3A_1492, %xor3A_1494 : vector<16xi32>
          %and3A_1496 = arith.constant 32 : i32
          %and3A_1497 = vector.broadcast %and3A_1496 : i32 to vector<16xi32>
          %and3A_1498 = arith.andi %iota3A_1492, %and3A_1497 : vector<16xi32>
          %eq3A_1499 = arith.constant 0 : i32
          %eq3A_1500 = vector.broadcast %eq3A_1499 : i32 to vector<16xi32>
          %eq3A_1501 = arith.cmpi eq, %and3A_1498, %eq3A_1500 : vector<16xi32>
          %and3A_1502 = arith.constant 8 : i32
          %and3A_1503 = vector.broadcast %and3A_1502 : i32 to vector<16xi32>
          %and3A_1504 = arith.andi %iota3A_1492, %and3A_1503 : vector<16xi32>
          %eq3A_1505 = arith.constant 0 : i32
          %eq3A_1506 = vector.broadcast %eq3A_1505 : i32 to vector<16xi32>
          %eq3A_1507 = arith.cmpi eq, %and3A_1504, %eq3A_1506 : vector<16xi32>
          %eq3A_1508 = arith.xori %eq3A_1501, %eq3A_1507 : vector<16xi1>
          %eq3A_1509 = arith.constant dense<true> : vector<16xi1>
          %eq3A_1510 = arith.xori %eq3A_1508, %eq3A_1509 : vector<16xi1>
          %broadcast_in_dim3A_1511 = vector.shape_cast %xor3A_1495 : vector<16xi32> to vector<16x1xi32>
          %gather3A_1512 = vector.shape_cast %broadcast_in_dim3A_1511 : vector<16x1xi32> to vector<16xi32>
          %gather3A_1513 = tpu.dynamic_gather %select_n3A_1488[%gather3A_1512] in [0] : vector<16xf32>, vector<16xi32> -> vector<16xf32>
          %broadcast_in_dim3A_1514 = vector.shape_cast %xor3A_1495 : vector<16xi32> to vector<16x1xi32>
          %gather3A_1515 = vector.shape_cast %broadcast_in_dim3A_1514 : vector<16x1xi32> to vector<16xi32>
          %gather3A_1516 = tpu.dynamic_gather %select_n3A_1489[%gather3A_1515] in [0] : vector<16xi32>, vector<16xi32> -> vector<16xi32>
          %lt3A_1517 = arith.cmpf olt, %gather3A_1513, %select_n3A_1488 : vector<16xf32>
          %eq3A_1518 = arith.cmpf oeq, %gather3A_1513, %select_n3A_1488 : vector<16xf32>
          %lt3A_1519 = arith.cmpi slt, %gather3A_1516, %select_n3A_1489 : vector<16xi32>
          %and3A_1520 = arith.andi %eq3A_1518, %lt3A_1519 : vector<16xi1>
          %or3A_1521 = arith.ori %lt3A_1517, %and3A_1520 : vector<16xi1>
          %not3A_1522 = arith.constant dense<true> : vector<16xi1>
          %not3A_1523 = arith.xori %or3A_1521, %not3A_1522 : vector<16xi1>
          %select_n3A_1524 = arith.select %eq3A_1510, %or3A_1521, %not3A_1523 : vector<16xi1>, vector<16xi1>
          %select_n3A_1525 = arith.select %select_n3A_1524, %gather3A_1513, %select_n3A_1488 : vector<16xi1>, vector<16xf32>
          %select_n3A_1526 = arith.select %select_n3A_1524, %gather3A_1516, %select_n3A_1489 : vector<16xi1>, vector<16xi32>
          %iota3A_1527 = tpu.iota {dimensions = array<i32: 0>} : vector<16xi32>
          %xor3A_1528 = arith.constant 4 : i32
          %xor3A_1529 = vector.broadcast %xor3A_1528 : i32 to vector<16xi32>
          %xor3A_1530 = arith.xori %iota3A_1527, %xor3A_1529 : vector<16xi32>
          %and3A_1531 = arith.constant 32 : i32
          %and3A_1532 = vector.broadcast %and3A_1531 : i32 to vector<16xi32>
          %and3A_1533 = arith.andi %iota3A_1527, %and3A_1532 : vector<16xi32>
          %eq3A_1534 = arith.constant 0 : i32
          %eq3A_1535 = vector.broadcast %eq3A_1534 : i32 to vector<16xi32>
          %eq3A_1536 = arith.cmpi eq, %and3A_1533, %eq3A_1535 : vector<16xi32>
          %and3A_1537 = arith.constant 4 : i32
          %and3A_1538 = vector.broadcast %and3A_1537 : i32 to vector<16xi32>
          %and3A_1539 = arith.andi %iota3A_1527, %and3A_1538 : vector<16xi32>
          %eq3A_1540 = arith.constant 0 : i32
          %eq3A_1541 = vector.broadcast %eq3A_1540 : i32 to vector<16xi32>
          %eq3A_1542 = arith.cmpi eq, %and3A_1539, %eq3A_1541 : vector<16xi32>
          %eq3A_1543 = arith.xori %eq3A_1536, %eq3A_1542 : vector<16xi1>
          %eq3A_1544 = arith.constant dense<true> : vector<16xi1>
          %eq3A_1545 = arith.xori %eq3A_1543, %eq3A_1544 : vector<16xi1>
          %broadcast_in_dim3A_1546 = vector.shape_cast %xor3A_1530 : vector<16xi32> to vector<16x1xi32>
          %gather3A_1547 = vector.shape_cast %broadcast_in_dim3A_1546 : vector<16x1xi32> to vector<16xi32>
          %gather3A_1548 = tpu.dynamic_gather %select_n3A_1525[%gather3A_1547] in [0] : vector<16xf32>, vector<16xi32> -> vector<16xf32>
          %broadcast_in_dim3A_1549 = vector.shape_cast %xor3A_1530 : vector<16xi32> to vector<16x1xi32>
          %gather3A_1550 = vector.shape_cast %broadcast_in_dim3A_1549 : vector<16x1xi32> to vector<16xi32>
          %gather3A_1551 = tpu.dynamic_gather %select_n3A_1526[%gather3A_1550] in [0] : vector<16xi32>, vector<16xi32> -> vector<16xi32>
          %lt3A_1552 = arith.cmpf olt, %gather3A_1548, %select_n3A_1525 : vector<16xf32>
          %eq3A_1553 = arith.cmpf oeq, %gather3A_1548, %select_n3A_1525 : vector<16xf32>
          %lt3A_1554 = arith.cmpi slt, %gather3A_1551, %select_n3A_1526 : vector<16xi32>
          %and3A_1555 = arith.andi %eq3A_1553, %lt3A_1554 : vector<16xi1>
          %or3A_1556 = arith.ori %lt3A_1552, %and3A_1555 : vector<16xi1>
          %not3A_1557 = arith.constant dense<true> : vector<16xi1>
          %not3A_1558 = arith.xori %or3A_1556, %not3A_1557 : vector<16xi1>
          %select_n3A_1559 = arith.select %eq3A_1545, %or3A_1556, %not3A_1558 : vector<16xi1>, vector<16xi1>
          %select_n3A_1560 = arith.select %select_n3A_1559, %gather3A_1548, %select_n3A_1525 : vector<16xi1>, vector<16xf32>
          %select_n3A_1561 = arith.select %select_n3A_1559, %gather3A_1551, %select_n3A_1526 : vector<16xi1>, vector<16xi32>
          %iota3A_1562 = tpu.iota {dimensions = array<i32: 0>} : vector<16xi32>
          %xor3A_1563 = arith.constant 2 : i32
          %xor3A_1564 = vector.broadcast %xor3A_1563 : i32 to vector<16xi32>
          %xor3A_1565 = arith.xori %iota3A_1562, %xor3A_1564 : vector<16xi32>
          %and3A_1566 = arith.constant 32 : i32
          %and3A_1567 = vector.broadcast %and3A_1566 : i32 to vector<16xi32>
          %and3A_1568 = arith.andi %iota3A_1562, %and3A_1567 : vector<16xi32>
          %eq3A_1569 = arith.constant 0 : i32
          %eq3A_1570 = vector.broadcast %eq3A_1569 : i32 to vector<16xi32>
          %eq3A_1571 = arith.cmpi eq, %and3A_1568, %eq3A_1570 : vector<16xi32>
          %and3A_1572 = arith.constant 2 : i32
          %and3A_1573 = vector.broadcast %and3A_1572 : i32 to vector<16xi32>
          %and3A_1574 = arith.andi %iota3A_1562, %and3A_1573 : vector<16xi32>
          %eq3A_1575 = arith.constant 0 : i32
          %eq3A_1576 = vector.broadcast %eq3A_1575 : i32 to vector<16xi32>
          %eq3A_1577 = arith.cmpi eq, %and3A_1574, %eq3A_1576 : vector<16xi32>
          %eq3A_1578 = arith.xori %eq3A_1571, %eq3A_1577 : vector<16xi1>
          %eq3A_1579 = arith.constant dense<true> : vector<16xi1>
          %eq3A_1580 = arith.xori %eq3A_1578, %eq3A_1579 : vector<16xi1>
          %broadcast_in_dim3A_1581 = vector.shape_cast %xor3A_1565 : vector<16xi32> to vector<16x1xi32>
          %gather3A_1582 = vector.shape_cast %broadcast_in_dim3A_1581 : vector<16x1xi32> to vector<16xi32>
          %gather3A_1583 = tpu.dynamic_gather %select_n3A_1560[%gather3A_1582] in [0] : vector<16xf32>, vector<16xi32> -> vector<16xf32>
          %broadcast_in_dim3A_1584 = vector.shape_cast %xor3A_1565 : vector<16xi32> to vector<16x1xi32>
          %gather3A_1585 = vector.shape_cast %broadcast_in_dim3A_1584 : vector<16x1xi32> to vector<16xi32>
          %gather3A_1586 = tpu.dynamic_gather %select_n3A_1561[%gather3A_1585] in [0] : vector<16xi32>, vector<16xi32> -> vector<16xi32>
          %lt3A_1587 = arith.cmpf olt, %gather3A_1583, %select_n3A_1560 : vector<16xf32>
          %eq3A_1588 = arith.cmpf oeq, %gather3A_1583, %select_n3A_1560 : vector<16xf32>
          %lt3A_1589 = arith.cmpi slt, %gather3A_1586, %select_n3A_1561 : vector<16xi32>
          %and3A_1590 = arith.andi %eq3A_1588, %lt3A_1589 : vector<16xi1>
          %or3A_1591 = arith.ori %lt3A_1587, %and3A_1590 : vector<16xi1>
          %not3A_1592 = arith.constant dense<true> : vector<16xi1>
          %not3A_1593 = arith.xori %or3A_1591, %not3A_1592 : vector<16xi1>
          %select_n3A_1594 = arith.select %eq3A_1580, %or3A_1591, %not3A_1593 : vector<16xi1>, vector<16xi1>
          %select_n3A_1595 = arith.select %select_n3A_1594, %gather3A_1583, %select_n3A_1560 : vector<16xi1>, vector<16xf32>
          %select_n3A_1596 = arith.select %select_n3A_1594, %gather3A_1586, %select_n3A_1561 : vector<16xi1>, vector<16xi32>
          %iota3A_1597 = tpu.iota {dimensions = array<i32: 0>} : vector<16xi32>
          %xor3A_1598 = arith.constant 1 : i32
          %xor3A_1599 = vector.broadcast %xor3A_1598 : i32 to vector<16xi32>
          %xor3A_1600 = arith.xori %iota3A_1597, %xor3A_1599 : vector<16xi32>
          %and3A_1601 = arith.constant 32 : i32
          %and3A_1602 = vector.broadcast %and3A_1601 : i32 to vector<16xi32>
          %and3A_1603 = arith.andi %iota3A_1597, %and3A_1602 : vector<16xi32>
          %eq3A_1604 = arith.constant 0 : i32
          %eq3A_1605 = vector.broadcast %eq3A_1604 : i32 to vector<16xi32>
          %eq3A_1606 = arith.cmpi eq, %and3A_1603, %eq3A_1605 : vector<16xi32>
          %and3A_1607 = arith.constant 1 : i32
          %and3A_1608 = vector.broadcast %and3A_1607 : i32 to vector<16xi32>
          %and3A_1609 = arith.andi %iota3A_1597, %and3A_1608 : vector<16xi32>
          %eq3A_1610 = arith.constant 0 : i32
          %eq3A_1611 = vector.broadcast %eq3A_1610 : i32 to vector<16xi32>
          %eq3A_1612 = arith.cmpi eq, %and3A_1609, %eq3A_1611 : vector<16xi32>
          %eq3A_1613 = arith.xori %eq3A_1606, %eq3A_1612 : vector<16xi1>
          %eq3A_1614 = arith.constant dense<true> : vector<16xi1>
          %eq3A_1615 = arith.xori %eq3A_1613, %eq3A_1614 : vector<16xi1>
          %broadcast_in_dim3A_1616 = vector.shape_cast %xor3A_1600 : vector<16xi32> to vector<16x1xi32>
          %gather3A_1617 = vector.shape_cast %broadcast_in_dim3A_1616 : vector<16x1xi32> to vector<16xi32>
          %gather3A_1618 = tpu.dynamic_gather %select_n3A_1595[%gather3A_1617] in [0] : vector<16xf32>, vector<16xi32> -> vector<16xf32>
          %broadcast_in_dim3A_1619 = vector.shape_cast %xor3A_1600 : vector<16xi32> to vector<16x1xi32>
          %gather3A_1620 = vector.shape_cast %broadcast_in_dim3A_1619 : vector<16x1xi32> to vector<16xi32>
          %gather3A_1621 = tpu.dynamic_gather %select_n3A_1596[%gather3A_1620] in [0] : vector<16xi32>, vector<16xi32> -> vector<16xi32>
          %lt3A_1622 = arith.cmpf olt, %gather3A_1618, %select_n3A_1595 : vector<16xf32>
          %eq3A_1623 = arith.cmpf oeq, %gather3A_1618, %select_n3A_1595 : vector<16xf32>
          %lt3A_1624 = arith.cmpi slt, %gather3A_1621, %select_n3A_1596 : vector<16xi32>
          %and3A_1625 = arith.andi %eq3A_1623, %lt3A_1624 : vector<16xi1>
          %or3A_1626 = arith.ori %lt3A_1622, %and3A_1625 : vector<16xi1>
          %not3A_1627 = arith.constant dense<true> : vector<16xi1>
          %not3A_1628 = arith.xori %or3A_1626, %not3A_1627 : vector<16xi1>
          %select_n3A_1629 = arith.select %eq3A_1615, %or3A_1626, %not3A_1628 : vector<16xi1>, vector<16xi1>
          %select_n3A_1630 = arith.select %select_n3A_1629, %gather3A_1618, %select_n3A_1595 : vector<16xi1>, vector<16xf32>
          %select_n3A_1631 = arith.select %select_n3A_1629, %gather3A_1621, %select_n3A_1596 : vector<16xi1>, vector<16xi32>
          %rev3A_1632 = arith.constant 15 : i32
          %rev3A_1633 = vector.broadcast %rev3A_1632 : i32 to vector<16xi32>
          %rev3A_1634 = tpu.iota {dimensions = array<i32: 0>} : vector<16xi32>
          %rev3A_1635 = arith.subi %rev3A_1633, %rev3A_1634 : vector<16xi32>
          %rev3A_1636 = tpu.dynamic_gather %select_n3A_1630[%rev3A_1635] in [0] : vector<16xf32>, vector<16xi32> -> vector<16xf32>
          %rev3A_1637 = arith.constant 15 : i32
          %rev3A_1638 = vector.broadcast %rev3A_1637 : i32 to vector<16xi32>
          %rev3A_1639 = tpu.iota {dimensions = array<i32: 0>} : vector<16xi32>
          %rev3A_1640 = arith.subi %rev3A_1638, %rev3A_1639 : vector<16xi32>
          %rev3A_1641 = tpu.dynamic_gather %select_n3A_1631[%rev3A_1640] in [0] : vector<16xi32>, vector<16xi32> -> vector<16xi32>
          %lt3A_1642 = arith.cmpf olt, %rev3A_1636, %cond3A_1250#0 : vector<16xf32>
          %eq3A_1643 = arith.cmpf oeq, %rev3A_1636, %cond3A_1250#0 : vector<16xf32>
          %lt3A_1644 = arith.cmpi slt, %rev3A_1641, %cond3A_1250#1 : vector<16xi32>
          %and3A_1645 = arith.andi %eq3A_1643, %lt3A_1644 : vector<16xi1>
          %or3A_1646 = arith.ori %lt3A_1642, %and3A_1645 : vector<16xi1>
          %select_n3A_1647 = arith.select %or3A_1646, %rev3A_1636, %cond3A_1250#0 : vector<16xi1>, vector<16xf32>
          %select_n3A_1648 = arith.select %or3A_1646, %rev3A_1641, %cond3A_1250#1 : vector<16xi1>, vector<16xi32>
          %select_n3A_1649 = arith.select %or3A_1646, %cond3A_1250#0, %rev3A_1636 : vector<16xi1>, vector<16xf32>
          %select_n3A_1650 = arith.select %or3A_1646, %cond3A_1250#1, %rev3A_1641 : vector<16xi1>, vector<16xi32>
          %iota3A_1651 = tpu.iota {dimensions = array<i32: 0>} : vector<16xi32>
          %xor3A_1652 = arith.constant 8 : i32
          %xor3A_1653 = vector.broadcast %xor3A_1652 : i32 to vector<16xi32>
          %xor3A_1654 = arith.xori %iota3A_1651, %xor3A_1653 : vector<16xi32>
          %and3A_1655 = arith.constant 32 : i32
          %and3A_1656 = vector.broadcast %and3A_1655 : i32 to vector<16xi32>
          %and3A_1657 = arith.andi %iota3A_1651, %and3A_1656 : vector<16xi32>
          %eq3A_1658 = arith.constant 0 : i32
          %eq3A_1659 = vector.broadcast %eq3A_1658 : i32 to vector<16xi32>
          %eq3A_1660 = arith.cmpi eq, %and3A_1657, %eq3A_1659 : vector<16xi32>
          %and3A_1661 = arith.constant 8 : i32
          %and3A_1662 = vector.broadcast %and3A_1661 : i32 to vector<16xi32>
          %and3A_1663 = arith.andi %iota3A_1651, %and3A_1662 : vector<16xi32>
          %eq3A_1664 = arith.constant 0 : i32
          %eq3A_1665 = vector.broadcast %eq3A_1664 : i32 to vector<16xi32>
          %eq3A_1666 = arith.cmpi eq, %and3A_1663, %eq3A_1665 : vector<16xi32>
          %eq3A_1667 = arith.xori %eq3A_1660, %eq3A_1666 : vector<16xi1>
          %eq3A_1668 = arith.constant dense<true> : vector<16xi1>
          %eq3A_1669 = arith.xori %eq3A_1667, %eq3A_1668 : vector<16xi1>
          %broadcast_in_dim3A_1670 = vector.shape_cast %xor3A_1654 : vector<16xi32> to vector<16x1xi32>
          %gather3A_1671 = vector.shape_cast %broadcast_in_dim3A_1670 : vector<16x1xi32> to vector<16xi32>
          %gather3A_1672 = tpu.dynamic_gather %select_n3A_1647[%gather3A_1671] in [0] : vector<16xf32>, vector<16xi32> -> vector<16xf32>
          %broadcast_in_dim3A_1673 = vector.shape_cast %xor3A_1654 : vector<16xi32> to vector<16x1xi32>
          %gather3A_1674 = vector.shape_cast %broadcast_in_dim3A_1673 : vector<16x1xi32> to vector<16xi32>
          %gather3A_1675 = tpu.dynamic_gather %select_n3A_1648[%gather3A_1674] in [0] : vector<16xi32>, vector<16xi32> -> vector<16xi32>
          %lt3A_1676 = arith.cmpf olt, %gather3A_1672, %select_n3A_1647 : vector<16xf32>
          %eq3A_1677 = arith.cmpf oeq, %gather3A_1672, %select_n3A_1647 : vector<16xf32>
          %lt3A_1678 = arith.cmpi slt, %gather3A_1675, %select_n3A_1648 : vector<16xi32>
          %and3A_1679 = arith.andi %eq3A_1677, %lt3A_1678 : vector<16xi1>
          %or3A_1680 = arith.ori %lt3A_1676, %and3A_1679 : vector<16xi1>
          %not3A_1681 = arith.constant dense<true> : vector<16xi1>
          %not3A_1682 = arith.xori %or3A_1680, %not3A_1681 : vector<16xi1>
          %select_n3A_1683 = arith.select %eq3A_1669, %or3A_1680, %not3A_1682 : vector<16xi1>, vector<16xi1>
          %select_n3A_1684 = arith.select %select_n3A_1683, %gather3A_1672, %select_n3A_1647 : vector<16xi1>, vector<16xf32>
          %select_n3A_1685 = arith.select %select_n3A_1683, %gather3A_1675, %select_n3A_1648 : vector<16xi1>, vector<16xi32>
          %iota3A_1686 = tpu.iota {dimensions = array<i32: 0>} : vector<16xi32>
          %xor3A_1687 = arith.constant 4 : i32
          %xor3A_1688 = vector.broadcast %xor3A_1687 : i32 to vector<16xi32>
          %xor3A_1689 = arith.xori %iota3A_1686, %xor3A_1688 : vector<16xi32>
          %and3A_1690 = arith.constant 32 : i32
          %and3A_1691 = vector.broadcast %and3A_1690 : i32 to vector<16xi32>
          %and3A_1692 = arith.andi %iota3A_1686, %and3A_1691 : vector<16xi32>
          %eq3A_1693 = arith.constant 0 : i32
          %eq3A_1694 = vector.broadcast %eq3A_1693 : i32 to vector<16xi32>
          %eq3A_1695 = arith.cmpi eq, %and3A_1692, %eq3A_1694 : vector<16xi32>
          %and3A_1696 = arith.constant 4 : i32
          %and3A_1697 = vector.broadcast %and3A_1696 : i32 to vector<16xi32>
          %and3A_1698 = arith.andi %iota3A_1686, %and3A_1697 : vector<16xi32>
          %eq3A_1699 = arith.constant 0 : i32
          %eq3A_1700 = vector.broadcast %eq3A_1699 : i32 to vector<16xi32>
          %eq3A_1701 = arith.cmpi eq, %and3A_1698, %eq3A_1700 : vector<16xi32>
          %eq3A_1702 = arith.xori %eq3A_1695, %eq3A_1701 : vector<16xi1>
          %eq3A_1703 = arith.constant dense<true> : vector<16xi1>
          %eq3A_1704 = arith.xori %eq3A_1702, %eq3A_1703 : vector<16xi1>
          %broadcast_in_dim3A_1705 = vector.shape_cast %xor3A_1689 : vector<16xi32> to vector<16x1xi32>
          %gather3A_1706 = vector.shape_cast %broadcast_in_dim3A_1705 : vector<16x1xi32> to vector<16xi32>
          %gather3A_1707 = tpu.dynamic_gather %select_n3A_1684[%gather3A_1706] in [0] : vector<16xf32>, vector<16xi32> -> vector<16xf32>
          %broadcast_in_dim3A_1708 = vector.shape_cast %xor3A_1689 : vector<16xi32> to vector<16x1xi32>
          %gather3A_1709 = vector.shape_cast %broadcast_in_dim3A_1708 : vector<16x1xi32> to vector<16xi32>
          %gather3A_1710 = tpu.dynamic_gather %select_n3A_1685[%gather3A_1709] in [0] : vector<16xi32>, vector<16xi32> -> vector<16xi32>
          %lt3A_1711 = arith.cmpf olt, %gather3A_1707, %select_n3A_1684 : vector<16xf32>
          %eq3A_1712 = arith.cmpf oeq, %gather3A_1707, %select_n3A_1684 : vector<16xf32>
          %lt3A_1713 = arith.cmpi slt, %gather3A_1710, %select_n3A_1685 : vector<16xi32>
          %and3A_1714 = arith.andi %eq3A_1712, %lt3A_1713 : vector<16xi1>
          %or3A_1715 = arith.ori %lt3A_1711, %and3A_1714 : vector<16xi1>
          %not3A_1716 = arith.constant dense<true> : vector<16xi1>
          %not3A_1717 = arith.xori %or3A_1715, %not3A_1716 : vector<16xi1>
          %select_n3A_1718 = arith.select %eq3A_1704, %or3A_1715, %not3A_1717 : vector<16xi1>, vector<16xi1>
          %select_n3A_1719 = arith.select %select_n3A_1718, %gather3A_1707, %select_n3A_1684 : vector<16xi1>, vector<16xf32>
          %select_n3A_1720 = arith.select %select_n3A_1718, %gather3A_1710, %select_n3A_1685 : vector<16xi1>, vector<16xi32>
          %iota3A_1721 = tpu.iota {dimensions = array<i32: 0>} : vector<16xi32>
          %xor3A_1722 = arith.constant 2 : i32
          %xor3A_1723 = vector.broadcast %xor3A_1722 : i32 to vector<16xi32>
          %xor3A_1724 = arith.xori %iota3A_1721, %xor3A_1723 : vector<16xi32>
          %and3A_1725 = arith.constant 32 : i32
          %and3A_1726 = vector.broadcast %and3A_1725 : i32 to vector<16xi32>
          %and3A_1727 = arith.andi %iota3A_1721, %and3A_1726 : vector<16xi32>
          %eq3A_1728 = arith.constant 0 : i32
          %eq3A_1729 = vector.broadcast %eq3A_1728 : i32 to vector<16xi32>
          %eq3A_1730 = arith.cmpi eq, %and3A_1727, %eq3A_1729 : vector<16xi32>
          %and3A_1731 = arith.constant 2 : i32
          %and3A_1732 = vector.broadcast %and3A_1731 : i32 to vector<16xi32>
          %and3A_1733 = arith.andi %iota3A_1721, %and3A_1732 : vector<16xi32>
          %eq3A_1734 = arith.constant 0 : i32
          %eq3A_1735 = vector.broadcast %eq3A_1734 : i32 to vector<16xi32>
          %eq3A_1736 = arith.cmpi eq, %and3A_1733, %eq3A_1735 : vector<16xi32>
          %eq3A_1737 = arith.xori %eq3A_1730, %eq3A_1736 : vector<16xi1>
          %eq3A_1738 = arith.constant dense<true> : vector<16xi1>
          %eq3A_1739 = arith.xori %eq3A_1737, %eq3A_1738 : vector<16xi1>
          %broadcast_in_dim3A_1740 = vector.shape_cast %xor3A_1724 : vector<16xi32> to vector<16x1xi32>
          %gather3A_1741 = vector.shape_cast %broadcast_in_dim3A_1740 : vector<16x1xi32> to vector<16xi32>
          %gather3A_1742 = tpu.dynamic_gather %select_n3A_1719[%gather3A_1741] in [0] : vector<16xf32>, vector<16xi32> -> vector<16xf32>
          %broadcast_in_dim3A_1743 = vector.shape_cast %xor3A_1724 : vector<16xi32> to vector<16x1xi32>
          %gather3A_1744 = vector.shape_cast %broadcast_in_dim3A_1743 : vector<16x1xi32> to vector<16xi32>
          %gather3A_1745 = tpu.dynamic_gather %select_n3A_1720[%gather3A_1744] in [0] : vector<16xi32>, vector<16xi32> -> vector<16xi32>
          %lt3A_1746 = arith.cmpf olt, %gather3A_1742, %select_n3A_1719 : vector<16xf32>
          %eq3A_1747 = arith.cmpf oeq, %gather3A_1742, %select_n3A_1719 : vector<16xf32>
          %lt3A_1748 = arith.cmpi slt, %gather3A_1745, %select_n3A_1720 : vector<16xi32>
          %and3A_1749 = arith.andi %eq3A_1747, %lt3A_1748 : vector<16xi1>
          %or3A_1750 = arith.ori %lt3A_1746, %and3A_1749 : vector<16xi1>
          %not3A_1751 = arith.constant dense<true> : vector<16xi1>
          %not3A_1752 = arith.xori %or3A_1750, %not3A_1751 : vector<16xi1>
          %select_n3A_1753 = arith.select %eq3A_1739, %or3A_1750, %not3A_1752 : vector<16xi1>, vector<16xi1>
          %select_n3A_1754 = arith.select %select_n3A_1753, %gather3A_1742, %select_n3A_1719 : vector<16xi1>, vector<16xf32>
          %select_n3A_1755 = arith.select %select_n3A_1753, %gather3A_1745, %select_n3A_1720 : vector<16xi1>, vector<16xi32>
          %iota3A_1756 = tpu.iota {dimensions = array<i32: 0>} : vector<16xi32>
          %xor3A_1757 = arith.constant 1 : i32
          %xor3A_1758 = vector.broadcast %xor3A_1757 : i32 to vector<16xi32>
          %xor3A_1759 = arith.xori %iota3A_1756, %xor3A_1758 : vector<16xi32>
          %and3A_1760 = arith.constant 32 : i32
          %and3A_1761 = vector.broadcast %and3A_1760 : i32 to vector<16xi32>
          %and3A_1762 = arith.andi %iota3A_1756, %and3A_1761 : vector<16xi32>
          %eq3A_1763 = arith.constant 0 : i32
          %eq3A_1764 = vector.broadcast %eq3A_1763 : i32 to vector<16xi32>
          %eq3A_1765 = arith.cmpi eq, %and3A_1762, %eq3A_1764 : vector<16xi32>
          %and3A_1766 = arith.constant 1 : i32
          %and3A_1767 = vector.broadcast %and3A_1766 : i32 to vector<16xi32>
          %and3A_1768 = arith.andi %iota3A_1756, %and3A_1767 : vector<16xi32>
          %eq3A_1769 = arith.constant 0 : i32
          %eq3A_1770 = vector.broadcast %eq3A_1769 : i32 to vector<16xi32>
          %eq3A_1771 = arith.cmpi eq, %and3A_1768, %eq3A_1770 : vector<16xi32>
          %eq3A_1772 = arith.xori %eq3A_1765, %eq3A_1771 : vector<16xi1>
          %eq3A_1773 = arith.constant dense<true> : vector<16xi1>
          %eq3A_1774 = arith.xori %eq3A_1772, %eq3A_1773 : vector<16xi1>
          %broadcast_in_dim3A_1775 = vector.shape_cast %xor3A_1759 : vector<16xi32> to vector<16x1xi32>
          %gather3A_1776 = vector.shape_cast %broadcast_in_dim3A_1775 : vector<16x1xi32> to vector<16xi32>
          %gather3A_1777 = tpu.dynamic_gather %select_n3A_1754[%gather3A_1776] in [0] : vector<16xf32>, vector<16xi32> -> vector<16xf32>
          %broadcast_in_dim3A_1778 = vector.shape_cast %xor3A_1759 : vector<16xi32> to vector<16x1xi32>
          %gather3A_1779 = vector.shape_cast %broadcast_in_dim3A_1778 : vector<16x1xi32> to vector<16xi32>
          %gather3A_1780 = tpu.dynamic_gather %select_n3A_1755[%gather3A_1779] in [0] : vector<16xi32>, vector<16xi32> -> vector<16xi32>
          %lt3A_1781 = arith.cmpf olt, %gather3A_1777, %select_n3A_1754 : vector<16xf32>
          %eq3A_1782 = arith.cmpf oeq, %gather3A_1777, %select_n3A_1754 : vector<16xf32>
          %lt3A_1783 = arith.cmpi slt, %gather3A_1780, %select_n3A_1755 : vector<16xi32>
          %and3A_1784 = arith.andi %eq3A_1782, %lt3A_1783 : vector<16xi1>
          %or3A_1785 = arith.ori %lt3A_1781, %and3A_1784 : vector<16xi1>
          %not3A_1786 = arith.constant dense<true> : vector<16xi1>
          %not3A_1787 = arith.xori %or3A_1785, %not3A_1786 : vector<16xi1>
          %select_n3A_1788 = arith.select %eq3A_1774, %or3A_1785, %not3A_1787 : vector<16xi1>, vector<16xi1>
          %select_n3A_1789 = arith.select %select_n3A_1788, %gather3A_1777, %select_n3A_1754 : vector<16xi1>, vector<16xf32>
          %select_n3A_1790 = arith.select %select_n3A_1788, %gather3A_1780, %select_n3A_1755 : vector<16xi1>, vector<16xi32>
          %iota3A_1791 = tpu.iota {dimensions = array<i32: 0>} : vector<16xi32>
          %xor3A_1792 = arith.constant 8 : i32
          %xor3A_1793 = vector.broadcast %xor3A_1792 : i32 to vector<16xi32>
          %xor3A_1794 = arith.xori %iota3A_1791, %xor3A_1793 : vector<16xi32>
          %and3A_1795 = arith.constant 32 : i32
          %and3A_1796 = vector.broadcast %and3A_1795 : i32 to vector<16xi32>
          %and3A_1797 = arith.andi %iota3A_1791, %and3A_1796 : vector<16xi32>
          %eq3A_1798 = arith.constant 0 : i32
          %eq3A_1799 = vector.broadcast %eq3A_1798 : i32 to vector<16xi32>
          %eq3A_1800 = arith.cmpi eq, %and3A_1797, %eq3A_1799 : vector<16xi32>
          %and3A_1801 = arith.constant 8 : i32
          %and3A_1802 = vector.broadcast %and3A_1801 : i32 to vector<16xi32>
          %and3A_1803 = arith.andi %iota3A_1791, %and3A_1802 : vector<16xi32>
          %eq3A_1804 = arith.constant 0 : i32
          %eq3A_1805 = vector.broadcast %eq3A_1804 : i32 to vector<16xi32>
          %eq3A_1806 = arith.cmpi eq, %and3A_1803, %eq3A_1805 : vector<16xi32>
          %eq3A_1807 = arith.xori %eq3A_1800, %eq3A_1806 : vector<16xi1>
          %eq3A_1808 = arith.constant dense<true> : vector<16xi1>
          %eq3A_1809 = arith.xori %eq3A_1807, %eq3A_1808 : vector<16xi1>
          %broadcast_in_dim3A_1810 = vector.shape_cast %xor3A_1794 : vector<16xi32> to vector<16x1xi32>
          %gather3A_1811 = vector.shape_cast %broadcast_in_dim3A_1810 : vector<16x1xi32> to vector<16xi32>
          %gather3A_1812 = tpu.dynamic_gather %select_n3A_1649[%gather3A_1811] in [0] : vector<16xf32>, vector<16xi32> -> vector<16xf32>
          %broadcast_in_dim3A_1813 = vector.shape_cast %xor3A_1794 : vector<16xi32> to vector<16x1xi32>
          %gather3A_1814 = vector.shape_cast %broadcast_in_dim3A_1813 : vector<16x1xi32> to vector<16xi32>
          %gather3A_1815 = tpu.dynamic_gather %select_n3A_1650[%gather3A_1814] in [0] : vector<16xi32>, vector<16xi32> -> vector<16xi32>
          %lt3A_1816 = arith.cmpf olt, %gather3A_1812, %select_n3A_1649 : vector<16xf32>
          %eq3A_1817 = arith.cmpf oeq, %gather3A_1812, %select_n3A_1649 : vector<16xf32>
          %lt3A_1818 = arith.cmpi slt, %gather3A_1815, %select_n3A_1650 : vector<16xi32>
          %and3A_1819 = arith.andi %eq3A_1817, %lt3A_1818 : vector<16xi1>
          %or3A_1820 = arith.ori %lt3A_1816, %and3A_1819 : vector<16xi1>
          %not3A_1821 = arith.constant dense<true> : vector<16xi1>
          %not3A_1822 = arith.xori %or3A_1820, %not3A_1821 : vector<16xi1>
          %select_n3A_1823 = arith.select %eq3A_1809, %or3A_1820, %not3A_1822 : vector<16xi1>, vector<16xi1>
          %select_n3A_1824 = arith.select %select_n3A_1823, %gather3A_1812, %select_n3A_1649 : vector<16xi1>, vector<16xf32>
          %select_n3A_1825 = arith.select %select_n3A_1823, %gather3A_1815, %select_n3A_1650 : vector<16xi1>, vector<16xi32>
          %iota3A_1826 = tpu.iota {dimensions = array<i32: 0>} : vector<16xi32>
          %xor3A_1827 = arith.constant 4 : i32
          %xor3A_1828 = vector.broadcast %xor3A_1827 : i32 to vector<16xi32>
          %xor3A_1829 = arith.xori %iota3A_1826, %xor3A_1828 : vector<16xi32>
          %and3A_1830 = arith.constant 32 : i32
          %and3A_1831 = vector.broadcast %and3A_1830 : i32 to vector<16xi32>
          %and3A_1832 = arith.andi %iota3A_1826, %and3A_1831 : vector<16xi32>
          %eq3A_1833 = arith.constant 0 : i32
          %eq3A_1834 = vector.broadcast %eq3A_1833 : i32 to vector<16xi32>
          %eq3A_1835 = arith.cmpi eq, %and3A_1832, %eq3A_1834 : vector<16xi32>
          %and3A_1836 = arith.constant 4 : i32
          %and3A_1837 = vector.broadcast %and3A_1836 : i32 to vector<16xi32>
          %and3A_1838 = arith.andi %iota3A_1826, %and3A_1837 : vector<16xi32>
          %eq3A_1839 = arith.constant 0 : i32
          %eq3A_1840 = vector.broadcast %eq3A_1839 : i32 to vector<16xi32>
          %eq3A_1841 = arith.cmpi eq, %and3A_1838, %eq3A_1840 : vector<16xi32>
          %eq3A_1842 = arith.xori %eq3A_1835, %eq3A_1841 : vector<16xi1>
          %eq3A_1843 = arith.constant dense<true> : vector<16xi1>
          %eq3A_1844 = arith.xori %eq3A_1842, %eq3A_1843 : vector<16xi1>
          %broadcast_in_dim3A_1845 = vector.shape_cast %xor3A_1829 : vector<16xi32> to vector<16x1xi32>
          %gather3A_1846 = vector.shape_cast %broadcast_in_dim3A_1845 : vector<16x1xi32> to vector<16xi32>
          %gather3A_1847 = tpu.dynamic_gather %select_n3A_1824[%gather3A_1846] in [0] : vector<16xf32>, vector<16xi32> -> vector<16xf32>
          %broadcast_in_dim3A_1848 = vector.shape_cast %xor3A_1829 : vector<16xi32> to vector<16x1xi32>
          %gather3A_1849 = vector.shape_cast %broadcast_in_dim3A_1848 : vector<16x1xi32> to vector<16xi32>
          %gather3A_1850 = tpu.dynamic_gather %select_n3A_1825[%gather3A_1849] in [0] : vector<16xi32>, vector<16xi32> -> vector<16xi32>
          %lt3A_1851 = arith.cmpf olt, %gather3A_1847, %select_n3A_1824 : vector<16xf32>
          %eq3A_1852 = arith.cmpf oeq, %gather3A_1847, %select_n3A_1824 : vector<16xf32>
          %lt3A_1853 = arith.cmpi slt, %gather3A_1850, %select_n3A_1825 : vector<16xi32>
          %and3A_1854 = arith.andi %eq3A_1852, %lt3A_1853 : vector<16xi1>
          %or3A_1855 = arith.ori %lt3A_1851, %and3A_1854 : vector<16xi1>
          %not3A_1856 = arith.constant dense<true> : vector<16xi1>
          %not3A_1857 = arith.xori %or3A_1855, %not3A_1856 : vector<16xi1>
          %select_n3A_1858 = arith.select %eq3A_1844, %or3A_1855, %not3A_1857 : vector<16xi1>, vector<16xi1>
          %select_n3A_1859 = arith.select %select_n3A_1858, %gather3A_1847, %select_n3A_1824 : vector<16xi1>, vector<16xf32>
          %select_n3A_1860 = arith.select %select_n3A_1858, %gather3A_1850, %select_n3A_1825 : vector<16xi1>, vector<16xi32>
          %iota3A_1861 = tpu.iota {dimensions = array<i32: 0>} : vector<16xi32>
          %xor3A_1862 = arith.constant 2 : i32
          %xor3A_1863 = vector.broadcast %xor3A_1862 : i32 to vector<16xi32>
          %xor3A_1864 = arith.xori %iota3A_1861, %xor3A_1863 : vector<16xi32>
          %and3A_1865 = arith.constant 32 : i32
          %and3A_1866 = vector.broadcast %and3A_1865 : i32 to vector<16xi32>
          %and3A_1867 = arith.andi %iota3A_1861, %and3A_1866 : vector<16xi32>
          %eq3A_1868 = arith.constant 0 : i32
          %eq3A_1869 = vector.broadcast %eq3A_1868 : i32 to vector<16xi32>
          %eq3A_1870 = arith.cmpi eq, %and3A_1867, %eq3A_1869 : vector<16xi32>
          %and3A_1871 = arith.constant 2 : i32
          %and3A_1872 = vector.broadcast %and3A_1871 : i32 to vector<16xi32>
          %and3A_1873 = arith.andi %iota3A_1861, %and3A_1872 : vector<16xi32>
          %eq3A_1874 = arith.constant 0 : i32
          %eq3A_1875 = vector.broadcast %eq3A_1874 : i32 to vector<16xi32>
          %eq3A_1876 = arith.cmpi eq, %and3A_1873, %eq3A_1875 : vector<16xi32>
          %eq3A_1877 = arith.xori %eq3A_1870, %eq3A_1876 : vector<16xi1>
          %eq3A_1878 = arith.constant dense<true> : vector<16xi1>
          %eq3A_1879 = arith.xori %eq3A_1877, %eq3A_1878 : vector<16xi1>
          %broadcast_in_dim3A_1880 = vector.shape_cast %xor3A_1864 : vector<16xi32> to vector<16x1xi32>
          %gather3A_1881 = vector.shape_cast %broadcast_in_dim3A_1880 : vector<16x1xi32> to vector<16xi32>
          %gather3A_1882 = tpu.dynamic_gather %select_n3A_1859[%gather3A_1881] in [0] : vector<16xf32>, vector<16xi32> -> vector<16xf32>
          %broadcast_in_dim3A_1883 = vector.shape_cast %xor3A_1864 : vector<16xi32> to vector<16x1xi32>
          %gather3A_1884 = vector.shape_cast %broadcast_in_dim3A_1883 : vector<16x1xi32> to vector<16xi32>
          %gather3A_1885 = tpu.dynamic_gather %select_n3A_1860[%gather3A_1884] in [0] : vector<16xi32>, vector<16xi32> -> vector<16xi32>
          %lt3A_1886 = arith.cmpf olt, %gather3A_1882, %select_n3A_1859 : vector<16xf32>
          %eq3A_1887 = arith.cmpf oeq, %gather3A_1882, %select_n3A_1859 : vector<16xf32>
          %lt3A_1888 = arith.cmpi slt, %gather3A_1885, %select_n3A_1860 : vector<16xi32>
          %and3A_1889 = arith.andi %eq3A_1887, %lt3A_1888 : vector<16xi1>
          %or3A_1890 = arith.ori %lt3A_1886, %and3A_1889 : vector<16xi1>
          %not3A_1891 = arith.constant dense<true> : vector<16xi1>
          %not3A_1892 = arith.xori %or3A_1890, %not3A_1891 : vector<16xi1>
          %select_n3A_1893 = arith.select %eq3A_1879, %or3A_1890, %not3A_1892 : vector<16xi1>, vector<16xi1>
          %select_n3A_1894 = arith.select %select_n3A_1893, %gather3A_1882, %select_n3A_1859 : vector<16xi1>, vector<16xf32>
          %select_n3A_1895 = arith.select %select_n3A_1893, %gather3A_1885, %select_n3A_1860 : vector<16xi1>, vector<16xi32>
          %iota3A_1896 = tpu.iota {dimensions = array<i32: 0>} : vector<16xi32>
          %xor3A_1897 = arith.constant 1 : i32
          %xor3A_1898 = vector.broadcast %xor3A_1897 : i32 to vector<16xi32>
          %xor3A_1899 = arith.xori %iota3A_1896, %xor3A_1898 : vector<16xi32>
          %and3A_1900 = arith.constant 32 : i32
          %and3A_1901 = vector.broadcast %and3A_1900 : i32 to vector<16xi32>
          %and3A_1902 = arith.andi %iota3A_1896, %and3A_1901 : vector<16xi32>
          %eq3A_1903 = arith.constant 0 : i32
          %eq3A_1904 = vector.broadcast %eq3A_1903 : i32 to vector<16xi32>
          %eq3A_1905 = arith.cmpi eq, %and3A_1902, %eq3A_1904 : vector<16xi32>
          %and3A_1906 = arith.constant 1 : i32
          %and3A_1907 = vector.broadcast %and3A_1906 : i32 to vector<16xi32>
          %and3A_1908 = arith.andi %iota3A_1896, %and3A_1907 : vector<16xi32>
          %eq3A_1909 = arith.constant 0 : i32
          %eq3A_1910 = vector.broadcast %eq3A_1909 : i32 to vector<16xi32>
          %eq3A_1911 = arith.cmpi eq, %and3A_1908, %eq3A_1910 : vector<16xi32>
          %eq3A_1912 = arith.xori %eq3A_1905, %eq3A_1911 : vector<16xi1>
          %eq3A_1913 = arith.constant dense<true> : vector<16xi1>
          %eq3A_1914 = arith.xori %eq3A_1912, %eq3A_1913 : vector<16xi1>
          %broadcast_in_dim3A_1915 = vector.shape_cast %xor3A_1899 : vector<16xi32> to vector<16x1xi32>
          %gather3A_1916 = vector.shape_cast %broadcast_in_dim3A_1915 : vector<16x1xi32> to vector<16xi32>
          %gather3A_1917 = tpu.dynamic_gather %select_n3A_1894[%gather3A_1916] in [0] : vector<16xf32>, vector<16xi32> -> vector<16xf32>
          %broadcast_in_dim3A_1918 = vector.shape_cast %xor3A_1899 : vector<16xi32> to vector<16x1xi32>
          %gather3A_1919 = vector.shape_cast %broadcast_in_dim3A_1918 : vector<16x1xi32> to vector<16xi32>
          %gather3A_1920 = tpu.dynamic_gather %select_n3A_1895[%gather3A_1919] in [0] : vector<16xi32>, vector<16xi32> -> vector<16xi32>
          %lt3A_1921 = arith.cmpf olt, %gather3A_1917, %select_n3A_1894 : vector<16xf32>
          %eq3A_1922 = arith.cmpf oeq, %gather3A_1917, %select_n3A_1894 : vector<16xf32>
          %lt3A_1923 = arith.cmpi slt, %gather3A_1920, %select_n3A_1895 : vector<16xi32>
          %and3A_1924 = arith.andi %eq3A_1922, %lt3A_1923 : vector<16xi1>
          %or3A_1925 = arith.ori %lt3A_1921, %and3A_1924 : vector<16xi1>
          %not3A_1926 = arith.constant dense<true> : vector<16xi1>
          %not3A_1927 = arith.xori %or3A_1925, %not3A_1926 : vector<16xi1>
          %select_n3A_1928 = arith.select %eq3A_1914, %or3A_1925, %not3A_1927 : vector<16xi1>, vector<16xi1>
          %select_n3A_1929 = arith.select %select_n3A_1928, %gather3A_1917, %select_n3A_1894 : vector<16xi1>, vector<16xf32>
          %select_n3A_1930 = arith.select %select_n3A_1928, %gather3A_1920, %select_n3A_1895 : vector<16xi1>, vector<16xi32>
          %get3A_1931 = arith.constant 16 : index
          %get3A_1932 = tpu.vector_load %arg11[%get3A_1931] {strides = array<i32>} : memref<48xf32, #tpu.memory_space<vmem>>, vector<16xf32>,
          %swap3A_1933 = arith.constant 0 : index
          %swap3A_1934 = tpu.vector_load %arg11[%swap3A_1933] {strides = array<i32>} : memref<48xf32, #tpu.memory_space<vmem>>, vector<16xf32>,
          tpu.vector_store %arg11[%swap3A_1933], %get3A_1932 {strides = array<i32>} : memref<48xf32, #tpu.memory_space<vmem>>, vector<16xf32>,
          %get3A_1935 = arith.constant 16 : index
          %get3A_1936 = tpu.vector_load %arg12[%get3A_1935] {strides = array<i32>} : memref<48xi32, #tpu.memory_space<vmem>>, vector<16xi32>,
          %swap3A_1937 = arith.constant 0 : index
          %swap3A_1938 = tpu.vector_load %arg12[%swap3A_1937] {strides = array<i32>} : memref<48xi32, #tpu.memory_space<vmem>>, vector<16xi32>,
          tpu.vector_store %arg12[%swap3A_1937], %get3A_1936 {strides = array<i32>} : memref<48xi32, #tpu.memory_space<vmem>>, vector<16xi32>,
          %get3A_1939 = arith.constant 0 : i32
          %get3A_1940 = arith.index_cast %get3A_1939 : i32 to index
          %get3A_1941 = memref.load %arg16[%get3A_1940] : memref<8xi32, #tpu.memory_space<smem>>
          %sub3A_1942 = arith.constant 16 : i32
          %sub3A_1943 = arith.subi %get3A_1941, %sub3A_1942 : i32
          %swap3A_1944 = arith.constant 0 : i32
          %swap3A_1945 = arith.index_cast %swap3A_1944 : i32 to index
          %swap3A_1946 = memref.load %arg16[%swap3A_1945] : memref<8xi32, #tpu.memory_space<smem>>
          memref.store %sub3A_1943, %arg16[%swap3A_1945] : memref<8xi32, #tpu.memory_space<smem>>
          %broadcast_in_dim3A_1947 = arith.constant 15 : i32
          %broadcast_in_dim3A_1948 = vector.broadcast %broadcast_in_dim3A_1947 : i32 to vector<16xi32>
          %broadcast_in_dim3A_1949 = vector.shape_cast %broadcast_in_dim3A_1948 : vector<16xi32> to vector<16x1xi32>
          %gather3A_1950 = vector.shape_cast %broadcast_in_dim3A_1949 : vector<16x1xi32> to vector<16xi32>
          %gather3A_1951 = tpu.dynamic_gather %select_n3A_1929[%gather3A_1950] in [0] : vector<16xf32>, vector<16xi32> -> vector<16xf32>
          scf.yield %select_n3A_1789, %select_n3A_1790, %select_n3A_1929, %select_n3A_1930, %gather3A_1951 : vector<16xf32>, vector<16xi32>, vector<16xf32>, vector<16xi32>, vector<16xf32>
        } else {
          scf.yield %cond3A_1250#0, %cond3A_1250#1, %cond3A_1250#2, %cond3A_1250#3, %cond3A_1250#4 : vector<16xf32>, vector<16xi32>, vector<16xf32>, vector<16xi32>, vector<16xf32>
        }
        %scan3A_1301 = arith.constant 4 : i32
        %scan3A_1302 = arith.addi %scan3A_1102, %scan3A_1301 : i32
        %mul3A_1303 = arith.constant 16 : i32
        %mul3A_1304 = arith.muli %scan3A_1302, %mul3A_1303 : i32
        %add3A_1305 = arith.constant 32 : i32
        %add3A_1306 = arith.addi %add3A_1305, %mul3A_1304 : i32
        %multiple_of3A_1307 = tpu.assume_multiple %add3A_1306, 16 : i32
        %get3A_1308 = arith.index_cast %multiple_of3A_1307 : i32 to index
        %get3A_1309 = tpu.vector_load %arg5[%get3A_1308] {strides = array<i32>} : memref<2112xf32, #tpu.memory_space<vmem>>, vector<16xf32>,
        %get3A_1310 = arith.index_cast %multiple_of3A_1307 : i32 to index
        %get3A_1311 = tpu.vector_load %arg6[%get3A_1310] {strides = array<i32>} : memref<2112xf32, #tpu.memory_space<vmem>>, vector<16xf32>,
        %get3A_1312 = arith.index_cast %multiple_of3A_1307 : i32 to index
        %get3A_1313 = tpu.vector_load %arg7[%get3A_1312] {strides = array<i32>} : memref<2112xf32, #tpu.memory_space<vmem>>, vector<16xf32>,
        %sub3A_1314 = arith.subf %get3A_1309, %gather3A_127 : vector<16xf32>
        %sub3A_1315 = arith.subf %get3A_1311, %gather3A_132 : vector<16xf32>
        %sub3A_1316 = arith.subf %get3A_1313, %gather3A_137 : vector<16xf32>
        %mul3A_1317 = arith.mulf %sub3A_1314, %sub3A_1314 : vector<16xf32>
        %mul3A_1318 = arith.mulf %sub3A_1315, %sub3A_1315 : vector<16xf32>
        %add3A_1319 = arith.addf %mul3A_1317, %mul3A_1318 : vector<16xf32>
        %mul3A_1320 = arith.mulf %sub3A_1316, %sub3A_1316 : vector<16xf32>
        %add3A_1321 = arith.addf %add3A_1319, %mul3A_1320 : vector<16xf32>
        %lt3A_1322 = arith.cmpf olt, %add3A_1321, %cond3A_1300#4 : vector<16xf32>
        %get3A_1323 = arith.constant 0 : i32
        %get3A_1324 = arith.index_cast %get3A_1323 : i32 to index
        %get3A_1325 = memref.load %arg16[%get3A_1324] : memref<8xi32, #tpu.memory_space<smem>>
        %convert_element_type3A_1326 = arith.extui %lt3A_1322 : vector<16xi1> to vector<16xi32>
        %cumsum3A_1327 = arith.constant true
        %cumsum3A_1328 = vector.broadcast %cumsum3A_1327 : i1 to vector<16xi1>
        %cumsum3A_1329 = tpu.scan <sum>, %convert_element_type3A_1326 masked %cumsum3A_1328 : vector<16xi32>, vector<16xi1> -> vector<16xi32>
        %add3A_1330 = vector.broadcast %get3A_1325 : i32 to vector<16xi32>
        %add3A_1331 = arith.addi %add3A_1330, %cumsum3A_1329 : vector<16xi32>
        %sub3A_1332 = arith.constant 1 : i32
        %sub3A_1333 = vector.broadcast %sub3A_1332 : i32 to vector<16xi32>
        %sub3A_1334 = arith.subi %add3A_1331, %sub3A_1333 : vector<16xi32>
        %add3A_1335 = vector.broadcast %multiple_of3A_1307 : i32 to vector<16xi32>
        %add3A_1336 = arith.addi %add3A_1335, %iota3A : vector<16xi32>
        tpu.vector_store_idx %arg11[%sub3A_1334], %add3A_1321 masked %lt3A_1322 : memref<48xf32, #tpu.memory_space<vmem>>[vector<16xi32>], vector<16xf32>, vector<16xi1>
        tpu.vector_store_idx %arg12[%sub3A_1334], %add3A_1336 masked %lt3A_1322 : memref<48xi32, #tpu.memory_space<vmem>>[vector<16xi32>], vector<16xi32>, vector<16xi1>
        %all_reduce_population_count3A_1337 = tpu.all_reduce %lt3A_1322 {dim = 0 : i64, kind = #tpu.reduction_kind<sum>} : vector<16xi1> -> vector<16xi32>
        %slice3A_1338 = vector.extract_strided_slice %all_reduce_population_count3A_1337 {offsets = [0], sizes = [1], strides = [1]} : vector<16xi32> to vector<1xi32>
        %squeeze3A_1339 = vector.extract %slice3A_1338[0] : i32 from vector<1xi32>
        %add3A_1340 = arith.addi %get3A_1325, %squeeze3A_1339 : i32
        %swap3A_1341 = arith.constant 0 : i32
        %swap3A_1342 = arith.index_cast %swap3A_1341 : i32 to index
        %swap3A_1343 = memref.load %arg16[%swap3A_1342] : memref<8xi32, #tpu.memory_space<smem>>
        memref.store %add3A_1340, %arg16[%swap3A_1342] : memref<8xi32, #tpu.memory_space<smem>>
        %add3A_1344 = arith.addi %get3A_1325, %squeeze3A_1339 : i32
        %ge3A_1345 = arith.constant 16 : i32
        %ge3A_1346 = arith.cmpi sge, %add3A_1344, %ge3A_1345 : i32
        %convert_element_type3A_1347 = arith.extui %ge3A_1346 : i1 to i32
        %cond3A_1348 = arith.constant 0 : i32
        %cond3A_1349 = arith.cmpi ne, %convert_element_type3A_1347, %cond3A_1348 : i32
        %cond3A_1350:5 = scf.if %cond3A_1349 -> (vector<16xf32>, vector<16xi32>, vector<16xf32>, vector<16xi32>, vector<16xf32>) {
          %get3A_1401 = arith.constant 0 : index
          %get3A_1402 = tpu.vector_load %arg11[%get3A_1401] {strides = array<i32>} : memref<48xf32, #tpu.memory_space<vmem>>, vector<16xf32>,
          %get3A_1403 = arith.constant 0 : index
          %get3A_1404 = tpu.vector_load %arg12[%get3A_1403] {strides = array<i32>} : memref<48xi32, #tpu.memory_space<vmem>>, vector<16xi32>,
          %masked_sort3A_1405 = arith.constant dense<true> : vector<16xi1>
          %masked_sort3A_1406, %masked_sort3A_1407, %masked_sort3A_1408 = tpu.sort %get3A_1402, %get3A_1404 masked %masked_sort3A_1405 : (vector<16xf32>, vector<16xi32>, vector<16xi1>) -> (vector<16xi1>, vector<16xf32>, vector<16xi32>)
          %iota3A_1409 = tpu.iota {dimensions = array<i32: 0>} : vector<16xi32>
          %xor3A_1410 = arith.constant 1 : i32
          %xor3A_1411 = vector.broadcast %xor3A_1410 : i32 to vector<16xi32>
          %xor3A_1412 = arith.xori %iota3A_1409, %xor3A_1411 : vector<16xi32>
          %and3A_1413 = arith.constant 1 : i32
          %and3A_1414 = vector.broadcast %and3A_1413 : i32 to vector<16xi32>
          %and3A_1415 = arith.andi %iota3A_1409, %and3A_1414 : vector<16xi32>
          %broadcast_in_dim3A_1416 = vector.shape_cast %xor3A_1412 : vector<16xi32> to vector<16x1xi32>
          %gather3A_1417 = vector.shape_cast %broadcast_in_dim3A_1416 : vector<16x1xi32> to vector<16xi32>
          %gather3A_1418 = tpu.dynamic_gather %masked_sort3A_1407[%gather3A_1417] in [0] : vector<16xf32>, vector<16xi32> -> vector<16xf32>
          %broadcast_in_dim3A_1419 = vector.shape_cast %xor3A_1412 : vector<16xi32> to vector<16x1xi32>
          %gather3A_1420 = vector.shape_cast %broadcast_in_dim3A_1419 : vector<16x1xi32> to vector<16xi32>
          %gather3A_1421 = tpu.dynamic_gather %masked_sort3A_1408[%gather3A_1420] in [0] : vector<16xi32>, vector<16xi32> -> vector<16xi32>
          %lt3A_1422 = arith.cmpf olt, %gather3A_1418, %masked_sort3A_1407 : vector<16xf32>
          %eq3A_1423 = arith.cmpf oeq, %gather3A_1418, %masked_sort3A_1407 : vector<16xf32>
          %lt3A_1424 = arith.cmpi slt, %gather3A_1421, %masked_sort3A_1408 : vector<16xi32>
          %and3A_1425 = arith.andi %eq3A_1423, %lt3A_1424 : vector<16xi1>
          %or3A_1426 = arith.ori %lt3A_1422, %and3A_1425 : vector<16xi1>
          %convert_element_type3A_1427 = arith.extui %or3A_1426 : vector<16xi1> to vector<16xi32>
          %xor3A_1428 = arith.xori %convert_element_type3A_1427, %and3A_1415 : vector<16xi32>
          %ne3A_1429 = arith.constant 0 : i32
          %ne3A_1430 = vector.broadcast %ne3A_1429 : i32 to vector<16xi32>
          %ne3A_1431 = arith.cmpi ne, %xor3A_1428, %ne3A_1430 : vector<16xi32>
          %select_n3A_1432 = arith.select %ne3A_1431, %gather3A_1418, %masked_sort3A_1407 : vector<16xi1>, vector<16xf32>
          %select_n3A_1433 = arith.select %ne3A_1431, %gather3A_1421, %masked_sort3A_1408 : vector<16xi1>, vector<16xi32>
          %add3A_1434 = arith.constant 1 : i32
          %add3A_1435 = vector.broadcast %add3A_1434 : i32 to vector<16xi32>
          %add3A_1436 = arith.addi %iota3A_1409, %add3A_1435 : vector<16xi32>
          %xor3A_1437 = arith.constant 1 : i32
          %xor3A_1438 = vector.broadcast %xor3A_1437 : i32 to vector<16xi32>
          %xor3A_1439 = arith.xori %add3A_1436, %xor3A_1438 : vector<16xi32>
          %sub3A_1440 = arith.constant 1 : i32
          %sub3A_1441 = vector.broadcast %sub3A_1440 : i32 to vector<16xi32>
          %sub3A_1442 = arith.subi %xor3A_1439, %sub3A_1441 : vector<16xi32>
          %jit3A_1443 = arith.constant 0 : i32
          %jit3A_1444 = arith.constant 15 : i32
          %max3A_1445 = vector.broadcast %jit3A_1443 : i32 to vector<16xi32>
          %max3A_1446 = arith.maxsi %max3A_1445, %sub3A_1442 : vector<16xi32>
          %min3A_1447 = vector.broadcast %jit3A_1444 : i32 to vector<16xi32>
          %min3A_1448 = arith.minsi %min3A_1447, %max3A_1446 : vector<16xi32>
          %and3A_1449 = arith.constant 1 : i32
          %and3A_1450 = vector.broadcast %and3A_1449 : i32 to vector<16xi32>
          %and3A_1451 = arith.andi %iota3A_1409, %and3A_1450 : vector<16xi32>
          %xor3A_1452 = arith.constant 1 : i32
          %xor3A_1453 = vector.broadcast %xor3A_1452 : i32 to vector<16xi32>
          %xor3A_1454 = arith.xori %and3A_1451, %xor3A_1453 : vector<16xi32>
          %broadcast_in_dim3A_1455 = vector.shape_cast %min3A_1448 : vector<16xi32> to vector<16x1xi32>
          %gather3A_1456 = vector.shape_cast %broadcast_in_dim3A_1455 : vector<16x1xi32> to vector<16xi32>
          %gather3A_1457 = tpu.dynamic_gather %select_n3A_1432[%gather3A_1456] in [0] : vector<16xf32>, vector<16xi32> -> vector<16xf32>
          %broadcast_in_dim3A_1458 = vector.shape_cast %min3A_1448 : vector<16xi32> to vector<16x1xi32>
          %gather3A_1459 = vector.shape_cast %broadcast_in_dim3A_1458 : vector<16x1xi32> to vector<16xi32>
          %gather3A_1460 = tpu.dynamic_gather %select_n3A_1433[%gather3A_1459] in [0] : vector<16xi32>, vector<16xi32> -> vector<16xi32>
          %lt3A_1461 = arith.cmpf olt, %gather3A_1457, %select_n3A_1432 : vector<16xf32>
          %eq3A_1462 = arith.cmpf oeq, %gather3A_1457, %select_n3A_1432 : vector<16xf32>
          %lt3A_1463 = arith.cmpi slt, %gather3A_1460, %select_n3A_1433 : vector<16xi32>
          %and3A_1464 = arith.andi %eq3A_1462, %lt3A_1463 : vector<16xi1>
          %or3A_1465 = arith.ori %lt3A_1461, %and3A_1464 : vector<16xi1>
          %convert_element_type3A_1466 = arith.extui %or3A_1465 : vector<16xi1> to vector<16xi32>
          %xor3A_1467 = arith.xori %convert_element_type3A_1466, %xor3A_1454 : vector<16xi32>
          %ne3A_1468 = arith.constant 0 : i32
          %ne3A_1469 = vector.broadcast %ne3A_1468 : i32 to vector<16xi32>
          %ne3A_1470 = arith.cmpi ne, %xor3A_1467, %ne3A_1469 : vector<16xi32>
          %select_n3A_1471 = arith.select %ne3A_1470, %gather3A_1457, %select_n3A_1432 : vector<16xi1>, vector<16xf32>
          %select_n3A_1472 = arith.select %ne3A_1470, %gather3A_1460, %select_n3A_1433 : vector<16xi1>, vector<16xi32>
          %rev3A_1473 = arith.constant 15 : i32
          %rev3A_1474 = vector.broadcast %rev3A_1473 : i32 to vector<16xi32>
          %rev3A_1475 = tpu.iota {dimensions = array<i32: 0>} : vector<16xi32>
          %rev3A_1476 = arith.subi %rev3A_1474, %rev3A_1475 : vector<16xi32>
          %rev3A_1477 = tpu.dynamic_gather %select_n3A_1471[%rev3A_1476] in [0] : vector<16xf32>, vector<16xi32> -> vector<16xf32>
          %rev3A_1478 = arith.constant 15 : i32
          %rev3A_1479 = vector.broadcast %rev3A_1478 : i32 to vector<16xi32>
          %rev3A_1480 = tpu.iota {dimensions = array<i32: 0>} : vector<16xi32>
          %rev3A_1481 = arith.subi %rev3A_1479, %rev3A_1480 : vector<16xi32>
          %rev3A_1482 = tpu.dynamic_gather %select_n3A_1472[%rev3A_1481] in [0] : vector<16xi32>, vector<16xi32> -> vector<16xi32>
          %lt3A_1483 = arith.cmpf olt, %rev3A_1477, %cond3A_1300#2 : vector<16xf32>
          %eq3A_1484 = arith.cmpf oeq, %rev3A_1477, %cond3A_1300#2 : vector<16xf32>
          %lt3A_1485 = arith.cmpi slt, %rev3A_1482, %cond3A_1300#3 : vector<16xi32>
          %and3A_1486 = arith.andi %eq3A_1484, %lt3A_1485 : vector<16xi1>
          %or3A_1487 = arith.ori %lt3A_1483, %and3A_1486 : vector<16xi1>
          %select_n3A_1488 = arith.select %or3A_1487, %rev3A_1477, %cond3A_1300#2 : vector<16xi1>, vector<16xf32>
          %select_n3A_1489 = arith.select %or3A_1487, %rev3A_1482, %cond3A_1300#3 : vector<16xi1>, vector<16xi32>
          %select_n3A_1490 = arith.select %or3A_1487, %cond3A_1300#2, %rev3A_1477 : vector<16xi1>, vector<16xf32>
          %select_n3A_1491 = arith.select %or3A_1487, %cond3A_1300#3, %rev3A_1482 : vector<16xi1>, vector<16xi32>
          %iota3A_1492 = tpu.iota {dimensions = array<i32: 0>} : vector<16xi32>
          %xor3A_1493 = arith.constant 8 : i32
          %xor3A_1494 = vector.broadcast %xor3A_1493 : i32 to vector<16xi32>
          %xor3A_1495 = arith.xori %iota3A_1492, %xor3A_1494 : vector<16xi32>
          %and3A_1496 = arith.constant 32 : i32
          %and3A_1497 = vector.broadcast %and3A_1496 : i32 to vector<16xi32>
          %and3A_1498 = arith.andi %iota3A_1492, %and3A_1497 : vector<16xi32>
          %eq3A_1499 = arith.constant 0 : i32
          %eq3A_1500 = vector.broadcast %eq3A_1499 : i32 to vector<16xi32>
          %eq3A_1501 = arith.cmpi eq, %and3A_1498, %eq3A_1500 : vector<16xi32>
          %and3A_1502 = arith.constant 8 : i32
          %and3A_1503 = vector.broadcast %and3A_1502 : i32 to vector<16xi32>
          %and3A_1504 = arith.andi %iota3A_1492, %and3A_1503 : vector<16xi32>
          %eq3A_1505 = arith.constant 0 : i32
          %eq3A_1506 = vector.broadcast %eq3A_1505 : i32 to vector<16xi32>
          %eq3A_1507 = arith.cmpi eq, %and3A_1504, %eq3A_1506 : vector<16xi32>
          %eq3A_1508 = arith.xori %eq3A_1501, %eq3A_1507 : vector<16xi1>
          %eq3A_1509 = arith.constant dense<true> : vector<16xi1>
          %eq3A_1510 = arith.xori %eq3A_1508, %eq3A_1509 : vector<16xi1>
          %broadcast_in_dim3A_1511 = vector.shape_cast %xor3A_1495 : vector<16xi32> to vector<16x1xi32>
          %gather3A_1512 = vector.shape_cast %broadcast_in_dim3A_1511 : vector<16x1xi32> to vector<16xi32>
          %gather3A_1513 = tpu.dynamic_gather %select_n3A_1488[%gather3A_1512] in [0] : vector<16xf32>, vector<16xi32> -> vector<16xf32>
          %broadcast_in_dim3A_1514 = vector.shape_cast %xor3A_1495 : vector<16xi32> to vector<16x1xi32>
          %gather3A_1515 = vector.shape_cast %broadcast_in_dim3A_1514 : vector<16x1xi32> to vector<16xi32>
          %gather3A_1516 = tpu.dynamic_gather %select_n3A_1489[%gather3A_1515] in [0] : vector<16xi32>, vector<16xi32> -> vector<16xi32>
          %lt3A_1517 = arith.cmpf olt, %gather3A_1513, %select_n3A_1488 : vector<16xf32>
          %eq3A_1518 = arith.cmpf oeq, %gather3A_1513, %select_n3A_1488 : vector<16xf32>
          %lt3A_1519 = arith.cmpi slt, %gather3A_1516, %select_n3A_1489 : vector<16xi32>
          %and3A_1520 = arith.andi %eq3A_1518, %lt3A_1519 : vector<16xi1>
          %or3A_1521 = arith.ori %lt3A_1517, %and3A_1520 : vector<16xi1>
          %not3A_1522 = arith.constant dense<true> : vector<16xi1>
          %not3A_1523 = arith.xori %or3A_1521, %not3A_1522 : vector<16xi1>
          %select_n3A_1524 = arith.select %eq3A_1510, %or3A_1521, %not3A_1523 : vector<16xi1>, vector<16xi1>
          %select_n3A_1525 = arith.select %select_n3A_1524, %gather3A_1513, %select_n3A_1488 : vector<16xi1>, vector<16xf32>
          %select_n3A_1526 = arith.select %select_n3A_1524, %gather3A_1516, %select_n3A_1489 : vector<16xi1>, vector<16xi32>
          %iota3A_1527 = tpu.iota {dimensions = array<i32: 0>} : vector<16xi32>
          %xor3A_1528 = arith.constant 4 : i32
          %xor3A_1529 = vector.broadcast %xor3A_1528 : i32 to vector<16xi32>
          %xor3A_1530 = arith.xori %iota3A_1527, %xor3A_1529 : vector<16xi32>
          %and3A_1531 = arith.constant 32 : i32
          %and3A_1532 = vector.broadcast %and3A_1531 : i32 to vector<16xi32>
          %and3A_1533 = arith.andi %iota3A_1527, %and3A_1532 : vector<16xi32>
          %eq3A_1534 = arith.constant 0 : i32
          %eq3A_1535 = vector.broadcast %eq3A_1534 : i32 to vector<16xi32>
          %eq3A_1536 = arith.cmpi eq, %and3A_1533, %eq3A_1535 : vector<16xi32>
          %and3A_1537 = arith.constant 4 : i32
          %and3A_1538 = vector.broadcast %and3A_1537 : i32 to vector<16xi32>
          %and3A_1539 = arith.andi %iota3A_1527, %and3A_1538 : vector<16xi32>
          %eq3A_1540 = arith.constant 0 : i32
          %eq3A_1541 = vector.broadcast %eq3A_1540 : i32 to vector<16xi32>
          %eq3A_1542 = arith.cmpi eq, %and3A_1539, %eq3A_1541 : vector<16xi32>
          %eq3A_1543 = arith.xori %eq3A_1536, %eq3A_1542 : vector<16xi1>
          %eq3A_1544 = arith.constant dense<true> : vector<16xi1>
          %eq3A_1545 = arith.xori %eq3A_1543, %eq3A_1544 : vector<16xi1>
          %broadcast_in_dim3A_1546 = vector.shape_cast %xor3A_1530 : vector<16xi32> to vector<16x1xi32>
          %gather3A_1547 = vector.shape_cast %broadcast_in_dim3A_1546 : vector<16x1xi32> to vector<16xi32>
          %gather3A_1548 = tpu.dynamic_gather %select_n3A_1525[%gather3A_1547] in [0] : vector<16xf32>, vector<16xi32> -> vector<16xf32>
          %broadcast_in_dim3A_1549 = vector.shape_cast %xor3A_1530 : vector<16xi32> to vector<16x1xi32>
          %gather3A_1550 = vector.shape_cast %broadcast_in_dim3A_1549 : vector<16x1xi32> to vector<16xi32>
          %gather3A_1551 = tpu.dynamic_gather %select_n3A_1526[%gather3A_1550] in [0] : vector<16xi32>, vector<16xi32> -> vector<16xi32>
          %lt3A_1552 = arith.cmpf olt, %gather3A_1548, %select_n3A_1525 : vector<16xf32>
          %eq3A_1553 = arith.cmpf oeq, %gather3A_1548, %select_n3A_1525 : vector<16xf32>
          %lt3A_1554 = arith.cmpi slt, %gather3A_1551, %select_n3A_1526 : vector<16xi32>
          %and3A_1555 = arith.andi %eq3A_1553, %lt3A_1554 : vector<16xi1>
          %or3A_1556 = arith.ori %lt3A_1552, %and3A_1555 : vector<16xi1>
          %not3A_1557 = arith.constant dense<true> : vector<16xi1>
          %not3A_1558 = arith.xori %or3A_1556, %not3A_1557 : vector<16xi1>
          %select_n3A_1559 = arith.select %eq3A_1545, %or3A_1556, %not3A_1558 : vector<16xi1>, vector<16xi1>
          %select_n3A_1560 = arith.select %select_n3A_1559, %gather3A_1548, %select_n3A_1525 : vector<16xi1>, vector<16xf32>
          %select_n3A_1561 = arith.select %select_n3A_1559, %gather3A_1551, %select_n3A_1526 : vector<16xi1>, vector<16xi32>
          %iota3A_1562 = tpu.iota {dimensions = array<i32: 0>} : vector<16xi32>
          %xor3A_1563 = arith.constant 2 : i32
          %xor3A_1564 = vector.broadcast %xor3A_1563 : i32 to vector<16xi32>
          %xor3A_1565 = arith.xori %iota3A_1562, %xor3A_1564 : vector<16xi32>
          %and3A_1566 = arith.constant 32 : i32
          %and3A_1567 = vector.broadcast %and3A_1566 : i32 to vector<16xi32>
          %and3A_1568 = arith.andi %iota3A_1562, %and3A_1567 : vector<16xi32>
          %eq3A_1569 = arith.constant 0 : i32
          %eq3A_1570 = vector.broadcast %eq3A_1569 : i32 to vector<16xi32>
          %eq3A_1571 = arith.cmpi eq, %and3A_1568, %eq3A_1570 : vector<16xi32>
          %and3A_1572 = arith.constant 2 : i32
          %and3A_1573 = vector.broadcast %and3A_1572 : i32 to vector<16xi32>
          %and3A_1574 = arith.andi %iota3A_1562, %and3A_1573 : vector<16xi32>
          %eq3A_1575 = arith.constant 0 : i32
          %eq3A_1576 = vector.broadcast %eq3A_1575 : i32 to vector<16xi32>
          %eq3A_1577 = arith.cmpi eq, %and3A_1574, %eq3A_1576 : vector<16xi32>
          %eq3A_1578 = arith.xori %eq3A_1571, %eq3A_1577 : vector<16xi1>
          %eq3A_1579 = arith.constant dense<true> : vector<16xi1>
          %eq3A_1580 = arith.xori %eq3A_1578, %eq3A_1579 : vector<16xi1>
          %broadcast_in_dim3A_1581 = vector.shape_cast %xor3A_1565 : vector<16xi32> to vector<16x1xi32>
          %gather3A_1582 = vector.shape_cast %broadcast_in_dim3A_1581 : vector<16x1xi32> to vector<16xi32>
          %gather3A_1583 = tpu.dynamic_gather %select_n3A_1560[%gather3A_1582] in [0] : vector<16xf32>, vector<16xi32> -> vector<16xf32>
          %broadcast_in_dim3A_1584 = vector.shape_cast %xor3A_1565 : vector<16xi32> to vector<16x1xi32>
          %gather3A_1585 = vector.shape_cast %broadcast_in_dim3A_1584 : vector<16x1xi32> to vector<16xi32>
          %gather3A_1586 = tpu.dynamic_gather %select_n3A_1561[%gather3A_1585] in [0] : vector<16xi32>, vector<16xi32> -> vector<16xi32>
          %lt3A_1587 = arith.cmpf olt, %gather3A_1583, %select_n3A_1560 : vector<16xf32>
          %eq3A_1588 = arith.cmpf oeq, %gather3A_1583, %select_n3A_1560 : vector<16xf32>
          %lt3A_1589 = arith.cmpi slt, %gather3A_1586, %select_n3A_1561 : vector<16xi32>
          %and3A_1590 = arith.andi %eq3A_1588, %lt3A_1589 : vector<16xi1>
          %or3A_1591 = arith.ori %lt3A_1587, %and3A_1590 : vector<16xi1>
          %not3A_1592 = arith.constant dense<true> : vector<16xi1>
          %not3A_1593 = arith.xori %or3A_1591, %not3A_1592 : vector<16xi1>
          %select_n3A_1594 = arith.select %eq3A_1580, %or3A_1591, %not3A_1593 : vector<16xi1>, vector<16xi1>
          %select_n3A_1595 = arith.select %select_n3A_1594, %gather3A_1583, %select_n3A_1560 : vector<16xi1>, vector<16xf32>
          %select_n3A_1596 = arith.select %select_n3A_1594, %gather3A_1586, %select_n3A_1561 : vector<16xi1>, vector<16xi32>
          %iota3A_1597 = tpu.iota {dimensions = array<i32: 0>} : vector<16xi32>
          %xor3A_1598 = arith.constant 1 : i32
          %xor3A_1599 = vector.broadcast %xor3A_1598 : i32 to vector<16xi32>
          %xor3A_1600 = arith.xori %iota3A_1597, %xor3A_1599 : vector<16xi32>
          %and3A_1601 = arith.constant 32 : i32
          %and3A_1602 = vector.broadcast %and3A_1601 : i32 to vector<16xi32>
          %and3A_1603 = arith.andi %iota3A_1597, %and3A_1602 : vector<16xi32>
          %eq3A_1604 = arith.constant 0 : i32
          %eq3A_1605 = vector.broadcast %eq3A_1604 : i32 to vector<16xi32>
          %eq3A_1606 = arith.cmpi eq, %and3A_1603, %eq3A_1605 : vector<16xi32>
          %and3A_1607 = arith.constant 1 : i32
          %and3A_1608 = vector.broadcast %and3A_1607 : i32 to vector<16xi32>
          %and3A_1609 = arith.andi %iota3A_1597, %and3A_1608 : vector<16xi32>
          %eq3A_1610 = arith.constant 0 : i32
          %eq3A_1611 = vector.broadcast %eq3A_1610 : i32 to vector<16xi32>
          %eq3A_1612 = arith.cmpi eq, %and3A_1609, %eq3A_1611 : vector<16xi32>
          %eq3A_1613 = arith.xori %eq3A_1606, %eq3A_1612 : vector<16xi1>
          %eq3A_1614 = arith.constant dense<true> : vector<16xi1>
          %eq3A_1615 = arith.xori %eq3A_1613, %eq3A_1614 : vector<16xi1>
          %broadcast_in_dim3A_1616 = vector.shape_cast %xor3A_1600 : vector<16xi32> to vector<16x1xi32>
          %gather3A_1617 = vector.shape_cast %broadcast_in_dim3A_1616 : vector<16x1xi32> to vector<16xi32>
          %gather3A_1618 = tpu.dynamic_gather %select_n3A_1595[%gather3A_1617] in [0] : vector<16xf32>, vector<16xi32> -> vector<16xf32>
          %broadcast_in_dim3A_1619 = vector.shape_cast %xor3A_1600 : vector<16xi32> to vector<16x1xi32>
          %gather3A_1620 = vector.shape_cast %broadcast_in_dim3A_1619 : vector<16x1xi32> to vector<16xi32>
          %gather3A_1621 = tpu.dynamic_gather %select_n3A_1596[%gather3A_1620] in [0] : vector<16xi32>, vector<16xi32> -> vector<16xi32>
          %lt3A_1622 = arith.cmpf olt, %gather3A_1618, %select_n3A_1595 : vector<16xf32>
          %eq3A_1623 = arith.cmpf oeq, %gather3A_1618, %select_n3A_1595 : vector<16xf32>
          %lt3A_1624 = arith.cmpi slt, %gather3A_1621, %select_n3A_1596 : vector<16xi32>
          %and3A_1625 = arith.andi %eq3A_1623, %lt3A_1624 : vector<16xi1>
          %or3A_1626 = arith.ori %lt3A_1622, %and3A_1625 : vector<16xi1>
          %not3A_1627 = arith.constant dense<true> : vector<16xi1>
          %not3A_1628 = arith.xori %or3A_1626, %not3A_1627 : vector<16xi1>
          %select_n3A_1629 = arith.select %eq3A_1615, %or3A_1626, %not3A_1628 : vector<16xi1>, vector<16xi1>
          %select_n3A_1630 = arith.select %select_n3A_1629, %gather3A_1618, %select_n3A_1595 : vector<16xi1>, vector<16xf32>
          %select_n3A_1631 = arith.select %select_n3A_1629, %gather3A_1621, %select_n3A_1596 : vector<16xi1>, vector<16xi32>
          %rev3A_1632 = arith.constant 15 : i32
          %rev3A_1633 = vector.broadcast %rev3A_1632 : i32 to vector<16xi32>
          %rev3A_1634 = tpu.iota {dimensions = array<i32: 0>} : vector<16xi32>
          %rev3A_1635 = arith.subi %rev3A_1633, %rev3A_1634 : vector<16xi32>
          %rev3A_1636 = tpu.dynamic_gather %select_n3A_1630[%rev3A_1635] in [0] : vector<16xf32>, vector<16xi32> -> vector<16xf32>
          %rev3A_1637 = arith.constant 15 : i32
          %rev3A_1638 = vector.broadcast %rev3A_1637 : i32 to vector<16xi32>
          %rev3A_1639 = tpu.iota {dimensions = array<i32: 0>} : vector<16xi32>
          %rev3A_1640 = arith.subi %rev3A_1638, %rev3A_1639 : vector<16xi32>
          %rev3A_1641 = tpu.dynamic_gather %select_n3A_1631[%rev3A_1640] in [0] : vector<16xi32>, vector<16xi32> -> vector<16xi32>
          %lt3A_1642 = arith.cmpf olt, %rev3A_1636, %cond3A_1300#0 : vector<16xf32>
          %eq3A_1643 = arith.cmpf oeq, %rev3A_1636, %cond3A_1300#0 : vector<16xf32>
          %lt3A_1644 = arith.cmpi slt, %rev3A_1641, %cond3A_1300#1 : vector<16xi32>
          %and3A_1645 = arith.andi %eq3A_1643, %lt3A_1644 : vector<16xi1>
          %or3A_1646 = arith.ori %lt3A_1642, %and3A_1645 : vector<16xi1>
          %select_n3A_1647 = arith.select %or3A_1646, %rev3A_1636, %cond3A_1300#0 : vector<16xi1>, vector<16xf32>
          %select_n3A_1648 = arith.select %or3A_1646, %rev3A_1641, %cond3A_1300#1 : vector<16xi1>, vector<16xi32>
          %select_n3A_1649 = arith.select %or3A_1646, %cond3A_1300#0, %rev3A_1636 : vector<16xi1>, vector<16xf32>
          %select_n3A_1650 = arith.select %or3A_1646, %cond3A_1300#1, %rev3A_1641 : vector<16xi1>, vector<16xi32>
          %iota3A_1651 = tpu.iota {dimensions = array<i32: 0>} : vector<16xi32>
          %xor3A_1652 = arith.constant 8 : i32
          %xor3A_1653 = vector.broadcast %xor3A_1652 : i32 to vector<16xi32>
          %xor3A_1654 = arith.xori %iota3A_1651, %xor3A_1653 : vector<16xi32>
          %and3A_1655 = arith.constant 32 : i32
          %and3A_1656 = vector.broadcast %and3A_1655 : i32 to vector<16xi32>
          %and3A_1657 = arith.andi %iota3A_1651, %and3A_1656 : vector<16xi32>
          %eq3A_1658 = arith.constant 0 : i32
          %eq3A_1659 = vector.broadcast %eq3A_1658 : i32 to vector<16xi32>
          %eq3A_1660 = arith.cmpi eq, %and3A_1657, %eq3A_1659 : vector<16xi32>
          %and3A_1661 = arith.constant 8 : i32
          %and3A_1662 = vector.broadcast %and3A_1661 : i32 to vector<16xi32>
          %and3A_1663 = arith.andi %iota3A_1651, %and3A_1662 : vector<16xi32>
          %eq3A_1664 = arith.constant 0 : i32
          %eq3A_1665 = vector.broadcast %eq3A_1664 : i32 to vector<16xi32>
          %eq3A_1666 = arith.cmpi eq, %and3A_1663, %eq3A_1665 : vector<16xi32>
          %eq3A_1667 = arith.xori %eq3A_1660, %eq3A_1666 : vector<16xi1>
          %eq3A_1668 = arith.constant dense<true> : vector<16xi1>
          %eq3A_1669 = arith.xori %eq3A_1667, %eq3A_1668 : vector<16xi1>
          %broadcast_in_dim3A_1670 = vector.shape_cast %xor3A_1654 : vector<16xi32> to vector<16x1xi32>
          %gather3A_1671 = vector.shape_cast %broadcast_in_dim3A_1670 : vector<16x1xi32> to vector<16xi32>
          %gather3A_1672 = tpu.dynamic_gather %select_n3A_1647[%gather3A_1671] in [0] : vector<16xf32>, vector<16xi32> -> vector<16xf32>
          %broadcast_in_dim3A_1673 = vector.shape_cast %xor3A_1654 : vector<16xi32> to vector<16x1xi32>
          %gather3A_1674 = vector.shape_cast %broadcast_in_dim3A_1673 : vector<16x1xi32> to vector<16xi32>
          %gather3A_1675 = tpu.dynamic_gather %select_n3A_1648[%gather3A_1674] in [0] : vector<16xi32>, vector<16xi32> -> vector<16xi32>
          %lt3A_1676 = arith.cmpf olt, %gather3A_1672, %select_n3A_1647 : vector<16xf32>
          %eq3A_1677 = arith.cmpf oeq, %gather3A_1672, %select_n3A_1647 : vector<16xf32>
          %lt3A_1678 = arith.cmpi slt, %gather3A_1675, %select_n3A_1648 : vector<16xi32>
          %and3A_1679 = arith.andi %eq3A_1677, %lt3A_1678 : vector<16xi1>
          %or3A_1680 = arith.ori %lt3A_1676, %and3A_1679 : vector<16xi1>
          %not3A_1681 = arith.constant dense<true> : vector<16xi1>
          %not3A_1682 = arith.xori %or3A_1680, %not3A_1681 : vector<16xi1>
          %select_n3A_1683 = arith.select %eq3A_1669, %or3A_1680, %not3A_1682 : vector<16xi1>, vector<16xi1>
          %select_n3A_1684 = arith.select %select_n3A_1683, %gather3A_1672, %select_n3A_1647 : vector<16xi1>, vector<16xf32>
          %select_n3A_1685 = arith.select %select_n3A_1683, %gather3A_1675, %select_n3A_1648 : vector<16xi1>, vector<16xi32>
          %iota3A_1686 = tpu.iota {dimensions = array<i32: 0>} : vector<16xi32>
          %xor3A_1687 = arith.constant 4 : i32
          %xor3A_1688 = vector.broadcast %xor3A_1687 : i32 to vector<16xi32>
          %xor3A_1689 = arith.xori %iota3A_1686, %xor3A_1688 : vector<16xi32>
          %and3A_1690 = arith.constant 32 : i32
          %and3A_1691 = vector.broadcast %and3A_1690 : i32 to vector<16xi32>
          %and3A_1692 = arith.andi %iota3A_1686, %and3A_1691 : vector<16xi32>
          %eq3A_1693 = arith.constant 0 : i32
          %eq3A_1694 = vector.broadcast %eq3A_1693 : i32 to vector<16xi32>
          %eq3A_1695 = arith.cmpi eq, %and3A_1692, %eq3A_1694 : vector<16xi32>
          %and3A_1696 = arith.constant 4 : i32
          %and3A_1697 = vector.broadcast %and3A_1696 : i32 to vector<16xi32>
          %and3A_1698 = arith.andi %iota3A_1686, %and3A_1697 : vector<16xi32>
          %eq3A_1699 = arith.constant 0 : i32
          %eq3A_1700 = vector.broadcast %eq3A_1699 : i32 to vector<16xi32>
          %eq3A_1701 = arith.cmpi eq, %and3A_1698, %eq3A_1700 : vector<16xi32>
          %eq3A_1702 = arith.xori %eq3A_1695, %eq3A_1701 : vector<16xi1>
          %eq3A_1703 = arith.constant dense<true> : vector<16xi1>
          %eq3A_1704 = arith.xori %eq3A_1702, %eq3A_1703 : vector<16xi1>
          %broadcast_in_dim3A_1705 = vector.shape_cast %xor3A_1689 : vector<16xi32> to vector<16x1xi32>
          %gather3A_1706 = vector.shape_cast %broadcast_in_dim3A_1705 : vector<16x1xi32> to vector<16xi32>
          %gather3A_1707 = tpu.dynamic_gather %select_n3A_1684[%gather3A_1706] in [0] : vector<16xf32>, vector<16xi32> -> vector<16xf32>
          %broadcast_in_dim3A_1708 = vector.shape_cast %xor3A_1689 : vector<16xi32> to vector<16x1xi32>
          %gather3A_1709 = vector.shape_cast %broadcast_in_dim3A_1708 : vector<16x1xi32> to vector<16xi32>
          %gather3A_1710 = tpu.dynamic_gather %select_n3A_1685[%gather3A_1709] in [0] : vector<16xi32>, vector<16xi32> -> vector<16xi32>
          %lt3A_1711 = arith.cmpf olt, %gather3A_1707, %select_n3A_1684 : vector<16xf32>
          %eq3A_1712 = arith.cmpf oeq, %gather3A_1707, %select_n3A_1684 : vector<16xf32>
          %lt3A_1713 = arith.cmpi slt, %gather3A_1710, %select_n3A_1685 : vector<16xi32>
          %and3A_1714 = arith.andi %eq3A_1712, %lt3A_1713 : vector<16xi1>
          %or3A_1715 = arith.ori %lt3A_1711, %and3A_1714 : vector<16xi1>
          %not3A_1716 = arith.constant dense<true> : vector<16xi1>
          %not3A_1717 = arith.xori %or3A_1715, %not3A_1716 : vector<16xi1>
          %select_n3A_1718 = arith.select %eq3A_1704, %or3A_1715, %not3A_1717 : vector<16xi1>, vector<16xi1>
          %select_n3A_1719 = arith.select %select_n3A_1718, %gather3A_1707, %select_n3A_1684 : vector<16xi1>, vector<16xf32>
          %select_n3A_1720 = arith.select %select_n3A_1718, %gather3A_1710, %select_n3A_1685 : vector<16xi1>, vector<16xi32>
          %iota3A_1721 = tpu.iota {dimensions = array<i32: 0>} : vector<16xi32>
          %xor3A_1722 = arith.constant 2 : i32
          %xor3A_1723 = vector.broadcast %xor3A_1722 : i32 to vector<16xi32>
          %xor3A_1724 = arith.xori %iota3A_1721, %xor3A_1723 : vector<16xi32>
          %and3A_1725 = arith.constant 32 : i32
          %and3A_1726 = vector.broadcast %and3A_1725 : i32 to vector<16xi32>
          %and3A_1727 = arith.andi %iota3A_1721, %and3A_1726 : vector<16xi32>
          %eq3A_1728 = arith.constant 0 : i32
          %eq3A_1729 = vector.broadcast %eq3A_1728 : i32 to vector<16xi32>
          %eq3A_1730 = arith.cmpi eq, %and3A_1727, %eq3A_1729 : vector<16xi32>
          %and3A_1731 = arith.constant 2 : i32
          %and3A_1732 = vector.broadcast %and3A_1731 : i32 to vector<16xi32>
          %and3A_1733 = arith.andi %iota3A_1721, %and3A_1732 : vector<16xi32>
          %eq3A_1734 = arith.constant 0 : i32
          %eq3A_1735 = vector.broadcast %eq3A_1734 : i32 to vector<16xi32>
          %eq3A_1736 = arith.cmpi eq, %and3A_1733, %eq3A_1735 : vector<16xi32>
          %eq3A_1737 = arith.xori %eq3A_1730, %eq3A_1736 : vector<16xi1>
          %eq3A_1738 = arith.constant dense<true> : vector<16xi1>
          %eq3A_1739 = arith.xori %eq3A_1737, %eq3A_1738 : vector<16xi1>
          %broadcast_in_dim3A_1740 = vector.shape_cast %xor3A_1724 : vector<16xi32> to vector<16x1xi32>
          %gather3A_1741 = vector.shape_cast %broadcast_in_dim3A_1740 : vector<16x1xi32> to vector<16xi32>
          %gather3A_1742 = tpu.dynamic_gather %select_n3A_1719[%gather3A_1741] in [0] : vector<16xf32>, vector<16xi32> -> vector<16xf32>
          %broadcast_in_dim3A_1743 = vector.shape_cast %xor3A_1724 : vector<16xi32> to vector<16x1xi32>
          %gather3A_1744 = vector.shape_cast %broadcast_in_dim3A_1743 : vector<16x1xi32> to vector<16xi32>
          %gather3A_1745 = tpu.dynamic_gather %select_n3A_1720[%gather3A_1744] in [0] : vector<16xi32>, vector<16xi32> -> vector<16xi32>
          %lt3A_1746 = arith.cmpf olt, %gather3A_1742, %select_n3A_1719 : vector<16xf32>
          %eq3A_1747 = arith.cmpf oeq, %gather3A_1742, %select_n3A_1719 : vector<16xf32>
          %lt3A_1748 = arith.cmpi slt, %gather3A_1745, %select_n3A_1720 : vector<16xi32>
          %and3A_1749 = arith.andi %eq3A_1747, %lt3A_1748 : vector<16xi1>
          %or3A_1750 = arith.ori %lt3A_1746, %and3A_1749 : vector<16xi1>
          %not3A_1751 = arith.constant dense<true> : vector<16xi1>
          %not3A_1752 = arith.xori %or3A_1750, %not3A_1751 : vector<16xi1>
          %select_n3A_1753 = arith.select %eq3A_1739, %or3A_1750, %not3A_1752 : vector<16xi1>, vector<16xi1>
          %select_n3A_1754 = arith.select %select_n3A_1753, %gather3A_1742, %select_n3A_1719 : vector<16xi1>, vector<16xf32>
          %select_n3A_1755 = arith.select %select_n3A_1753, %gather3A_1745, %select_n3A_1720 : vector<16xi1>, vector<16xi32>
          %iota3A_1756 = tpu.iota {dimensions = array<i32: 0>} : vector<16xi32>
          %xor3A_1757 = arith.constant 1 : i32
          %xor3A_1758 = vector.broadcast %xor3A_1757 : i32 to vector<16xi32>
          %xor3A_1759 = arith.xori %iota3A_1756, %xor3A_1758 : vector<16xi32>
          %and3A_1760 = arith.constant 32 : i32
          %and3A_1761 = vector.broadcast %and3A_1760 : i32 to vector<16xi32>
          %and3A_1762 = arith.andi %iota3A_1756, %and3A_1761 : vector<16xi32>
          %eq3A_1763 = arith.constant 0 : i32
          %eq3A_1764 = vector.broadcast %eq3A_1763 : i32 to vector<16xi32>
          %eq3A_1765 = arith.cmpi eq, %and3A_1762, %eq3A_1764 : vector<16xi32>
          %and3A_1766 = arith.constant 1 : i32
          %and3A_1767 = vector.broadcast %and3A_1766 : i32 to vector<16xi32>
          %and3A_1768 = arith.andi %iota3A_1756, %and3A_1767 : vector<16xi32>
          %eq3A_1769 = arith.constant 0 : i32
          %eq3A_1770 = vector.broadcast %eq3A_1769 : i32 to vector<16xi32>
          %eq3A_1771 = arith.cmpi eq, %and3A_1768, %eq3A_1770 : vector<16xi32>
          %eq3A_1772 = arith.xori %eq3A_1765, %eq3A_1771 : vector<16xi1>
          %eq3A_1773 = arith.constant dense<true> : vector<16xi1>
          %eq3A_1774 = arith.xori %eq3A_1772, %eq3A_1773 : vector<16xi1>
          %broadcast_in_dim3A_1775 = vector.shape_cast %xor3A_1759 : vector<16xi32> to vector<16x1xi32>
          %gather3A_1776 = vector.shape_cast %broadcast_in_dim3A_1775 : vector<16x1xi32> to vector<16xi32>
          %gather3A_1777 = tpu.dynamic_gather %select_n3A_1754[%gather3A_1776] in [0] : vector<16xf32>, vector<16xi32> -> vector<16xf32>
          %broadcast_in_dim3A_1778 = vector.shape_cast %xor3A_1759 : vector<16xi32> to vector<16x1xi32>
          %gather3A_1779 = vector.shape_cast %broadcast_in_dim3A_1778 : vector<16x1xi32> to vector<16xi32>
          %gather3A_1780 = tpu.dynamic_gather %select_n3A_1755[%gather3A_1779] in [0] : vector<16xi32>, vector<16xi32> -> vector<16xi32>
          %lt3A_1781 = arith.cmpf olt, %gather3A_1777, %select_n3A_1754 : vector<16xf32>
          %eq3A_1782 = arith.cmpf oeq, %gather3A_1777, %select_n3A_1754 : vector<16xf32>
          %lt3A_1783 = arith.cmpi slt, %gather3A_1780, %select_n3A_1755 : vector<16xi32>
          %and3A_1784 = arith.andi %eq3A_1782, %lt3A_1783 : vector<16xi1>
          %or3A_1785 = arith.ori %lt3A_1781, %and3A_1784 : vector<16xi1>
          %not3A_1786 = arith.constant dense<true> : vector<16xi1>
          %not3A_1787 = arith.xori %or3A_1785, %not3A_1786 : vector<16xi1>
          %select_n3A_1788 = arith.select %eq3A_1774, %or3A_1785, %not3A_1787 : vector<16xi1>, vector<16xi1>
          %select_n3A_1789 = arith.select %select_n3A_1788, %gather3A_1777, %select_n3A_1754 : vector<16xi1>, vector<16xf32>
          %select_n3A_1790 = arith.select %select_n3A_1788, %gather3A_1780, %select_n3A_1755 : vector<16xi1>, vector<16xi32>
          %iota3A_1791 = tpu.iota {dimensions = array<i32: 0>} : vector<16xi32>
          %xor3A_1792 = arith.constant 8 : i32
          %xor3A_1793 = vector.broadcast %xor3A_1792 : i32 to vector<16xi32>
          %xor3A_1794 = arith.xori %iota3A_1791, %xor3A_1793 : vector<16xi32>
          %and3A_1795 = arith.constant 32 : i32
          %and3A_1796 = vector.broadcast %and3A_1795 : i32 to vector<16xi32>
          %and3A_1797 = arith.andi %iota3A_1791, %and3A_1796 : vector<16xi32>
          %eq3A_1798 = arith.constant 0 : i32
          %eq3A_1799 = vector.broadcast %eq3A_1798 : i32 to vector<16xi32>
          %eq3A_1800 = arith.cmpi eq, %and3A_1797, %eq3A_1799 : vector<16xi32>
          %and3A_1801 = arith.constant 8 : i32
          %and3A_1802 = vector.broadcast %and3A_1801 : i32 to vector<16xi32>
          %and3A_1803 = arith.andi %iota3A_1791, %and3A_1802 : vector<16xi32>
          %eq3A_1804 = arith.constant 0 : i32
          %eq3A_1805 = vector.broadcast %eq3A_1804 : i32 to vector<16xi32>
          %eq3A_1806 = arith.cmpi eq, %and3A_1803, %eq3A_1805 : vector<16xi32>
          %eq3A_1807 = arith.xori %eq3A_1800, %eq3A_1806 : vector<16xi1>
          %eq3A_1808 = arith.constant dense<true> : vector<16xi1>
          %eq3A_1809 = arith.xori %eq3A_1807, %eq3A_1808 : vector<16xi1>
          %broadcast_in_dim3A_1810 = vector.shape_cast %xor3A_1794 : vector<16xi32> to vector<16x1xi32>
          %gather3A_1811 = vector.shape_cast %broadcast_in_dim3A_1810 : vector<16x1xi32> to vector<16xi32>
          %gather3A_1812 = tpu.dynamic_gather %select_n3A_1649[%gather3A_1811] in [0] : vector<16xf32>, vector<16xi32> -> vector<16xf32>
          %broadcast_in_dim3A_1813 = vector.shape_cast %xor3A_1794 : vector<16xi32> to vector<16x1xi32>
          %gather3A_1814 = vector.shape_cast %broadcast_in_dim3A_1813 : vector<16x1xi32> to vector<16xi32>
          %gather3A_1815 = tpu.dynamic_gather %select_n3A_1650[%gather3A_1814] in [0] : vector<16xi32>, vector<16xi32> -> vector<16xi32>
          %lt3A_1816 = arith.cmpf olt, %gather3A_1812, %select_n3A_1649 : vector<16xf32>
          %eq3A_1817 = arith.cmpf oeq, %gather3A_1812, %select_n3A_1649 : vector<16xf32>
          %lt3A_1818 = arith.cmpi slt, %gather3A_1815, %select_n3A_1650 : vector<16xi32>
          %and3A_1819 = arith.andi %eq3A_1817, %lt3A_1818 : vector<16xi1>
          %or3A_1820 = arith.ori %lt3A_1816, %and3A_1819 : vector<16xi1>
          %not3A_1821 = arith.constant dense<true> : vector<16xi1>
          %not3A_1822 = arith.xori %or3A_1820, %not3A_1821 : vector<16xi1>
          %select_n3A_1823 = arith.select %eq3A_1809, %or3A_1820, %not3A_1822 : vector<16xi1>, vector<16xi1>
          %select_n3A_1824 = arith.select %select_n3A_1823, %gather3A_1812, %select_n3A_1649 : vector<16xi1>, vector<16xf32>
          %select_n3A_1825 = arith.select %select_n3A_1823, %gather3A_1815, %select_n3A_1650 : vector<16xi1>, vector<16xi32>
          %iota3A_1826 = tpu.iota {dimensions = array<i32: 0>} : vector<16xi32>
          %xor3A_1827 = arith.constant 4 : i32
          %xor3A_1828 = vector.broadcast %xor3A_1827 : i32 to vector<16xi32>
          %xor3A_1829 = arith.xori %iota3A_1826, %xor3A_1828 : vector<16xi32>
          %and3A_1830 = arith.constant 32 : i32
          %and3A_1831 = vector.broadcast %and3A_1830 : i32 to vector<16xi32>
          %and3A_1832 = arith.andi %iota3A_1826, %and3A_1831 : vector<16xi32>
          %eq3A_1833 = arith.constant 0 : i32
          %eq3A_1834 = vector.broadcast %eq3A_1833 : i32 to vector<16xi32>
          %eq3A_1835 = arith.cmpi eq, %and3A_1832, %eq3A_1834 : vector<16xi32>
          %and3A_1836 = arith.constant 4 : i32
          %and3A_1837 = vector.broadcast %and3A_1836 : i32 to vector<16xi32>
          %and3A_1838 = arith.andi %iota3A_1826, %and3A_1837 : vector<16xi32>
          %eq3A_1839 = arith.constant 0 : i32
          %eq3A_1840 = vector.broadcast %eq3A_1839 : i32 to vector<16xi32>
          %eq3A_1841 = arith.cmpi eq, %and3A_1838, %eq3A_1840 : vector<16xi32>
          %eq3A_1842 = arith.xori %eq3A_1835, %eq3A_1841 : vector<16xi1>
          %eq3A_1843 = arith.constant dense<true> : vector<16xi1>
          %eq3A_1844 = arith.xori %eq3A_1842, %eq3A_1843 : vector<16xi1>
          %broadcast_in_dim3A_1845 = vector.shape_cast %xor3A_1829 : vector<16xi32> to vector<16x1xi32>
          %gather3A_1846 = vector.shape_cast %broadcast_in_dim3A_1845 : vector<16x1xi32> to vector<16xi32>
          %gather3A_1847 = tpu.dynamic_gather %select_n3A_1824[%gather3A_1846] in [0] : vector<16xf32>, vector<16xi32> -> vector<16xf32>
          %broadcast_in_dim3A_1848 = vector.shape_cast %xor3A_1829 : vector<16xi32> to vector<16x1xi32>
          %gather3A_1849 = vector.shape_cast %broadcast_in_dim3A_1848 : vector<16x1xi32> to vector<16xi32>
          %gather3A_1850 = tpu.dynamic_gather %select_n3A_1825[%gather3A_1849] in [0] : vector<16xi32>, vector<16xi32> -> vector<16xi32>
          %lt3A_1851 = arith.cmpf olt, %gather3A_1847, %select_n3A_1824 : vector<16xf32>
          %eq3A_1852 = arith.cmpf oeq, %gather3A_1847, %select_n3A_1824 : vector<16xf32>
          %lt3A_1853 = arith.cmpi slt, %gather3A_1850, %select_n3A_1825 : vector<16xi32>
          %and3A_1854 = arith.andi %eq3A_1852, %lt3A_1853 : vector<16xi1>
          %or3A_1855 = arith.ori %lt3A_1851, %and3A_1854 : vector<16xi1>
          %not3A_1856 = arith.constant dense<true> : vector<16xi1>
          %not3A_1857 = arith.xori %or3A_1855, %not3A_1856 : vector<16xi1>
          %select_n3A_1858 = arith.select %eq3A_1844, %or3A_1855, %not3A_1857 : vector<16xi1>, vector<16xi1>
          %select_n3A_1859 = arith.select %select_n3A_1858, %gather3A_1847, %select_n3A_1824 : vector<16xi1>, vector<16xf32>
          %select_n3A_1860 = arith.select %select_n3A_1858, %gather3A_1850, %select_n3A_1825 : vector<16xi1>, vector<16xi32>
          %iota3A_1861 = tpu.iota {dimensions = array<i32: 0>} : vector<16xi32>
          %xor3A_1862 = arith.constant 2 : i32
          %xor3A_1863 = vector.broadcast %xor3A_1862 : i32 to vector<16xi32>
          %xor3A_1864 = arith.xori %iota3A_1861, %xor3A_1863 : vector<16xi32>
          %and3A_1865 = arith.constant 32 : i32
          %and3A_1866 = vector.broadcast %and3A_1865 : i32 to vector<16xi32>
          %and3A_1867 = arith.andi %iota3A_1861, %and3A_1866 : vector<16xi32>
          %eq3A_1868 = arith.constant 0 : i32
          %eq3A_1869 = vector.broadcast %eq3A_1868 : i32 to vector<16xi32>
          %eq3A_1870 = arith.cmpi eq, %and3A_1867, %eq3A_1869 : vector<16xi32>
          %and3A_1871 = arith.constant 2 : i32
          %and3A_1872 = vector.broadcast %and3A_1871 : i32 to vector<16xi32>
          %and3A_1873 = arith.andi %iota3A_1861, %and3A_1872 : vector<16xi32>
          %eq3A_1874 = arith.constant 0 : i32
          %eq3A_1875 = vector.broadcast %eq3A_1874 : i32 to vector<16xi32>
          %eq3A_1876 = arith.cmpi eq, %and3A_1873, %eq3A_1875 : vector<16xi32>
          %eq3A_1877 = arith.xori %eq3A_1870, %eq3A_1876 : vector<16xi1>
          %eq3A_1878 = arith.constant dense<true> : vector<16xi1>
          %eq3A_1879 = arith.xori %eq3A_1877, %eq3A_1878 : vector<16xi1>
          %broadcast_in_dim3A_1880 = vector.shape_cast %xor3A_1864 : vector<16xi32> to vector<16x1xi32>
          %gather3A_1881 = vector.shape_cast %broadcast_in_dim3A_1880 : vector<16x1xi32> to vector<16xi32>
          %gather3A_1882 = tpu.dynamic_gather %select_n3A_1859[%gather3A_1881] in [0] : vector<16xf32>, vector<16xi32> -> vector<16xf32>
          %broadcast_in_dim3A_1883 = vector.shape_cast %xor3A_1864 : vector<16xi32> to vector<16x1xi32>
          %gather3A_1884 = vector.shape_cast %broadcast_in_dim3A_1883 : vector<16x1xi32> to vector<16xi32>
          %gather3A_1885 = tpu.dynamic_gather %select_n3A_1860[%gather3A_1884] in [0] : vector<16xi32>, vector<16xi32> -> vector<16xi32>
          %lt3A_1886 = arith.cmpf olt, %gather3A_1882, %select_n3A_1859 : vector<16xf32>
          %eq3A_1887 = arith.cmpf oeq, %gather3A_1882, %select_n3A_1859 : vector<16xf32>
          %lt3A_1888 = arith.cmpi slt, %gather3A_1885, %select_n3A_1860 : vector<16xi32>
          %and3A_1889 = arith.andi %eq3A_1887, %lt3A_1888 : vector<16xi1>
          %or3A_1890 = arith.ori %lt3A_1886, %and3A_1889 : vector<16xi1>
          %not3A_1891 = arith.constant dense<true> : vector<16xi1>
          %not3A_1892 = arith.xori %or3A_1890, %not3A_1891 : vector<16xi1>
          %select_n3A_1893 = arith.select %eq3A_1879, %or3A_1890, %not3A_1892 : vector<16xi1>, vector<16xi1>
          %select_n3A_1894 = arith.select %select_n3A_1893, %gather3A_1882, %select_n3A_1859 : vector<16xi1>, vector<16xf32>
          %select_n3A_1895 = arith.select %select_n3A_1893, %gather3A_1885, %select_n3A_1860 : vector<16xi1>, vector<16xi32>
          %iota3A_1896 = tpu.iota {dimensions = array<i32: 0>} : vector<16xi32>
          %xor3A_1897 = arith.constant 1 : i32
          %xor3A_1898 = vector.broadcast %xor3A_1897 : i32 to vector<16xi32>
          %xor3A_1899 = arith.xori %iota3A_1896, %xor3A_1898 : vector<16xi32>
          %and3A_1900 = arith.constant 32 : i32
          %and3A_1901 = vector.broadcast %and3A_1900 : i32 to vector<16xi32>
          %and3A_1902 = arith.andi %iota3A_1896, %and3A_1901 : vector<16xi32>
          %eq3A_1903 = arith.constant 0 : i32
          %eq3A_1904 = vector.broadcast %eq3A_1903 : i32 to vector<16xi32>
          %eq3A_1905 = arith.cmpi eq, %and3A_1902, %eq3A_1904 : vector<16xi32>
          %and3A_1906 = arith.constant 1 : i32
          %and3A_1907 = vector.broadcast %and3A_1906 : i32 to vector<16xi32>
          %and3A_1908 = arith.andi %iota3A_1896, %and3A_1907 : vector<16xi32>
          %eq3A_1909 = arith.constant 0 : i32
          %eq3A_1910 = vector.broadcast %eq3A_1909 : i32 to vector<16xi32>
          %eq3A_1911 = arith.cmpi eq, %and3A_1908, %eq3A_1910 : vector<16xi32>
          %eq3A_1912 = arith.xori %eq3A_1905, %eq3A_1911 : vector<16xi1>
          %eq3A_1913 = arith.constant dense<true> : vector<16xi1>
          %eq3A_1914 = arith.xori %eq3A_1912, %eq3A_1913 : vector<16xi1>
          %broadcast_in_dim3A_1915 = vector.shape_cast %xor3A_1899 : vector<16xi32> to vector<16x1xi32>
          %gather3A_1916 = vector.shape_cast %broadcast_in_dim3A_1915 : vector<16x1xi32> to vector<16xi32>
          %gather3A_1917 = tpu.dynamic_gather %select_n3A_1894[%gather3A_1916] in [0] : vector<16xf32>, vector<16xi32> -> vector<16xf32>
          %broadcast_in_dim3A_1918 = vector.shape_cast %xor3A_1899 : vector<16xi32> to vector<16x1xi32>
          %gather3A_1919 = vector.shape_cast %broadcast_in_dim3A_1918 : vector<16x1xi32> to vector<16xi32>
          %gather3A_1920 = tpu.dynamic_gather %select_n3A_1895[%gather3A_1919] in [0] : vector<16xi32>, vector<16xi32> -> vector<16xi32>
          %lt3A_1921 = arith.cmpf olt, %gather3A_1917, %select_n3A_1894 : vector<16xf32>
          %eq3A_1922 = arith.cmpf oeq, %gather3A_1917, %select_n3A_1894 : vector<16xf32>
          %lt3A_1923 = arith.cmpi slt, %gather3A_1920, %select_n3A_1895 : vector<16xi32>
          %and3A_1924 = arith.andi %eq3A_1922, %lt3A_1923 : vector<16xi1>
          %or3A_1925 = arith.ori %lt3A_1921, %and3A_1924 : vector<16xi1>
          %not3A_1926 = arith.constant dense<true> : vector<16xi1>
          %not3A_1927 = arith.xori %or3A_1925, %not3A_1926 : vector<16xi1>
          %select_n3A_1928 = arith.select %eq3A_1914, %or3A_1925, %not3A_1927 : vector<16xi1>, vector<16xi1>
          %select_n3A_1929 = arith.select %select_n3A_1928, %gather3A_1917, %select_n3A_1894 : vector<16xi1>, vector<16xf32>
          %select_n3A_1930 = arith.select %select_n3A_1928, %gather3A_1920, %select_n3A_1895 : vector<16xi1>, vector<16xi32>
          %get3A_1931 = arith.constant 16 : index
          %get3A_1932 = tpu.vector_load %arg11[%get3A_1931] {strides = array<i32>} : memref<48xf32, #tpu.memory_space<vmem>>, vector<16xf32>,
          %swap3A_1933 = arith.constant 0 : index
          %swap3A_1934 = tpu.vector_load %arg11[%swap3A_1933] {strides = array<i32>} : memref<48xf32, #tpu.memory_space<vmem>>, vector<16xf32>,
          tpu.vector_store %arg11[%swap3A_1933], %get3A_1932 {strides = array<i32>} : memref<48xf32, #tpu.memory_space<vmem>>, vector<16xf32>,
          %get3A_1935 = arith.constant 16 : index
          %get3A_1936 = tpu.vector_load %arg12[%get3A_1935] {strides = array<i32>} : memref<48xi32, #tpu.memory_space<vmem>>, vector<16xi32>,
          %swap3A_1937 = arith.constant 0 : index
          %swap3A_1938 = tpu.vector_load %arg12[%swap3A_1937] {strides = array<i32>} : memref<48xi32, #tpu.memory_space<vmem>>, vector<16xi32>,
          tpu.vector_store %arg12[%swap3A_1937], %get3A_1936 {strides = array<i32>} : memref<48xi32, #tpu.memory_space<vmem>>, vector<16xi32>,
          %get3A_1939 = arith.constant 0 : i32
          %get3A_1940 = arith.index_cast %get3A_1939 : i32 to index
          %get3A_1941 = memref.load %arg16[%get3A_1940] : memref<8xi32, #tpu.memory_space<smem>>
          %sub3A_1942 = arith.constant 16 : i32
          %sub3A_1943 = arith.subi %get3A_1941, %sub3A_1942 : i32
          %swap3A_1944 = arith.constant 0 : i32
          %swap3A_1945 = arith.index_cast %swap3A_1944 : i32 to index
          %swap3A_1946 = memref.load %arg16[%swap3A_1945] : memref<8xi32, #tpu.memory_space<smem>>
          memref.store %sub3A_1943, %arg16[%swap3A_1945] : memref<8xi32, #tpu.memory_space<smem>>
          %broadcast_in_dim3A_1947 = arith.constant 15 : i32
          %broadcast_in_dim3A_1948 = vector.broadcast %broadcast_in_dim3A_1947 : i32 to vector<16xi32>
          %broadcast_in_dim3A_1949 = vector.shape_cast %broadcast_in_dim3A_1948 : vector<16xi32> to vector<16x1xi32>
          %gather3A_1950 = vector.shape_cast %broadcast_in_dim3A_1949 : vector<16x1xi32> to vector<16xi32>
          %gather3A_1951 = tpu.dynamic_gather %select_n3A_1929[%gather3A_1950] in [0] : vector<16xf32>, vector<16xi32> -> vector<16xf32>
          scf.yield %select_n3A_1789, %select_n3A_1790, %select_n3A_1929, %select_n3A_1930, %gather3A_1951 : vector<16xf32>, vector<16xi32>, vector<16xf32>, vector<16xi32>, vector<16xf32>
        } else {
          scf.yield %cond3A_1300#0, %cond3A_1300#1, %cond3A_1300#2, %cond3A_1300#3, %cond3A_1300#4 : vector<16xf32>, vector<16xi32>, vector<16xf32>, vector<16xi32>, vector<16xf32>
        }
        %scan3A_1351 = arith.constant 5 : i32
        %scan3A_1352 = arith.addi %scan3A_1102, %scan3A_1351 : i32
        %mul3A_1353 = arith.constant 16 : i32
        %mul3A_1354 = arith.muli %scan3A_1352, %mul3A_1353 : i32
        %add3A_1355 = arith.constant 32 : i32
        %add3A_1356 = arith.addi %add3A_1355, %mul3A_1354 : i32
        %multiple_of3A_1357 = tpu.assume_multiple %add3A_1356, 16 : i32
        %get3A_1358 = arith.index_cast %multiple_of3A_1357 : i32 to index
        %get3A_1359 = tpu.vector_load %arg5[%get3A_1358] {strides = array<i32>} : memref<2112xf32, #tpu.memory_space<vmem>>, vector<16xf32>,
        %get3A_1360 = arith.index_cast %multiple_of3A_1357 : i32 to index
        %get3A_1361 = tpu.vector_load %arg6[%get3A_1360] {strides = array<i32>} : memref<2112xf32, #tpu.memory_space<vmem>>, vector<16xf32>,
        %get3A_1362 = arith.index_cast %multiple_of3A_1357 : i32 to index
        %get3A_1363 = tpu.vector_load %arg7[%get3A_1362] {strides = array<i32>} : memref<2112xf32, #tpu.memory_space<vmem>>, vector<16xf32>,
        %sub3A_1364 = arith.subf %get3A_1359, %gather3A_127 : vector<16xf32>
        %sub3A_1365 = arith.subf %get3A_1361, %gather3A_132 : vector<16xf32>
        %sub3A_1366 = arith.subf %get3A_1363, %gather3A_137 : vector<16xf32>
        %mul3A_1367 = arith.mulf %sub3A_1364, %sub3A_1364 : vector<16xf32>
        %mul3A_1368 = arith.mulf %sub3A_1365, %sub3A_1365 : vector<16xf32>
        %add3A_1369 = arith.addf %mul3A_1367, %mul3A_1368 : vector<16xf32>
        %mul3A_1370 = arith.mulf %sub3A_1366, %sub3A_1366 : vector<16xf32>
        %add3A_1371 = arith.addf %add3A_1369, %mul3A_1370 : vector<16xf32>
        %lt3A_1372 = arith.cmpf olt, %add3A_1371, %cond3A_1350#4 : vector<16xf32>
        %get3A_1373 = arith.constant 0 : i32
        %get3A_1374 = arith.index_cast %get3A_1373 : i32 to index
        %get3A_1375 = memref.load %arg16[%get3A_1374] : memref<8xi32, #tpu.memory_space<smem>>
        %convert_element_type3A_1376 = arith.extui %lt3A_1372 : vector<16xi1> to vector<16xi32>
        %cumsum3A_1377 = arith.constant true
        %cumsum3A_1378 = vector.broadcast %cumsum3A_1377 : i1 to vector<16xi1>
        %cumsum3A_1379 = tpu.scan <sum>, %convert_element_type3A_1376 masked %cumsum3A_1378 : vector<16xi32>, vector<16xi1> -> vector<16xi32>
        %add3A_1380 = vector.broadcast %get3A_1375 : i32 to vector<16xi32>
        %add3A_1381 = arith.addi %add3A_1380, %cumsum3A_1379 : vector<16xi32>
        %sub3A_1382 = arith.constant 1 : i32
        %sub3A_1383 = vector.broadcast %sub3A_1382 : i32 to vector<16xi32>
        %sub3A_1384 = arith.subi %add3A_1381, %sub3A_1383 : vector<16xi32>
        %add3A_1385 = vector.broadcast %multiple_of3A_1357 : i32 to vector<16xi32>
        %add3A_1386 = arith.addi %add3A_1385, %iota3A : vector<16xi32>
        tpu.vector_store_idx %arg11[%sub3A_1384], %add3A_1371 masked %lt3A_1372 : memref<48xf32, #tpu.memory_space<vmem>>[vector<16xi32>], vector<16xf32>, vector<16xi1>
        tpu.vector_store_idx %arg12[%sub3A_1384], %add3A_1386 masked %lt3A_1372 : memref<48xi32, #tpu.memory_space<vmem>>[vector<16xi32>], vector<16xi32>, vector<16xi1>
        %all_reduce_population_count3A_1387 = tpu.all_reduce %lt3A_1372 {dim = 0 : i64, kind = #tpu.reduction_kind<sum>} : vector<16xi1> -> vector<16xi32>
        %slice3A_1388 = vector.extract_strided_slice %all_reduce_population_count3A_1387 {offsets = [0], sizes = [1], strides = [1]} : vector<16xi32> to vector<1xi32>
        %squeeze3A_1389 = vector.extract %slice3A_1388[0] : i32 from vector<1xi32>
        %add3A_1390 = arith.addi %get3A_1375, %squeeze3A_1389 : i32
        %swap3A_1391 = arith.constant 0 : i32
        %swap3A_1392 = arith.index_cast %swap3A_1391 : i32 to index
        %swap3A_1393 = memref.load %arg16[%swap3A_1392] : memref<8xi32, #tpu.memory_space<smem>>
        memref.store %add3A_1390, %arg16[%swap3A_1392] : memref<8xi32, #tpu.memory_space<smem>>
        %add3A_1394 = arith.addi %get3A_1375, %squeeze3A_1389 : i32
        %ge3A_1395 = arith.constant 16 : i32
        %ge3A_1396 = arith.cmpi sge, %add3A_1394, %ge3A_1395 : i32
        %convert_element_type3A_1397 = arith.extui %ge3A_1396 : i1 to i32
        %cond3A_1398 = arith.constant 0 : i32
        %cond3A_1399 = arith.cmpi ne, %convert_element_type3A_1397, %cond3A_1398 : i32
        %cond3A_1400:5 = scf.if %cond3A_1399 -> (vector<16xf32>, vector<16xi32>, vector<16xf32>, vector<16xi32>, vector<16xf32>) {
          %get3A_1401 = arith.constant 0 : index
          %get3A_1402 = tpu.vector_load %arg11[%get3A_1401] {strides = array<i32>} : memref<48xf32, #tpu.memory_space<vmem>>, vector<16xf32>,
          %get3A_1403 = arith.constant 0 : index
          %get3A_1404 = tpu.vector_load %arg12[%get3A_1403] {strides = array<i32>} : memref<48xi32, #tpu.memory_space<vmem>>, vector<16xi32>,
          %masked_sort3A_1405 = arith.constant dense<true> : vector<16xi1>
          %masked_sort3A_1406, %masked_sort3A_1407, %masked_sort3A_1408 = tpu.sort %get3A_1402, %get3A_1404 masked %masked_sort3A_1405 : (vector<16xf32>, vector<16xi32>, vector<16xi1>) -> (vector<16xi1>, vector<16xf32>, vector<16xi32>)
          %iota3A_1409 = tpu.iota {dimensions = array<i32: 0>} : vector<16xi32>
          %xor3A_1410 = arith.constant 1 : i32
          %xor3A_1411 = vector.broadcast %xor3A_1410 : i32 to vector<16xi32>
          %xor3A_1412 = arith.xori %iota3A_1409, %xor3A_1411 : vector<16xi32>
          %and3A_1413 = arith.constant 1 : i32
          %and3A_1414 = vector.broadcast %and3A_1413 : i32 to vector<16xi32>
          %and3A_1415 = arith.andi %iota3A_1409, %and3A_1414 : vector<16xi32>
          %broadcast_in_dim3A_1416 = vector.shape_cast %xor3A_1412 : vector<16xi32> to vector<16x1xi32>
          %gather3A_1417 = vector.shape_cast %broadcast_in_dim3A_1416 : vector<16x1xi32> to vector<16xi32>
          %gather3A_1418 = tpu.dynamic_gather %masked_sort3A_1407[%gather3A_1417] in [0] : vector<16xf32>, vector<16xi32> -> vector<16xf32>
          %broadcast_in_dim3A_1419 = vector.shape_cast %xor3A_1412 : vector<16xi32> to vector<16x1xi32>
          %gather3A_1420 = vector.shape_cast %broadcast_in_dim3A_1419 : vector<16x1xi32> to vector<16xi32>
          %gather3A_1421 = tpu.dynamic_gather %masked_sort3A_1408[%gather3A_1420] in [0] : vector<16xi32>, vector<16xi32> -> vector<16xi32>
          %lt3A_1422 = arith.cmpf olt, %gather3A_1418, %masked_sort3A_1407 : vector<16xf32>
          %eq3A_1423 = arith.cmpf oeq, %gather3A_1418, %masked_sort3A_1407 : vector<16xf32>
          %lt3A_1424 = arith.cmpi slt, %gather3A_1421, %masked_sort3A_1408 : vector<16xi32>
          %and3A_1425 = arith.andi %eq3A_1423, %lt3A_1424 : vector<16xi1>
          %or3A_1426 = arith.ori %lt3A_1422, %and3A_1425 : vector<16xi1>
          %convert_element_type3A_1427 = arith.extui %or3A_1426 : vector<16xi1> to vector<16xi32>
          %xor3A_1428 = arith.xori %convert_element_type3A_1427, %and3A_1415 : vector<16xi32>
          %ne3A_1429 = arith.constant 0 : i32
          %ne3A_1430 = vector.broadcast %ne3A_1429 : i32 to vector<16xi32>
          %ne3A_1431 = arith.cmpi ne, %xor3A_1428, %ne3A_1430 : vector<16xi32>
          %select_n3A_1432 = arith.select %ne3A_1431, %gather3A_1418, %masked_sort3A_1407 : vector<16xi1>, vector<16xf32>
          %select_n3A_1433 = arith.select %ne3A_1431, %gather3A_1421, %masked_sort3A_1408 : vector<16xi1>, vector<16xi32>
          %add3A_1434 = arith.constant 1 : i32
          %add3A_1435 = vector.broadcast %add3A_1434 : i32 to vector<16xi32>
          %add3A_1436 = arith.addi %iota3A_1409, %add3A_1435 : vector<16xi32>
          %xor3A_1437 = arith.constant 1 : i32
          %xor3A_1438 = vector.broadcast %xor3A_1437 : i32 to vector<16xi32>
          %xor3A_1439 = arith.xori %add3A_1436, %xor3A_1438 : vector<16xi32>
          %sub3A_1440 = arith.constant 1 : i32
          %sub3A_1441 = vector.broadcast %sub3A_1440 : i32 to vector<16xi32>
          %sub3A_1442 = arith.subi %xor3A_1439, %sub3A_1441 : vector<16xi32>
          %jit3A_1443 = arith.constant 0 : i32
          %jit3A_1444 = arith.constant 15 : i32
          %max3A_1445 = vector.broadcast %jit3A_1443 : i32 to vector<16xi32>
          %max3A_1446 = arith.maxsi %max3A_1445, %sub3A_1442 : vector<16xi32>
          %min3A_1447 = vector.broadcast %jit3A_1444 : i32 to vector<16xi32>
          %min3A_1448 = arith.minsi %min3A_1447, %max3A_1446 : vector<16xi32>
          %and3A_1449 = arith.constant 1 : i32
          %and3A_1450 = vector.broadcast %and3A_1449 : i32 to vector<16xi32>
          %and3A_1451 = arith.andi %iota3A_1409, %and3A_1450 : vector<16xi32>
          %xor3A_1452 = arith.constant 1 : i32
          %xor3A_1453 = vector.broadcast %xor3A_1452 : i32 to vector<16xi32>
          %xor3A_1454 = arith.xori %and3A_1451, %xor3A_1453 : vector<16xi32>
          %broadcast_in_dim3A_1455 = vector.shape_cast %min3A_1448 : vector<16xi32> to vector<16x1xi32>
          %gather3A_1456 = vector.shape_cast %broadcast_in_dim3A_1455 : vector<16x1xi32> to vector<16xi32>
          %gather3A_1457 = tpu.dynamic_gather %select_n3A_1432[%gather3A_1456] in [0] : vector<16xf32>, vector<16xi32> -> vector<16xf32>
          %broadcast_in_dim3A_1458 = vector.shape_cast %min3A_1448 : vector<16xi32> to vector<16x1xi32>
          %gather3A_1459 = vector.shape_cast %broadcast_in_dim3A_1458 : vector<16x1xi32> to vector<16xi32>
          %gather3A_1460 = tpu.dynamic_gather %select_n3A_1433[%gather3A_1459] in [0] : vector<16xi32>, vector<16xi32> -> vector<16xi32>
          %lt3A_1461 = arith.cmpf olt, %gather3A_1457, %select_n3A_1432 : vector<16xf32>
          %eq3A_1462 = arith.cmpf oeq, %gather3A_1457, %select_n3A_1432 : vector<16xf32>
          %lt3A_1463 = arith.cmpi slt, %gather3A_1460, %select_n3A_1433 : vector<16xi32>
          %and3A_1464 = arith.andi %eq3A_1462, %lt3A_1463 : vector<16xi1>
          %or3A_1465 = arith.ori %lt3A_1461, %and3A_1464 : vector<16xi1>
          %convert_element_type3A_1466 = arith.extui %or3A_1465 : vector<16xi1> to vector<16xi32>
          %xor3A_1467 = arith.xori %convert_element_type3A_1466, %xor3A_1454 : vector<16xi32>
          %ne3A_1468 = arith.constant 0 : i32
          %ne3A_1469 = vector.broadcast %ne3A_1468 : i32 to vector<16xi32>
          %ne3A_1470 = arith.cmpi ne, %xor3A_1467, %ne3A_1469 : vector<16xi32>
          %select_n3A_1471 = arith.select %ne3A_1470, %gather3A_1457, %select_n3A_1432 : vector<16xi1>, vector<16xf32>
          %select_n3A_1472 = arith.select %ne3A_1470, %gather3A_1460, %select_n3A_1433 : vector<16xi1>, vector<16xi32>
          %rev3A_1473 = arith.constant 15 : i32
          %rev3A_1474 = vector.broadcast %rev3A_1473 : i32 to vector<16xi32>
          %rev3A_1475 = tpu.iota {dimensions = array<i32: 0>} : vector<16xi32>
          %rev3A_1476 = arith.subi %rev3A_1474, %rev3A_1475 : vector<16xi32>
          %rev3A_1477 = tpu.dynamic_gather %select_n3A_1471[%rev3A_1476] in [0] : vector<16xf32>, vector<16xi32> -> vector<16xf32>
          %rev3A_1478 = arith.constant 15 : i32
          %rev3A_1479 = vector.broadcast %rev3A_1478 : i32 to vector<16xi32>
          %rev3A_1480 = tpu.iota {dimensions = array<i32: 0>} : vector<16xi32>
          %rev3A_1481 = arith.subi %rev3A_1479, %rev3A_1480 : vector<16xi32>
          %rev3A_1482 = tpu.dynamic_gather %select_n3A_1472[%rev3A_1481] in [0] : vector<16xi32>, vector<16xi32> -> vector<16xi32>
          %lt3A_1483 = arith.cmpf olt, %rev3A_1477, %cond3A_1350#2 : vector<16xf32>
          %eq3A_1484 = arith.cmpf oeq, %rev3A_1477, %cond3A_1350#2 : vector<16xf32>
          %lt3A_1485 = arith.cmpi slt, %rev3A_1482, %cond3A_1350#3 : vector<16xi32>
          %and3A_1486 = arith.andi %eq3A_1484, %lt3A_1485 : vector<16xi1>
          %or3A_1487 = arith.ori %lt3A_1483, %and3A_1486 : vector<16xi1>
          %select_n3A_1488 = arith.select %or3A_1487, %rev3A_1477, %cond3A_1350#2 : vector<16xi1>, vector<16xf32>
          %select_n3A_1489 = arith.select %or3A_1487, %rev3A_1482, %cond3A_1350#3 : vector<16xi1>, vector<16xi32>
          %select_n3A_1490 = arith.select %or3A_1487, %cond3A_1350#2, %rev3A_1477 : vector<16xi1>, vector<16xf32>
          %select_n3A_1491 = arith.select %or3A_1487, %cond3A_1350#3, %rev3A_1482 : vector<16xi1>, vector<16xi32>
          %iota3A_1492 = tpu.iota {dimensions = array<i32: 0>} : vector<16xi32>
          %xor3A_1493 = arith.constant 8 : i32
          %xor3A_1494 = vector.broadcast %xor3A_1493 : i32 to vector<16xi32>
          %xor3A_1495 = arith.xori %iota3A_1492, %xor3A_1494 : vector<16xi32>
          %and3A_1496 = arith.constant 32 : i32
          %and3A_1497 = vector.broadcast %and3A_1496 : i32 to vector<16xi32>
          %and3A_1498 = arith.andi %iota3A_1492, %and3A_1497 : vector<16xi32>
          %eq3A_1499 = arith.constant 0 : i32
          %eq3A_1500 = vector.broadcast %eq3A_1499 : i32 to vector<16xi32>
          %eq3A_1501 = arith.cmpi eq, %and3A_1498, %eq3A_1500 : vector<16xi32>
          %and3A_1502 = arith.constant 8 : i32
          %and3A_1503 = vector.broadcast %and3A_1502 : i32 to vector<16xi32>
          %and3A_1504 = arith.andi %iota3A_1492, %and3A_1503 : vector<16xi32>
          %eq3A_1505 = arith.constant 0 : i32
          %eq3A_1506 = vector.broadcast %eq3A_1505 : i32 to vector<16xi32>
          %eq3A_1507 = arith.cmpi eq, %and3A_1504, %eq3A_1506 : vector<16xi32>
          %eq3A_1508 = arith.xori %eq3A_1501, %eq3A_1507 : vector<16xi1>
          %eq3A_1509 = arith.constant dense<true> : vector<16xi1>
          %eq3A_1510 = arith.xori %eq3A_1508, %eq3A_1509 : vector<16xi1>
          %broadcast_in_dim3A_1511 = vector.shape_cast %xor3A_1495 : vector<16xi32> to vector<16x1xi32>
          %gather3A_1512 = vector.shape_cast %broadcast_in_dim3A_1511 : vector<16x1xi32> to vector<16xi32>
          %gather3A_1513 = tpu.dynamic_gather %select_n3A_1488[%gather3A_1512] in [0] : vector<16xf32>, vector<16xi32> -> vector<16xf32>
          %broadcast_in_dim3A_1514 = vector.shape_cast %xor3A_1495 : vector<16xi32> to vector<16x1xi32>
          %gather3A_1515 = vector.shape_cast %broadcast_in_dim3A_1514 : vector<16x1xi32> to vector<16xi32>
          %gather3A_1516 = tpu.dynamic_gather %select_n3A_1489[%gather3A_1515] in [0] : vector<16xi32>, vector<16xi32> -> vector<16xi32>
          %lt3A_1517 = arith.cmpf olt, %gather3A_1513, %select_n3A_1488 : vector<16xf32>
          %eq3A_1518 = arith.cmpf oeq, %gather3A_1513, %select_n3A_1488 : vector<16xf32>
          %lt3A_1519 = arith.cmpi slt, %gather3A_1516, %select_n3A_1489 : vector<16xi32>
          %and3A_1520 = arith.andi %eq3A_1518, %lt3A_1519 : vector<16xi1>
          %or3A_1521 = arith.ori %lt3A_1517, %and3A_1520 : vector<16xi1>
          %not3A_1522 = arith.constant dense<true> : vector<16xi1>
          %not3A_1523 = arith.xori %or3A_1521, %not3A_1522 : vector<16xi1>
          %select_n3A_1524 = arith.select %eq3A_1510, %or3A_1521, %not3A_1523 : vector<16xi1>, vector<16xi1>
          %select_n3A_1525 = arith.select %select_n3A_1524, %gather3A_1513, %select_n3A_1488 : vector<16xi1>, vector<16xf32>
          %select_n3A_1526 = arith.select %select_n3A_1524, %gather3A_1516, %select_n3A_1489 : vector<16xi1>, vector<16xi32>
          %iota3A_1527 = tpu.iota {dimensions = array<i32: 0>} : vector<16xi32>
          %xor3A_1528 = arith.constant 4 : i32
          %xor3A_1529 = vector.broadcast %xor3A_1528 : i32 to vector<16xi32>
          %xor3A_1530 = arith.xori %iota3A_1527, %xor3A_1529 : vector<16xi32>
          %and3A_1531 = arith.constant 32 : i32
          %and3A_1532 = vector.broadcast %and3A_1531 : i32 to vector<16xi32>
          %and3A_1533 = arith.andi %iota3A_1527, %and3A_1532 : vector<16xi32>
          %eq3A_1534 = arith.constant 0 : i32
          %eq3A_1535 = vector.broadcast %eq3A_1534 : i32 to vector<16xi32>
          %eq3A_1536 = arith.cmpi eq, %and3A_1533, %eq3A_1535 : vector<16xi32>
          %and3A_1537 = arith.constant 4 : i32
          %and3A_1538 = vector.broadcast %and3A_1537 : i32 to vector<16xi32>
          %and3A_1539 = arith.andi %iota3A_1527, %and3A_1538 : vector<16xi32>
          %eq3A_1540 = arith.constant 0 : i32
          %eq3A_1541 = vector.broadcast %eq3A_1540 : i32 to vector<16xi32>
          %eq3A_1542 = arith.cmpi eq, %and3A_1539, %eq3A_1541 : vector<16xi32>
          %eq3A_1543 = arith.xori %eq3A_1536, %eq3A_1542 : vector<16xi1>
          %eq3A_1544 = arith.constant dense<true> : vector<16xi1>
          %eq3A_1545 = arith.xori %eq3A_1543, %eq3A_1544 : vector<16xi1>
          %broadcast_in_dim3A_1546 = vector.shape_cast %xor3A_1530 : vector<16xi32> to vector<16x1xi32>
          %gather3A_1547 = vector.shape_cast %broadcast_in_dim3A_1546 : vector<16x1xi32> to vector<16xi32>
          %gather3A_1548 = tpu.dynamic_gather %select_n3A_1525[%gather3A_1547] in [0] : vector<16xf32>, vector<16xi32> -> vector<16xf32>
          %broadcast_in_dim3A_1549 = vector.shape_cast %xor3A_1530 : vector<16xi32> to vector<16x1xi32>
          %gather3A_1550 = vector.shape_cast %broadcast_in_dim3A_1549 : vector<16x1xi32> to vector<16xi32>
          %gather3A_1551 = tpu.dynamic_gather %select_n3A_1526[%gather3A_1550] in [0] : vector<16xi32>, vector<16xi32> -> vector<16xi32>
          %lt3A_1552 = arith.cmpf olt, %gather3A_1548, %select_n3A_1525 : vector<16xf32>
          %eq3A_1553 = arith.cmpf oeq, %gather3A_1548, %select_n3A_1525 : vector<16xf32>
          %lt3A_1554 = arith.cmpi slt, %gather3A_1551, %select_n3A_1526 : vector<16xi32>
          %and3A_1555 = arith.andi %eq3A_1553, %lt3A_1554 : vector<16xi1>
          %or3A_1556 = arith.ori %lt3A_1552, %and3A_1555 : vector<16xi1>
          %not3A_1557 = arith.constant dense<true> : vector<16xi1>
          %not3A_1558 = arith.xori %or3A_1556, %not3A_1557 : vector<16xi1>
          %select_n3A_1559 = arith.select %eq3A_1545, %or3A_1556, %not3A_1558 : vector<16xi1>, vector<16xi1>
          %select_n3A_1560 = arith.select %select_n3A_1559, %gather3A_1548, %select_n3A_1525 : vector<16xi1>, vector<16xf32>
          %select_n3A_1561 = arith.select %select_n3A_1559, %gather3A_1551, %select_n3A_1526 : vector<16xi1>, vector<16xi32>
          %iota3A_1562 = tpu.iota {dimensions = array<i32: 0>} : vector<16xi32>
          %xor3A_1563 = arith.constant 2 : i32
          %xor3A_1564 = vector.broadcast %xor3A_1563 : i32 to vector<16xi32>
          %xor3A_1565 = arith.xori %iota3A_1562, %xor3A_1564 : vector<16xi32>
          %and3A_1566 = arith.constant 32 : i32
          %and3A_1567 = vector.broadcast %and3A_1566 : i32 to vector<16xi32>
          %and3A_1568 = arith.andi %iota3A_1562, %and3A_1567 : vector<16xi32>
          %eq3A_1569 = arith.constant 0 : i32
          %eq3A_1570 = vector.broadcast %eq3A_1569 : i32 to vector<16xi32>
          %eq3A_1571 = arith.cmpi eq, %and3A_1568, %eq3A_1570 : vector<16xi32>
          %and3A_1572 = arith.constant 2 : i32
          %and3A_1573 = vector.broadcast %and3A_1572 : i32 to vector<16xi32>
          %and3A_1574 = arith.andi %iota3A_1562, %and3A_1573 : vector<16xi32>
          %eq3A_1575 = arith.constant 0 : i32
          %eq3A_1576 = vector.broadcast %eq3A_1575 : i32 to vector<16xi32>
          %eq3A_1577 = arith.cmpi eq, %and3A_1574, %eq3A_1576 : vector<16xi32>
          %eq3A_1578 = arith.xori %eq3A_1571, %eq3A_1577 : vector<16xi1>
          %eq3A_1579 = arith.constant dense<true> : vector<16xi1>
          %eq3A_1580 = arith.xori %eq3A_1578, %eq3A_1579 : vector<16xi1>
          %broadcast_in_dim3A_1581 = vector.shape_cast %xor3A_1565 : vector<16xi32> to vector<16x1xi32>
          %gather3A_1582 = vector.shape_cast %broadcast_in_dim3A_1581 : vector<16x1xi32> to vector<16xi32>
          %gather3A_1583 = tpu.dynamic_gather %select_n3A_1560[%gather3A_1582] in [0] : vector<16xf32>, vector<16xi32> -> vector<16xf32>
          %broadcast_in_dim3A_1584 = vector.shape_cast %xor3A_1565 : vector<16xi32> to vector<16x1xi32>
          %gather3A_1585 = vector.shape_cast %broadcast_in_dim3A_1584 : vector<16x1xi32> to vector<16xi32>
          %gather3A_1586 = tpu.dynamic_gather %select_n3A_1561[%gather3A_1585] in [0] : vector<16xi32>, vector<16xi32> -> vector<16xi32>
          %lt3A_1587 = arith.cmpf olt, %gather3A_1583, %select_n3A_1560 : vector<16xf32>
          %eq3A_1588 = arith.cmpf oeq, %gather3A_1583, %select_n3A_1560 : vector<16xf32>
          %lt3A_1589 = arith.cmpi slt, %gather3A_1586, %select_n3A_1561 : vector<16xi32>
          %and3A_1590 = arith.andi %eq3A_1588, %lt3A_1589 : vector<16xi1>
          %or3A_1591 = arith.ori %lt3A_1587, %and3A_1590 : vector<16xi1>
          %not3A_1592 = arith.constant dense<true> : vector<16xi1>
          %not3A_1593 = arith.xori %or3A_1591, %not3A_1592 : vector<16xi1>
          %select_n3A_1594 = arith.select %eq3A_1580, %or3A_1591, %not3A_1593 : vector<16xi1>, vector<16xi1>
          %select_n3A_1595 = arith.select %select_n3A_1594, %gather3A_1583, %select_n3A_1560 : vector<16xi1>, vector<16xf32>
          %select_n3A_1596 = arith.select %select_n3A_1594, %gather3A_1586, %select_n3A_1561 : vector<16xi1>, vector<16xi32>
          %iota3A_1597 = tpu.iota {dimensions = array<i32: 0>} : vector<16xi32>
          %xor3A_1598 = arith.constant 1 : i32
          %xor3A_1599 = vector.broadcast %xor3A_1598 : i32 to vector<16xi32>
          %xor3A_1600 = arith.xori %iota3A_1597, %xor3A_1599 : vector<16xi32>
          %and3A_1601 = arith.constant 32 : i32
          %and3A_1602 = vector.broadcast %and3A_1601 : i32 to vector<16xi32>
          %and3A_1603 = arith.andi %iota3A_1597, %and3A_1602 : vector<16xi32>
          %eq3A_1604 = arith.constant 0 : i32
          %eq3A_1605 = vector.broadcast %eq3A_1604 : i32 to vector<16xi32>
          %eq3A_1606 = arith.cmpi eq, %and3A_1603, %eq3A_1605 : vector<16xi32>
          %and3A_1607 = arith.constant 1 : i32
          %and3A_1608 = vector.broadcast %and3A_1607 : i32 to vector<16xi32>
          %and3A_1609 = arith.andi %iota3A_1597, %and3A_1608 : vector<16xi32>
          %eq3A_1610 = arith.constant 0 : i32
          %eq3A_1611 = vector.broadcast %eq3A_1610 : i32 to vector<16xi32>
          %eq3A_1612 = arith.cmpi eq, %and3A_1609, %eq3A_1611 : vector<16xi32>
          %eq3A_1613 = arith.xori %eq3A_1606, %eq3A_1612 : vector<16xi1>
          %eq3A_1614 = arith.constant dense<true> : vector<16xi1>
          %eq3A_1615 = arith.xori %eq3A_1613, %eq3A_1614 : vector<16xi1>
          %broadcast_in_dim3A_1616 = vector.shape_cast %xor3A_1600 : vector<16xi32> to vector<16x1xi32>
          %gather3A_1617 = vector.shape_cast %broadcast_in_dim3A_1616 : vector<16x1xi32> to vector<16xi32>
          %gather3A_1618 = tpu.dynamic_gather %select_n3A_1595[%gather3A_1617] in [0] : vector<16xf32>, vector<16xi32> -> vector<16xf32>
          %broadcast_in_dim3A_1619 = vector.shape_cast %xor3A_1600 : vector<16xi32> to vector<16x1xi32>
          %gather3A_1620 = vector.shape_cast %broadcast_in_dim3A_1619 : vector<16x1xi32> to vector<16xi32>
          %gather3A_1621 = tpu.dynamic_gather %select_n3A_1596[%gather3A_1620] in [0] : vector<16xi32>, vector<16xi32> -> vector<16xi32>
          %lt3A_1622 = arith.cmpf olt, %gather3A_1618, %select_n3A_1595 : vector<16xf32>
          %eq3A_1623 = arith.cmpf oeq, %gather3A_1618, %select_n3A_1595 : vector<16xf32>
          %lt3A_1624 = arith.cmpi slt, %gather3A_1621, %select_n3A_1596 : vector<16xi32>
          %and3A_1625 = arith.andi %eq3A_1623, %lt3A_1624 : vector<16xi1>
          %or3A_1626 = arith.ori %lt3A_1622, %and3A_1625 : vector<16xi1>
          %not3A_1627 = arith.constant dense<true> : vector<16xi1>
          %not3A_1628 = arith.xori %or3A_1626, %not3A_1627 : vector<16xi1>
          %select_n3A_1629 = arith.select %eq3A_1615, %or3A_1626, %not3A_1628 : vector<16xi1>, vector<16xi1>
          %select_n3A_1630 = arith.select %select_n3A_1629, %gather3A_1618, %select_n3A_1595 : vector<16xi1>, vector<16xf32>
          %select_n3A_1631 = arith.select %select_n3A_1629, %gather3A_1621, %select_n3A_1596 : vector<16xi1>, vector<16xi32>
          %rev3A_1632 = arith.constant 15 : i32
          %rev3A_1633 = vector.broadcast %rev3A_1632 : i32 to vector<16xi32>
          %rev3A_1634 = tpu.iota {dimensions = array<i32: 0>} : vector<16xi32>
          %rev3A_1635 = arith.subi %rev3A_1633, %rev3A_1634 : vector<16xi32>
          %rev3A_1636 = tpu.dynamic_gather %select_n3A_1630[%rev3A_1635] in [0] : vector<16xf32>, vector<16xi32> -> vector<16xf32>
          %rev3A_1637 = arith.constant 15 : i32
          %rev3A_1638 = vector.broadcast %rev3A_1637 : i32 to vector<16xi32>
          %rev3A_1639 = tpu.iota {dimensions = array<i32: 0>} : vector<16xi32>
          %rev3A_1640 = arith.subi %rev3A_1638, %rev3A_1639 : vector<16xi32>
          %rev3A_1641 = tpu.dynamic_gather %select_n3A_1631[%rev3A_1640] in [0] : vector<16xi32>, vector<16xi32> -> vector<16xi32>
          %lt3A_1642 = arith.cmpf olt, %rev3A_1636, %cond3A_1350#0 : vector<16xf32>
          %eq3A_1643 = arith.cmpf oeq, %rev3A_1636, %cond3A_1350#0 : vector<16xf32>
          %lt3A_1644 = arith.cmpi slt, %rev3A_1641, %cond3A_1350#1 : vector<16xi32>
          %and3A_1645 = arith.andi %eq3A_1643, %lt3A_1644 : vector<16xi1>
          %or3A_1646 = arith.ori %lt3A_1642, %and3A_1645 : vector<16xi1>
          %select_n3A_1647 = arith.select %or3A_1646, %rev3A_1636, %cond3A_1350#0 : vector<16xi1>, vector<16xf32>
          %select_n3A_1648 = arith.select %or3A_1646, %rev3A_1641, %cond3A_1350#1 : vector<16xi1>, vector<16xi32>
          %select_n3A_1649 = arith.select %or3A_1646, %cond3A_1350#0, %rev3A_1636 : vector<16xi1>, vector<16xf32>
          %select_n3A_1650 = arith.select %or3A_1646, %cond3A_1350#1, %rev3A_1641 : vector<16xi1>, vector<16xi32>
          %iota3A_1651 = tpu.iota {dimensions = array<i32: 0>} : vector<16xi32>
          %xor3A_1652 = arith.constant 8 : i32
          %xor3A_1653 = vector.broadcast %xor3A_1652 : i32 to vector<16xi32>
          %xor3A_1654 = arith.xori %iota3A_1651, %xor3A_1653 : vector<16xi32>
          %and3A_1655 = arith.constant 32 : i32
          %and3A_1656 = vector.broadcast %and3A_1655 : i32 to vector<16xi32>
          %and3A_1657 = arith.andi %iota3A_1651, %and3A_1656 : vector<16xi32>
          %eq3A_1658 = arith.constant 0 : i32
          %eq3A_1659 = vector.broadcast %eq3A_1658 : i32 to vector<16xi32>
          %eq3A_1660 = arith.cmpi eq, %and3A_1657, %eq3A_1659 : vector<16xi32>
          %and3A_1661 = arith.constant 8 : i32
          %and3A_1662 = vector.broadcast %and3A_1661 : i32 to vector<16xi32>
          %and3A_1663 = arith.andi %iota3A_1651, %and3A_1662 : vector<16xi32>
          %eq3A_1664 = arith.constant 0 : i32
          %eq3A_1665 = vector.broadcast %eq3A_1664 : i32 to vector<16xi32>
          %eq3A_1666 = arith.cmpi eq, %and3A_1663, %eq3A_1665 : vector<16xi32>
          %eq3A_1667 = arith.xori %eq3A_1660, %eq3A_1666 : vector<16xi1>
          %eq3A_1668 = arith.constant dense<true> : vector<16xi1>
          %eq3A_1669 = arith.xori %eq3A_1667, %eq3A_1668 : vector<16xi1>
          %broadcast_in_dim3A_1670 = vector.shape_cast %xor3A_1654 : vector<16xi32> to vector<16x1xi32>
          %gather3A_1671 = vector.shape_cast %broadcast_in_dim3A_1670 : vector<16x1xi32> to vector<16xi32>
          %gather3A_1672 = tpu.dynamic_gather %select_n3A_1647[%gather3A_1671] in [0] : vector<16xf32>, vector<16xi32> -> vector<16xf32>
          %broadcast_in_dim3A_1673 = vector.shape_cast %xor3A_1654 : vector<16xi32> to vector<16x1xi32>
          %gather3A_1674 = vector.shape_cast %broadcast_in_dim3A_1673 : vector<16x1xi32> to vector<16xi32>
          %gather3A_1675 = tpu.dynamic_gather %select_n3A_1648[%gather3A_1674] in [0] : vector<16xi32>, vector<16xi32> -> vector<16xi32>
          %lt3A_1676 = arith.cmpf olt, %gather3A_1672, %select_n3A_1647 : vector<16xf32>
          %eq3A_1677 = arith.cmpf oeq, %gather3A_1672, %select_n3A_1647 : vector<16xf32>
          %lt3A_1678 = arith.cmpi slt, %gather3A_1675, %select_n3A_1648 : vector<16xi32>
          %and3A_1679 = arith.andi %eq3A_1677, %lt3A_1678 : vector<16xi1>
          %or3A_1680 = arith.ori %lt3A_1676, %and3A_1679 : vector<16xi1>
          %not3A_1681 = arith.constant dense<true> : vector<16xi1>
          %not3A_1682 = arith.xori %or3A_1680, %not3A_1681 : vector<16xi1>
          %select_n3A_1683 = arith.select %eq3A_1669, %or3A_1680, %not3A_1682 : vector<16xi1>, vector<16xi1>
          %select_n3A_1684 = arith.select %select_n3A_1683, %gather3A_1672, %select_n3A_1647 : vector<16xi1>, vector<16xf32>
          %select_n3A_1685 = arith.select %select_n3A_1683, %gather3A_1675, %select_n3A_1648 : vector<16xi1>, vector<16xi32>
          %iota3A_1686 = tpu.iota {dimensions = array<i32: 0>} : vector<16xi32>
          %xor3A_1687 = arith.constant 4 : i32
          %xor3A_1688 = vector.broadcast %xor3A_1687 : i32 to vector<16xi32>
          %xor3A_1689 = arith.xori %iota3A_1686, %xor3A_1688 : vector<16xi32>
          %and3A_1690 = arith.constant 32 : i32
          %and3A_1691 = vector.broadcast %and3A_1690 : i32 to vector<16xi32>
          %and3A_1692 = arith.andi %iota3A_1686, %and3A_1691 : vector<16xi32>
          %eq3A_1693 = arith.constant 0 : i32
          %eq3A_1694 = vector.broadcast %eq3A_1693 : i32 to vector<16xi32>
          %eq3A_1695 = arith.cmpi eq, %and3A_1692, %eq3A_1694 : vector<16xi32>
          %and3A_1696 = arith.constant 4 : i32
          %and3A_1697 = vector.broadcast %and3A_1696 : i32 to vector<16xi32>
          %and3A_1698 = arith.andi %iota3A_1686, %and3A_1697 : vector<16xi32>
          %eq3A_1699 = arith.constant 0 : i32
          %eq3A_1700 = vector.broadcast %eq3A_1699 : i32 to vector<16xi32>
          %eq3A_1701 = arith.cmpi eq, %and3A_1698, %eq3A_1700 : vector<16xi32>
          %eq3A_1702 = arith.xori %eq3A_1695, %eq3A_1701 : vector<16xi1>
          %eq3A_1703 = arith.constant dense<true> : vector<16xi1>
          %eq3A_1704 = arith.xori %eq3A_1702, %eq3A_1703 : vector<16xi1>
          %broadcast_in_dim3A_1705 = vector.shape_cast %xor3A_1689 : vector<16xi32> to vector<16x1xi32>
          %gather3A_1706 = vector.shape_cast %broadcast_in_dim3A_1705 : vector<16x1xi32> to vector<16xi32>
          %gather3A_1707 = tpu.dynamic_gather %select_n3A_1684[%gather3A_1706] in [0] : vector<16xf32>, vector<16xi32> -> vector<16xf32>
          %broadcast_in_dim3A_1708 = vector.shape_cast %xor3A_1689 : vector<16xi32> to vector<16x1xi32>
          %gather3A_1709 = vector.shape_cast %broadcast_in_dim3A_1708 : vector<16x1xi32> to vector<16xi32>
          %gather3A_1710 = tpu.dynamic_gather %select_n3A_1685[%gather3A_1709] in [0] : vector<16xi32>, vector<16xi32> -> vector<16xi32>
          %lt3A_1711 = arith.cmpf olt, %gather3A_1707, %select_n3A_1684 : vector<16xf32>
          %eq3A_1712 = arith.cmpf oeq, %gather3A_1707, %select_n3A_1684 : vector<16xf32>
          %lt3A_1713 = arith.cmpi slt, %gather3A_1710, %select_n3A_1685 : vector<16xi32>
          %and3A_1714 = arith.andi %eq3A_1712, %lt3A_1713 : vector<16xi1>
          %or3A_1715 = arith.ori %lt3A_1711, %and3A_1714 : vector<16xi1>
          %not3A_1716 = arith.constant dense<true> : vector<16xi1>
          %not3A_1717 = arith.xori %or3A_1715, %not3A_1716 : vector<16xi1>
          %select_n3A_1718 = arith.select %eq3A_1704, %or3A_1715, %not3A_1717 : vector<16xi1>, vector<16xi1>
          %select_n3A_1719 = arith.select %select_n3A_1718, %gather3A_1707, %select_n3A_1684 : vector<16xi1>, vector<16xf32>
          %select_n3A_1720 = arith.select %select_n3A_1718, %gather3A_1710, %select_n3A_1685 : vector<16xi1>, vector<16xi32>
          %iota3A_1721 = tpu.iota {dimensions = array<i32: 0>} : vector<16xi32>
          %xor3A_1722 = arith.constant 2 : i32
          %xor3A_1723 = vector.broadcast %xor3A_1722 : i32 to vector<16xi32>
          %xor3A_1724 = arith.xori %iota3A_1721, %xor3A_1723 : vector<16xi32>
          %and3A_1725 = arith.constant 32 : i32
          %and3A_1726 = vector.broadcast %and3A_1725 : i32 to vector<16xi32>
          %and3A_1727 = arith.andi %iota3A_1721, %and3A_1726 : vector<16xi32>
          %eq3A_1728 = arith.constant 0 : i32
          %eq3A_1729 = vector.broadcast %eq3A_1728 : i32 to vector<16xi32>
          %eq3A_1730 = arith.cmpi eq, %and3A_1727, %eq3A_1729 : vector<16xi32>
          %and3A_1731 = arith.constant 2 : i32
          %and3A_1732 = vector.broadcast %and3A_1731 : i32 to vector<16xi32>
          %and3A_1733 = arith.andi %iota3A_1721, %and3A_1732 : vector<16xi32>
          %eq3A_1734 = arith.constant 0 : i32
          %eq3A_1735 = vector.broadcast %eq3A_1734 : i32 to vector<16xi32>
          %eq3A_1736 = arith.cmpi eq, %and3A_1733, %eq3A_1735 : vector<16xi32>
          %eq3A_1737 = arith.xori %eq3A_1730, %eq3A_1736 : vector<16xi1>
          %eq3A_1738 = arith.constant dense<true> : vector<16xi1>
          %eq3A_1739 = arith.xori %eq3A_1737, %eq3A_1738 : vector<16xi1>
          %broadcast_in_dim3A_1740 = vector.shape_cast %xor3A_1724 : vector<16xi32> to vector<16x1xi32>
          %gather3A_1741 = vector.shape_cast %broadcast_in_dim3A_1740 : vector<16x1xi32> to vector<16xi32>
          %gather3A_1742 = tpu.dynamic_gather %select_n3A_1719[%gather3A_1741] in [0] : vector<16xf32>, vector<16xi32> -> vector<16xf32>
          %broadcast_in_dim3A_1743 = vector.shape_cast %xor3A_1724 : vector<16xi32> to vector<16x1xi32>
          %gather3A_1744 = vector.shape_cast %broadcast_in_dim3A_1743 : vector<16x1xi32> to vector<16xi32>
          %gather3A_1745 = tpu.dynamic_gather %select_n3A_1720[%gather3A_1744] in [0] : vector<16xi32>, vector<16xi32> -> vector<16xi32>
          %lt3A_1746 = arith.cmpf olt, %gather3A_1742, %select_n3A_1719 : vector<16xf32>
          %eq3A_1747 = arith.cmpf oeq, %gather3A_1742, %select_n3A_1719 : vector<16xf32>
          %lt3A_1748 = arith.cmpi slt, %gather3A_1745, %select_n3A_1720 : vector<16xi32>
          %and3A_1749 = arith.andi %eq3A_1747, %lt3A_1748 : vector<16xi1>
          %or3A_1750 = arith.ori %lt3A_1746, %and3A_1749 : vector<16xi1>
          %not3A_1751 = arith.constant dense<true> : vector<16xi1>
          %not3A_1752 = arith.xori %or3A_1750, %not3A_1751 : vector<16xi1>
          %select_n3A_1753 = arith.select %eq3A_1739, %or3A_1750, %not3A_1752 : vector<16xi1>, vector<16xi1>
          %select_n3A_1754 = arith.select %select_n3A_1753, %gather3A_1742, %select_n3A_1719 : vector<16xi1>, vector<16xf32>
          %select_n3A_1755 = arith.select %select_n3A_1753, %gather3A_1745, %select_n3A_1720 : vector<16xi1>, vector<16xi32>
          %iota3A_1756 = tpu.iota {dimensions = array<i32: 0>} : vector<16xi32>
          %xor3A_1757 = arith.constant 1 : i32
          %xor3A_1758 = vector.broadcast %xor3A_1757 : i32 to vector<16xi32>
          %xor3A_1759 = arith.xori %iota3A_1756, %xor3A_1758 : vector<16xi32>
          %and3A_1760 = arith.constant 32 : i32
          %and3A_1761 = vector.broadcast %and3A_1760 : i32 to vector<16xi32>
          %and3A_1762 = arith.andi %iota3A_1756, %and3A_1761 : vector<16xi32>
          %eq3A_1763 = arith.constant 0 : i32
          %eq3A_1764 = vector.broadcast %eq3A_1763 : i32 to vector<16xi32>
          %eq3A_1765 = arith.cmpi eq, %and3A_1762, %eq3A_1764 : vector<16xi32>
          %and3A_1766 = arith.constant 1 : i32
          %and3A_1767 = vector.broadcast %and3A_1766 : i32 to vector<16xi32>
          %and3A_1768 = arith.andi %iota3A_1756, %and3A_1767 : vector<16xi32>
          %eq3A_1769 = arith.constant 0 : i32
          %eq3A_1770 = vector.broadcast %eq3A_1769 : i32 to vector<16xi32>
          %eq3A_1771 = arith.cmpi eq, %and3A_1768, %eq3A_1770 : vector<16xi32>
          %eq3A_1772 = arith.xori %eq3A_1765, %eq3A_1771 : vector<16xi1>
          %eq3A_1773 = arith.constant dense<true> : vector<16xi1>
          %eq3A_1774 = arith.xori %eq3A_1772, %eq3A_1773 : vector<16xi1>
          %broadcast_in_dim3A_1775 = vector.shape_cast %xor3A_1759 : vector<16xi32> to vector<16x1xi32>
          %gather3A_1776 = vector.shape_cast %broadcast_in_dim3A_1775 : vector<16x1xi32> to vector<16xi32>
          %gather3A_1777 = tpu.dynamic_gather %select_n3A_1754[%gather3A_1776] in [0] : vector<16xf32>, vector<16xi32> -> vector<16xf32>
          %broadcast_in_dim3A_1778 = vector.shape_cast %xor3A_1759 : vector<16xi32> to vector<16x1xi32>
          %gather3A_1779 = vector.shape_cast %broadcast_in_dim3A_1778 : vector<16x1xi32> to vector<16xi32>
          %gather3A_1780 = tpu.dynamic_gather %select_n3A_1755[%gather3A_1779] in [0] : vector<16xi32>, vector<16xi32> -> vector<16xi32>
          %lt3A_1781 = arith.cmpf olt, %gather3A_1777, %select_n3A_1754 : vector<16xf32>
          %eq3A_1782 = arith.cmpf oeq, %gather3A_1777, %select_n3A_1754 : vector<16xf32>
          %lt3A_1783 = arith.cmpi slt, %gather3A_1780, %select_n3A_1755 : vector<16xi32>
          %and3A_1784 = arith.andi %eq3A_1782, %lt3A_1783 : vector<16xi1>
          %or3A_1785 = arith.ori %lt3A_1781, %and3A_1784 : vector<16xi1>
          %not3A_1786 = arith.constant dense<true> : vector<16xi1>
          %not3A_1787 = arith.xori %or3A_1785, %not3A_1786 : vector<16xi1>
          %select_n3A_1788 = arith.select %eq3A_1774, %or3A_1785, %not3A_1787 : vector<16xi1>, vector<16xi1>
          %select_n3A_1789 = arith.select %select_n3A_1788, %gather3A_1777, %select_n3A_1754 : vector<16xi1>, vector<16xf32>
          %select_n3A_1790 = arith.select %select_n3A_1788, %gather3A_1780, %select_n3A_1755 : vector<16xi1>, vector<16xi32>
          %iota3A_1791 = tpu.iota {dimensions = array<i32: 0>} : vector<16xi32>
          %xor3A_1792 = arith.constant 8 : i32
          %xor3A_1793 = vector.broadcast %xor3A_1792 : i32 to vector<16xi32>
          %xor3A_1794 = arith.xori %iota3A_1791, %xor3A_1793 : vector<16xi32>
          %and3A_1795 = arith.constant 32 : i32
          %and3A_1796 = vector.broadcast %and3A_1795 : i32 to vector<16xi32>
          %and3A_1797 = arith.andi %iota3A_1791, %and3A_1796 : vector<16xi32>
          %eq3A_1798 = arith.constant 0 : i32
          %eq3A_1799 = vector.broadcast %eq3A_1798 : i32 to vector<16xi32>
          %eq3A_1800 = arith.cmpi eq, %and3A_1797, %eq3A_1799 : vector<16xi32>
          %and3A_1801 = arith.constant 8 : i32
          %and3A_1802 = vector.broadcast %and3A_1801 : i32 to vector<16xi32>
          %and3A_1803 = arith.andi %iota3A_1791, %and3A_1802 : vector<16xi32>
          %eq3A_1804 = arith.constant 0 : i32
          %eq3A_1805 = vector.broadcast %eq3A_1804 : i32 to vector<16xi32>
          %eq3A_1806 = arith.cmpi eq, %and3A_1803, %eq3A_1805 : vector<16xi32>
          %eq3A_1807 = arith.xori %eq3A_1800, %eq3A_1806 : vector<16xi1>
          %eq3A_1808 = arith.constant dense<true> : vector<16xi1>
          %eq3A_1809 = arith.xori %eq3A_1807, %eq3A_1808 : vector<16xi1>
          %broadcast_in_dim3A_1810 = vector.shape_cast %xor3A_1794 : vector<16xi32> to vector<16x1xi32>
          %gather3A_1811 = vector.shape_cast %broadcast_in_dim3A_1810 : vector<16x1xi32> to vector<16xi32>
          %gather3A_1812 = tpu.dynamic_gather %select_n3A_1649[%gather3A_1811] in [0] : vector<16xf32>, vector<16xi32> -> vector<16xf32>
          %broadcast_in_dim3A_1813 = vector.shape_cast %xor3A_1794 : vector<16xi32> to vector<16x1xi32>
          %gather3A_1814 = vector.shape_cast %broadcast_in_dim3A_1813 : vector<16x1xi32> to vector<16xi32>
          %gather3A_1815 = tpu.dynamic_gather %select_n3A_1650[%gather3A_1814] in [0] : vector<16xi32>, vector<16xi32> -> vector<16xi32>
          %lt3A_1816 = arith.cmpf olt, %gather3A_1812, %select_n3A_1649 : vector<16xf32>
          %eq3A_1817 = arith.cmpf oeq, %gather3A_1812, %select_n3A_1649 : vector<16xf32>
          %lt3A_1818 = arith.cmpi slt, %gather3A_1815, %select_n3A_1650 : vector<16xi32>
          %and3A_1819 = arith.andi %eq3A_1817, %lt3A_1818 : vector<16xi1>
          %or3A_1820 = arith.ori %lt3A_1816, %and3A_1819 : vector<16xi1>
          %not3A_1821 = arith.constant dense<true> : vector<16xi1>
          %not3A_1822 = arith.xori %or3A_1820, %not3A_1821 : vector<16xi1>
          %select_n3A_1823 = arith.select %eq3A_1809, %or3A_1820, %not3A_1822 : vector<16xi1>, vector<16xi1>
          %select_n3A_1824 = arith.select %select_n3A_1823, %gather3A_1812, %select_n3A_1649 : vector<16xi1>, vector<16xf32>
          %select_n3A_1825 = arith.select %select_n3A_1823, %gather3A_1815, %select_n3A_1650 : vector<16xi1>, vector<16xi32>
          %iota3A_1826 = tpu.iota {dimensions = array<i32: 0>} : vector<16xi32>
          %xor3A_1827 = arith.constant 4 : i32
          %xor3A_1828 = vector.broadcast %xor3A_1827 : i32 to vector<16xi32>
          %xor3A_1829 = arith.xori %iota3A_1826, %xor3A_1828 : vector<16xi32>
          %and3A_1830 = arith.constant 32 : i32
          %and3A_1831 = vector.broadcast %and3A_1830 : i32 to vector<16xi32>
          %and3A_1832 = arith.andi %iota3A_1826, %and3A_1831 : vector<16xi32>
          %eq3A_1833 = arith.constant 0 : i32
          %eq3A_1834 = vector.broadcast %eq3A_1833 : i32 to vector<16xi32>
          %eq3A_1835 = arith.cmpi eq, %and3A_1832, %eq3A_1834 : vector<16xi32>
          %and3A_1836 = arith.constant 4 : i32
          %and3A_1837 = vector.broadcast %and3A_1836 : i32 to vector<16xi32>
          %and3A_1838 = arith.andi %iota3A_1826, %and3A_1837 : vector<16xi32>
          %eq3A_1839 = arith.constant 0 : i32
          %eq3A_1840 = vector.broadcast %eq3A_1839 : i32 to vector<16xi32>
          %eq3A_1841 = arith.cmpi eq, %and3A_1838, %eq3A_1840 : vector<16xi32>
          %eq3A_1842 = arith.xori %eq3A_1835, %eq3A_1841 : vector<16xi1>
          %eq3A_1843 = arith.constant dense<true> : vector<16xi1>
          %eq3A_1844 = arith.xori %eq3A_1842, %eq3A_1843 : vector<16xi1>
          %broadcast_in_dim3A_1845 = vector.shape_cast %xor3A_1829 : vector<16xi32> to vector<16x1xi32>
          %gather3A_1846 = vector.shape_cast %broadcast_in_dim3A_1845 : vector<16x1xi32> to vector<16xi32>
          %gather3A_1847 = tpu.dynamic_gather %select_n3A_1824[%gather3A_1846] in [0] : vector<16xf32>, vector<16xi32> -> vector<16xf32>
          %broadcast_in_dim3A_1848 = vector.shape_cast %xor3A_1829 : vector<16xi32> to vector<16x1xi32>
          %gather3A_1849 = vector.shape_cast %broadcast_in_dim3A_1848 : vector<16x1xi32> to vector<16xi32>
          %gather3A_1850 = tpu.dynamic_gather %select_n3A_1825[%gather3A_1849] in [0] : vector<16xi32>, vector<16xi32> -> vector<16xi32>
          %lt3A_1851 = arith.cmpf olt, %gather3A_1847, %select_n3A_1824 : vector<16xf32>
          %eq3A_1852 = arith.cmpf oeq, %gather3A_1847, %select_n3A_1824 : vector<16xf32>
          %lt3A_1853 = arith.cmpi slt, %gather3A_1850, %select_n3A_1825 : vector<16xi32>
          %and3A_1854 = arith.andi %eq3A_1852, %lt3A_1853 : vector<16xi1>
          %or3A_1855 = arith.ori %lt3A_1851, %and3A_1854 : vector<16xi1>
          %not3A_1856 = arith.constant dense<true> : vector<16xi1>
          %not3A_1857 = arith.xori %or3A_1855, %not3A_1856 : vector<16xi1>
          %select_n3A_1858 = arith.select %eq3A_1844, %or3A_1855, %not3A_1857 : vector<16xi1>, vector<16xi1>
          %select_n3A_1859 = arith.select %select_n3A_1858, %gather3A_1847, %select_n3A_1824 : vector<16xi1>, vector<16xf32>
          %select_n3A_1860 = arith.select %select_n3A_1858, %gather3A_1850, %select_n3A_1825 : vector<16xi1>, vector<16xi32>
          %iota3A_1861 = tpu.iota {dimensions = array<i32: 0>} : vector<16xi32>
          %xor3A_1862 = arith.constant 2 : i32
          %xor3A_1863 = vector.broadcast %xor3A_1862 : i32 to vector<16xi32>
          %xor3A_1864 = arith.xori %iota3A_1861, %xor3A_1863 : vector<16xi32>
          %and3A_1865 = arith.constant 32 : i32
          %and3A_1866 = vector.broadcast %and3A_1865 : i32 to vector<16xi32>
          %and3A_1867 = arith.andi %iota3A_1861, %and3A_1866 : vector<16xi32>
          %eq3A_1868 = arith.constant 0 : i32
          %eq3A_1869 = vector.broadcast %eq3A_1868 : i32 to vector<16xi32>
          %eq3A_1870 = arith.cmpi eq, %and3A_1867, %eq3A_1869 : vector<16xi32>
          %and3A_1871 = arith.constant 2 : i32
          %and3A_1872 = vector.broadcast %and3A_1871 : i32 to vector<16xi32>
          %and3A_1873 = arith.andi %iota3A_1861, %and3A_1872 : vector<16xi32>
          %eq3A_1874 = arith.constant 0 : i32
          %eq3A_1875 = vector.broadcast %eq3A_1874 : i32 to vector<16xi32>
          %eq3A_1876 = arith.cmpi eq, %and3A_1873, %eq3A_1875 : vector<16xi32>
          %eq3A_1877 = arith.xori %eq3A_1870, %eq3A_1876 : vector<16xi1>
          %eq3A_1878 = arith.constant dense<true> : vector<16xi1>
          %eq3A_1879 = arith.xori %eq3A_1877, %eq3A_1878 : vector<16xi1>
          %broadcast_in_dim3A_1880 = vector.shape_cast %xor3A_1864 : vector<16xi32> to vector<16x1xi32>
          %gather3A_1881 = vector.shape_cast %broadcast_in_dim3A_1880 : vector<16x1xi32> to vector<16xi32>
          %gather3A_1882 = tpu.dynamic_gather %select_n3A_1859[%gather3A_1881] in [0] : vector<16xf32>, vector<16xi32> -> vector<16xf32>
          %broadcast_in_dim3A_1883 = vector.shape_cast %xor3A_1864 : vector<16xi32> to vector<16x1xi32>
          %gather3A_1884 = vector.shape_cast %broadcast_in_dim3A_1883 : vector<16x1xi32> to vector<16xi32>
          %gather3A_1885 = tpu.dynamic_gather %select_n3A_1860[%gather3A_1884] in [0] : vector<16xi32>, vector<16xi32> -> vector<16xi32>
          %lt3A_1886 = arith.cmpf olt, %gather3A_1882, %select_n3A_1859 : vector<16xf32>
          %eq3A_1887 = arith.cmpf oeq, %gather3A_1882, %select_n3A_1859 : vector<16xf32>
          %lt3A_1888 = arith.cmpi slt, %gather3A_1885, %select_n3A_1860 : vector<16xi32>
          %and3A_1889 = arith.andi %eq3A_1887, %lt3A_1888 : vector<16xi1>
          %or3A_1890 = arith.ori %lt3A_1886, %and3A_1889 : vector<16xi1>
          %not3A_1891 = arith.constant dense<true> : vector<16xi1>
          %not3A_1892 = arith.xori %or3A_1890, %not3A_1891 : vector<16xi1>
          %select_n3A_1893 = arith.select %eq3A_1879, %or3A_1890, %not3A_1892 : vector<16xi1>, vector<16xi1>
          %select_n3A_1894 = arith.select %select_n3A_1893, %gather3A_1882, %select_n3A_1859 : vector<16xi1>, vector<16xf32>
          %select_n3A_1895 = arith.select %select_n3A_1893, %gather3A_1885, %select_n3A_1860 : vector<16xi1>, vector<16xi32>
          %iota3A_1896 = tpu.iota {dimensions = array<i32: 0>} : vector<16xi32>
          %xor3A_1897 = arith.constant 1 : i32
          %xor3A_1898 = vector.broadcast %xor3A_1897 : i32 to vector<16xi32>
          %xor3A_1899 = arith.xori %iota3A_1896, %xor3A_1898 : vector<16xi32>
          %and3A_1900 = arith.constant 32 : i32
          %and3A_1901 = vector.broadcast %and3A_1900 : i32 to vector<16xi32>
          %and3A_1902 = arith.andi %iota3A_1896, %and3A_1901 : vector<16xi32>
          %eq3A_1903 = arith.constant 0 : i32
          %eq3A_1904 = vector.broadcast %eq3A_1903 : i32 to vector<16xi32>
          %eq3A_1905 = arith.cmpi eq, %and3A_1902, %eq3A_1904 : vector<16xi32>
          %and3A_1906 = arith.constant 1 : i32
          %and3A_1907 = vector.broadcast %and3A_1906 : i32 to vector<16xi32>
          %and3A_1908 = arith.andi %iota3A_1896, %and3A_1907 : vector<16xi32>
          %eq3A_1909 = arith.constant 0 : i32
          %eq3A_1910 = vector.broadcast %eq3A_1909 : i32 to vector<16xi32>
          %eq3A_1911 = arith.cmpi eq, %and3A_1908, %eq3A_1910 : vector<16xi32>
          %eq3A_1912 = arith.xori %eq3A_1905, %eq3A_1911 : vector<16xi1>
          %eq3A_1913 = arith.constant dense<true> : vector<16xi1>
          %eq3A_1914 = arith.xori %eq3A_1912, %eq3A_1913 : vector<16xi1>
          %broadcast_in_dim3A_1915 = vector.shape_cast %xor3A_1899 : vector<16xi32> to vector<16x1xi32>
          %gather3A_1916 = vector.shape_cast %broadcast_in_dim3A_1915 : vector<16x1xi32> to vector<16xi32>
          %gather3A_1917 = tpu.dynamic_gather %select_n3A_1894[%gather3A_1916] in [0] : vector<16xf32>, vector<16xi32> -> vector<16xf32>
          %broadcast_in_dim3A_1918 = vector.shape_cast %xor3A_1899 : vector<16xi32> to vector<16x1xi32>
          %gather3A_1919 = vector.shape_cast %broadcast_in_dim3A_1918 : vector<16x1xi32> to vector<16xi32>
          %gather3A_1920 = tpu.dynamic_gather %select_n3A_1895[%gather3A_1919] in [0] : vector<16xi32>, vector<16xi32> -> vector<16xi32>
          %lt3A_1921 = arith.cmpf olt, %gather3A_1917, %select_n3A_1894 : vector<16xf32>
          %eq3A_1922 = arith.cmpf oeq, %gather3A_1917, %select_n3A_1894 : vector<16xf32>
          %lt3A_1923 = arith.cmpi slt, %gather3A_1920, %select_n3A_1895 : vector<16xi32>
          %and3A_1924 = arith.andi %eq3A_1922, %lt3A_1923 : vector<16xi1>
          %or3A_1925 = arith.ori %lt3A_1921, %and3A_1924 : vector<16xi1>
          %not3A_1926 = arith.constant dense<true> : vector<16xi1>
          %not3A_1927 = arith.xori %or3A_1925, %not3A_1926 : vector<16xi1>
          %select_n3A_1928 = arith.select %eq3A_1914, %or3A_1925, %not3A_1927 : vector<16xi1>, vector<16xi1>
          %select_n3A_1929 = arith.select %select_n3A_1928, %gather3A_1917, %select_n3A_1894 : vector<16xi1>, vector<16xf32>
          %select_n3A_1930 = arith.select %select_n3A_1928, %gather3A_1920, %select_n3A_1895 : vector<16xi1>, vector<16xi32>
          %get3A_1931 = arith.constant 16 : index
          %get3A_1932 = tpu.vector_load %arg11[%get3A_1931] {strides = array<i32>} : memref<48xf32, #tpu.memory_space<vmem>>, vector<16xf32>,
          %swap3A_1933 = arith.constant 0 : index
          %swap3A_1934 = tpu.vector_load %arg11[%swap3A_1933] {strides = array<i32>} : memref<48xf32, #tpu.memory_space<vmem>>, vector<16xf32>,
          tpu.vector_store %arg11[%swap3A_1933], %get3A_1932 {strides = array<i32>} : memref<48xf32, #tpu.memory_space<vmem>>, vector<16xf32>,
          %get3A_1935 = arith.constant 16 : index
          %get3A_1936 = tpu.vector_load %arg12[%get3A_1935] {strides = array<i32>} : memref<48xi32, #tpu.memory_space<vmem>>, vector<16xi32>,
          %swap3A_1937 = arith.constant 0 : index
          %swap3A_1938 = tpu.vector_load %arg12[%swap3A_1937] {strides = array<i32>} : memref<48xi32, #tpu.memory_space<vmem>>, vector<16xi32>,
          tpu.vector_store %arg12[%swap3A_1937], %get3A_1936 {strides = array<i32>} : memref<48xi32, #tpu.memory_space<vmem>>, vector<16xi32>,
          %get3A_1939 = arith.constant 0 : i32
          %get3A_1940 = arith.index_cast %get3A_1939 : i32 to index
          %get3A_1941 = memref.load %arg16[%get3A_1940] : memref<8xi32, #tpu.memory_space<smem>>
          %sub3A_1942 = arith.constant 16 : i32
          %sub3A_1943 = arith.subi %get3A_1941, %sub3A_1942 : i32
          %swap3A_1944 = arith.constant 0 : i32
          %swap3A_1945 = arith.index_cast %swap3A_1944 : i32 to index
          %swap3A_1946 = memref.load %arg16[%swap3A_1945] : memref<8xi32, #tpu.memory_space<smem>>
          memref.store %sub3A_1943, %arg16[%swap3A_1945] : memref<8xi32, #tpu.memory_space<smem>>
          %broadcast_in_dim3A_1947 = arith.constant 15 : i32
          %broadcast_in_dim3A_1948 = vector.broadcast %broadcast_in_dim3A_1947 : i32 to vector<16xi32>
          %broadcast_in_dim3A_1949 = vector.shape_cast %broadcast_in_dim3A_1948 : vector<16xi32> to vector<16x1xi32>
          %gather3A_1950 = vector.shape_cast %broadcast_in_dim3A_1949 : vector<16x1xi32> to vector<16xi32>
          %gather3A_1951 = tpu.dynamic_gather %select_n3A_1929[%gather3A_1950] in [0] : vector<16xf32>, vector<16xi32> -> vector<16xf32>
          scf.yield %select_n3A_1789, %select_n3A_1790, %select_n3A_1929, %select_n3A_1930, %gather3A_1951 : vector<16xf32>, vector<16xi32>, vector<16xf32>, vector<16xi32>, vector<16xf32>
        } else {
          scf.yield %cond3A_1350#0, %cond3A_1350#1, %cond3A_1350#2, %cond3A_1350#3, %cond3A_1350#4 : vector<16xf32>, vector<16xi32>, vector<16xf32>, vector<16xi32>, vector<16xf32>
        }
        scf.yield %cond3A_1400#0, %cond3A_1400#1, %cond3A_1400#2, %cond3A_1400#3, %cond3A_1400#4 : vector<16xf32>, vector<16xi32>, vector<16xf32>, vector<16xi32>, vector<16xf32>
      }
      %scan3A_610 = arith.constant 126 : i32
      %get3A_611 = arith.constant 0 : i32
      %get3A_612 = arith.index_cast %get3A_611 : i32 to index
      %get3A_613 = memref.load %arg16[%get3A_612] : memref<8xi32, #tpu.memory_space<smem>>
      %gt3A = arith.constant 0 : i32
      %gt3A_614 = arith.cmpi sgt, %get3A_613, %gt3A : i32
      %convert_element_type3A_615 = arith.extui %gt3A_614 : i1 to i32
      %cond3A = arith.constant 0 : i32
      %cond3A_616 = arith.cmpi ne, %convert_element_type3A_615, %cond3A : i32
      %cond3A_617:4 = scf.if %cond3A_616 -> (vector<16xf32>, vector<16xi32>, vector<16xf32>, vector<16xi32>) {
        %get3A_1102 = arith.constant 0 : i32
        %get3A_1103 = arith.index_cast %get3A_1102 : i32 to index
        %get3A_1104 = memref.load %arg16[%get3A_1103] : memref<8xi32, #tpu.memory_space<smem>>
        %get3A_1105 = arith.constant 0 : index
        %get3A_1106 = tpu.vector_load %arg11[%get3A_1105] {strides = array<i32>} : memref<48xf32, #tpu.memory_space<vmem>>, vector<16xf32>,
        %get3A_1107 = arith.constant 0 : index
        %get3A_1108 = tpu.vector_load %arg12[%get3A_1107] {strides = array<i32>} : memref<48xi32, #tpu.memory_space<vmem>>, vector<16xi32>,
        %lt3A_1109 = vector.broadcast %get3A_1104 : i32 to vector<16xi32>
        %lt3A_1110 = arith.cmpi slt, %iota3A, %lt3A_1109 : vector<16xi32>
        %jit3A_1111 = arith.constant 0x7F800000 : f32
        %broadcast_in_dim3A_1112 = vector.broadcast %jit3A_1111 : f32 to vector<16xf32>
        %select_n3A_1113 = arith.select %lt3A_1110, %get3A_1106, %broadcast_in_dim3A_1112 : vector<16xi1>, vector<16xf32>
        %add3A_1114 = arith.constant 6144 : i32
        %add3A_1115 = vector.broadcast %add3A_1114 : i32 to vector<16xi32>
        %add3A_1116 = arith.addi %add3A_1115, %iota3A : vector<16xi32>
        %select_n3A_1117 = arith.select %lt3A_1110, %get3A_1108, %add3A_1116 : vector<16xi1>, vector<16xi32>
        %masked_sort3A_1118 = arith.constant dense<true> : vector<16xi1>
        %masked_sort3A_1119, %masked_sort3A_1120, %masked_sort3A_1121 = tpu.sort %select_n3A_1113, %select_n3A_1117 masked %masked_sort3A_1118 : (vector<16xf32>, vector<16xi32>, vector<16xi1>) -> (vector<16xi1>, vector<16xf32>, vector<16xi32>)
        %iota3A_1122 = tpu.iota {dimensions = array<i32: 0>} : vector<16xi32>
        %xor3A_1123 = arith.constant 1 : i32
        %xor3A_1124 = vector.broadcast %xor3A_1123 : i32 to vector<16xi32>
        %xor3A_1125 = arith.xori %iota3A_1122, %xor3A_1124 : vector<16xi32>
        %and3A_1126 = arith.constant 1 : i32
        %and3A_1127 = vector.broadcast %and3A_1126 : i32 to vector<16xi32>
        %and3A_1128 = arith.andi %iota3A_1122, %and3A_1127 : vector<16xi32>
        %broadcast_in_dim3A_1129 = vector.shape_cast %xor3A_1125 : vector<16xi32> to vector<16x1xi32>
        %gather3A_1130 = vector.shape_cast %broadcast_in_dim3A_1129 : vector<16x1xi32> to vector<16xi32>
        %gather3A_1131 = tpu.dynamic_gather %masked_sort3A_1120[%gather3A_1130] in [0] : vector<16xf32>, vector<16xi32> -> vector<16xf32>
        %broadcast_in_dim3A_1132 = vector.shape_cast %xor3A_1125 : vector<16xi32> to vector<16x1xi32>
        %gather3A_1133 = vector.shape_cast %broadcast_in_dim3A_1132 : vector<16x1xi32> to vector<16xi32>
        %gather3A_1134 = tpu.dynamic_gather %masked_sort3A_1121[%gather3A_1133] in [0] : vector<16xi32>, vector<16xi32> -> vector<16xi32>
        %lt3A_1135 = arith.cmpf olt, %gather3A_1131, %masked_sort3A_1120 : vector<16xf32>
        %eq3A_1136 = arith.cmpf oeq, %gather3A_1131, %masked_sort3A_1120 : vector<16xf32>
        %lt3A_1137 = arith.cmpi slt, %gather3A_1134, %masked_sort3A_1121 : vector<16xi32>
        %and3A_1138 = arith.andi %eq3A_1136, %lt3A_1137 : vector<16xi1>
        %or3A_1139 = arith.ori %lt3A_1135, %and3A_1138 : vector<16xi1>
        %convert_element_type3A_1140 = arith.extui %or3A_1139 : vector<16xi1> to vector<16xi32>
        %xor3A_1141 = arith.xori %convert_element_type3A_1140, %and3A_1128 : vector<16xi32>
        %ne3A_1142 = arith.constant 0 : i32
        %ne3A_1143 = vector.broadcast %ne3A_1142 : i32 to vector<16xi32>
        %ne3A_1144 = arith.cmpi ne, %xor3A_1141, %ne3A_1143 : vector<16xi32>
        %select_n3A_1145 = arith.select %ne3A_1144, %gather3A_1131, %masked_sort3A_1120 : vector<16xi1>, vector<16xf32>
        %select_n3A_1146 = arith.select %ne3A_1144, %gather3A_1134, %masked_sort3A_1121 : vector<16xi1>, vector<16xi32>
        %add3A_1147 = arith.constant 1 : i32
        %add3A_1148 = vector.broadcast %add3A_1147 : i32 to vector<16xi32>
        %add3A_1149 = arith.addi %iota3A_1122, %add3A_1148 : vector<16xi32>
        %xor3A_1150 = arith.constant 1 : i32
        %xor3A_1151 = vector.broadcast %xor3A_1150 : i32 to vector<16xi32>
        %xor3A_1152 = arith.xori %add3A_1149, %xor3A_1151 : vector<16xi32>
        %sub3A_1153 = arith.constant 1 : i32
        %sub3A_1154 = vector.broadcast %sub3A_1153 : i32 to vector<16xi32>
        %sub3A_1155 = arith.subi %xor3A_1152, %sub3A_1154 : vector<16xi32>
        %jit3A_1156 = arith.constant 0 : i32
        %jit3A_1157 = arith.constant 15 : i32
        %max3A_1158 = vector.broadcast %jit3A_1156 : i32 to vector<16xi32>
        %max3A_1159 = arith.maxsi %max3A_1158, %sub3A_1155 : vector<16xi32>
        %min3A_1160 = vector.broadcast %jit3A_1157 : i32 to vector<16xi32>
        %min3A_1161 = arith.minsi %min3A_1160, %max3A_1159 : vector<16xi32>
        %and3A_1162 = arith.constant 1 : i32
        %and3A_1163 = vector.broadcast %and3A_1162 : i32 to vector<16xi32>
        %and3A_1164 = arith.andi %iota3A_1122, %and3A_1163 : vector<16xi32>
        %xor3A_1165 = arith.constant 1 : i32
        %xor3A_1166 = vector.broadcast %xor3A_1165 : i32 to vector<16xi32>
        %xor3A_1167 = arith.xori %and3A_1164, %xor3A_1166 : vector<16xi32>
        %broadcast_in_dim3A_1168 = vector.shape_cast %min3A_1161 : vector<16xi32> to vector<16x1xi32>
        %gather3A_1169 = vector.shape_cast %broadcast_in_dim3A_1168 : vector<16x1xi32> to vector<16xi32>
        %gather3A_1170 = tpu.dynamic_gather %select_n3A_1145[%gather3A_1169] in [0] : vector<16xf32>, vector<16xi32> -> vector<16xf32>
        %broadcast_in_dim3A_1171 = vector.shape_cast %min3A_1161 : vector<16xi32> to vector<16x1xi32>
        %gather3A_1172 = vector.shape_cast %broadcast_in_dim3A_1171 : vector<16x1xi32> to vector<16xi32>
        %gather3A_1173 = tpu.dynamic_gather %select_n3A_1146[%gather3A_1172] in [0] : vector<16xi32>, vector<16xi32> -> vector<16xi32>
        %lt3A_1174 = arith.cmpf olt, %gather3A_1170, %select_n3A_1145 : vector<16xf32>
        %eq3A_1175 = arith.cmpf oeq, %gather3A_1170, %select_n3A_1145 : vector<16xf32>
        %lt3A_1176 = arith.cmpi slt, %gather3A_1173, %select_n3A_1146 : vector<16xi32>
        %and3A_1177 = arith.andi %eq3A_1175, %lt3A_1176 : vector<16xi1>
        %or3A_1178 = arith.ori %lt3A_1174, %and3A_1177 : vector<16xi1>
        %convert_element_type3A_1179 = arith.extui %or3A_1178 : vector<16xi1> to vector<16xi32>
        %xor3A_1180 = arith.xori %convert_element_type3A_1179, %xor3A_1167 : vector<16xi32>
        %ne3A_1181 = arith.constant 0 : i32
        %ne3A_1182 = vector.broadcast %ne3A_1181 : i32 to vector<16xi32>
        %ne3A_1183 = arith.cmpi ne, %xor3A_1180, %ne3A_1182 : vector<16xi32>
        %select_n3A_1184 = arith.select %ne3A_1183, %gather3A_1170, %select_n3A_1145 : vector<16xi1>, vector<16xf32>
        %select_n3A_1185 = arith.select %ne3A_1183, %gather3A_1173, %select_n3A_1146 : vector<16xi1>, vector<16xi32>
        %rev3A_1186 = arith.constant 15 : i32
        %rev3A_1187 = vector.broadcast %rev3A_1186 : i32 to vector<16xi32>
        %rev3A_1188 = tpu.iota {dimensions = array<i32: 0>} : vector<16xi32>
        %rev3A_1189 = arith.subi %rev3A_1187, %rev3A_1188 : vector<16xi32>
        %rev3A_1190 = tpu.dynamic_gather %select_n3A_1184[%rev3A_1189] in [0] : vector<16xf32>, vector<16xi32> -> vector<16xf32>
        %rev3A_1191 = arith.constant 15 : i32
        %rev3A_1192 = vector.broadcast %rev3A_1191 : i32 to vector<16xi32>
        %rev3A_1193 = tpu.iota {dimensions = array<i32: 0>} : vector<16xi32>
        %rev3A_1194 = arith.subi %rev3A_1192, %rev3A_1193 : vector<16xi32>
        %rev3A_1195 = tpu.dynamic_gather %select_n3A_1185[%rev3A_1194] in [0] : vector<16xi32>, vector<16xi32> -> vector<16xi32>
        %lt3A_1196 = arith.cmpf olt, %rev3A_1190, %scan3A_609#2 : vector<16xf32>
        %eq3A_1197 = arith.cmpf oeq, %rev3A_1190, %scan3A_609#2 : vector<16xf32>
        %lt3A_1198 = arith.cmpi slt, %rev3A_1195, %scan3A_609#3 : vector<16xi32>
        %and3A_1199 = arith.andi %eq3A_1197, %lt3A_1198 : vector<16xi1>
        %or3A_1200 = arith.ori %lt3A_1196, %and3A_1199 : vector<16xi1>
        %select_n3A_1201 = arith.select %or3A_1200, %rev3A_1190, %scan3A_609#2 : vector<16xi1>, vector<16xf32>
        %select_n3A_1202 = arith.select %or3A_1200, %rev3A_1195, %scan3A_609#3 : vector<16xi1>, vector<16xi32>
        %select_n3A_1203 = arith.select %or3A_1200, %scan3A_609#2, %rev3A_1190 : vector<16xi1>, vector<16xf32>
        %select_n3A_1204 = arith.select %or3A_1200, %scan3A_609#3, %rev3A_1195 : vector<16xi1>, vector<16xi32>
        %iota3A_1205 = tpu.iota {dimensions = array<i32: 0>} : vector<16xi32>
        %xor3A_1206 = arith.constant 8 : i32
        %xor3A_1207 = vector.broadcast %xor3A_1206 : i32 to vector<16xi32>
        %xor3A_1208 = arith.xori %iota3A_1205, %xor3A_1207 : vector<16xi32>
        %and3A_1209 = arith.constant 32 : i32
        %and3A_1210 = vector.broadcast %and3A_1209 : i32 to vector<16xi32>
        %and3A_1211 = arith.andi %iota3A_1205, %and3A_1210 : vector<16xi32>
        %eq3A_1212 = arith.constant 0 : i32
        %eq3A_1213 = vector.broadcast %eq3A_1212 : i32 to vector<16xi32>
        %eq3A_1214 = arith.cmpi eq, %and3A_1211, %eq3A_1213 : vector<16xi32>
        %and3A_1215 = arith.constant 8 : i32
        %and3A_1216 = vector.broadcast %and3A_1215 : i32 to vector<16xi32>
        %and3A_1217 = arith.andi %iota3A_1205, %and3A_1216 : vector<16xi32>
        %eq3A_1218 = arith.constant 0 : i32
        %eq3A_1219 = vector.broadcast %eq3A_1218 : i32 to vector<16xi32>
        %eq3A_1220 = arith.cmpi eq, %and3A_1217, %eq3A_1219 : vector<16xi32>
        %eq3A_1221 = arith.xori %eq3A_1214, %eq3A_1220 : vector<16xi1>
        %eq3A_1222 = arith.constant dense<true> : vector<16xi1>
        %eq3A_1223 = arith.xori %eq3A_1221, %eq3A_1222 : vector<16xi1>
        %broadcast_in_dim3A_1224 = vector.shape_cast %xor3A_1208 : vector<16xi32> to vector<16x1xi32>
        %gather3A_1225 = vector.shape_cast %broadcast_in_dim3A_1224 : vector<16x1xi32> to vector<16xi32>
        %gather3A_1226 = tpu.dynamic_gather %select_n3A_1201[%gather3A_1225] in [0] : vector<16xf32>, vector<16xi32> -> vector<16xf32>
        %broadcast_in_dim3A_1227 = vector.shape_cast %xor3A_1208 : vector<16xi32> to vector<16x1xi32>
        %gather3A_1228 = vector.shape_cast %broadcast_in_dim3A_1227 : vector<16x1xi32> to vector<16xi32>
        %gather3A_1229 = tpu.dynamic_gather %select_n3A_1202[%gather3A_1228] in [0] : vector<16xi32>, vector<16xi32> -> vector<16xi32>
        %lt3A_1230 = arith.cmpf olt, %gather3A_1226, %select_n3A_1201 : vector<16xf32>
        %eq3A_1231 = arith.cmpf oeq, %gather3A_1226, %select_n3A_1201 : vector<16xf32>
        %lt3A_1232 = arith.cmpi slt, %gather3A_1229, %select_n3A_1202 : vector<16xi32>
        %and3A_1233 = arith.andi %eq3A_1231, %lt3A_1232 : vector<16xi1>
        %or3A_1234 = arith.ori %lt3A_1230, %and3A_1233 : vector<16xi1>
        %not3A_1235 = arith.constant dense<true> : vector<16xi1>
        %not3A_1236 = arith.xori %or3A_1234, %not3A_1235 : vector<16xi1>
        %select_n3A_1237 = arith.select %eq3A_1223, %or3A_1234, %not3A_1236 : vector<16xi1>, vector<16xi1>
        %select_n3A_1238 = arith.select %select_n3A_1237, %gather3A_1226, %select_n3A_1201 : vector<16xi1>, vector<16xf32>
        %select_n3A_1239 = arith.select %select_n3A_1237, %gather3A_1229, %select_n3A_1202 : vector<16xi1>, vector<16xi32>
        %iota3A_1240 = tpu.iota {dimensions = array<i32: 0>} : vector<16xi32>
        %xor3A_1241 = arith.constant 4 : i32
        %xor3A_1242 = vector.broadcast %xor3A_1241 : i32 to vector<16xi32>
        %xor3A_1243 = arith.xori %iota3A_1240, %xor3A_1242 : vector<16xi32>
        %and3A_1244 = arith.constant 32 : i32
        %and3A_1245 = vector.broadcast %and3A_1244 : i32 to vector<16xi32>
        %and3A_1246 = arith.andi %iota3A_1240, %and3A_1245 : vector<16xi32>
        %eq3A_1247 = arith.constant 0 : i32
        %eq3A_1248 = vector.broadcast %eq3A_1247 : i32 to vector<16xi32>
        %eq3A_1249 = arith.cmpi eq, %and3A_1246, %eq3A_1248 : vector<16xi32>
        %and3A_1250 = arith.constant 4 : i32
        %and3A_1251 = vector.broadcast %and3A_1250 : i32 to vector<16xi32>
        %and3A_1252 = arith.andi %iota3A_1240, %and3A_1251 : vector<16xi32>
        %eq3A_1253 = arith.constant 0 : i32
        %eq3A_1254 = vector.broadcast %eq3A_1253 : i32 to vector<16xi32>
        %eq3A_1255 = arith.cmpi eq, %and3A_1252, %eq3A_1254 : vector<16xi32>
        %eq3A_1256 = arith.xori %eq3A_1249, %eq3A_1255 : vector<16xi1>
        %eq3A_1257 = arith.constant dense<true> : vector<16xi1>
        %eq3A_1258 = arith.xori %eq3A_1256, %eq3A_1257 : vector<16xi1>
        %broadcast_in_dim3A_1259 = vector.shape_cast %xor3A_1243 : vector<16xi32> to vector<16x1xi32>
        %gather3A_1260 = vector.shape_cast %broadcast_in_dim3A_1259 : vector<16x1xi32> to vector<16xi32>
        %gather3A_1261 = tpu.dynamic_gather %select_n3A_1238[%gather3A_1260] in [0] : vector<16xf32>, vector<16xi32> -> vector<16xf32>
        %broadcast_in_dim3A_1262 = vector.shape_cast %xor3A_1243 : vector<16xi32> to vector<16x1xi32>
        %gather3A_1263 = vector.shape_cast %broadcast_in_dim3A_1262 : vector<16x1xi32> to vector<16xi32>
        %gather3A_1264 = tpu.dynamic_gather %select_n3A_1239[%gather3A_1263] in [0] : vector<16xi32>, vector<16xi32> -> vector<16xi32>
        %lt3A_1265 = arith.cmpf olt, %gather3A_1261, %select_n3A_1238 : vector<16xf32>
        %eq3A_1266 = arith.cmpf oeq, %gather3A_1261, %select_n3A_1238 : vector<16xf32>
        %lt3A_1267 = arith.cmpi slt, %gather3A_1264, %select_n3A_1239 : vector<16xi32>
        %and3A_1268 = arith.andi %eq3A_1266, %lt3A_1267 : vector<16xi1>
        %or3A_1269 = arith.ori %lt3A_1265, %and3A_1268 : vector<16xi1>
        %not3A_1270 = arith.constant dense<true> : vector<16xi1>
        %not3A_1271 = arith.xori %or3A_1269, %not3A_1270 : vector<16xi1>
        %select_n3A_1272 = arith.select %eq3A_1258, %or3A_1269, %not3A_1271 : vector<16xi1>, vector<16xi1>
        %select_n3A_1273 = arith.select %select_n3A_1272, %gather3A_1261, %select_n3A_1238 : vector<16xi1>, vector<16xf32>
        %select_n3A_1274 = arith.select %select_n3A_1272, %gather3A_1264, %select_n3A_1239 : vector<16xi1>, vector<16xi32>
        %iota3A_1275 = tpu.iota {dimensions = array<i32: 0>} : vector<16xi32>
        %xor3A_1276 = arith.constant 2 : i32
        %xor3A_1277 = vector.broadcast %xor3A_1276 : i32 to vector<16xi32>
        %xor3A_1278 = arith.xori %iota3A_1275, %xor3A_1277 : vector<16xi32>
        %and3A_1279 = arith.constant 32 : i32
        %and3A_1280 = vector.broadcast %and3A_1279 : i32 to vector<16xi32>
        %and3A_1281 = arith.andi %iota3A_1275, %and3A_1280 : vector<16xi32>
        %eq3A_1282 = arith.constant 0 : i32
        %eq3A_1283 = vector.broadcast %eq3A_1282 : i32 to vector<16xi32>
        %eq3A_1284 = arith.cmpi eq, %and3A_1281, %eq3A_1283 : vector<16xi32>
        %and3A_1285 = arith.constant 2 : i32
        %and3A_1286 = vector.broadcast %and3A_1285 : i32 to vector<16xi32>
        %and3A_1287 = arith.andi %iota3A_1275, %and3A_1286 : vector<16xi32>
        %eq3A_1288 = arith.constant 0 : i32
        %eq3A_1289 = vector.broadcast %eq3A_1288 : i32 to vector<16xi32>
        %eq3A_1290 = arith.cmpi eq, %and3A_1287, %eq3A_1289 : vector<16xi32>
        %eq3A_1291 = arith.xori %eq3A_1284, %eq3A_1290 : vector<16xi1>
        %eq3A_1292 = arith.constant dense<true> : vector<16xi1>
        %eq3A_1293 = arith.xori %eq3A_1291, %eq3A_1292 : vector<16xi1>
        %broadcast_in_dim3A_1294 = vector.shape_cast %xor3A_1278 : vector<16xi32> to vector<16x1xi32>
        %gather3A_1295 = vector.shape_cast %broadcast_in_dim3A_1294 : vector<16x1xi32> to vector<16xi32>
        %gather3A_1296 = tpu.dynamic_gather %select_n3A_1273[%gather3A_1295] in [0] : vector<16xf32>, vector<16xi32> -> vector<16xf32>
        %broadcast_in_dim3A_1297 = vector.shape_cast %xor3A_1278 : vector<16xi32> to vector<16x1xi32>
        %gather3A_1298 = vector.shape_cast %broadcast_in_dim3A_1297 : vector<16x1xi32> to vector<16xi32>
        %gather3A_1299 = tpu.dynamic_gather %select_n3A_1274[%gather3A_1298] in [0] : vector<16xi32>, vector<16xi32> -> vector<16xi32>
        %lt3A_1300 = arith.cmpf olt, %gather3A_1296, %select_n3A_1273 : vector<16xf32>
        %eq3A_1301 = arith.cmpf oeq, %gather3A_1296, %select_n3A_1273 : vector<16xf32>
        %lt3A_1302 = arith.cmpi slt, %gather3A_1299, %select_n3A_1274 : vector<16xi32>
        %and3A_1303 = arith.andi %eq3A_1301, %lt3A_1302 : vector<16xi1>
        %or3A_1304 = arith.ori %lt3A_1300, %and3A_1303 : vector<16xi1>
        %not3A_1305 = arith.constant dense<true> : vector<16xi1>
        %not3A_1306 = arith.xori %or3A_1304, %not3A_1305 : vector<16xi1>
        %select_n3A_1307 = arith.select %eq3A_1293, %or3A_1304, %not3A_1306 : vector<16xi1>, vector<16xi1>
        %select_n3A_1308 = arith.select %select_n3A_1307, %gather3A_1296, %select_n3A_1273 : vector<16xi1>, vector<16xf32>
        %select_n3A_1309 = arith.select %select_n3A_1307, %gather3A_1299, %select_n3A_1274 : vector<16xi1>, vector<16xi32>
        %iota3A_1310 = tpu.iota {dimensions = array<i32: 0>} : vector<16xi32>
        %xor3A_1311 = arith.constant 1 : i32
        %xor3A_1312 = vector.broadcast %xor3A_1311 : i32 to vector<16xi32>
        %xor3A_1313 = arith.xori %iota3A_1310, %xor3A_1312 : vector<16xi32>
        %and3A_1314 = arith.constant 32 : i32
        %and3A_1315 = vector.broadcast %and3A_1314 : i32 to vector<16xi32>
        %and3A_1316 = arith.andi %iota3A_1310, %and3A_1315 : vector<16xi32>
        %eq3A_1317 = arith.constant 0 : i32
        %eq3A_1318 = vector.broadcast %eq3A_1317 : i32 to vector<16xi32>
        %eq3A_1319 = arith.cmpi eq, %and3A_1316, %eq3A_1318 : vector<16xi32>
        %and3A_1320 = arith.constant 1 : i32
        %and3A_1321 = vector.broadcast %and3A_1320 : i32 to vector<16xi32>
        %and3A_1322 = arith.andi %iota3A_1310, %and3A_1321 : vector<16xi32>
        %eq3A_1323 = arith.constant 0 : i32
        %eq3A_1324 = vector.broadcast %eq3A_1323 : i32 to vector<16xi32>
        %eq3A_1325 = arith.cmpi eq, %and3A_1322, %eq3A_1324 : vector<16xi32>
        %eq3A_1326 = arith.xori %eq3A_1319, %eq3A_1325 : vector<16xi1>
        %eq3A_1327 = arith.constant dense<true> : vector<16xi1>
        %eq3A_1328 = arith.xori %eq3A_1326, %eq3A_1327 : vector<16xi1>
        %broadcast_in_dim3A_1329 = vector.shape_cast %xor3A_1313 : vector<16xi32> to vector<16x1xi32>
        %gather3A_1330 = vector.shape_cast %broadcast_in_dim3A_1329 : vector<16x1xi32> to vector<16xi32>
        %gather3A_1331 = tpu.dynamic_gather %select_n3A_1308[%gather3A_1330] in [0] : vector<16xf32>, vector<16xi32> -> vector<16xf32>
        %broadcast_in_dim3A_1332 = vector.shape_cast %xor3A_1313 : vector<16xi32> to vector<16x1xi32>
        %gather3A_1333 = vector.shape_cast %broadcast_in_dim3A_1332 : vector<16x1xi32> to vector<16xi32>
        %gather3A_1334 = tpu.dynamic_gather %select_n3A_1309[%gather3A_1333] in [0] : vector<16xi32>, vector<16xi32> -> vector<16xi32>
        %lt3A_1335 = arith.cmpf olt, %gather3A_1331, %select_n3A_1308 : vector<16xf32>
        %eq3A_1336 = arith.cmpf oeq, %gather3A_1331, %select_n3A_1308 : vector<16xf32>
        %lt3A_1337 = arith.cmpi slt, %gather3A_1334, %select_n3A_1309 : vector<16xi32>
        %and3A_1338 = arith.andi %eq3A_1336, %lt3A_1337 : vector<16xi1>
        %or3A_1339 = arith.ori %lt3A_1335, %and3A_1338 : vector<16xi1>
        %not3A_1340 = arith.constant dense<true> : vector<16xi1>
        %not3A_1341 = arith.xori %or3A_1339, %not3A_1340 : vector<16xi1>
        %select_n3A_1342 = arith.select %eq3A_1328, %or3A_1339, %not3A_1341 : vector<16xi1>, vector<16xi1>
        %select_n3A_1343 = arith.select %select_n3A_1342, %gather3A_1331, %select_n3A_1308 : vector<16xi1>, vector<16xf32>
        %select_n3A_1344 = arith.select %select_n3A_1342, %gather3A_1334, %select_n3A_1309 : vector<16xi1>, vector<16xi32>
        %rev3A_1345 = arith.constant 15 : i32
        %rev3A_1346 = vector.broadcast %rev3A_1345 : i32 to vector<16xi32>
        %rev3A_1347 = tpu.iota {dimensions = array<i32: 0>} : vector<16xi32>
        %rev3A_1348 = arith.subi %rev3A_1346, %rev3A_1347 : vector<16xi32>
        %rev3A_1349 = tpu.dynamic_gather %select_n3A_1343[%rev3A_1348] in [0] : vector<16xf32>, vector<16xi32> -> vector<16xf32>
        %rev3A_1350 = arith.constant 15 : i32
        %rev3A_1351 = vector.broadcast %rev3A_1350 : i32 to vector<16xi32>
        %rev3A_1352 = tpu.iota {dimensions = array<i32: 0>} : vector<16xi32>
        %rev3A_1353 = arith.subi %rev3A_1351, %rev3A_1352 : vector<16xi32>
        %rev3A_1354 = tpu.dynamic_gather %select_n3A_1344[%rev3A_1353] in [0] : vector<16xi32>, vector<16xi32> -> vector<16xi32>
        %lt3A_1355 = arith.cmpf olt, %rev3A_1349, %scan3A_609#0 : vector<16xf32>
        %eq3A_1356 = arith.cmpf oeq, %rev3A_1349, %scan3A_609#0 : vector<16xf32>
        %lt3A_1357 = arith.cmpi slt, %rev3A_1354, %scan3A_609#1 : vector<16xi32>
        %and3A_1358 = arith.andi %eq3A_1356, %lt3A_1357 : vector<16xi1>
        %or3A_1359 = arith.ori %lt3A_1355, %and3A_1358 : vector<16xi1>
        %select_n3A_1360 = arith.select %or3A_1359, %rev3A_1349, %scan3A_609#0 : vector<16xi1>, vector<16xf32>
        %select_n3A_1361 = arith.select %or3A_1359, %rev3A_1354, %scan3A_609#1 : vector<16xi1>, vector<16xi32>
        %select_n3A_1362 = arith.select %or3A_1359, %scan3A_609#0, %rev3A_1349 : vector<16xi1>, vector<16xf32>
        %select_n3A_1363 = arith.select %or3A_1359, %scan3A_609#1, %rev3A_1354 : vector<16xi1>, vector<16xi32>
        %iota3A_1364 = tpu.iota {dimensions = array<i32: 0>} : vector<16xi32>
        %xor3A_1365 = arith.constant 8 : i32
        %xor3A_1366 = vector.broadcast %xor3A_1365 : i32 to vector<16xi32>
        %xor3A_1367 = arith.xori %iota3A_1364, %xor3A_1366 : vector<16xi32>
        %and3A_1368 = arith.constant 32 : i32
        %and3A_1369 = vector.broadcast %and3A_1368 : i32 to vector<16xi32>
        %and3A_1370 = arith.andi %iota3A_1364, %and3A_1369 : vector<16xi32>
        %eq3A_1371 = arith.constant 0 : i32
        %eq3A_1372 = vector.broadcast %eq3A_1371 : i32 to vector<16xi32>
        %eq3A_1373 = arith.cmpi eq, %and3A_1370, %eq3A_1372 : vector<16xi32>
        %and3A_1374 = arith.constant 8 : i32
        %and3A_1375 = vector.broadcast %and3A_1374 : i32 to vector<16xi32>
        %and3A_1376 = arith.andi %iota3A_1364, %and3A_1375 : vector<16xi32>
        %eq3A_1377 = arith.constant 0 : i32
        %eq3A_1378 = vector.broadcast %eq3A_1377 : i32 to vector<16xi32>
        %eq3A_1379 = arith.cmpi eq, %and3A_1376, %eq3A_1378 : vector<16xi32>
        %eq3A_1380 = arith.xori %eq3A_1373, %eq3A_1379 : vector<16xi1>
        %eq3A_1381 = arith.constant dense<true> : vector<16xi1>
        %eq3A_1382 = arith.xori %eq3A_1380, %eq3A_1381 : vector<16xi1>
        %broadcast_in_dim3A_1383 = vector.shape_cast %xor3A_1367 : vector<16xi32> to vector<16x1xi32>
        %gather3A_1384 = vector.shape_cast %broadcast_in_dim3A_1383 : vector<16x1xi32> to vector<16xi32>
        %gather3A_1385 = tpu.dynamic_gather %select_n3A_1360[%gather3A_1384] in [0] : vector<16xf32>, vector<16xi32> -> vector<16xf32>
        %broadcast_in_dim3A_1386 = vector.shape_cast %xor3A_1367 : vector<16xi32> to vector<16x1xi32>
        %gather3A_1387 = vector.shape_cast %broadcast_in_dim3A_1386 : vector<16x1xi32> to vector<16xi32>
        %gather3A_1388 = tpu.dynamic_gather %select_n3A_1361[%gather3A_1387] in [0] : vector<16xi32>, vector<16xi32> -> vector<16xi32>
        %lt3A_1389 = arith.cmpf olt, %gather3A_1385, %select_n3A_1360 : vector<16xf32>
        %eq3A_1390 = arith.cmpf oeq, %gather3A_1385, %select_n3A_1360 : vector<16xf32>
        %lt3A_1391 = arith.cmpi slt, %gather3A_1388, %select_n3A_1361 : vector<16xi32>
        %and3A_1392 = arith.andi %eq3A_1390, %lt3A_1391 : vector<16xi1>
        %or3A_1393 = arith.ori %lt3A_1389, %and3A_1392 : vector<16xi1>
        %not3A_1394 = arith.constant dense<true> : vector<16xi1>
        %not3A_1395 = arith.xori %or3A_1393, %not3A_1394 : vector<16xi1>
        %select_n3A_1396 = arith.select %eq3A_1382, %or3A_1393, %not3A_1395 : vector<16xi1>, vector<16xi1>
        %select_n3A_1397 = arith.select %select_n3A_1396, %gather3A_1385, %select_n3A_1360 : vector<16xi1>, vector<16xf32>
        %select_n3A_1398 = arith.select %select_n3A_1396, %gather3A_1388, %select_n3A_1361 : vector<16xi1>, vector<16xi32>
        %iota3A_1399 = tpu.iota {dimensions = array<i32: 0>} : vector<16xi32>
        %xor3A_1400 = arith.constant 4 : i32
        %xor3A_1401 = vector.broadcast %xor3A_1400 : i32 to vector<16xi32>
        %xor3A_1402 = arith.xori %iota3A_1399, %xor3A_1401 : vector<16xi32>
        %and3A_1403 = arith.constant 32 : i32
        %and3A_1404 = vector.broadcast %and3A_1403 : i32 to vector<16xi32>
        %and3A_1405 = arith.andi %iota3A_1399, %and3A_1404 : vector<16xi32>
        %eq3A_1406 = arith.constant 0 : i32
        %eq3A_1407 = vector.broadcast %eq3A_1406 : i32 to vector<16xi32>
        %eq3A_1408 = arith.cmpi eq, %and3A_1405, %eq3A_1407 : vector<16xi32>
        %and3A_1409 = arith.constant 4 : i32
        %and3A_1410 = vector.broadcast %and3A_1409 : i32 to vector<16xi32>
        %and3A_1411 = arith.andi %iota3A_1399, %and3A_1410 : vector<16xi32>
        %eq3A_1412 = arith.constant 0 : i32
        %eq3A_1413 = vector.broadcast %eq3A_1412 : i32 to vector<16xi32>
        %eq3A_1414 = arith.cmpi eq, %and3A_1411, %eq3A_1413 : vector<16xi32>
        %eq3A_1415 = arith.xori %eq3A_1408, %eq3A_1414 : vector<16xi1>
        %eq3A_1416 = arith.constant dense<true> : vector<16xi1>
        %eq3A_1417 = arith.xori %eq3A_1415, %eq3A_1416 : vector<16xi1>
        %broadcast_in_dim3A_1418 = vector.shape_cast %xor3A_1402 : vector<16xi32> to vector<16x1xi32>
        %gather3A_1419 = vector.shape_cast %broadcast_in_dim3A_1418 : vector<16x1xi32> to vector<16xi32>
        %gather3A_1420 = tpu.dynamic_gather %select_n3A_1397[%gather3A_1419] in [0] : vector<16xf32>, vector<16xi32> -> vector<16xf32>
        %broadcast_in_dim3A_1421 = vector.shape_cast %xor3A_1402 : vector<16xi32> to vector<16x1xi32>
        %gather3A_1422 = vector.shape_cast %broadcast_in_dim3A_1421 : vector<16x1xi32> to vector<16xi32>
        %gather3A_1423 = tpu.dynamic_gather %select_n3A_1398[%gather3A_1422] in [0] : vector<16xi32>, vector<16xi32> -> vector<16xi32>
        %lt3A_1424 = arith.cmpf olt, %gather3A_1420, %select_n3A_1397 : vector<16xf32>
        %eq3A_1425 = arith.cmpf oeq, %gather3A_1420, %select_n3A_1397 : vector<16xf32>
        %lt3A_1426 = arith.cmpi slt, %gather3A_1423, %select_n3A_1398 : vector<16xi32>
        %and3A_1427 = arith.andi %eq3A_1425, %lt3A_1426 : vector<16xi1>
        %or3A_1428 = arith.ori %lt3A_1424, %and3A_1427 : vector<16xi1>
        %not3A_1429 = arith.constant dense<true> : vector<16xi1>
        %not3A_1430 = arith.xori %or3A_1428, %not3A_1429 : vector<16xi1>
        %select_n3A_1431 = arith.select %eq3A_1417, %or3A_1428, %not3A_1430 : vector<16xi1>, vector<16xi1>
        %select_n3A_1432 = arith.select %select_n3A_1431, %gather3A_1420, %select_n3A_1397 : vector<16xi1>, vector<16xf32>
        %select_n3A_1433 = arith.select %select_n3A_1431, %gather3A_1423, %select_n3A_1398 : vector<16xi1>, vector<16xi32>
        %iota3A_1434 = tpu.iota {dimensions = array<i32: 0>} : vector<16xi32>
        %xor3A_1435 = arith.constant 2 : i32
        %xor3A_1436 = vector.broadcast %xor3A_1435 : i32 to vector<16xi32>
        %xor3A_1437 = arith.xori %iota3A_1434, %xor3A_1436 : vector<16xi32>
        %and3A_1438 = arith.constant 32 : i32
        %and3A_1439 = vector.broadcast %and3A_1438 : i32 to vector<16xi32>
        %and3A_1440 = arith.andi %iota3A_1434, %and3A_1439 : vector<16xi32>
        %eq3A_1441 = arith.constant 0 : i32
        %eq3A_1442 = vector.broadcast %eq3A_1441 : i32 to vector<16xi32>
        %eq3A_1443 = arith.cmpi eq, %and3A_1440, %eq3A_1442 : vector<16xi32>
        %and3A_1444 = arith.constant 2 : i32
        %and3A_1445 = vector.broadcast %and3A_1444 : i32 to vector<16xi32>
        %and3A_1446 = arith.andi %iota3A_1434, %and3A_1445 : vector<16xi32>
        %eq3A_1447 = arith.constant 0 : i32
        %eq3A_1448 = vector.broadcast %eq3A_1447 : i32 to vector<16xi32>
        %eq3A_1449 = arith.cmpi eq, %and3A_1446, %eq3A_1448 : vector<16xi32>
        %eq3A_1450 = arith.xori %eq3A_1443, %eq3A_1449 : vector<16xi1>
        %eq3A_1451 = arith.constant dense<true> : vector<16xi1>
        %eq3A_1452 = arith.xori %eq3A_1450, %eq3A_1451 : vector<16xi1>
        %broadcast_in_dim3A_1453 = vector.shape_cast %xor3A_1437 : vector<16xi32> to vector<16x1xi32>
        %gather3A_1454 = vector.shape_cast %broadcast_in_dim3A_1453 : vector<16x1xi32> to vector<16xi32>
        %gather3A_1455 = tpu.dynamic_gather %select_n3A_1432[%gather3A_1454] in [0] : vector<16xf32>, vector<16xi32> -> vector<16xf32>
        %broadcast_in_dim3A_1456 = vector.shape_cast %xor3A_1437 : vector<16xi32> to vector<16x1xi32>
        %gather3A_1457 = vector.shape_cast %broadcast_in_dim3A_1456 : vector<16x1xi32> to vector<16xi32>
        %gather3A_1458 = tpu.dynamic_gather %select_n3A_1433[%gather3A_1457] in [0] : vector<16xi32>, vector<16xi32> -> vector<16xi32>
        %lt3A_1459 = arith.cmpf olt, %gather3A_1455, %select_n3A_1432 : vector<16xf32>
        %eq3A_1460 = arith.cmpf oeq, %gather3A_1455, %select_n3A_1432 : vector<16xf32>
        %lt3A_1461 = arith.cmpi slt, %gather3A_1458, %select_n3A_1433 : vector<16xi32>
        %and3A_1462 = arith.andi %eq3A_1460, %lt3A_1461 : vector<16xi1>
        %or3A_1463 = arith.ori %lt3A_1459, %and3A_1462 : vector<16xi1>
        %not3A_1464 = arith.constant dense<true> : vector<16xi1>
        %not3A_1465 = arith.xori %or3A_1463, %not3A_1464 : vector<16xi1>
        %select_n3A_1466 = arith.select %eq3A_1452, %or3A_1463, %not3A_1465 : vector<16xi1>, vector<16xi1>
        %select_n3A_1467 = arith.select %select_n3A_1466, %gather3A_1455, %select_n3A_1432 : vector<16xi1>, vector<16xf32>
        %select_n3A_1468 = arith.select %select_n3A_1466, %gather3A_1458, %select_n3A_1433 : vector<16xi1>, vector<16xi32>
        %iota3A_1469 = tpu.iota {dimensions = array<i32: 0>} : vector<16xi32>
        %xor3A_1470 = arith.constant 1 : i32
        %xor3A_1471 = vector.broadcast %xor3A_1470 : i32 to vector<16xi32>
        %xor3A_1472 = arith.xori %iota3A_1469, %xor3A_1471 : vector<16xi32>
        %and3A_1473 = arith.constant 32 : i32
        %and3A_1474 = vector.broadcast %and3A_1473 : i32 to vector<16xi32>
        %and3A_1475 = arith.andi %iota3A_1469, %and3A_1474 : vector<16xi32>
        %eq3A_1476 = arith.constant 0 : i32
        %eq3A_1477 = vector.broadcast %eq3A_1476 : i32 to vector<16xi32>
        %eq3A_1478 = arith.cmpi eq, %and3A_1475, %eq3A_1477 : vector<16xi32>
        %and3A_1479 = arith.constant 1 : i32
        %and3A_1480 = vector.broadcast %and3A_1479 : i32 to vector<16xi32>
        %and3A_1481 = arith.andi %iota3A_1469, %and3A_1480 : vector<16xi32>
        %eq3A_1482 = arith.constant 0 : i32
        %eq3A_1483 = vector.broadcast %eq3A_1482 : i32 to vector<16xi32>
        %eq3A_1484 = arith.cmpi eq, %and3A_1481, %eq3A_1483 : vector<16xi32>
        %eq3A_1485 = arith.xori %eq3A_1478, %eq3A_1484 : vector<16xi1>
        %eq3A_1486 = arith.constant dense<true> : vector<16xi1>
        %eq3A_1487 = arith.xori %eq3A_1485, %eq3A_1486 : vector<16xi1>
        %broadcast_in_dim3A_1488 = vector.shape_cast %xor3A_1472 : vector<16xi32> to vector<16x1xi32>
        %gather3A_1489 = vector.shape_cast %broadcast_in_dim3A_1488 : vector<16x1xi32> to vector<16xi32>
        %gather3A_1490 = tpu.dynamic_gather %select_n3A_1467[%gather3A_1489] in [0] : vector<16xf32>, vector<16xi32> -> vector<16xf32>
        %broadcast_in_dim3A_1491 = vector.shape_cast %xor3A_1472 : vector<16xi32> to vector<16x1xi32>
        %gather3A_1492 = vector.shape_cast %broadcast_in_dim3A_1491 : vector<16x1xi32> to vector<16xi32>
        %gather3A_1493 = tpu.dynamic_gather %select_n3A_1468[%gather3A_1492] in [0] : vector<16xi32>, vector<16xi32> -> vector<16xi32>
        %lt3A_1494 = arith.cmpf olt, %gather3A_1490, %select_n3A_1467 : vector<16xf32>
        %eq3A_1495 = arith.cmpf oeq, %gather3A_1490, %select_n3A_1467 : vector<16xf32>
        %lt3A_1496 = arith.cmpi slt, %gather3A_1493, %select_n3A_1468 : vector<16xi32>
        %and3A_1497 = arith.andi %eq3A_1495, %lt3A_1496 : vector<16xi1>
        %or3A_1498 = arith.ori %lt3A_1494, %and3A_1497 : vector<16xi1>
        %not3A_1499 = arith.constant dense<true> : vector<16xi1>
        %not3A_1500 = arith.xori %or3A_1498, %not3A_1499 : vector<16xi1>
        %select_n3A_1501 = arith.select %eq3A_1487, %or3A_1498, %not3A_1500 : vector<16xi1>, vector<16xi1>
        %select_n3A_1502 = arith.select %select_n3A_1501, %gather3A_1490, %select_n3A_1467 : vector<16xi1>, vector<16xf32>
        %select_n3A_1503 = arith.select %select_n3A_1501, %gather3A_1493, %select_n3A_1468 : vector<16xi1>, vector<16xi32>
        %iota3A_1504 = tpu.iota {dimensions = array<i32: 0>} : vector<16xi32>
        %xor3A_1505 = arith.constant 8 : i32
        %xor3A_1506 = vector.broadcast %xor3A_1505 : i32 to vector<16xi32>
        %xor3A_1507 = arith.xori %iota3A_1504, %xor3A_1506 : vector<16xi32>
        %and3A_1508 = arith.constant 32 : i32
        %and3A_1509 = vector.broadcast %and3A_1508 : i32 to vector<16xi32>
        %and3A_1510 = arith.andi %iota3A_1504, %and3A_1509 : vector<16xi32>
        %eq3A_1511 = arith.constant 0 : i32
        %eq3A_1512 = vector.broadcast %eq3A_1511 : i32 to vector<16xi32>
        %eq3A_1513 = arith.cmpi eq, %and3A_1510, %eq3A_1512 : vector<16xi32>
        %and3A_1514 = arith.constant 8 : i32
        %and3A_1515 = vector.broadcast %and3A_1514 : i32 to vector<16xi32>
        %and3A_1516 = arith.andi %iota3A_1504, %and3A_1515 : vector<16xi32>
        %eq3A_1517 = arith.constant 0 : i32
        %eq3A_1518 = vector.broadcast %eq3A_1517 : i32 to vector<16xi32>
        %eq3A_1519 = arith.cmpi eq, %and3A_1516, %eq3A_1518 : vector<16xi32>
        %eq3A_1520 = arith.xori %eq3A_1513, %eq3A_1519 : vector<16xi1>
        %eq3A_1521 = arith.constant dense<true> : vector<16xi1>
        %eq3A_1522 = arith.xori %eq3A_1520, %eq3A_1521 : vector<16xi1>
        %broadcast_in_dim3A_1523 = vector.shape_cast %xor3A_1507 : vector<16xi32> to vector<16x1xi32>
        %gather3A_1524 = vector.shape_cast %broadcast_in_dim3A_1523 : vector<16x1xi32> to vector<16xi32>
        %gather3A_1525 = tpu.dynamic_gather %select_n3A_1362[%gather3A_1524] in [0] : vector<16xf32>, vector<16xi32> -> vector<16xf32>
        %broadcast_in_dim3A_1526 = vector.shape_cast %xor3A_1507 : vector<16xi32> to vector<16x1xi32>
        %gather3A_1527 = vector.shape_cast %broadcast_in_dim3A_1526 : vector<16x1xi32> to vector<16xi32>
        %gather3A_1528 = tpu.dynamic_gather %select_n3A_1363[%gather3A_1527] in [0] : vector<16xi32>, vector<16xi32> -> vector<16xi32>
        %lt3A_1529 = arith.cmpf olt, %gather3A_1525, %select_n3A_1362 : vector<16xf32>
        %eq3A_1530 = arith.cmpf oeq, %gather3A_1525, %select_n3A_1362 : vector<16xf32>
        %lt3A_1531 = arith.cmpi slt, %gather3A_1528, %select_n3A_1363 : vector<16xi32>
        %and3A_1532 = arith.andi %eq3A_1530, %lt3A_1531 : vector<16xi1>
        %or3A_1533 = arith.ori %lt3A_1529, %and3A_1532 : vector<16xi1>
        %not3A_1534 = arith.constant dense<true> : vector<16xi1>
        %not3A_1535 = arith.xori %or3A_1533, %not3A_1534 : vector<16xi1>
        %select_n3A_1536 = arith.select %eq3A_1522, %or3A_1533, %not3A_1535 : vector<16xi1>, vector<16xi1>
        %select_n3A_1537 = arith.select %select_n3A_1536, %gather3A_1525, %select_n3A_1362 : vector<16xi1>, vector<16xf32>
        %select_n3A_1538 = arith.select %select_n3A_1536, %gather3A_1528, %select_n3A_1363 : vector<16xi1>, vector<16xi32>
        %iota3A_1539 = tpu.iota {dimensions = array<i32: 0>} : vector<16xi32>
        %xor3A_1540 = arith.constant 4 : i32
        %xor3A_1541 = vector.broadcast %xor3A_1540 : i32 to vector<16xi32>
        %xor3A_1542 = arith.xori %iota3A_1539, %xor3A_1541 : vector<16xi32>
        %and3A_1543 = arith.constant 32 : i32
        %and3A_1544 = vector.broadcast %and3A_1543 : i32 to vector<16xi32>
        %and3A_1545 = arith.andi %iota3A_1539, %and3A_1544 : vector<16xi32>
        %eq3A_1546 = arith.constant 0 : i32
        %eq3A_1547 = vector.broadcast %eq3A_1546 : i32 to vector<16xi32>
        %eq3A_1548 = arith.cmpi eq, %and3A_1545, %eq3A_1547 : vector<16xi32>
        %and3A_1549 = arith.constant 4 : i32
        %and3A_1550 = vector.broadcast %and3A_1549 : i32 to vector<16xi32>
        %and3A_1551 = arith.andi %iota3A_1539, %and3A_1550 : vector<16xi32>
        %eq3A_1552 = arith.constant 0 : i32
        %eq3A_1553 = vector.broadcast %eq3A_1552 : i32 to vector<16xi32>
        %eq3A_1554 = arith.cmpi eq, %and3A_1551, %eq3A_1553 : vector<16xi32>
        %eq3A_1555 = arith.xori %eq3A_1548, %eq3A_1554 : vector<16xi1>
        %eq3A_1556 = arith.constant dense<true> : vector<16xi1>
        %eq3A_1557 = arith.xori %eq3A_1555, %eq3A_1556 : vector<16xi1>
        %broadcast_in_dim3A_1558 = vector.shape_cast %xor3A_1542 : vector<16xi32> to vector<16x1xi32>
        %gather3A_1559 = vector.shape_cast %broadcast_in_dim3A_1558 : vector<16x1xi32> to vector<16xi32>
        %gather3A_1560 = tpu.dynamic_gather %select_n3A_1537[%gather3A_1559] in [0] : vector<16xf32>, vector<16xi32> -> vector<16xf32>
        %broadcast_in_dim3A_1561 = vector.shape_cast %xor3A_1542 : vector<16xi32> to vector<16x1xi32>
        %gather3A_1562 = vector.shape_cast %broadcast_in_dim3A_1561 : vector<16x1xi32> to vector<16xi32>
        %gather3A_1563 = tpu.dynamic_gather %select_n3A_1538[%gather3A_1562] in [0] : vector<16xi32>, vector<16xi32> -> vector<16xi32>
        %lt3A_1564 = arith.cmpf olt, %gather3A_1560, %select_n3A_1537 : vector<16xf32>
        %eq3A_1565 = arith.cmpf oeq, %gather3A_1560, %select_n3A_1537 : vector<16xf32>
        %lt3A_1566 = arith.cmpi slt, %gather3A_1563, %select_n3A_1538 : vector<16xi32>
        %and3A_1567 = arith.andi %eq3A_1565, %lt3A_1566 : vector<16xi1>
        %or3A_1568 = arith.ori %lt3A_1564, %and3A_1567 : vector<16xi1>
        %not3A_1569 = arith.constant dense<true> : vector<16xi1>
        %not3A_1570 = arith.xori %or3A_1568, %not3A_1569 : vector<16xi1>
        %select_n3A_1571 = arith.select %eq3A_1557, %or3A_1568, %not3A_1570 : vector<16xi1>, vector<16xi1>
        %select_n3A_1572 = arith.select %select_n3A_1571, %gather3A_1560, %select_n3A_1537 : vector<16xi1>, vector<16xf32>
        %select_n3A_1573 = arith.select %select_n3A_1571, %gather3A_1563, %select_n3A_1538 : vector<16xi1>, vector<16xi32>
        %iota3A_1574 = tpu.iota {dimensions = array<i32: 0>} : vector<16xi32>
        %xor3A_1575 = arith.constant 2 : i32
        %xor3A_1576 = vector.broadcast %xor3A_1575 : i32 to vector<16xi32>
        %xor3A_1577 = arith.xori %iota3A_1574, %xor3A_1576 : vector<16xi32>
        %and3A_1578 = arith.constant 32 : i32
        %and3A_1579 = vector.broadcast %and3A_1578 : i32 to vector<16xi32>
        %and3A_1580 = arith.andi %iota3A_1574, %and3A_1579 : vector<16xi32>
        %eq3A_1581 = arith.constant 0 : i32
        %eq3A_1582 = vector.broadcast %eq3A_1581 : i32 to vector<16xi32>
        %eq3A_1583 = arith.cmpi eq, %and3A_1580, %eq3A_1582 : vector<16xi32>
        %and3A_1584 = arith.constant 2 : i32
        %and3A_1585 = vector.broadcast %and3A_1584 : i32 to vector<16xi32>
        %and3A_1586 = arith.andi %iota3A_1574, %and3A_1585 : vector<16xi32>
        %eq3A_1587 = arith.constant 0 : i32
        %eq3A_1588 = vector.broadcast %eq3A_1587 : i32 to vector<16xi32>
        %eq3A_1589 = arith.cmpi eq, %and3A_1586, %eq3A_1588 : vector<16xi32>
        %eq3A_1590 = arith.xori %eq3A_1583, %eq3A_1589 : vector<16xi1>
        %eq3A_1591 = arith.constant dense<true> : vector<16xi1>
        %eq3A_1592 = arith.xori %eq3A_1590, %eq3A_1591 : vector<16xi1>
        %broadcast_in_dim3A_1593 = vector.shape_cast %xor3A_1577 : vector<16xi32> to vector<16x1xi32>
        %gather3A_1594 = vector.shape_cast %broadcast_in_dim3A_1593 : vector<16x1xi32> to vector<16xi32>
        %gather3A_1595 = tpu.dynamic_gather %select_n3A_1572[%gather3A_1594] in [0] : vector<16xf32>, vector<16xi32> -> vector<16xf32>
        %broadcast_in_dim3A_1596 = vector.shape_cast %xor3A_1577 : vector<16xi32> to vector<16x1xi32>
        %gather3A_1597 = vector.shape_cast %broadcast_in_dim3A_1596 : vector<16x1xi32> to vector<16xi32>
        %gather3A_1598 = tpu.dynamic_gather %select_n3A_1573[%gather3A_1597] in [0] : vector<16xi32>, vector<16xi32> -> vector<16xi32>
        %lt3A_1599 = arith.cmpf olt, %gather3A_1595, %select_n3A_1572 : vector<16xf32>
        %eq3A_1600 = arith.cmpf oeq, %gather3A_1595, %select_n3A_1572 : vector<16xf32>
        %lt3A_1601 = arith.cmpi slt, %gather3A_1598, %select_n3A_1573 : vector<16xi32>
        %and3A_1602 = arith.andi %eq3A_1600, %lt3A_1601 : vector<16xi1>
        %or3A_1603 = arith.ori %lt3A_1599, %and3A_1602 : vector<16xi1>
        %not3A_1604 = arith.constant dense<true> : vector<16xi1>
        %not3A_1605 = arith.xori %or3A_1603, %not3A_1604 : vector<16xi1>
        %select_n3A_1606 = arith.select %eq3A_1592, %or3A_1603, %not3A_1605 : vector<16xi1>, vector<16xi1>
        %select_n3A_1607 = arith.select %select_n3A_1606, %gather3A_1595, %select_n3A_1572 : vector<16xi1>, vector<16xf32>
        %select_n3A_1608 = arith.select %select_n3A_1606, %gather3A_1598, %select_n3A_1573 : vector<16xi1>, vector<16xi32>
        %iota3A_1609 = tpu.iota {dimensions = array<i32: 0>} : vector<16xi32>
        %xor3A_1610 = arith.constant 1 : i32
        %xor3A_1611 = vector.broadcast %xor3A_1610 : i32 to vector<16xi32>
        %xor3A_1612 = arith.xori %iota3A_1609, %xor3A_1611 : vector<16xi32>
        %and3A_1613 = arith.constant 32 : i32
        %and3A_1614 = vector.broadcast %and3A_1613 : i32 to vector<16xi32>
        %and3A_1615 = arith.andi %iota3A_1609, %and3A_1614 : vector<16xi32>
        %eq3A_1616 = arith.constant 0 : i32
        %eq3A_1617 = vector.broadcast %eq3A_1616 : i32 to vector<16xi32>
        %eq3A_1618 = arith.cmpi eq, %and3A_1615, %eq3A_1617 : vector<16xi32>
        %and3A_1619 = arith.constant 1 : i32
        %and3A_1620 = vector.broadcast %and3A_1619 : i32 to vector<16xi32>
        %and3A_1621 = arith.andi %iota3A_1609, %and3A_1620 : vector<16xi32>
        %eq3A_1622 = arith.constant 0 : i32
        %eq3A_1623 = vector.broadcast %eq3A_1622 : i32 to vector<16xi32>
        %eq3A_1624 = arith.cmpi eq, %and3A_1621, %eq3A_1623 : vector<16xi32>
        %eq3A_1625 = arith.xori %eq3A_1618, %eq3A_1624 : vector<16xi1>
        %eq3A_1626 = arith.constant dense<true> : vector<16xi1>
        %eq3A_1627 = arith.xori %eq3A_1625, %eq3A_1626 : vector<16xi1>
        %broadcast_in_dim3A_1628 = vector.shape_cast %xor3A_1612 : vector<16xi32> to vector<16x1xi32>
        %gather3A_1629 = vector.shape_cast %broadcast_in_dim3A_1628 : vector<16x1xi32> to vector<16xi32>
        %gather3A_1630 = tpu.dynamic_gather %select_n3A_1607[%gather3A_1629] in [0] : vector<16xf32>, vector<16xi32> -> vector<16xf32>
        %broadcast_in_dim3A_1631 = vector.shape_cast %xor3A_1612 : vector<16xi32> to vector<16x1xi32>
        %gather3A_1632 = vector.shape_cast %broadcast_in_dim3A_1631 : vector<16x1xi32> to vector<16xi32>
        %gather3A_1633 = tpu.dynamic_gather %select_n3A_1608[%gather3A_1632] in [0] : vector<16xi32>, vector<16xi32> -> vector<16xi32>
        %lt3A_1634 = arith.cmpf olt, %gather3A_1630, %select_n3A_1607 : vector<16xf32>
        %eq3A_1635 = arith.cmpf oeq, %gather3A_1630, %select_n3A_1607 : vector<16xf32>
        %lt3A_1636 = arith.cmpi slt, %gather3A_1633, %select_n3A_1608 : vector<16xi32>
        %and3A_1637 = arith.andi %eq3A_1635, %lt3A_1636 : vector<16xi1>
        %or3A_1638 = arith.ori %lt3A_1634, %and3A_1637 : vector<16xi1>
        %not3A_1639 = arith.constant dense<true> : vector<16xi1>
        %not3A_1640 = arith.xori %or3A_1638, %not3A_1639 : vector<16xi1>
        %select_n3A_1641 = arith.select %eq3A_1627, %or3A_1638, %not3A_1640 : vector<16xi1>, vector<16xi1>
        %select_n3A_1642 = arith.select %select_n3A_1641, %gather3A_1630, %select_n3A_1607 : vector<16xi1>, vector<16xf32>
        %select_n3A_1643 = arith.select %select_n3A_1641, %gather3A_1633, %select_n3A_1608 : vector<16xi1>, vector<16xi32>
        scf.yield %select_n3A_1502, %select_n3A_1503, %select_n3A_1642, %select_n3A_1643 : vector<16xf32>, vector<16xi32>, vector<16xf32>, vector<16xi32>
      } else {
        scf.yield %scan3A_609#0, %scan3A_609#1, %scan3A_609#2, %scan3A_609#3 : vector<16xf32>, vector<16xi32>, vector<16xf32>, vector<16xi32>
      }
      %swap3A_618 = arith.constant 0 : index
      %swap3A_619 = tpu.vector_load %arg14[%swap3A_618] {strides = array<i32>} : memref<32xi32, #tpu.memory_space<vmem>>, vector<16xi32>,
      tpu.vector_store %arg14[%swap3A_618], %cond3A_617#1 {strides = array<i32>} : memref<32xi32, #tpu.memory_space<vmem>>, vector<16xi32>,
      %swap3A_620 = arith.constant 16 : index
      %swap3A_621 = tpu.vector_load %arg14[%swap3A_620] {strides = array<i32>} : memref<32xi32, #tpu.memory_space<vmem>>, vector<16xi32>,
      tpu.vector_store %arg14[%swap3A_620], %cond3A_617#3 {strides = array<i32>} : memref<32xi32, #tpu.memory_space<vmem>>, vector<16xi32>,
      %gather3A_622 = tpu.vector_load_idx %arg5[%cond3A_617#1] : memref<2112xf32, #tpu.memory_space<vmem>>[vector<16xi32>], vector<16xf32>,
      %gather3A_623 = tpu.vector_load_idx %arg6[%cond3A_617#1] : memref<2112xf32, #tpu.memory_space<vmem>>[vector<16xi32>], vector<16xf32>,
      %gather3A_624 = tpu.vector_load_idx %arg7[%cond3A_617#1] : memref<2112xf32, #tpu.memory_space<vmem>>[vector<16xi32>], vector<16xf32>,
      %gather3A_625 = tpu.vector_load_idx %arg5[%cond3A_617#3] : memref<2112xf32, #tpu.memory_space<vmem>>[vector<16xi32>], vector<16xf32>,
      %gather3A_626 = tpu.vector_load_idx %arg6[%cond3A_617#3] : memref<2112xf32, #tpu.memory_space<vmem>>[vector<16xi32>], vector<16xf32>,
      %gather3A_627 = tpu.vector_load_idx %arg7[%cond3A_617#3] : memref<2112xf32, #tpu.memory_space<vmem>>[vector<16xi32>], vector<16xf32>,
      %iota3A_628 = tpu.iota {dimensions = array<i32: 0>} : vector<16xi32>
      %reduce_sum3A = arith.constant true
      %reduce_sum3A_629 = vector.broadcast %reduce_sum3A : i1 to vector<16xi1>
      %reduce_sum3A_630 = tpu.scan <sum>, %gather3A_622 masked %reduce_sum3A_629 : vector<16xf32>, vector<16xi1> -> vector<16xf32>
      %reduce_sum3A_631 = vector.extract %reduce_sum3A_630[15] : f32 from vector<16xf32>
      %broadcast_in_dim3A_632 = vector.broadcast %reduce_sum3A_631 : f32 to vector<16xf32>
      %reduce_sum3A_633 = arith.constant true
      %reduce_sum3A_634 = vector.broadcast %reduce_sum3A_633 : i1 to vector<16xi1>
      %reduce_sum3A_635 = tpu.scan <sum>, %gather3A_625 masked %reduce_sum3A_634 : vector<16xf32>, vector<16xi1> -> vector<16xf32>
      %reduce_sum3A_636 = vector.extract %reduce_sum3A_635[15] : f32 from vector<16xf32>
      %broadcast_in_dim3A_637 = vector.broadcast %reduce_sum3A_636 : f32 to vector<16xf32>
      %add3A_638 = arith.addf %broadcast_in_dim3A_632, %broadcast_in_dim3A_637 : vector<16xf32>
      %mul3A_639 = arith.constant 3.125000e-02 : f32
      %mul3A_640 = vector.broadcast %mul3A_639 : f32 to vector<16xf32>
      %mul3A_641 = arith.mulf %add3A_638, %mul3A_640 : vector<16xf32>
      %reduce_sum3A_642 = arith.constant true
      %reduce_sum3A_643 = vector.broadcast %reduce_sum3A_642 : i1 to vector<16xi1>
      %reduce_sum3A_644 = tpu.scan <sum>, %gather3A_623 masked %reduce_sum3A_643 : vector<16xf32>, vector<16xi1> -> vector<16xf32>
      %reduce_sum3A_645 = vector.extract %reduce_sum3A_644[15] : f32 from vector<16xf32>
      %broadcast_in_dim3A_646 = vector.broadcast %reduce_sum3A_645 : f32 to vector<16xf32>
      %reduce_sum3A_647 = arith.constant true
      %reduce_sum3A_648 = vector.broadcast %reduce_sum3A_647 : i1 to vector<16xi1>
      %reduce_sum3A_649 = tpu.scan <sum>, %gather3A_626 masked %reduce_sum3A_648 : vector<16xf32>, vector<16xi1> -> vector<16xf32>
      %reduce_sum3A_650 = vector.extract %reduce_sum3A_649[15] : f32 from vector<16xf32>
      %broadcast_in_dim3A_651 = vector.broadcast %reduce_sum3A_650 : f32 to vector<16xf32>
      %add3A_652 = arith.addf %broadcast_in_dim3A_646, %broadcast_in_dim3A_651 : vector<16xf32>
      %mul3A_653 = arith.constant 3.125000e-02 : f32
      %mul3A_654 = vector.broadcast %mul3A_653 : f32 to vector<16xf32>
      %mul3A_655 = arith.mulf %add3A_652, %mul3A_654 : vector<16xf32>
      %reduce_sum3A_656 = arith.constant true
      %reduce_sum3A_657 = vector.broadcast %reduce_sum3A_656 : i1 to vector<16xi1>
      %reduce_sum3A_658 = tpu.scan <sum>, %gather3A_624 masked %reduce_sum3A_657 : vector<16xf32>, vector<16xi1> -> vector<16xf32>
      %reduce_sum3A_659 = vector.extract %reduce_sum3A_658[15] : f32 from vector<16xf32>
      %broadcast_in_dim3A_660 = vector.broadcast %reduce_sum3A_659 : f32 to vector<16xf32>
      %reduce_sum3A_661 = arith.constant true
      %reduce_sum3A_662 = vector.broadcast %reduce_sum3A_661 : i1 to vector<16xi1>
      %reduce_sum3A_663 = tpu.scan <sum>, %gather3A_627 masked %reduce_sum3A_662 : vector<16xf32>, vector<16xi1> -> vector<16xf32>
      %reduce_sum3A_664 = vector.extract %reduce_sum3A_663[15] : f32 from vector<16xf32>
      %broadcast_in_dim3A_665 = vector.broadcast %reduce_sum3A_664 : f32 to vector<16xf32>
      %add3A_666 = arith.addf %broadcast_in_dim3A_660, %broadcast_in_dim3A_665 : vector<16xf32>
      %mul3A_667 = arith.constant 3.125000e-02 : f32
      %mul3A_668 = vector.broadcast %mul3A_667 : f32 to vector<16xf32>
      %mul3A_669 = arith.mulf %add3A_666, %mul3A_668 : vector<16xf32>
      %sub3A_670 = arith.subf %gather3A_622, %mul3A_641 : vector<16xf32>
      %sub3A_671 = arith.subf %gather3A_625, %mul3A_641 : vector<16xf32>
      %sub3A_672 = arith.subf %gather3A_623, %mul3A_655 : vector<16xf32>
      %sub3A_673 = arith.subf %gather3A_626, %mul3A_655 : vector<16xf32>
      %sub3A_674 = arith.subf %gather3A_624, %mul3A_669 : vector<16xf32>
      %sub3A_675 = arith.subf %gather3A_627, %mul3A_669 : vector<16xf32>
      %mul3A_676 = arith.mulf %sub3A_670, %sub3A_670 : vector<16xf32>
      %mul3A_677 = arith.mulf %sub3A_672, %sub3A_672 : vector<16xf32>
      %add3A_678 = arith.addf %mul3A_676, %mul3A_677 : vector<16xf32>
      %mul3A_679 = arith.mulf %sub3A_674, %sub3A_674 : vector<16xf32>
      %add3A_680 = arith.addf %add3A_678, %mul3A_679 : vector<16xf32>
      %mul3A_681 = arith.mulf %sub3A_671, %sub3A_671 : vector<16xf32>
      %mul3A_682 = arith.mulf %sub3A_673, %sub3A_673 : vector<16xf32>
      %add3A_683 = arith.addf %mul3A_681, %mul3A_682 : vector<16xf32>
      %mul3A_684 = arith.mulf %sub3A_675, %sub3A_675 : vector<16xf32>
      %add3A_685 = arith.addf %add3A_683, %mul3A_684 : vector<16xf32>
      %mul3A_686 = arith.mulf %sub3A_670, %sub3A_670 : vector<16xf32>
      %reduce_sum3A_687 = arith.constant true
      %reduce_sum3A_688 = vector.broadcast %reduce_sum3A_687 : i1 to vector<16xi1>
      %reduce_sum3A_689 = tpu.scan <sum>, %mul3A_686 masked %reduce_sum3A_688 : vector<16xf32>, vector<16xi1> -> vector<16xf32>
      %reduce_sum3A_690 = vector.extract %reduce_sum3A_689[15] : f32 from vector<16xf32>
      %broadcast_in_dim3A_691 = vector.broadcast %reduce_sum3A_690 : f32 to vector<16xf32>
      %mul3A_692 = arith.mulf %sub3A_671, %sub3A_671 : vector<16xf32>
      %reduce_sum3A_693 = arith.constant true
      %reduce_sum3A_694 = vector.broadcast %reduce_sum3A_693 : i1 to vector<16xi1>
      %reduce_sum3A_695 = tpu.scan <sum>, %mul3A_692 masked %reduce_sum3A_694 : vector<16xf32>, vector<16xi1> -> vector<16xf32>
      %reduce_sum3A_696 = vector.extract %reduce_sum3A_695[15] : f32 from vector<16xf32>
      %broadcast_in_dim3A_697 = vector.broadcast %reduce_sum3A_696 : f32 to vector<16xf32>
      %add3A_698 = arith.addf %broadcast_in_dim3A_691, %broadcast_in_dim3A_697 : vector<16xf32>
      %mul3A_699 = arith.mulf %sub3A_672, %sub3A_672 : vector<16xf32>
      %reduce_sum3A_700 = arith.constant true
      %reduce_sum3A_701 = vector.broadcast %reduce_sum3A_700 : i1 to vector<16xi1>
      %reduce_sum3A_702 = tpu.scan <sum>, %mul3A_699 masked %reduce_sum3A_701 : vector<16xf32>, vector<16xi1> -> vector<16xf32>
      %reduce_sum3A_703 = vector.extract %reduce_sum3A_702[15] : f32 from vector<16xf32>
      %broadcast_in_dim3A_704 = vector.broadcast %reduce_sum3A_703 : f32 to vector<16xf32>
      %mul3A_705 = arith.mulf %sub3A_673, %sub3A_673 : vector<16xf32>
      %reduce_sum3A_706 = arith.constant true
      %reduce_sum3A_707 = vector.broadcast %reduce_sum3A_706 : i1 to vector<16xi1>
      %reduce_sum3A_708 = tpu.scan <sum>, %mul3A_705 masked %reduce_sum3A_707 : vector<16xf32>, vector<16xi1> -> vector<16xf32>
      %reduce_sum3A_709 = vector.extract %reduce_sum3A_708[15] : f32 from vector<16xf32>
      %broadcast_in_dim3A_710 = vector.broadcast %reduce_sum3A_709 : f32 to vector<16xf32>
      %add3A_711 = arith.addf %broadcast_in_dim3A_704, %broadcast_in_dim3A_710 : vector<16xf32>
      %mul3A_712 = arith.mulf %sub3A_674, %sub3A_674 : vector<16xf32>
      %reduce_sum3A_713 = arith.constant true
      %reduce_sum3A_714 = vector.broadcast %reduce_sum3A_713 : i1 to vector<16xi1>
      %reduce_sum3A_715 = tpu.scan <sum>, %mul3A_712 masked %reduce_sum3A_714 : vector<16xf32>, vector<16xi1> -> vector<16xf32>
      %reduce_sum3A_716 = vector.extract %reduce_sum3A_715[15] : f32 from vector<16xf32>
      %broadcast_in_dim3A_717 = vector.broadcast %reduce_sum3A_716 : f32 to vector<16xf32>
      %mul3A_718 = arith.mulf %sub3A_675, %sub3A_675 : vector<16xf32>
      %reduce_sum3A_719 = arith.constant true
      %reduce_sum3A_720 = vector.broadcast %reduce_sum3A_719 : i1 to vector<16xi1>
      %reduce_sum3A_721 = tpu.scan <sum>, %mul3A_718 masked %reduce_sum3A_720 : vector<16xf32>, vector<16xi1> -> vector<16xf32>
      %reduce_sum3A_722 = vector.extract %reduce_sum3A_721[15] : f32 from vector<16xf32>
      %broadcast_in_dim3A_723 = vector.broadcast %reduce_sum3A_722 : f32 to vector<16xf32>
      %add3A_724 = arith.addf %broadcast_in_dim3A_717, %broadcast_in_dim3A_723 : vector<16xf32>
      %eq3A_725 = arith.constant 0 : i32
      %eq3A_726 = vector.broadcast %eq3A_725 : i32 to vector<16xi32>
      %eq3A_727 = arith.cmpi eq, %iota3A_628, %eq3A_726 : vector<16xi32>
      %eq3A_728 = arith.constant 1 : i32
      %eq3A_729 = vector.broadcast %eq3A_728 : i32 to vector<16xi32>
      %eq3A_730 = arith.cmpi eq, %iota3A_628, %eq3A_729 : vector<16xi32>
      %select_n3A_731 = arith.select %eq3A_730, %add3A_711, %add3A_724 : vector<16xi1>, vector<16xf32>
      %select_n3A_732 = arith.select %eq3A_727, %add3A_698, %select_n3A_731 : vector<16xi1>, vector<16xf32>
      %broadcast_in_dim3A_733 = arith.constant 3.100000e+01 : f32
      %broadcast_in_dim3A_734 = vector.broadcast %broadcast_in_dim3A_733 : f32 to vector<16xf32>
      %div3A_735 = arith.divf %select_n3A_732, %broadcast_in_dim3A_734 : vector<16xf32>
      %bitcast_convert_type3A = tpu.bitcast %div3A_735 : vector<16xf32> -> vector<16xi32>
      %shift_right_arithmetic3A = arith.constant 1 : i32
      %shift_right_arithmetic3A_736 = vector.broadcast %shift_right_arithmetic3A : i32 to vector<16xi32>
      %shift_right_arithmetic3A_737 = arith.shrsi %bitcast_convert_type3A, %shift_right_arithmetic3A_736 : vector<16xi32>
      %add3A_738 = arith.constant 532487669 : i32
      %add3A_739 = vector.broadcast %add3A_738 : i32 to vector<16xi32>
      %add3A_740 = arith.addi %shift_right_arithmetic3A_737, %add3A_739 : vector<16xi32>
      %bitcast_convert_type3A_741 = tpu.bitcast %add3A_740 : vector<16xi32> -> vector<16xf32>
      %div3A_742 = arith.divf %div3A_735, %bitcast_convert_type3A_741 : vector<16xf32>
      %add3A_743 = arith.addf %bitcast_convert_type3A_741, %div3A_742 : vector<16xf32>
      %mul3A_744 = arith.constant 5.000000e-01 : f32
      %mul3A_745 = vector.broadcast %mul3A_744 : f32 to vector<16xf32>
      %mul3A_746 = arith.mulf %mul3A_745, %add3A_743 : vector<16xf32>
      %div3A_747 = arith.divf %div3A_735, %mul3A_746 : vector<16xf32>
      %add3A_748 = arith.addf %mul3A_746, %div3A_747 : vector<16xf32>
      %mul3A_749 = arith.constant 5.000000e-01 : f32
      %mul3A_750 = vector.broadcast %mul3A_749 : f32 to vector<16xf32>
      %mul3A_751 = arith.mulf %mul3A_750, %add3A_748 : vector<16xf32>
      %div3A_752 = arith.divf %div3A_735, %mul3A_751 : vector<16xf32>
      %add3A_753 = arith.addf %mul3A_751, %div3A_752 : vector<16xf32>
      %mul3A_754 = arith.constant 5.000000e-01 : f32
      %mul3A_755 = vector.broadcast %mul3A_754 : f32 to vector<16xf32>
      %mul3A_756 = arith.mulf %mul3A_755, %add3A_753 : vector<16xf32>
      %div3A_757 = arith.divf %div3A_735, %mul3A_756 : vector<16xf32>
      %add3A_758 = arith.addf %mul3A_756, %div3A_757 : vector<16xf32>
      %mul3A_759 = arith.constant 5.000000e-01 : f32
      %mul3A_760 = vector.broadcast %mul3A_759 : f32 to vector<16xf32>
      %mul3A_761 = arith.mulf %mul3A_760, %add3A_758 : vector<16xf32>
      %broadcast_in_dim3A_762 = arith.constant 9.99999997E-7 : f32
      %broadcast_in_dim3A_763 = vector.broadcast %broadcast_in_dim3A_762 : f32 to vector<16xf32>
      %broadcast_in_dim3A_764 = arith.constant 0 : i32
      %broadcast_in_dim3A_765 = vector.broadcast %broadcast_in_dim3A_764 : i32 to vector<16xi32>
      %broadcast_in_dim3A_766 = vector.shape_cast %broadcast_in_dim3A_765 : vector<16xi32> to vector<16x1xi32>
      %gather3A_767 = vector.shape_cast %broadcast_in_dim3A_766 : vector<16x1xi32> to vector<16xi32>
      %gather3A_768 = tpu.dynamic_gather %mul3A_761[%gather3A_767] in [0] : vector<16xf32>, vector<16xi32> -> vector<16xf32>
      %add3A_769 = arith.addf %gather3A_768, %broadcast_in_dim3A_763 : vector<16xf32>
      %broadcast_in_dim3A_770 = arith.constant 1 : i32
      %broadcast_in_dim3A_771 = vector.broadcast %broadcast_in_dim3A_770 : i32 to vector<16xi32>
      %broadcast_in_dim3A_772 = vector.shape_cast %broadcast_in_dim3A_771 : vector<16xi32> to vector<16x1xi32>
      %gather3A_773 = vector.shape_cast %broadcast_in_dim3A_772 : vector<16x1xi32> to vector<16xi32>
      %gather3A_774 = tpu.dynamic_gather %mul3A_761[%gather3A_773] in [0] : vector<16xf32>, vector<16xi32> -> vector<16xf32>
      %add3A_775 = arith.addf %gather3A_774, %broadcast_in_dim3A_763 : vector<16xf32>
      %broadcast_in_dim3A_776 = arith.constant 2 : i32
      %broadcast_in_dim3A_777 = vector.broadcast %broadcast_in_dim3A_776 : i32 to vector<16xi32>
      %broadcast_in_dim3A_778 = vector.shape_cast %broadcast_in_dim3A_777 : vector<16xi32> to vector<16x1xi32>
      %gather3A_779 = vector.shape_cast %broadcast_in_dim3A_778 : vector<16x1xi32> to vector<16xi32>
      %gather3A_780 = tpu.dynamic_gather %mul3A_761[%gather3A_779] in [0] : vector<16xf32>, vector<16xi32> -> vector<16xf32>
      %add3A_781 = arith.addf %gather3A_780, %broadcast_in_dim3A_763 : vector<16xf32>
      %add3A_782 = arith.addf %add3A_769, %add3A_775 : vector<16xf32>
      %add3A_783 = arith.addf %add3A_782, %add3A_781 : vector<16xf32>
      %broadcast_in_dim3A_784 = arith.constant 3.000000e+00 : f32
      %broadcast_in_dim3A_785 = vector.broadcast %broadcast_in_dim3A_784 : f32 to vector<16xf32>
      %div3A_786 = arith.divf %add3A_783, %broadcast_in_dim3A_785 : vector<16xf32>
      %div3A_787 = arith.divf %add3A_680, %div3A_786 : vector<16xf32>
      %neg3A = arith.constant 0.000000e+00 : f32
      %neg3A_788 = vector.broadcast %neg3A : f32 to vector<16xf32>
      %neg3A_789 = arith.subf %neg3A_788, %div3A_787 : vector<16xf32>
      %exp3A = math.exp %neg3A_789 : vector<16xf32>
      %div3A_790 = arith.divf %add3A_685, %div3A_786 : vector<16xf32>
      %neg3A_791 = arith.constant 0.000000e+00 : f32
      %neg3A_792 = vector.broadcast %neg3A_791 : f32 to vector<16xf32>
      %neg3A_793 = arith.subf %neg3A_792, %div3A_790 : vector<16xf32>
      %exp3A_794 = math.exp %neg3A_793 : vector<16xf32>
      %mul3A_795 = arith.mulf %cond3A_617#0, %exp3A : vector<16xf32>
      %mul3A_796 = arith.mulf %cond3A_617#2, %exp3A_794 : vector<16xf32>
      %masked_sort3A_797 = arith.constant dense<true> : vector<16xi1>
      %masked_sort3A_798, %masked_sort3A_799, %masked_sort3A_800 = tpu.sort %mul3A_795, %iota3A_628 masked %masked_sort3A_797 : (vector<16xf32>, vector<16xi32>, vector<16xi1>) -> (vector<16xi1>, vector<16xf32>, vector<16xi32>)
      %iota3A_801 = tpu.iota {dimensions = array<i32: 0>} : vector<16xi32>
      %xor3A_802 = arith.constant 1 : i32
      %xor3A_803 = vector.broadcast %xor3A_802 : i32 to vector<16xi32>
      %xor3A_804 = arith.xori %iota3A_801, %xor3A_803 : vector<16xi32>
      %and3A_805 = arith.constant 1 : i32
      %and3A_806 = vector.broadcast %and3A_805 : i32 to vector<16xi32>
      %and3A_807 = arith.andi %iota3A_801, %and3A_806 : vector<16xi32>
      %broadcast_in_dim3A_808 = vector.shape_cast %xor3A_804 : vector<16xi32> to vector<16x1xi32>
      %gather3A_809 = vector.shape_cast %broadcast_in_dim3A_808 : vector<16x1xi32> to vector<16xi32>
      %gather3A_810 = tpu.dynamic_gather %masked_sort3A_799[%gather3A_809] in [0] : vector<16xf32>, vector<16xi32> -> vector<16xf32>
      %broadcast_in_dim3A_811 = vector.shape_cast %xor3A_804 : vector<16xi32> to vector<16x1xi32>
      %gather3A_812 = vector.shape_cast %broadcast_in_dim3A_811 : vector<16x1xi32> to vector<16xi32>
      %gather3A_813 = tpu.dynamic_gather %masked_sort3A_800[%gather3A_812] in [0] : vector<16xi32>, vector<16xi32> -> vector<16xi32>
      %lt3A_814 = arith.cmpf olt, %gather3A_810, %masked_sort3A_799 : vector<16xf32>
      %eq3A_815 = arith.cmpf oeq, %gather3A_810, %masked_sort3A_799 : vector<16xf32>
      %lt3A_816 = arith.cmpi slt, %gather3A_813, %masked_sort3A_800 : vector<16xi32>
      %and3A_817 = arith.andi %eq3A_815, %lt3A_816 : vector<16xi1>
      %or3A_818 = arith.ori %lt3A_814, %and3A_817 : vector<16xi1>
      %convert_element_type3A_819 = arith.extui %or3A_818 : vector<16xi1> to vector<16xi32>
      %xor3A_820 = arith.xori %convert_element_type3A_819, %and3A_807 : vector<16xi32>
      %ne3A_821 = arith.constant 0 : i32
      %ne3A_822 = vector.broadcast %ne3A_821 : i32 to vector<16xi32>
      %ne3A_823 = arith.cmpi ne, %xor3A_820, %ne3A_822 : vector<16xi32>
      %select_n3A_824 = arith.select %ne3A_823, %gather3A_810, %masked_sort3A_799 : vector<16xi1>, vector<16xf32>
      %select_n3A_825 = arith.select %ne3A_823, %gather3A_813, %masked_sort3A_800 : vector<16xi1>, vector<16xi32>
      %add3A_826 = arith.constant 1 : i32
      %add3A_827 = vector.broadcast %add3A_826 : i32 to vector<16xi32>
      %add3A_828 = arith.addi %iota3A_801, %add3A_827 : vector<16xi32>
      %xor3A_829 = arith.constant 1 : i32
      %xor3A_830 = vector.broadcast %xor3A_829 : i32 to vector<16xi32>
      %xor3A_831 = arith.xori %add3A_828, %xor3A_830 : vector<16xi32>
      %sub3A_832 = arith.constant 1 : i32
      %sub3A_833 = vector.broadcast %sub3A_832 : i32 to vector<16xi32>
      %sub3A_834 = arith.subi %xor3A_831, %sub3A_833 : vector<16xi32>
      %jit3A_835 = arith.constant 0 : i32
      %jit3A_836 = arith.constant 15 : i32
      %max3A_837 = vector.broadcast %jit3A_835 : i32 to vector<16xi32>
      %max3A_838 = arith.maxsi %max3A_837, %sub3A_834 : vector<16xi32>
      %min3A_839 = vector.broadcast %jit3A_836 : i32 to vector<16xi32>
      %min3A_840 = arith.minsi %min3A_839, %max3A_838 : vector<16xi32>
      %and3A_841 = arith.constant 1 : i32
      %and3A_842 = vector.broadcast %and3A_841 : i32 to vector<16xi32>
      %and3A_843 = arith.andi %iota3A_801, %and3A_842 : vector<16xi32>
      %xor3A_844 = arith.constant 1 : i32
      %xor3A_845 = vector.broadcast %xor3A_844 : i32 to vector<16xi32>
      %xor3A_846 = arith.xori %and3A_843, %xor3A_845 : vector<16xi32>
      %broadcast_in_dim3A_847 = vector.shape_cast %min3A_840 : vector<16xi32> to vector<16x1xi32>
      %gather3A_848 = vector.shape_cast %broadcast_in_dim3A_847 : vector<16x1xi32> to vector<16xi32>
      %gather3A_849 = tpu.dynamic_gather %select_n3A_824[%gather3A_848] in [0] : vector<16xf32>, vector<16xi32> -> vector<16xf32>
      %broadcast_in_dim3A_850 = vector.shape_cast %min3A_840 : vector<16xi32> to vector<16x1xi32>
      %gather3A_851 = vector.shape_cast %broadcast_in_dim3A_850 : vector<16x1xi32> to vector<16xi32>
      %gather3A_852 = tpu.dynamic_gather %select_n3A_825[%gather3A_851] in [0] : vector<16xi32>, vector<16xi32> -> vector<16xi32>
      %lt3A_853 = arith.cmpf olt, %gather3A_849, %select_n3A_824 : vector<16xf32>
      %eq3A_854 = arith.cmpf oeq, %gather3A_849, %select_n3A_824 : vector<16xf32>
      %lt3A_855 = arith.cmpi slt, %gather3A_852, %select_n3A_825 : vector<16xi32>
      %and3A_856 = arith.andi %eq3A_854, %lt3A_855 : vector<16xi1>
      %or3A_857 = arith.ori %lt3A_853, %and3A_856 : vector<16xi1>
      %convert_element_type3A_858 = arith.extui %or3A_857 : vector<16xi1> to vector<16xi32>
      %xor3A_859 = arith.xori %convert_element_type3A_858, %xor3A_846 : vector<16xi32>
      %ne3A_860 = arith.constant 0 : i32
      %ne3A_861 = vector.broadcast %ne3A_860 : i32 to vector<16xi32>
      %ne3A_862 = arith.cmpi ne, %xor3A_859, %ne3A_861 : vector<16xi32>
      %select_n3A_863 = arith.select %ne3A_862, %gather3A_849, %select_n3A_824 : vector<16xi1>, vector<16xf32>
      %select_n3A_864 = arith.select %ne3A_862, %gather3A_852, %select_n3A_825 : vector<16xi1>, vector<16xi32>
      %masked_sort3A_865 = arith.constant dense<true> : vector<16xi1>
      %masked_sort3A_866, %masked_sort3A_867, %masked_sort3A_868 = tpu.sort %mul3A_796, %iota3A_628 masked %masked_sort3A_865 : (vector<16xf32>, vector<16xi32>, vector<16xi1>) -> (vector<16xi1>, vector<16xf32>, vector<16xi32>)
      %iota3A_869 = tpu.iota {dimensions = array<i32: 0>} : vector<16xi32>
      %xor3A_870 = arith.constant 1 : i32
      %xor3A_871 = vector.broadcast %xor3A_870 : i32 to vector<16xi32>
      %xor3A_872 = arith.xori %iota3A_869, %xor3A_871 : vector<16xi32>
      %and3A_873 = arith.constant 1 : i32
      %and3A_874 = vector.broadcast %and3A_873 : i32 to vector<16xi32>
      %and3A_875 = arith.andi %iota3A_869, %and3A_874 : vector<16xi32>
      %broadcast_in_dim3A_876 = vector.shape_cast %xor3A_872 : vector<16xi32> to vector<16x1xi32>
      %gather3A_877 = vector.shape_cast %broadcast_in_dim3A_876 : vector<16x1xi32> to vector<16xi32>
      %gather3A_878 = tpu.dynamic_gather %masked_sort3A_867[%gather3A_877] in [0] : vector<16xf32>, vector<16xi32> -> vector<16xf32>
      %broadcast_in_dim3A_879 = vector.shape_cast %xor3A_872 : vector<16xi32> to vector<16x1xi32>
      %gather3A_880 = vector.shape_cast %broadcast_in_dim3A_879 : vector<16x1xi32> to vector<16xi32>
      %gather3A_881 = tpu.dynamic_gather %masked_sort3A_868[%gather3A_880] in [0] : vector<16xi32>, vector<16xi32> -> vector<16xi32>
      %lt3A_882 = arith.cmpf olt, %gather3A_878, %masked_sort3A_867 : vector<16xf32>
      %eq3A_883 = arith.cmpf oeq, %gather3A_878, %masked_sort3A_867 : vector<16xf32>
      %lt3A_884 = arith.cmpi slt, %gather3A_881, %masked_sort3A_868 : vector<16xi32>
      %and3A_885 = arith.andi %eq3A_883, %lt3A_884 : vector<16xi1>
      %or3A_886 = arith.ori %lt3A_882, %and3A_885 : vector<16xi1>
      %convert_element_type3A_887 = arith.extui %or3A_886 : vector<16xi1> to vector<16xi32>
      %xor3A_888 = arith.xori %convert_element_type3A_887, %and3A_875 : vector<16xi32>
      %ne3A_889 = arith.constant 0 : i32
      %ne3A_890 = vector.broadcast %ne3A_889 : i32 to vector<16xi32>
      %ne3A_891 = arith.cmpi ne, %xor3A_888, %ne3A_890 : vector<16xi32>
      %select_n3A_892 = arith.select %ne3A_891, %gather3A_878, %masked_sort3A_867 : vector<16xi1>, vector<16xf32>
      %select_n3A_893 = arith.select %ne3A_891, %gather3A_881, %masked_sort3A_868 : vector<16xi1>, vector<16xi32>
      %add3A_894 = arith.constant 1 : i32
      %add3A_895 = vector.broadcast %add3A_894 : i32 to vector<16xi32>
      %add3A_896 = arith.addi %iota3A_869, %add3A_895 : vector<16xi32>
      %xor3A_897 = arith.constant 1 : i32
      %xor3A_898 = vector.broadcast %xor3A_897 : i32 to vector<16xi32>
      %xor3A_899 = arith.xori %add3A_896, %xor3A_898 : vector<16xi32>
      %sub3A_900 = arith.constant 1 : i32
      %sub3A_901 = vector.broadcast %sub3A_900 : i32 to vector<16xi32>
      %sub3A_902 = arith.subi %xor3A_899, %sub3A_901 : vector<16xi32>
      %jit3A_903 = arith.constant 0 : i32
      %jit3A_904 = arith.constant 15 : i32
      %max3A_905 = vector.broadcast %jit3A_903 : i32 to vector<16xi32>
      %max3A_906 = arith.maxsi %max3A_905, %sub3A_902 : vector<16xi32>
      %min3A_907 = vector.broadcast %jit3A_904 : i32 to vector<16xi32>
      %min3A_908 = arith.minsi %min3A_907, %max3A_906 : vector<16xi32>
      %and3A_909 = arith.constant 1 : i32
      %and3A_910 = vector.broadcast %and3A_909 : i32 to vector<16xi32>
      %and3A_911 = arith.andi %iota3A_869, %and3A_910 : vector<16xi32>
      %xor3A_912 = arith.constant 1 : i32
      %xor3A_913 = vector.broadcast %xor3A_912 : i32 to vector<16xi32>
      %xor3A_914 = arith.xori %and3A_911, %xor3A_913 : vector<16xi32>
      %broadcast_in_dim3A_915 = vector.shape_cast %min3A_908 : vector<16xi32> to vector<16x1xi32>
      %gather3A_916 = vector.shape_cast %broadcast_in_dim3A_915 : vector<16x1xi32> to vector<16xi32>
      %gather3A_917 = tpu.dynamic_gather %select_n3A_892[%gather3A_916] in [0] : vector<16xf32>, vector<16xi32> -> vector<16xf32>
      %broadcast_in_dim3A_918 = vector.shape_cast %min3A_908 : vector<16xi32> to vector<16x1xi32>
      %gather3A_919 = vector.shape_cast %broadcast_in_dim3A_918 : vector<16x1xi32> to vector<16xi32>
      %gather3A_920 = tpu.dynamic_gather %select_n3A_893[%gather3A_919] in [0] : vector<16xi32>, vector<16xi32> -> vector<16xi32>
      %lt3A_921 = arith.cmpf olt, %gather3A_917, %select_n3A_892 : vector<16xf32>
      %eq3A_922 = arith.cmpf oeq, %gather3A_917, %select_n3A_892 : vector<16xf32>
      %lt3A_923 = arith.cmpi slt, %gather3A_920, %select_n3A_893 : vector<16xi32>
      %and3A_924 = arith.andi %eq3A_922, %lt3A_923 : vector<16xi1>
      %or3A_925 = arith.ori %lt3A_921, %and3A_924 : vector<16xi1>
      %convert_element_type3A_926 = arith.extui %or3A_925 : vector<16xi1> to vector<16xi32>
      %xor3A_927 = arith.xori %convert_element_type3A_926, %xor3A_914 : vector<16xi32>
      %ne3A_928 = arith.constant 0 : i32
      %ne3A_929 = vector.broadcast %ne3A_928 : i32 to vector<16xi32>
      %ne3A_930 = arith.cmpi ne, %xor3A_927, %ne3A_929 : vector<16xi32>
      %select_n3A_931 = arith.select %ne3A_930, %gather3A_917, %select_n3A_892 : vector<16xi1>, vector<16xf32>
      %select_n3A_932 = arith.select %ne3A_930, %gather3A_920, %select_n3A_893 : vector<16xi1>, vector<16xi32>
      %add3A_933 = arith.constant 16 : i32
      %add3A_934 = vector.broadcast %add3A_933 : i32 to vector<16xi32>
      %add3A_935 = arith.addi %select_n3A_932, %add3A_934 : vector<16xi32>
      %rev3A_936 = arith.constant 15 : i32
      %rev3A_937 = vector.broadcast %rev3A_936 : i32 to vector<16xi32>
      %rev3A_938 = tpu.iota {dimensions = array<i32: 0>} : vector<16xi32>
      %rev3A_939 = arith.subi %rev3A_937, %rev3A_938 : vector<16xi32>
      %rev3A_940 = tpu.dynamic_gather %select_n3A_931[%rev3A_939] in [0] : vector<16xf32>, vector<16xi32> -> vector<16xf32>
      %rev3A_941 = arith.constant 15 : i32
      %rev3A_942 = vector.broadcast %rev3A_941 : i32 to vector<16xi32>
      %rev3A_943 = tpu.iota {dimensions = array<i32: 0>} : vector<16xi32>
      %rev3A_944 = arith.subi %rev3A_942, %rev3A_943 : vector<16xi32>
      %rev3A_945 = tpu.dynamic_gather %add3A_935[%rev3A_944] in [0] : vector<16xi32>, vector<16xi32> -> vector<16xi32>
      %lt3A_946 = arith.cmpf olt, %rev3A_940, %select_n3A_863 : vector<16xf32>
      %eq3A_947 = arith.cmpf oeq, %rev3A_940, %select_n3A_863 : vector<16xf32>
      %lt3A_948 = arith.cmpi slt, %rev3A_945, %select_n3A_864 : vector<16xi32>
      %and3A_949 = arith.andi %eq3A_947, %lt3A_948 : vector<16xi1>
      %or3A_950 = arith.ori %lt3A_946, %and3A_949 : vector<16xi1>
      %select_n3A_951 = arith.select %or3A_950, %rev3A_940, %select_n3A_863 : vector<16xi1>, vector<16xf32>
      %select_n3A_952 = arith.select %or3A_950, %rev3A_945, %select_n3A_864 : vector<16xi1>, vector<16xi32>
      %select_n3A_953 = arith.select %or3A_950, %select_n3A_863, %rev3A_940 : vector<16xi1>, vector<16xf32>
      %select_n3A_954 = arith.select %or3A_950, %select_n3A_864, %rev3A_945 : vector<16xi1>, vector<16xi32>
      %iota3A_955 = tpu.iota {dimensions = array<i32: 0>} : vector<16xi32>
      %xor3A_956 = arith.constant 8 : i32
      %xor3A_957 = vector.broadcast %xor3A_956 : i32 to vector<16xi32>
      %xor3A_958 = arith.xori %iota3A_955, %xor3A_957 : vector<16xi32>
      %and3A_959 = arith.constant 32 : i32
      %and3A_960 = vector.broadcast %and3A_959 : i32 to vector<16xi32>
      %and3A_961 = arith.andi %iota3A_955, %and3A_960 : vector<16xi32>
      %eq3A_962 = arith.constant 0 : i32
      %eq3A_963 = vector.broadcast %eq3A_962 : i32 to vector<16xi32>
      %eq3A_964 = arith.cmpi eq, %and3A_961, %eq3A_963 : vector<16xi32>
      %and3A_965 = arith.constant 8 : i32
      %and3A_966 = vector.broadcast %and3A_965 : i32 to vector<16xi32>
      %and3A_967 = arith.andi %iota3A_955, %and3A_966 : vector<16xi32>
      %eq3A_968 = arith.constant 0 : i32
      %eq3A_969 = vector.broadcast %eq3A_968 : i32 to vector<16xi32>
      %eq3A_970 = arith.cmpi eq, %and3A_967, %eq3A_969 : vector<16xi32>
      %eq3A_971 = arith.xori %eq3A_964, %eq3A_970 : vector<16xi1>
      %eq3A_972 = arith.constant dense<true> : vector<16xi1>
      %eq3A_973 = arith.xori %eq3A_971, %eq3A_972 : vector<16xi1>
      %broadcast_in_dim3A_974 = vector.shape_cast %xor3A_958 : vector<16xi32> to vector<16x1xi32>
      %gather3A_975 = vector.shape_cast %broadcast_in_dim3A_974 : vector<16x1xi32> to vector<16xi32>
      %gather3A_976 = tpu.dynamic_gather %select_n3A_951[%gather3A_975] in [0] : vector<16xf32>, vector<16xi32> -> vector<16xf32>
      %broadcast_in_dim3A_977 = vector.shape_cast %xor3A_958 : vector<16xi32> to vector<16x1xi32>
      %gather3A_978 = vector.shape_cast %broadcast_in_dim3A_977 : vector<16x1xi32> to vector<16xi32>
      %gather3A_979 = tpu.dynamic_gather %select_n3A_952[%gather3A_978] in [0] : vector<16xi32>, vector<16xi32> -> vector<16xi32>
      %lt3A_980 = arith.cmpf olt, %gather3A_976, %select_n3A_951 : vector<16xf32>
      %eq3A_981 = arith.cmpf oeq, %gather3A_976, %select_n3A_951 : vector<16xf32>
      %lt3A_982 = arith.cmpi slt, %gather3A_979, %select_n3A_952 : vector<16xi32>
      %and3A_983 = arith.andi %eq3A_981, %lt3A_982 : vector<16xi1>
      %or3A_984 = arith.ori %lt3A_980, %and3A_983 : vector<16xi1>
      %not3A_985 = arith.constant dense<true> : vector<16xi1>
      %not3A_986 = arith.xori %or3A_984, %not3A_985 : vector<16xi1>
      %select_n3A_987 = arith.select %eq3A_973, %or3A_984, %not3A_986 : vector<16xi1>, vector<16xi1>
      %select_n3A_988 = arith.select %select_n3A_987, %gather3A_976, %select_n3A_951 : vector<16xi1>, vector<16xf32>
      %select_n3A_989 = arith.select %select_n3A_987, %gather3A_979, %select_n3A_952 : vector<16xi1>, vector<16xi32>
      %iota3A_990 = tpu.iota {dimensions = array<i32: 0>} : vector<16xi32>
      %xor3A_991 = arith.constant 4 : i32
      %xor3A_992 = vector.broadcast %xor3A_991 : i32 to vector<16xi32>
      %xor3A_993 = arith.xori %iota3A_990, %xor3A_992 : vector<16xi32>
      %and3A_994 = arith.constant 32 : i32
      %and3A_995 = vector.broadcast %and3A_994 : i32 to vector<16xi32>
      %and3A_996 = arith.andi %iota3A_990, %and3A_995 : vector<16xi32>
      %eq3A_997 = arith.constant 0 : i32
      %eq3A_998 = vector.broadcast %eq3A_997 : i32 to vector<16xi32>
      %eq3A_999 = arith.cmpi eq, %and3A_996, %eq3A_998 : vector<16xi32>
      %and3A_1000 = arith.constant 4 : i32
      %and3A_1001 = vector.broadcast %and3A_1000 : i32 to vector<16xi32>
      %and3A_1002 = arith.andi %iota3A_990, %and3A_1001 : vector<16xi32>
      %eq3A_1003 = arith.constant 0 : i32
      %eq3A_1004 = vector.broadcast %eq3A_1003 : i32 to vector<16xi32>
      %eq3A_1005 = arith.cmpi eq, %and3A_1002, %eq3A_1004 : vector<16xi32>
      %eq3A_1006 = arith.xori %eq3A_999, %eq3A_1005 : vector<16xi1>
      %eq3A_1007 = arith.constant dense<true> : vector<16xi1>
      %eq3A_1008 = arith.xori %eq3A_1006, %eq3A_1007 : vector<16xi1>
      %broadcast_in_dim3A_1009 = vector.shape_cast %xor3A_993 : vector<16xi32> to vector<16x1xi32>
      %gather3A_1010 = vector.shape_cast %broadcast_in_dim3A_1009 : vector<16x1xi32> to vector<16xi32>
      %gather3A_1011 = tpu.dynamic_gather %select_n3A_988[%gather3A_1010] in [0] : vector<16xf32>, vector<16xi32> -> vector<16xf32>
      %broadcast_in_dim3A_1012 = vector.shape_cast %xor3A_993 : vector<16xi32> to vector<16x1xi32>
      %gather3A_1013 = vector.shape_cast %broadcast_in_dim3A_1012 : vector<16x1xi32> to vector<16xi32>
      %gather3A_1014 = tpu.dynamic_gather %select_n3A_989[%gather3A_1013] in [0] : vector<16xi32>, vector<16xi32> -> vector<16xi32>
      %lt3A_1015 = arith.cmpf olt, %gather3A_1011, %select_n3A_988 : vector<16xf32>
      %eq3A_1016 = arith.cmpf oeq, %gather3A_1011, %select_n3A_988 : vector<16xf32>
      %lt3A_1017 = arith.cmpi slt, %gather3A_1014, %select_n3A_989 : vector<16xi32>
      %and3A_1018 = arith.andi %eq3A_1016, %lt3A_1017 : vector<16xi1>
      %or3A_1019 = arith.ori %lt3A_1015, %and3A_1018 : vector<16xi1>
      %not3A_1020 = arith.constant dense<true> : vector<16xi1>
      %not3A_1021 = arith.xori %or3A_1019, %not3A_1020 : vector<16xi1>
      %select_n3A_1022 = arith.select %eq3A_1008, %or3A_1019, %not3A_1021 : vector<16xi1>, vector<16xi1>
      %select_n3A_1023 = arith.select %select_n3A_1022, %gather3A_1011, %select_n3A_988 : vector<16xi1>, vector<16xf32>
      %select_n3A_1024 = arith.select %select_n3A_1022, %gather3A_1014, %select_n3A_989 : vector<16xi1>, vector<16xi32>
      %iota3A_1025 = tpu.iota {dimensions = array<i32: 0>} : vector<16xi32>
      %xor3A_1026 = arith.constant 2 : i32
      %xor3A_1027 = vector.broadcast %xor3A_1026 : i32 to vector<16xi32>
      %xor3A_1028 = arith.xori %iota3A_1025, %xor3A_1027 : vector<16xi32>
      %and3A_1029 = arith.constant 32 : i32
      %and3A_1030 = vector.broadcast %and3A_1029 : i32 to vector<16xi32>
      %and3A_1031 = arith.andi %iota3A_1025, %and3A_1030 : vector<16xi32>
      %eq3A_1032 = arith.constant 0 : i32
      %eq3A_1033 = vector.broadcast %eq3A_1032 : i32 to vector<16xi32>
      %eq3A_1034 = arith.cmpi eq, %and3A_1031, %eq3A_1033 : vector<16xi32>
      %and3A_1035 = arith.constant 2 : i32
      %and3A_1036 = vector.broadcast %and3A_1035 : i32 to vector<16xi32>
      %and3A_1037 = arith.andi %iota3A_1025, %and3A_1036 : vector<16xi32>
      %eq3A_1038 = arith.constant 0 : i32
      %eq3A_1039 = vector.broadcast %eq3A_1038 : i32 to vector<16xi32>
      %eq3A_1040 = arith.cmpi eq, %and3A_1037, %eq3A_1039 : vector<16xi32>
      %eq3A_1041 = arith.xori %eq3A_1034, %eq3A_1040 : vector<16xi1>
      %eq3A_1042 = arith.constant dense<true> : vector<16xi1>
      %eq3A_1043 = arith.xori %eq3A_1041, %eq3A_1042 : vector<16xi1>
      %broadcast_in_dim3A_1044 = vector.shape_cast %xor3A_1028 : vector<16xi32> to vector<16x1xi32>
      %gather3A_1045 = vector.shape_cast %broadcast_in_dim3A_1044 : vector<16x1xi32> to vector<16xi32>
      %gather3A_1046 = tpu.dynamic_gather %select_n3A_1023[%gather3A_1045] in [0] : vector<16xf32>, vector<16xi32> -> vector<16xf32>
      %broadcast_in_dim3A_1047 = vector.shape_cast %xor3A_1028 : vector<16xi32> to vector<16x1xi32>
      %gather3A_1048 = vector.shape_cast %broadcast_in_dim3A_1047 : vector<16x1xi32> to vector<16xi32>
      %gather3A_1049 = tpu.dynamic_gather %select_n3A_1024[%gather3A_1048] in [0] : vector<16xi32>, vector<16xi32> -> vector<16xi32>
      %lt3A_1050 = arith.cmpf olt, %gather3A_1046, %select_n3A_1023 : vector<16xf32>
      %eq3A_1051 = arith.cmpf oeq, %gather3A_1046, %select_n3A_1023 : vector<16xf32>
      %lt3A_1052 = arith.cmpi slt, %gather3A_1049, %select_n3A_1024 : vector<16xi32>
      %and3A_1053 = arith.andi %eq3A_1051, %lt3A_1052 : vector<16xi1>
      %or3A_1054 = arith.ori %lt3A_1050, %and3A_1053 : vector<16xi1>
      %not3A_1055 = arith.constant dense<true> : vector<16xi1>
      %not3A_1056 = arith.xori %or3A_1054, %not3A_1055 : vector<16xi1>
      %select_n3A_1057 = arith.select %eq3A_1043, %or3A_1054, %not3A_1056 : vector<16xi1>, vector<16xi1>
      %select_n3A_1058 = arith.select %select_n3A_1057, %gather3A_1046, %select_n3A_1023 : vector<16xi1>, vector<16xf32>
      %select_n3A_1059 = arith.select %select_n3A_1057, %gather3A_1049, %select_n3A_1024 : vector<16xi1>, vector<16xi32>
      %iota3A_1060 = tpu.iota {dimensions = array<i32: 0>} : vector<16xi32>
      %xor3A_1061 = arith.constant 1 : i32
      %xor3A_1062 = vector.broadcast %xor3A_1061 : i32 to vector<16xi32>
      %xor3A_1063 = arith.xori %iota3A_1060, %xor3A_1062 : vector<16xi32>
      %and3A_1064 = arith.constant 32 : i32
      %and3A_1065 = vector.broadcast %and3A_1064 : i32 to vector<16xi32>
      %and3A_1066 = arith.andi %iota3A_1060, %and3A_1065 : vector<16xi32>
      %eq3A_1067 = arith.constant 0 : i32
      %eq3A_1068 = vector.broadcast %eq3A_1067 : i32 to vector<16xi32>
      %eq3A_1069 = arith.cmpi eq, %and3A_1066, %eq3A_1068 : vector<16xi32>
      %and3A_1070 = arith.constant 1 : i32
      %and3A_1071 = vector.broadcast %and3A_1070 : i32 to vector<16xi32>
      %and3A_1072 = arith.andi %iota3A_1060, %and3A_1071 : vector<16xi32>
      %eq3A_1073 = arith.constant 0 : i32
      %eq3A_1074 = vector.broadcast %eq3A_1073 : i32 to vector<16xi32>
      %eq3A_1075 = arith.cmpi eq, %and3A_1072, %eq3A_1074 : vector<16xi32>
      %eq3A_1076 = arith.xori %eq3A_1069, %eq3A_1075 : vector<16xi1>
      %eq3A_1077 = arith.constant dense<true> : vector<16xi1>
      %eq3A_1078 = arith.xori %eq3A_1076, %eq3A_1077 : vector<16xi1>
      %broadcast_in_dim3A_1079 = vector.shape_cast %xor3A_1063 : vector<16xi32> to vector<16x1xi32>
      %gather3A_1080 = vector.shape_cast %broadcast_in_dim3A_1079 : vector<16x1xi32> to vector<16xi32>
      %gather3A_1081 = tpu.dynamic_gather %select_n3A_1058[%gather3A_1080] in [0] : vector<16xf32>, vector<16xi32> -> vector<16xf32>
      %broadcast_in_dim3A_1082 = vector.shape_cast %xor3A_1063 : vector<16xi32> to vector<16x1xi32>
      %gather3A_1083 = vector.shape_cast %broadcast_in_dim3A_1082 : vector<16x1xi32> to vector<16xi32>
      %gather3A_1084 = tpu.dynamic_gather %select_n3A_1059[%gather3A_1083] in [0] : vector<16xi32>, vector<16xi32> -> vector<16xi32>
      %lt3A_1085 = arith.cmpf olt, %gather3A_1081, %select_n3A_1058 : vector<16xf32>
      %eq3A_1086 = arith.cmpf oeq, %gather3A_1081, %select_n3A_1058 : vector<16xf32>
      %lt3A_1087 = arith.cmpi slt, %gather3A_1084, %select_n3A_1059 : vector<16xi32>
      %and3A_1088 = arith.andi %eq3A_1086, %lt3A_1087 : vector<16xi1>
      %or3A_1089 = arith.ori %lt3A_1085, %and3A_1088 : vector<16xi1>
      %not3A_1090 = arith.constant dense<true> : vector<16xi1>
      %not3A_1091 = arith.xori %or3A_1089, %not3A_1090 : vector<16xi1>
      %select_n3A_1092 = arith.select %eq3A_1078, %or3A_1089, %not3A_1091 : vector<16xi1>, vector<16xi1>
      %select_n3A_1093 = arith.select %select_n3A_1092, %gather3A_1081, %select_n3A_1058 : vector<16xi1>, vector<16xf32>
      %select_n3A_1094 = arith.select %select_n3A_1092, %gather3A_1084, %select_n3A_1059 : vector<16xi1>, vector<16xi32>
      %gather3A_1095 = tpu.vector_load_idx %arg14[%select_n3A_1094] : memref<32xi32, #tpu.memory_space<vmem>>[vector<16xi32>], vector<16xi32>,
      %mul3A_1096 = arith.constant 16 : i32
      %mul3A_1097 = arith.muli %scan3A_80, %mul3A_1096 : i32
      %multiple_of3A_1098 = tpu.assume_multiple %mul3A_1097, 16 : i32
      %swap3A_1099 = arith.index_cast %multiple_of3A_1098 : i32 to index
      %swap3A_1100 = tpu.vector_load %arg15[%swap3A_1099] {strides = array<i32>} : memref<4096xi32, #tpu.memory_space<vmem>>, vector<16xi32>,
      tpu.vector_store %arg15[%swap3A_1099], %gather3A_1095 {strides = array<i32>} : memref<4096xi32, #tpu.memory_space<vmem>>, vector<16xi32>,
      %scan3A_1101 = arith.constant 0 : i32
      scf.yield %scan3A_1101 : i32
    }
    %scan3A_75 = arith.constant 256 : i32
    %mul3A_76 = arith.constant 256 : i32
    %mul3A_77 = arith.muli %add3A, %mul3A_76 : i32
    %mul3A_78 = arith.constant 16 : i32
    %mul3A_79 = arith.muli %mul3A_77, %mul3A_78 : i32
    "tpu.region"() ({
      %run_scoped3A = tpu.sem_alloc : memref<!tpu.dma_semaphore, #tpu.memory_space<semaphore_mem>>
      %dma_start3A = tpu.memref_slice %arg4[%mul3A_79] : memref<131072xi32, #tpu.memory_space<hbm>> -> memref<4096xi32, #tpu.memory_space<hbm>>
      %dma_start3A_80 = tpu.memref_slice %arg4[%mul3A_79] : memref<131072xi32, #tpu.memory_space<hbm>> -> memref<4096xi32, #tpu.memory_space<hbm>>
      tpu.enqueue_dma source(%arg15 : memref<4096xi32, #tpu.memory_space<vmem>>) target(%dma_start3A_80 : memref<4096xi32, #tpu.memory_space<hbm>>) target_semaphore(%run_scoped3A : memref<!tpu.dma_semaphore, #tpu.memory_space<semaphore_mem>>)
      %dma_wait3A = tpu.memref_slice %arg4[%mul3A_79] : memref<131072xi32, #tpu.memory_space<hbm>> -> memref<4096xi32, #tpu.memory_space<hbm>>
      %dma_wait3A_81 = tpu.memref_slice %arg4[%mul3A_79] : memref<131072xi32, #tpu.memory_space<hbm>> -> memref<4096xi32, #tpu.memory_space<hbm>>
      tpu.wait_dma2 semaphore(%run_scoped3A : memref<!tpu.dma_semaphore, #tpu.memory_space<semaphore_mem>>) src(%arg15 : memref<4096xi32, #tpu.memory_space<vmem>>) dst(%dma_wait3A_81 : memref<4096xi32, #tpu.memory_space<hbm>>)
      tpu.yield
    }) : () -> ()
    return
  }
}

</mosaic_0001>

<sc_bundles>
// kernel: kernel.3.cloned.1.call-start
scs
__scs_entry_jumppad:
0x0: {  	(pc) =	sbr.rel $0x88, $3  }
0x1: {  	(tag) =	ssettag $0x0;
	lr =	simm.s32 $0x1  }
0x2: {  	[smem:$0x3F9F] =	sst lr;
	_ =	strace $0xD0000000  }
0x3: {  	_ = 	snop  }
0x4: {  	_ = 	snop  }
0x5: {  	_ = 	snop  }
0x6: {  	_ = 	snop  }
0x7: {  	_ = 	snop  }
__scs_overlays_trampoline_lowered:
0x8: {  	[smem:$0x3FAE] =	sst s0  }
0x9: {  	[smem:$0x3FAF] =	sst s1  }
0xa: {  	[smem:$0x3FB0] =	sst s2  }
0xb: {  	[smem:$0x3FB1] =	sst s3  }
0xc: {  	[smem:$0x3FB2] =	sst s4  }
0xd: {  	[smem:$0x3FB3] =	sst s5  }
0xe: {  	[smem:$0x3FB4] =	sst s6  }
0xf: {  	[smem:$0x3FB5] =	sst s7  }
0x10: {  	[smem:$0x3FB6] =	sst s8  }
0x11: {  	[smem:$0x3FB7] =	sst s9;
	s0 =	simm.s32 @!p0 $0x0  }
0x12: {  	s1 =	sld [smem:$0x3F9D];
	s0 =	simm.s32 @p0 $0x1  }
0x13: {  	[smem:$0x3FB8] =	sst s0;
	s0 =	simm.s32 @!p1 $0x0  }
0x14: {  	s2 =	sld [smem:$0x3F9C];
	s0 =	simm.s32 @p1 $0x1  }
0x15: {  	[smem:$0x3FB9] =	sst s0;
	s0 =	simm.s32 @!p2 $0x0  }
0x16: {  	s3 =	sld [smem:$0x3FDB];
	s0 =	simm.s32 @p2 $0x1  }
0x17: {  	s4 =	simm.s32 $0x1BF5;
	[smem:$0x3FBB] =	sst s0  }
0x18: {  	s0 =	sld [smem:$0x3F9E];
	_ =	swait.ge [sflag:s4], $0x0  }
0x19: {  	s7 =	sld [smem:$0x3F9F]  }
0x1a: {  	s8 =	sadd.s32 $0xFFFFE003, lr  }
0x1b: {  	s9 =	sadd.s32 $0xFFFFFEF7, lr;
	s5 =	simm.s32 $0xFFFFFFFF;
	p2 =	slt.u32 s8, $0xFFFFF086  }
0x1c: {  	p1 =	slt.u32 s9, $0xF7A;
	s5 =	simm.s32 @!p2 $0x0  }
0x1d: {  	s5 =	simm.s32 @p1 $0x1;
	p0 =	seq.s32 s7, s2  }
0x1e: {  	s7 =	smul.u32 @!p0 $0xF7A, s2;
	p2 =	seq.s32 @!p0 s5, $0x0  }
0x1f: {  	s9 =	smul.u32 $0xF7A, s1;
	s8 =	simm.s32 @!p0 $0x1BF5;
	p2 =	por !p2, p0  }
0x20: {  	[sflag:s8] =	ssyncset.s32 @!p0 $0xFFFFF086;
	s6 =	sadd.s32 @!p0 s3, s7;
	s7 =	simm.s32 @!p0 $0x108  }
0x21: {  	s3 =	sadd.s32 s3, s9;
	s6 =	sadd.s32 @!p0 $0x88, s6;
	s7 =	simm.s32 @p2 $0x1082  }
0x22: {  	[simem:s7], [sflag:s8] =	dma.local @!p0 [hbm:s6], $0xF7A  }
0x23: {  	s9 =	sor.u32 $0xD0000000, s2;
	s6 =	simm.s32 $0x108;
	_ =	swait.ge @!p0 [sflag:s8], $0x0  }
0x24: {  	s3 =	sadd.s32 $0x88, s3;
	s6 =	simm.s32 @!p1 $0x1082;
	[sflag:s4] =	ssyncset.s32 $0xFFFFF086  }
0x25: {  	[simem:s6], [sflag:s4] =	dma.local [hbm:s3], $0xF7A  }
0x26: {  	[smem:$0x3F9F] =	sst s1;
	(tag) =	ssettag s2;
	_ =	strace s9  }
0x27: {  	s1 =	sld [smem:$0x3FAF]  }
0x28: {  	s2 =	sld [smem:$0x3FB0]  }
0x29: {  	s4 =	sld [smem:$0x3FB2]  }
0x2a: {  	p0 =	seq.s32 s5, $0x0;
	s5 =	sld [smem:$0x3FB3]  }
0x2b: {  	s6 =	sld [smem:$0x3FB4]  }
0x2c: {  	s7 =	sld [smem:$0x3FB5]  }
0x2d: {  	s3 =	simm.s32 $0x108;
	s8 =	sld [smem:$0x3FB6]  }
0x2e: {  	s3 =	simm.s32 @!p0 $0x1082;
	s9 =	sld [smem:$0x3FB7]  }
0x2f: {  	lr =	sadd.s32 s0, s3;
	s0 =	sld [smem:$0x3FAE]  }
0x30: {  	s3 =	sld [smem:$0x3FB1]  }
0x31: {  	[smem:$0x3FBA] =	sst s10  }
0x32: {  	s10 =	sld [smem:$0x3FB8];
	_ =	sdelay $0x3  }
0x33: {  	p0 =	seq.s32 s10, $0x1;
	s10 =	sld [smem:$0x3FBA];
	_ =	sdelay $0x3  }
0x34: {  	[smem:$0x3FBA] =	sst s10  }
0x35: {  	s10 =	sld [smem:$0x3FB9];
	_ =	sdelay $0x3  }
0x36: {  	p1 =	seq.s32 s10, $0x1;
	s10 =	sld [smem:$0x3FBA];
	_ =	sdelay $0x3  }
0x37: {  	[smem:$0x3FBA] =	sst s10  }
0x38: {  	s10 =	sld [smem:$0x3FBB]  }
0x39: {  	_ = 	snop;
	(pc) =	sbr.ind lr, $3  }
0x3a: {  	_ = 	snop  }
0x3b: {  	_ = 	snop  }
0x3c: {  	p2 =	seq.s32 s10, $0x1;
	s10 =	sld [smem:$0x3FBA]  }
0x3d: {  	_ =	shalt  }
0x3e: {  	_ =	shalt  }
0x3f: {  	_ =	shalt  }
0x40: {  	_ =	shalt  }
0x41: {  	_ =	shalt  }
0x42: {  	_ =	shalt  }
0x43: {  	_ =	shalt  }
0x44: {  	_ =	shalt  }
0x45: {  	_ =	shalt  }
0x46: {  	_ =	shalt  }
0x47: {  	_ =	shalt  }
0x48: {  	_ =	shalt  }
0x49: {  	_ =	shalt  }
0x4a: {  	_ =	shalt  }
0x4b: {  	_ =	shalt  }
0x4c: {  	_ =	shalt  }
0x4d: {  	_ =	shalt  }
0x4e: {  	_ =	shalt  }
0x4f: {  	_ =	shalt  }
0x50: {  	_ =	shalt  }
0x51: {  	_ =	shalt  }
0x52: {  	_ =	shalt  }
0x53: {  	_ =	shalt  }
0x54: {  	_ =	shalt  }
0x55: {  	_ =	shalt  }
0x56: {  	_ =	shalt  }
0x57: {  	_ =	shalt  }
0x58: {  	_ =	shalt  }
0x59: {  	_ =	shalt  }
0x5a: {  	_ =	shalt  }
0x5b: {  	_ =	shalt  }
0x5c: {  	_ =	shalt  }
0x5d: {  	_ =	shalt  }
0x5e: {  	_ =	shalt  }
0x5f: {  	_ =	shalt  }
0x60: {  	_ =	shalt  }
0x61: {  	_ =	shalt  }
0x62: {  	_ =	shalt  }
0x63: {  	_ =	shalt  }
0x64: {  	_ =	shalt  }
0x65: {  	_ =	shalt  }
0x66: {  	_ =	shalt  }
0x67: {  	_ =	shalt  }
0x68: {  	_ =	shalt  }
0x69: {  	_ =	shalt  }
0x6a: {  	_ =	shalt  }
0x6b: {  	_ =	shalt  }
0x6c: {  	_ =	shalt  }
0x6d: {  	_ =	shalt  }
0x6e: {  	_ =	shalt  }
0x6f: {  	_ =	shalt  }
0x70: {  	_ =	shalt  }
0x71: {  	_ =	shalt  }
0x72: {  	_ =	shalt  }
0x73: {  	_ =	shalt  }
0x74: {  	_ =	shalt  }
0x75: {  	_ =	shalt  }
0x76: {  	_ =	shalt  }
0x77: {  	_ =	shalt  }
0x78: {  	_ =	shalt  }
0x79: {  	_ =	shalt  }
0x7a: {  	_ =	shalt  }
0x7b: {  	_ =	shalt  }
0x7c: {  	_ =	shalt  }
0x7d: {  	_ =	shalt  }
0x7e: {  	_ =	shalt  }
0x7f: {  	_ =	shalt  }
0x80: {  	_ =	shalt  }
0x81: {  	_ =	shalt  }
0x82: {  	_ =	shalt  }
0x83: {  	_ =	shalt  }
0x84: {  	_ =	shalt  }
0x85: {  	_ =	shalt  }
0x86: {  	_ =	shalt  }
0x87: {  	_ =	shalt  }
.Lfunc_end0:
.L_simem_size_0:
called_computation_lowered:
.L_overlay_start_0:
0x88: {  	s2 =	sld [smem:$0x3FD9]  }
0x89: {  	s3 =	sld [smem:$0x3FFE];
	_ =	sdelay $0x1  }
0x8a: {  	s1 =	srdreg.scid  }
0x8b: {  	s0 =	sand.u32 $0x1, s1  }
0x8c: {  	s17 =	sshll.u32 s0, $0xA;
	s2 =	sadd.s32 s3, s2  }
0x8d: {  	s2 =	sadd.s32 s2, s17  }
0x8e: {  	[smem:$0x3FC6] =	sst s2  }
0x8f: {  	_ = 	snop  }
0x90: {  	s2 =	sld [smem:$0x3FD0];
	(tm) =	ssettm $0x1  }
0x91: {  	s18 =	sld [smem:$0x3FFB];
	_ =	sdelay $0x3  }
0x92: {  	_ =	strace s18  }
0x93: {  	s3 =	sld [smem:$0x3FFC];
	_ =	sdelay $0x3  }
0x94: {  	_ =	strace s3  }
0x95: {  	s3 =	sld [smem:$0x3FFD];
	_ =	sdelay $0x3  }
0x96: {  	_ =	strace s3  }
0x97: {  	_ =	strace $0x8FFFFFFF  }
0x98: {  	s19 =	sld [smem:$0x3FDB];
	_ =	sdelay $0x1  }
0x99: {  	s4 =	simm.s32 $_scs_section_size  }
0x9a: {  	s5 =	simm.s32 $_size__tile_overlayer_lowered;
	s6 =	simm.s32 $_tile_overlayer_lowered  }
0x9b: {  	s22 =	simm.s32 $0x1BFF;
	s21 =	sshll.u32 s6, $0x1;
	s3 =	sadd.s32 s4, s19  }
0x9c: {  	s7 =	simm.s32 $0x0;
	s20 =	sshll.u32 s5, $0x1;
	s5 =	sadd.s32 s21, s3  }
0x9d: {  	[timem:s7], [sflag:s22] =	dma.local [hbm:s5], s20  }
0x9e: {  	_ =	swait.ge [sflag:s22], s20  }
0x9f: {  	s4 =	ssub.s32 $0x0, s20;
	[sflag:s22] =	ssyncset.done $0x0  }
0xa0: {  	[sflag:s22] =	ssyncadd.s32 s4;
	_ =	sdelay $0x1  }
0xa1: {  	s23 =	simm.s32 $0x1B8B  }
0xa2: {  	_ =	swait.ge [sflag:s23], $0x1  }
0xa3: {  	[sflag:s23] =	ssyncset.done $0x0  }
0xa4: {  	s25 =	simm.s32 $0x1B8E;
	s24 =	sld [smem:$0x3FFE];
	[sflag:s23] =	ssyncadd.s32 $0xFFFFFFFF  }
0xa5: {  	s26 =	simm.s32 $execute0_lowered;
	[smem:$0x3FD2] =	sst s25  }
0xa6: {  	s5 =	sshll.u32 s26, $0x1;
	_ =	strace $0x80000046;
	[dreg:$0x1] =	wrdreg $0xFFFFFFFF  }
0xa7: {  	s28 =	simm.s32 $_size_execute0_lowered;
	s3 =	sadd.s32 s3, s5;
	[dreg:$0x0] =	wrdreg $0x0  }
0xa8: {  	s5 =	sshll.u32 s28, $0x1;
	[dreg:$0x2] =	wrdreg s3  }
0xa9: {  	[dreg:$0x3] =	wrdreg s5  }
0xaa: {  	[dreg:$0x4] =	wrdreg $0xC0  }
0xab: {  	_ =	task [dreg:s7], $0x5FFFF  }
0xac: {  	[dreg:$0x1] =	wrdreg $0xFFFFFFFF  }
0xad: {  	[dreg:$0x0] =	wrdreg $0x60  }
0xae: {  	[dreg:$0x2] =	wrdreg s24  }
0xaf: {  	[dreg:$0x3] =	wrdreg s2  }
0xb0: {  	[dreg:$0x4] =	wrdreg $0x9  }
0xb1: {  	_ =	task.clear_ibuf [dreg:s7], $0x5FFFF;
	_ =	strace $0x90000046  }
0xb2: {  	s29 =	simm.s32 $0x9;
	_ =	strace $0x80000048  }
0xb3: {  	_ =	swait.ge [sflag:s29], $0x1  }
0xb4: {  	[sflag:s29] =	ssyncadd.s32 $0xFFFFFFFF  }
0xb5: {  	_ =	strace $0x90000048  }
0xb6: {  	_ =	sfence  }
0xb7: {  	s30 =	sld [smem:$0x0];
	_ =	sdelay $0x2  }
0xb8: {  	s31 =	sshll.u32 s1, $0xD;
	s1 =	sshrl.u32 s1, $0x2  }
0xb9: {  	s3 =	sand.u32 $0x4000, s31;
	s1 =	sadd.s32 s1, s30  }
0xba: {  	s0 =	sor.u32 s3, s0;
	s1 =	sshll.u32 s1, $0x11  }
0xbb: {  	s0 =	sor.u32 s1, s0  }
0xbc: {  	s0 =	sadd.s32 $0x8F2B, s0  }
0xbd: {  	[sflag:s0] =	ssyncadd.remote.s32 $0x1  }
0xbe: {  	_ =	sfence.sel $0xFFFF  }
0xbf: {  	[dreg:$0x0] =	wrdreg $0xFFFFFFFF;
	(pc) =	sbr.abs _section_cstart, $3  }
0xc0: {  	[dreg:$0x1] =	wrdreg $0xFFFFFFFF  }
0xc1: {  	_ =	task.clear_ibuf [dreg:s7], $0x2FFFF;
	_ =	strace $0x9FFFFFFF  }
0xc2: {  	(tm) =	ssettm $0x7FFFFFFF  }
0xc3: {  	_ =	shalt  }
tec
execute0_lowered:
.L_overlay_start_1:
0x0: {  	(tag) =	ssettag $0x1  }
0x1: {  	v0 =	vimm.s32 $0xEFCDAB89;
	v1 =	vimm.f32 $3.100000000e+01;
	v2 =	vimm.s32 $0x67452301  }
0x2: {  	vm0 =	vcmask $0xF0C;
	vm1 =	vcmask $0x704;
	v3 =	vimm.s32 $0xFDEBC9A7  }
0x3: {  	v4 =	vimm.s32 $0x85634120;
	vm2 =	vcmask $0x300;
	vm3 =	vcmask $0x3F3C  }
0x4: {  	v5 =	vimm.s32 $0xFEDCBA98;
	v6 =	vimm.s32 $0xBA98FEDC;
	v7 =	vimm.s32 $0x32107654  }
0x5: {  	v11 =	vimm.s32 $0x54761032;
	vm4 =	vcmask $0x1F18;
	vm5 =	vcmask $0xF08  }
0x6: {  	vm6 =	vcmask $0x1F10;
	v13 =	vimm.s32 $0x1;
	v14 =	vimm.s32 $0x2  }
0x7: {  	v0 =	vunpack.c.l.s4.s8 v0;
	v2 =	vunpack.c.l.s4.s8 v2;
	vm0 =	vmor vm1, vm0  }
0x8: {  	s3 =	rddreg [dreg:$0x0];
	vm1 =	vcmask $0x1714;
	v3 =	vunpack.c.l.s4.s8 v3;
	v4 =	vunpack.c.l.s4.s8 v4  }
0x9: {  	s9 =	rddreg [dreg:$0x1];
	s1 =	simm.s32 $0x0;
	v5 =	vunpack.c.l.s4.s8 v5;
	v6 =	vunpack.c.l.s4.s8 v6;
	v7 =	vunpack.c.l.s4.s8 v7  }
0xa: {  	[smem:$0x7FF] =	sst s1;
	v11 =	vunpack.c.l.s4.s8 v11;
	vm4 =	vmor vm5, vm4;
	vm5 =	vcmask $0x2F28  }
0xb: {  	s0 =	rddreg [dreg:$0x2];
	_ =	strace $0x80000047;
	vm0 =	vmor vm0, vm1;
	vm1 =	vcmask $0x1F1C;
	vm4 =	vmor vm4, vm5  }
0xc: {  	vm5 =	vcmask $0x3F38;
	(erf) = vrcp.f32 v1;
	v1 =	vimm.f32 $3.000000000e+00  }
0xd: {  	v2 =	vunpack.c.0.s8.s32 v2;
	vm0 =	vmor vm0, vm1;
	vm1 =	vcmask $0x2724  }
0xe: {  	v3 =	vunpack.c.0.s8.s32 v3;
	v4 =	vunpack.c.0.s8.s32 v4;
	v5 =	vunpack.c.0.s8.s32 v5  }
0xf: {  	v6 =	vunpack.c.0.s8.s32 v6;
	v7 =	vunpack.c.0.s8.s32 v7;
	vm4 =	vmor vm4, vm5  }
0x10: {  	vm5 =	vcmask $0x3F08;
	(erf) = vrcp.f32 v1;
	v1 =	vunpack.c.0.s8.s32 v0  }
0x11: {  	s16 =	simm.s32 $0x1B80;
	v0 =	vimm.f32 $+Inf;
	vm0 =	vmor vm0, vm1;
	vm1 =	vcmask $0x2F2C  }
0x12: {  	s17 =	simm.s32 $0x1C80;
	s18 =	simm.s32 $0x1D00;
	s19 =	simm.s32 $0x1D80;
	vm0 =	vmor vm0, vm1;
	vm1 =	vcmask $0x3734;
	v3 =	vcombine.low v4, v3  }
0x13: {  	s4 =	srdreg.scid;
	s2 =	stileid.u32;
	s20 =	simm.s32 $0x1E00;
	v4 =	vimm.s32 $0x76543210;
	v10 =	vand.u32 $0xF, v5;
	v5 =	vimm.s32 $0xDCFE98BA  }
0x14: {  	s21 =	simm.s32 $0x0;
	s5 =	sadd.s32 $0x400, s3;
	s4 =	sand.u32 $0x1, s4;
	v7 =	vcombine.low v7, v6;
	v2 =	vcombine.low v2, v1;
	v1 =	vlaneseq.u32  }
0x15: {  	s6 =	sshll.u32 s2, $0x1;
	s7 =	sshrl.u32 s2, $0x2;
	s11 =	sadd.s32 $0x1000, s3;
	vm0 =	vmor vm0, vm1;
	vm1 =	vcmask $0xB08;
	v8 =	vunpack.c.l.s4.s8 v4  }
0x16: {  	s8 =	ssub.s32 $0x2, s4;
	s10 =	sor.u32 s4, s6;
	s22 =	smul.u32 $0x1800, s7;
	v12 =	vunpack.c.l.s4.s8 v5;
	vm1 =	vmor vm2, vm1;
	vm2 =	vcmask $0x1310  }
0x17: {  	s23 =	sshrl.u32 s8, $0x1;
	s6 =	sshll.u32 s10, $0x8;
	s10 =	sshll.u32 s10, $0x9;
	vm0 =	vmor vm0, vm3;
	v3 =	vand.u32 $0xF, v3;
	v4 =	vor.u32 $0x10, v1  }
0x18: {  	s24 =	sand.u32 $0x700, s6;
	s25 =	sshrl.u32 s22, $0x3;
	s12 =	sadd.s32 $0x800, s22;
	v9 =	vmul.u32 $0xFFFFFFFF, v1;
	v7 =	vand.u32 $0xF, v7;
	vm3 =	vcmask $0x3F30  }
0x19: {  	s13 =	ssub.s32 s8, s23;
	s26 =	sadd.s32 $0x1000, s22;
	s9 =	sadd.s32 s9, s10;
	v2 =	vand.u32 $0xF, v2;
	vm1 =	vmor vm1, vm2;
	vm2 =	vcmask $0x1B18  }
0x1a: {  	s3 =	sadd.s32 s5, s25;
	s28 =	sshrl.u32 s12, $0x3;
	s14 =	sshrl.u32 s26, $0x3;
	v8 =	vunpack.c.0.s8.s32 v8;
	vm3 =	vmor vm6, vm3;
	vm6 =	vcmask $0x3F04  }
0x1b: {  	s15 =	sor.u32 s22, s24;
	s12 =	sor.u32 s12, s24;
	s7 =	sor.u32 s26, s24;
	vm1 =	vmor vm1, vm2;
	v5 =	vadd.s32 $0xF, v9;
	v9 =	vunpack.c.0.s8.s32 v11  }
.Ltmp0:
0x1c: {  	s10 =	smax.u32 s13, $0x1;
	s13 =	simm.s32 $0x1100;
	vm2 =	vcmask $0x2320;
	v6 =	vcombine.low v10, v8;
	v8 =	vunpack.c.0.s8.s32 v12;
	(pc) =	sbr.rel .LBB2_1-.Ltmp0, $4  }
0x1d: {  	s4 =	sadd.s32 s5, s28;
	s5 =	sadd.s32 s5, s14;
	s29 =	sshrl.u32 s15, $0x3;
	v11 =	vimm.s32 $0x0;
	vm1 =	vmor vm1, vm2;
	vm2 =	vcmask $0x2B28  }
0x1e: {  	s30 =	sshrl.u32 s12, $0x3;
	s31 =	sshrl.u32 s7, $0x3;
	s12 =	simm.s32 $0x880;
	vm1 =	vmor vm1, vm2;
	vm2 =	vcmask $0x3330;
	v8 =	vcombine.low v9, v8  }
0x1f: {  	s14 =	simm.s32 $0x1980;
	s15 =	simm.s32 $0x1A80;
	s6 =	sadd.s32 s11, s29;
	v10 =	vimm.s32 $0xF;
	vm1 =	vmor vm1, vm2;
	vm2 =	vcmask $0x3B38;
	v9 =	vpop (erf)  }
0x20: {  	s7 =	sadd.s32 s11, s30;
	s8 =	sadd.s32 s11, s31;
	s11 =	simm.s32 $0x1;
	vm1 =	vmor vm1, vm2;
	vm2 =	vcmask $0x3F20;
	v8 =	vand.u32 $0xF, v8;
	v12 =	vpop (erf)  }
.LBB2_19:
0x21: {  	s21 =	sadd.s32 $0x1, s21  }
0x22: {  	p0 =	sne.s32 s21, s10  }
.Ltmp1:
0x23: {  	_ = 	snop;
	(pc) =	sbr.rel @!p0 .LBB2_20-.Ltmp1, $4  }
0x24: {  	[hbm4b:s9+s1] =	stream.linear.scatter [tilespmem:s20], [sflag:$0x1], $0x1000, $0x38;
	[tilespmem:$0x2E00] =	vst v63  }
0x25: {  	_ =	swait.ge [sflag:s11], $0x1000  }
0x26: {  	[sflag:s11] =	ssyncset.done $0x0  }
0x27: {  	[sflag:s11] =	ssyncadd.s32 $0xFFFFF000  }
.LBB2_1:
0x28: {  	[tilespmem:s1], [sflag:$0x1] =	stream.linear.gather [hbm4b:s3+s1], $0x800, $0x38;
	[tilespmem:$0x2E00] =	vst v63  }
0x29: {  	_ =	swait.ge [sflag:s11], $0x800  }
0x2a: {  	[sflag:s11] =	ssyncset.done $0x0  }
0x2b: {  	[sflag:s11] =	ssyncadd.s32 $0xFFFFF800  }
0x2c: {  	[tilespmem:s12], [sflag:$0x1] =	stream.linear.gather [hbm4b:s4+s1], $0x800, $0x38;
	[tilespmem:$0x2E00] =	vst v63  }
0x2d: {  	_ =	swait.ge [sflag:s11], $0x800  }
0x2e: {  	[sflag:s11] =	ssyncset.done $0x0  }
0x2f: {  	[sflag:s11] =	ssyncadd.s32 $0xFFFFF800  }
0x30: {  	[tilespmem:s13], [sflag:$0x1] =	stream.linear.gather [hbm4b:s5+s1], $0x800, $0x38;
	[tilespmem:$0x2E00] =	vst v63  }
0x31: {  	_ =	swait.ge [sflag:s11], $0x800  }
0x32: {  	[sflag:s11] =	ssyncset.done $0x0  }
0x33: {  	[sflag:s11] =	ssyncadd.s32 $0xFFFFF800  }
0x34: {  	[tilespmem:s14], [sflag:$0x1] =	stream.linear.gather [hbm4b:s6+s1], $0x100, $0x38;
	[tilespmem:$0x2E00] =	vst v63  }
0x35: {  	_ =	swait.ge [sflag:s11], $0x100  }
0x36: {  	[sflag:s11] =	ssyncset.done $0x0  }
0x37: {  	[sflag:s11] =	ssyncadd.s32 $0xFFFFFF00  }
0x38: {  	[tilespmem:s15], [sflag:$0x1] =	stream.linear.gather [hbm4b:s7+s1], $0x100, $0x38;
	[tilespmem:$0x2E00] =	vst v63  }
0x39: {  	_ =	swait.ge [sflag:s11], $0x100  }
0x3a: {  	[sflag:s11] =	ssyncset.done $0x0  }
0x3b: {  	[sflag:s11] =	ssyncadd.s32 $0xFFFFFF00  }
0x3c: {  	[tilespmem:s16], [sflag:$0x1] =	stream.linear.gather [hbm4b:s8+s1], $0x100, $0x38;
	[tilespmem:$0x2E00] =	vst v63  }
0x3d: {  	_ =	swait.ge [sflag:s11], $0x100  }
0x3e: {  	[sflag:s11] =	ssyncset.done $0x0  }
0x3f: {  	[sflag:s11] =	ssyncadd.s32 $0xFFFFFF00  }
0x40: {  	[tilespmem:$0x800] =	vst v0  }
0x41: {  	[tilespmem:$0x1080] =	vst v0  }
0x42: {  	[tilespmem:$0x1900] =	vst v0  }
0x43: {  	[tilespmem:$0x810] =	vst v0  }
0x44: {  	[tilespmem:$0x1090] =	vst v0  }
0x45: {  	[tilespmem:$0x1910] =	vst v0  }
0x46: {  	[tilespmem:$0x820] =	vst v0  }
.Ltmp2:
0x47: {  	[tilespmem:$0x10A0] =	vst v0;
	(pc) =	sbr.rel .LBB2_2-.Ltmp2, $4  }
0x48: {  	[tilespmem:$0x1920] =	vst v0  }
0x49: {  	[tilespmem:$0x830] =	vst v0  }
0x4a: {  	[tilespmem:$0x10B0] =	vst v0  }
0x4b: {  	s22 =	simm.s32 $0x0;
	[tilespmem:$0x1930] =	vst v0  }
.LBB2_18:
0x4c: {  	_ =	sdelay $0x1  }
0x4d: {  	[tilespmem:$0x1D80] =	vst v19  }
0x4e: {  	[tilespmem:$0x1D90] =	vst v21  }
0x4f: {  	v15 =	vld.idx.msk [tilespmem:v19+s1+$0x0], $0xffff  }
0x50: {  	v16 =	vld.idx.msk [tilespmem:v21+s1+$0x0], $0xffff  }
0x51: {  	v17 =	vld.idx.msk [tilespmem:v19+s12+$0x0], $0xffff  }
0x52: {  	v22 =	vld.idx.msk [tilespmem:v21+s12+$0x0], $0xffff  }
0x53: {  	v37 =	vld.idx.msk [tilespmem:v19+s13+$0x0], $0xffff  }
0x54: {  	v38 =	vld.idx.msk [tilespmem:v21+s13+$0x0], $0xffff;
	(xrf2) =	vadd.scan.msk.f32 $0xffff, v15  }
0x55: {  	(xrf2) =	vadd.scan.msk.f32 $0xffff, v16  }
0x56: {  	(xrf2) =	vadd.scan.msk.f32 $0xffff, v17  }
0x57: {  	(xrf2) =	vadd.scan.msk.f32 $0xffff, v22  }
0x58: {  	(xrf2) =	vadd.scan.msk.f32 $0xffff, v37  }
0x59: {  	(xrf2) =	vadd.scan.msk.f32 $0xffff, v38;
	_ =	sdelay $0x4  }
0x5a: {  	v23, _, _ =	vpop (xrf2)  }
0x5b: {  	v24, _, _ =	vpop (xrf2)  }
0x5c: {  	v23 =	vadd.f32 v24, v23;
	v39, _, _ =	vpop (xrf2)  }
0x5d: {  	v25, _, _ =	vpop (xrf2)  }
0x5e: {  	v23 =	vmul.f32 $3.125000000e-02, v23;
	v24 =	vadd.f32 v25, v39;
	v40, _, _ =	vpop (xrf2)  }
0x5f: {  	v26, _, _ =	vpop (xrf2)  }
0x60: {  	v23 =	vbroadcast v23, $0xF;
	v24 =	vmul.f32 $3.125000000e-02, v24;
	v25 =	vadd.f32 v26, v40;
	_ =	sdelay $0x1  }
0x61: {  	v24 =	vbroadcast v24, $0xF;
	v25 =	vmul.f32 $3.125000000e-02, v25;
	v15 =	vsub.f32 v15, v23  }
0x62: {  	v16 =	vsub.f32 v16, v23  }
0x63: {  	v41 =	vbroadcast v25, $0xF;
	v17 =	vsub.f32 v17, v24;
	v15 =	vmul.f32 v15, v15  }
0x64: {  	v22 =	vsub.f32 v22, v24;
	v16 =	vmul.f32 v16, v16  }
0x65: {  	v19 =	vsub.f32 v37, v41;
	v17 =	vmul.f32 v17, v17;
	(xrf2) =	vadd.scan.msk.f32 $0xffff, v15  }
0x66: {  	v21 =	vsub.f32 v38, v41;
	v22 =	vmul.f32 v22, v22;
	(xrf2) =	vadd.scan.msk.f32 $0xffff, v16  }
0x67: {  	v19 =	vmul.f32 v19, v19;
	(xrf2) =	vadd.scan.msk.f32 $0xffff, v17  }
0x68: {  	v21 =	vmul.f32 v21, v21;
	(xrf2) =	vadd.scan.msk.f32 $0xffff, v22  }
0x69: {  	(xrf2) =	vadd.scan.msk.f32 $0xffff, v19  }
0x6a: {  	(xrf2) =	vadd.scan.msk.f32 $0xffff, v21;
	_ =	sdelay $0x4  }
0x6b: {  	v42, _, _ =	vpop (xrf2)  }
0x6c: {  	v43, _, _ =	vpop (xrf2)  }
0x6d: {  	v44, _, _ =	vpop (xrf2)  }
0x6e: {  	v45, _, _ =	vpop (xrf2)  }
0x6f: {  	v27, _, _ =	vpop (xrf2)  }
0x70: {  	v28, _, _ =	vpop (xrf2)  }
0x71: {  	v25 =	vadd.f32 v45, v44;
	v46 =	vadd.f32 v28, v27  }
0x72: {  	v23 =	vadd.f32 v43, v42  }
0x73: {  	v47 =	vbroadcast v25, $0xF;
	v48 =	vbroadcast v46, $0xF  }
0x74: {  	v23 =	vbroadcast v23, $0xF  }
0x75: {  	v24 =	vsel vm5, v48, v47  }
0x76: {  	v23 =	vsel vm6, v24, v23  }
0x77: {  	v23 =	vmul.f32 v23, v9;
	_ =	sdelay $0x1  }
0x78: {  	v49 =	vshra.s32 v23, $0x1  }
0x79: {  	v24 =	vadd.s32 $0x1FBD1DF5, v49  }
0x7a: {  	(erf) = vrcp.f32 v24;
	_ =	sdelay $0x8  }
0x7b: {  	v50 =	vpop (erf)  }
0x7c: {  	v25 =	vmul.f32 v50, v23;
	_ =	sdelay $0x1  }
0x7d: {  	v24 =	vadd.f32 v24, v25;
	_ =	sdelay $0x1  }
0x7e: {  	v24 =	vmul.f32 $5.000000000e-01, v24;
	_ =	sdelay $0x1  }
0x7f: {  	(erf) = vrcp.f32 v24;
	_ =	sdelay $0x8  }
0x80: {  	v51 =	vpop (erf)  }
0x81: {  	v25 =	vmul.f32 v51, v23;
	_ =	sdelay $0x1  }
0x82: {  	v24 =	vadd.f32 v25, v24;
	_ =	sdelay $0x1  }
0x83: {  	v24 =	vmul.f32 $5.000000000e-01, v24;
	_ =	sdelay $0x1  }
0x84: {  	(erf) = vrcp.f32 v24;
	_ =	sdelay $0x8  }
0x85: {  	v52 =	vpop (erf)  }
0x86: {  	v25 =	vmul.f32 v52, v23;
	_ =	sdelay $0x1  }
0x87: {  	v24 =	vadd.f32 v25, v24;
	_ =	sdelay $0x1  }
0x88: {  	v24 =	vmul.f32 $5.000000000e-01, v24;
	_ =	sdelay $0x1  }
0x89: {  	(erf) = vrcp.f32 v24;
	_ =	sdelay $0x8  }
0x8a: {  	v53 =	vpop (erf)  }
0x8b: {  	v23 =	vmul.f32 v53, v23;
	_ =	sdelay $0x1  }
0x8c: {  	v23 =	vadd.f32 v23, v24;
	_ =	sdelay $0x1  }
0x8d: {  	v23 =	vmul.f32 $5.000000000e-01, v23;
	_ =	sdelay $0x1  }
0x8e: {  	v54 =	vperm.xlane v23, v11;
	v55 =	vperm.xlane v23, v13;
	_ =	sdelay $0x1  }
0x8f: {  	v23 =	vperm.xlane v23, v14;
	v24 =	vadd.f32 $9.999999970e-07, v54;
	v25 =	vadd.f32 $9.999999970e-07, v55;
	_ =	sdelay $0x1  }
0x90: {  	v23 =	vadd.f32 $9.999999970e-07, v23;
	v24 =	vadd.f32 v25, v24;
	_ =	sdelay $0x1  }
0x91: {  	v23 =	vadd.f32 v23, v24;
	_ =	sdelay $0x1  }
0x92: {  	v23 =	vmul.f32 v23, v12;
	_ =	sdelay $0x1  }
0x93: {  	(erf) = vrcp.f32 v23;
	_ =	sdelay $0x5  }
0x94: {  	v15 =	vadd.f32 v17, v15  }
0x95: {  	v16 =	vadd.f32 v22, v16  }
0x96: {  	v15 =	vadd.f32 v19, v15  }
0x97: {  	v16 =	vadd.f32 v21, v16;
	v56 =	vpop (erf)  }
0x98: {  	v15 =	vmul.f32 v15, v56  }
0x99: {  	v16 =	vmul.f32 v16, v56  }
0x9a: {  	v15 =	vsub.f32 $0.0e+00, v15  }
0x9b: {  	v16 =	vsub.f32 $0.0e+00, v16  }
0x9c: {  	v15 =	vmul.f32 $1.442695020e+00, v15  }
0x9d: {  	v16 =	vmul.f32 $1.442695020e+00, v16  }
0x9e: {  	(erf) = vpow2.f32 v15  }
0x9f: {  	(erf) = vpow2.f32 v16;
	_ =	sdelay $0x7  }
0xa0: {  	v15 =	vpop (erf)  }
0xa1: {  	v16 =	vpop (erf);
	v15 =	vmul.f32 v15, v18  }
0xa2: {  	v16 =	vmul.f32 v16, v20  }
0xa3: {  	(xrf1) =	vsort.ascd.msk.f32 $0xffff, v15, v1  }
0xa4: {  	(xrf1) =	vsort.ascd.msk.f32 $0xffff, v16, v1;
	_ =	sdelay $0xc  }
0xa5: {  	v15, v57, _ =	vpop (xrf1)  }
0xa6: {  	v58, v59, _ =	vpop (xrf1)  }
0xa7: {  	v60 =	vperm.xlane v58, v2;
	v61 =	vperm.xlane v59, v2  }
0xa8: {  	v62 =	vperm.xlane v15, v2  }
0xa9: {  	v63 =	vperm.xlane v57, v2;
	vm7 =	veq.f32 v60, v58;
	vm8 =	vlt.s32 v61, v59  }
0xaa: {  	vm9 =	vlt.f32 v60, v58;
	vm7 =	vmand vm7, vm8  }
0xab: {  	vm14 =	vlt.s32 v63, v57;
	vm8 =	veq.f32 v62, v15;
	vm7 =	vmor vm9, vm7  }
0xac: {  	vm15 =	vlt.f32 v62, v15;
	vm8 =	vmand vm8, vm14;
	vm7 =	vmxor vm7, vm0  }
0xad: {  	vm8 =	vmor vm15, vm8;
	v17 =	vsel vm7, v60, v58;
	v18 =	vsel vm7, v61, v59  }
0xae: {  	vm7 =	vmxor vm8, vm0;
	v19 =	vperm.xlane v17, v3;
	v20 =	vperm.xlane v18, v3  }
0xaf: {  	v15 =	vsel vm7, v62, v15;
	v16 =	vsel vm7, v63, v57  }
0xb0: {  	v21 =	vperm.xlane v15, v3;
	vm7 =	veq.f32 v19, v17;
	vm8 =	vlt.s32 v20, v18  }
0xb1: {  	v22 =	vperm.xlane v16, v3;
	vm12 =	vlt.f32 v19, v17;
	vm7 =	vmand vm7, vm8  }
0xb2: {  	vm7 =	vmor vm12, vm7  }
0xb3: {  	vm8 =	veq.f32 v21, v15;
	vm13 =	vlt.s32 v22, v16;
	vm7 =	vmxor vm7, vm1  }
0xb4: {  	vm14 =	vlt.f32 v21, v15;
	vm8 =	vmand vm8, vm13;
	v18 =	vsel vm7, v20, v18  }
0xb5: {  	vm8 =	vmor vm14, vm8;
	v17 =	vsel vm7, v19, v17;
	v18 =	vadd.s32 $0x10, v18  }
0xb6: {  	vm7 =	vmxor vm8, vm1;
	v17 =	vperm.xlane v17, v5;
	v18 =	vperm.xlane v18, v5  }
0xb7: {  	v15 =	vsel vm7, v21, v15;
	v16 =	vsel vm7, v22, v16  }
0xb8: {  	vm7 =	veq.f32 v17, v15;
	vm8 =	vlt.s32 v18, v16  }
0xb9: {  	vm15 =	vlt.f32 v17, v15;
	vm7 =	vmand vm7, vm8  }
0xba: {  	vm7 =	vmor vm15, vm7  }
0xbb: {  	v15 =	vsel vm7, v17, v15;
	v16 =	vsel vm7, v18, v16  }
0xbc: {  	v17 =	vperm.xlane v15, v6;
	v18 =	vperm.xlane v16, v6;
	_ =	sdelay $0x1  }
0xbd: {  	vm7 =	veq.f32 v17, v15;
	vm8 =	vlt.s32 v18, v16  }
0xbe: {  	vm12 =	vlt.f32 v17, v15;
	vm7 =	vmand vm7, vm8  }
0xbf: {  	vm7 =	vmor vm12, vm7  }
0xc0: {  	vm7 =	vmxor vm7, vm2  }
0xc1: {  	v15 =	vsel vm7, v17, v15;
	v16 =	vsel vm7, v18, v16  }
0xc2: {  	v17 =	vperm.xlane v15, v7;
	v18 =	vperm.xlane v16, v7;
	_ =	sdelay $0x1  }
0xc3: {  	vm7 =	veq.f32 v17, v15;
	vm8 =	vlt.s32 v18, v16  }
0xc4: {  	vm13 =	vlt.f32 v17, v15;
	vm7 =	vmand vm7, vm8  }
0xc5: {  	vm7 =	vmor vm13, vm7  }
0xc6: {  	vm7 =	vmxor vm7, vm3  }
0xc7: {  	v15 =	vsel vm7, v17, v15;
	v16 =	vsel vm7, v18, v16  }
0xc8: {  	v17 =	vperm.xlane v15, v8;
	v18 =	vperm.xlane v16, v8;
	_ =	sdelay $0x1  }
0xc9: {  	vm7 =	veq.f32 v17, v15;
	vm8 =	vlt.s32 v18, v16  }
0xca: {  	vm14 =	vlt.f32 v17, v15;
	vm7 =	vmand vm7, vm8  }
0xcb: {  	vm7 =	vmor vm14, vm7  }
0xcc: {  	vm7 =	vmxor vm7, vm4  }
0xcd: {  	v15 =	vsel vm7, v17, v15;
	v16 =	vsel vm7, v18, v16  }
0xce: {  	v17 =	vperm.xlane v15, v2;
	v18 =	vperm.xlane v16, v2;
	_ =	sdelay $0x1  }
0xcf: {  	vm7 =	veq.f32 v17, v15;
	vm8 =	vlt.s32 v18, v16  }
0xd0: {  	vm15 =	vlt.f32 v17, v15;
	vm7 =	vmand vm7, vm8  }
0xd1: {  	vm7 =	vmor vm15, vm7  }
0xd2: {  	vm7 =	vmxor vm7, vm0  }
0xd3: {  	v15 =	vsel vm7, v18, v16;
	_ =	sdelay $0x3  }
0xd4: {  	s23 =	sshll.u32 s22, $0x4;
	s22 =	sadd.s32 $0x1, s22  }
0xd5: {  	p0 =	sne.s32 s22, $0x100;
	v15 =	vld.idx.msk [tilespmem:v15+s19+$0x0], $0xffff  }
.Ltmp3:
0xd6: {  	_ = 	snop;
	(pc) =	sbr.rel @!p0 .LBB2_19-.Ltmp3, $3  }
0xd7: {  	_ =	sdelay $0x1  }
0xd8: {  	s23 =	sand.u32 $0x3FFFFFF0, s23  }
0xd9: {  	[tilespmem:s23+$0x1E00] =	vst v15  }
.LBB2_2:
0xda: {  	v18 =	vld [tilespmem:$0x0]  }
0xdb: {  	s23 =	sand.u32 $0xF0, s22;
	v19 =	vld [tilespmem:$0x880]  }
0xdc: {  	v15 =	vld [tilespmem:s23+$0x1980]  }
0xdd: {  	v16 =	vld [tilespmem:s23+$0x1A80]  }
0xde: {  	v20 =	vld [tilespmem:$0x10]  }
0xdf: {  	v17 =	vld [tilespmem:s23+$0x1B80]  }
0xe0: {  	s31 =	sand.u32 $0xF, s22;
	v21 =	vld [tilespmem:$0x890]  }
0xe1: {  	v23 =	vld [tilespmem:$0x1100];
	v22 =	vmov s31  }
0xe2: {  	v24 =	vld [tilespmem:$0x1110];
	v15 =	vperm.xlane v15, v22;
	v16 =	vperm.xlane v16, v22;
	_ =	sdelay $0x1  }
0xe3: {  	v17 =	vperm.xlane v17, v22;
	v18 =	vsub.f32 v18, v15;
	v19 =	vsub.f32 v19, v16  }
0xe4: {  	v20 =	vsub.f32 v20, v15;
	v21 =	vsub.f32 v21, v16  }
0xe5: {  	v22 =	vsub.f32 v23, v17;
	v18 =	vmul.f32 v18, v18;
	v19 =	vmul.f32 v19, v19  }
0xe6: {  	v23 =	vsub.f32 v24, v17;
	v20 =	vmul.f32 v20, v20;
	v21 =	vmul.f32 v21, v21  }
0xe7: {  	v18 =	vadd.f32 v19, v18;
	v19 =	vmul.f32 v22, v22  }
0xe8: {  	v20 =	vadd.f32 v21, v20;
	v21 =	vmul.f32 v23, v23  }
0xe9: {  	v18 =	vadd.f32 v19, v18  }
0xea: {  	v19 =	vadd.f32 v21, v20  }
0xeb: {  	(xrf1) =	vsort.ascd.msk.f32 $0xffff, v18, v1  }
0xec: {  	(xrf1) =	vsort.ascd.msk.f32 $0xffff, v19, v4;
	_ =	sdelay $0xc  }
0xed: {  	v18, v19, _ =	vpop (xrf1)  }
0xee: {  	v20 =	vperm.xlane v18, v2;
	v21, v22, _ =	vpop (xrf1)  }
0xef: {  	v23 =	vperm.xlane v21, v2;
	v60 =	vperm.xlane v22, v2  }
0xf0: {  	v25 =	vperm.xlane v19, v2  }
0xf1: {  	vm7 =	veq.f32 v20, v18;
	vm8 =	veq.f32 v23, v21;
	vm9 =	vlt.s32 v60, v22  }
0xf2: {  	vm10 =	vlt.s32 v25, v19;
	vm13 =	vlt.f32 v23, v21;
	vm8 =	vmand vm8, vm9  }
0xf3: {  	vm14 =	vlt.f32 v20, v18;
	vm7 =	vmand vm7, vm10;
	vm8 =	vmor vm13, vm8  }
0xf4: {  	vm7 =	vmor vm14, vm7;
	vm8 =	vmxor vm8, vm0  }
0xf5: {  	vm7 =	vmxor vm7, vm0;
	v21 =	vsel vm8, v23, v21;
	v22 =	vsel vm8, v60, v22  }
0xf6: {  	v18 =	vsel vm7, v20, v18;
	v20 =	vperm.xlane v21, v3;
	v23 =	vperm.xlane v22, v3  }
0xf7: {  	v19 =	vsel vm7, v25, v19;
	v61 =	vperm.xlane v18, v3  }
0xf8: {  	v25 =	vperm.xlane v19, v3;
	vm7 =	veq.f32 v20, v21;
	vm8 =	vlt.s32 v23, v22  }
0xf9: {  	vm15 =	vlt.f32 v20, v21;
	vm7 =	vmand vm7, vm8  }
0xfa: {  	vm12 =	vlt.s32 v25, v19;
	vm8 =	veq.f32 v61, v18;
	vm7 =	vmor vm15, vm7  }
0xfb: {  	vm13 =	vlt.f32 v61, v18;
	vm8 =	vmand vm8, vm12;
	vm7 =	vmxor vm7, vm1  }
0xfc: {  	vm8 =	vmor vm13, vm8;
	v20 =	vsel vm7, v20, v21;
	v21 =	vsel vm7, v23, v22  }
0xfd: {  	vm7 =	vmxor vm8, vm1;
	v20 =	vperm.xlane v20, v5;
	v21 =	vperm.xlane v21, v5  }
0xfe: {  	v18 =	vsel vm7, v61, v18;
	v19 =	vsel vm7, v25, v19  }
0xff: {  	vm7 =	veq.f32 v20, v18;
	vm8 =	vlt.s32 v21, v19  }
0x100: {  	vm14 =	vlt.f32 v20, v18;
	vm7 =	vmand vm7, vm8  }
0x101: {  	vm7 =	vmor vm14, vm7  }
0x102: {  	v22 =	vsel vm7, v20, v18;
	v23 =	vsel vm7, v21, v19  }
0x103: {  	v62 =	vperm.xlane v22, v6;
	v63 =	vperm.xlane v23, v6  }
0x104: {  	v18 =	vsel vm7, v18, v20  }
0x105: {  	v19 =	vsel vm7, v19, v21;
	vm8 =	veq.f32 v62, v22;
	vm15 =	vlt.s32 v63, v23  }
0x106: {  	v21 =	vperm.xlane v19, v6;
	vm12 =	vlt.f32 v62, v22;
	vm8 =	vmand vm8, vm15  }
0x107: {  	v20 =	vperm.xlane v18, v6;
	vm7 =	vmor vm12, vm8  }
0x108: {  	vm8 =	vlt.s32 v21, v19;
	vm7 =	vmxor vm7, vm2  }
0x109: {  	v22 =	vsel vm7, v62, v22;
	v23 =	vsel vm7, v63, v23;
	vm7 =	veq.f32 v20, v18  }
0x10a: {  	vm13 =	vlt.f32 v20, v18;
	v24 =	vperm.xlane v22, v7;
	vm7 =	vmand vm7, vm8  }
0x10b: {  	v25 =	vperm.xlane v23, v7;
	vm7 =	vmor vm13, vm7  }
0x10c: {  	vm8 =	vlt.f32 v24, v22;
	vm14 =	veq.f32 v24, v22;
	vm7 =	vmxor vm7, vm2  }
0x10d: {  	vm15 =	vlt.s32 v25, v23;
	v18 =	vsel vm7, v20, v18;
	v19 =	vsel vm7, v21, v19  }
0x10e: {  	vm7 =	vmand vm14, vm15;
	v20 =	vperm.xlane v18, v7;
	v21 =	vperm.xlane v19, v7  }
0x10f: {  	vm7 =	vmor vm8, vm7  }
0x110: {  	vm7 =	vmxor vm7, vm3;
	vm8 =	veq.f32 v20, v18;
	vm12 =	vlt.s32 v21, v19  }
0x111: {  	v22 =	vsel vm7, v24, v22;
	vm13 =	vlt.f32 v20, v18;
	vm8 =	vmand vm8, vm12  }
0x112: {  	v23 =	vsel vm7, v25, v23;
	v24 =	vperm.xlane v22, v8;
	vm7 =	vmor vm13, vm8  }
0x113: {  	v25 =	vperm.xlane v23, v8;
	vm7 =	vmxor vm7, vm3  }
0x114: {  	vm8 =	veq.f32 v24, v22;
	v18 =	vsel vm7, v20, v18;
	v19 =	vsel vm7, v21, v19  }
0x115: {  	vm7 =	vlt.s32 v25, v23;
	v20 =	vperm.xlane v18, v8;
	v21 =	vperm.xlane v19, v8  }
0x116: {  	vm14 =	vlt.f32 v24, v22;
	vm7 =	vmand vm8, vm7  }
0x117: {  	vm7 =	vmor vm14, vm7;
	vm8 =	veq.f32 v20, v18;
	vm15 =	vlt.s32 v21, v19  }
0x118: {  	vm7 =	vmxor vm7, vm4;
	vm12 =	vlt.f32 v20, v18;
	vm8 =	vmand vm8, vm15  }
0x119: {  	v22 =	vsel vm7, v24, v22;
	vm8 =	vmor vm12, vm8  }
0x11a: {  	v23 =	vsel vm7, v25, v23;
	v24 =	vperm.xlane v22, v2;
	vm7 =	vmxor vm8, vm4  }
0x11b: {  	v25 =	vperm.xlane v23, v2;
	v20 =	vsel vm7, v20, v18;
	v21 =	vsel vm7, v21, v19  }
0x11c: {  	v19 =	vperm.xlane v20, v2;
	v26 =	vperm.xlane v21, v2  }
0x11d: {  	vm7 =	veq.f32 v24, v22;
	vm8 =	vlt.s32 v25, v23  }
0x11e: {  	vm7 =	vmand vm7, vm8;
	vm8 =	veq.f32 v19, v20;
	vm13 =	vlt.s32 v26, v21  }
.Ltmp4:
0x11f: {  	vm14 =	vlt.f32 v24, v22;
	vm15 =	vlt.f32 v19, v20;
	vm8 =	vmand vm8, vm13;
	(pc) =	sbr.rel .LBB2_3-.Ltmp4, $4  }
0x120: {  	vm7 =	vmor vm14, vm7;
	vm8 =	vmor vm15, vm8  }
0x121: {  	s29 =	simm.s32 $0x0;
	vm7 =	vmxor vm7, vm0;
	vm8 =	vmxor vm8, vm0  }
0x122: {  	s24 =	simm.s32 $0x70;
	s25 =	simm.s32 $0x1140;
	s26 =	simm.s32 $0x8C0;
	v18 =	vsel vm7, v24, v22;
	v20 =	vsel vm8, v19, v20  }
0x123: {  	s28 =	simm.s32 $0x40;
	[smem:$0x0] =	sst s29;
	s23 =	simm.s32 $0xFFFFFFFA;
	v19 =	vsel vm7, v25, v23;
	v21 =	vsel vm8, v26, v21;
	v22 =	vperm.xlane v20, v10  }
.LBB2_15:
0x124: {  	s23 =	sadd.s32 $0x6, s23  }
0x125: {  	p0 =	slt.u32 s23, $0x78  }
.Ltmp5:
0x126: {  	_ = 	snop;
	(pc) =	sbr.rel @!p0 .LBB2_16-.Ltmp5, $3  }
0x127: {  	_ =	sdelay $0x1  }
0x128: {  	s24 =	sadd.s32 $0x60, s24  }
0x129: {  	s25 =	sadd.s32 $0x60, s25;
	s26 =	sadd.s32 $0x60, s26;
	s28 =	sadd.s32 $0x60, s28  }
.LBB2_3:
0x12a: {  	v23 =	vld [tilespmem:s28+$0xFFFFFFE0]  }
0x12b: {  	v24 =	vld [tilespmem:s26+$0xFFFFFFE0];
	_ =	sdelay $0x1  }
0x12c: {  	v25 =	vld [tilespmem:s25+$0xFFFFFFE0];
	_ =	sdelay $0x2  }
0x12d: {  	v23 =	vsub.f32 v23, v15;
	v24 =	vsub.f32 v24, v16;
	_ =	sdelay $0x1  }
0x12e: {  	v25 =	vsub.f32 v25, v17;
	v23 =	vmul.f32 v23, v23;
	v24 =	vmul.f32 v24, v24;
	_ =	sdelay $0x1  }
0x12f: {  	v58 =	vmul.f32 v25, v25;
	v23 =	vadd.f32 v24, v23;
	_ =	sdelay $0x1  }
0x130: {  	v23 =	vadd.f32 v58, v23;
	_ =	sdelay $0x1  }
0x131: {  	vm7 =	vlt.f32 v23, v22  }
0x132: {  	v59 =	vmpcnt.ones.xlane vm7;
	_ =	sdelay $0x1  }
0x133: {  	(v2sf) =	vpush v59, $0x0;
	_ =	sdelay $0x7  }
0x134: {  	v60 =	vsel vm7, $0x1, v11  }
0x135: {  	(xrf0) =	vadd.scan.msk.s32 $0xffff, v60;
	_ =	sdelay $0x2  }
0x136: {  	v61 =	vmov s29  }
0x137: {  	v24 =	vadd.s32 $0xFFFFFFFF, v61  }
0x138: {  	v24 =	vbroadcast v24, $0x0  }
0x139: {  	v62, _, _ =	vpop (xrf0);
	s30 =	spop (v2sf)  }
0x13a: {  	v24 =	vadd.s32 v62, v24;
	s29 =	sadd.s32 s29, s30  }
0x13b: {  	p0 =	slt.s32 s29, $0x10  }
.Ltmp6:
0x13c: {  	_ = 	snop;
	(pc) =	sbr.rel @p0 .LBB2_5-.Ltmp6, $4  }
0x13d: {  	_ = 	snop  }
0x13e: {  	s31 =	sadd.s32 $0xFFFFFFB0, s24  }
0x13f: {  	v63 =	vor.u32 s31, v1;
	[tilespmem:v24+s17+$0x0] =	vst.idx.msk vm7, v23  }
0x140: {  	[tilespmem:v24+s18+$0x0] =	vst.idx.msk vm7, v63  }
0x141: {  	v22 =	vld [tilespmem:$0x1C80]  }
0x142: {  	v23 =	vld [tilespmem:$0x1D00];
	_ =	sdelay $0x4  }
0x143: {  	(xrf1) =	vsort.ascd.msk.f32 $0xffff, v22, v23;
	_ =	sdelay $0xd  }
0x144: {  	v22, v23, _ =	vpop (xrf1)  }
0x145: {  	v24 =	vperm.xlane v22, v2;
	v25 =	vperm.xlane v23, v2;
	_ =	sdelay $0x1  }
0x146: {  	vm7 =	veq.f32 v24, v22;
	vm8 =	vlt.s32 v25, v23  }
0x147: {  	vm9 =	vlt.f32 v24, v22;
	vm7 =	vmand vm7, vm8  }
0x148: {  	vm7 =	vmor vm9, vm7  }
0x149: {  	vm7 =	vmxor vm7, vm0  }
0x14a: {  	v22 =	vsel vm7, v24, v22;
	v23 =	vsel vm7, v25, v23  }
0x14b: {  	v24 =	vperm.xlane v22, v3;
	v25 =	vperm.xlane v23, v3;
	_ =	sdelay $0x1  }
0x14c: {  	vm7 =	veq.f32 v24, v22;
	vm8 =	vlt.s32 v25, v23  }
0x14d: {  	vm13 =	vlt.f32 v24, v22;
	vm7 =	vmand vm7, vm8  }
0x14e: {  	vm7 =	vmor vm13, vm7  }
0x14f: {  	vm7 =	vmxor vm7, vm1  }
0x150: {  	v22 =	vsel vm7, v24, v22;
	v23 =	vsel vm7, v25, v23  }
0x151: {  	v22 =	vperm.xlane v22, v5;
	v23 =	vperm.xlane v23, v5;
	_ =	sdelay $0x1  }
0x152: {  	vm7 =	veq.f32 v22, v20;
	vm8 =	vlt.s32 v23, v21  }
0x153: {  	vm14 =	vlt.f32 v22, v20;
	vm7 =	vmand vm7, vm8  }
0x154: {  	vm7 =	vmor vm14, vm7  }
0x155: {  	v20 =	vsel vm7, v22, v20;
	v21 =	vsel vm7, v23, v21  }
0x156: {  	v22 =	vperm.xlane v20, v6;
	v23 =	vperm.xlane v21, v6;
	_ =	sdelay $0x1  }
0x157: {  	vm7 =	veq.f32 v22, v20;
	vm8 =	vlt.s32 v23, v21  }
0x158: {  	vm15 =	vlt.f32 v22, v20;
	vm7 =	vmand vm7, vm8  }
0x159: {  	vm7 =	vmor vm15, vm7  }
0x15a: {  	vm7 =	vmxor vm7, vm2  }
0x15b: {  	v20 =	vsel vm7, v22, v20;
	v21 =	vsel vm7, v23, v21  }
0x15c: {  	v22 =	vperm.xlane v20, v7;
	v23 =	vperm.xlane v21, v7;
	_ =	sdelay $0x1  }
0x15d: {  	vm7 =	veq.f32 v22, v20;
	vm8 =	vlt.s32 v23, v21  }
0x15e: {  	vm12 =	vlt.f32 v22, v20;
	vm7 =	vmand vm7, vm8  }
0x15f: {  	vm7 =	vmor vm12, vm7  }
0x160: {  	vm7 =	vmxor vm7, vm3  }
0x161: {  	v20 =	vsel vm7, v22, v20;
	v21 =	vsel vm7, v23, v21  }
0x162: {  	v22 =	vperm.xlane v20, v8;
	v23 =	vperm.xlane v21, v8;
	_ =	sdelay $0x1  }
0x163: {  	vm7 =	veq.f32 v22, v20;
	vm8 =	vlt.s32 v23, v21  }
0x164: {  	vm13 =	vlt.f32 v22, v20;
	vm7 =	vmand vm7, vm8  }
0x165: {  	vm7 =	vmor vm13, vm7  }
0x166: {  	vm7 =	vmxor vm7, vm4  }
0x167: {  	v20 =	vsel vm7, v22, v20;
	v21 =	vsel vm7, v23, v21  }
0x168: {  	v22 =	vperm.xlane v20, v2;
	v23 =	vperm.xlane v21, v2;
	_ =	sdelay $0x1  }
0x169: {  	vm7 =	veq.f32 v22, v20;
	vm8 =	vlt.s32 v23, v21  }
0x16a: {  	vm14 =	vlt.f32 v22, v20;
	vm7 =	vmand vm7, vm8  }
0x16b: {  	vm7 =	vmor vm14, vm7  }
0x16c: {  	vm7 =	vmxor vm7, vm0  }
0x16d: {  	v20 =	vsel vm7, v22, v20;
	v21 =	vsel vm7, v23, v21  }
0x16e: {  	v20 =	vperm.xlane v20, v5;
	v21 =	vperm.xlane v21, v5;
	_ =	sdelay $0x1  }
0x16f: {  	vm7 =	veq.f32 v20, v18;
	vm8 =	vlt.s32 v21, v19  }
0x170: {  	vm15 =	vlt.f32 v20, v18;
	vm7 =	vmand vm7, vm8  }
0x171: {  	vm7 =	vmor vm15, vm7  }
0x172: {  	v22 =	vsel vm7, v20, v18;
	v23 =	vsel vm7, v21, v19  }
0x173: {  	v62 =	vperm.xlane v22, v6;
	v63 =	vperm.xlane v23, v6  }
0x174: {  	v18 =	vsel vm7, v18, v20  }
0x175: {  	v19 =	vsel vm7, v19, v21;
	vm8 =	veq.f32 v62, v22;
	vm12 =	vlt.s32 v63, v23  }
0x176: {  	v21 =	vperm.xlane v19, v6;
	vm10 =	vlt.f32 v62, v22;
	vm8 =	vmand vm8, vm12  }
0x177: {  	v20 =	vperm.xlane v18, v6;
	vm7 =	vmor vm10, vm8  }
0x178: {  	vm8 =	vlt.s32 v21, v19;
	vm7 =	vmxor vm7, vm2  }
0x179: {  	v22 =	vsel vm7, v62, v22;
	v23 =	vsel vm7, v63, v23;
	vm7 =	veq.f32 v20, v18  }
0x17a: {  	vm13 =	vlt.f32 v20, v18;
	v24 =	vperm.xlane v22, v7;
	vm7 =	vmand vm7, vm8  }
0x17b: {  	v25 =	vperm.xlane v23, v7;
	vm7 =	vmor vm13, vm7  }
0x17c: {  	vm8 =	vlt.f32 v24, v22;
	vm14 =	veq.f32 v24, v22;
	vm7 =	vmxor vm7, vm2  }
0x17d: {  	vm15 =	vlt.s32 v25, v23;
	v18 =	vsel vm7, v20, v18;
	v19 =	vsel vm7, v21, v19  }
0x17e: {  	vm7 =	vmand vm14, vm15;
	v20 =	vperm.xlane v18, v7;
	v21 =	vperm.xlane v19, v7  }
0x17f: {  	vm7 =	vmor vm8, vm7  }
0x180: {  	vm7 =	vmxor vm7, vm3;
	vm8 =	veq.f32 v20, v18;
	vm12 =	vlt.s32 v21, v19  }
0x181: {  	v22 =	vsel vm7, v24, v22;
	vm13 =	vlt.f32 v20, v18;
	vm8 =	vmand vm8, vm12  }
0x182: {  	v23 =	vsel vm7, v25, v23;
	v24 =	vperm.xlane v22, v8;
	vm7 =	vmor vm13, vm8  }
0x183: {  	v25 =	vperm.xlane v23, v8;
	vm7 =	vmxor vm7, vm3  }
0x184: {  	vm8 =	veq.f32 v24, v22;
	v18 =	vsel vm7, v20, v18;
	v19 =	vsel vm7, v21, v19  }
0x185: {  	vm7 =	vlt.s32 v25, v23;
	v20 =	vperm.xlane v18, v8;
	v21 =	vperm.xlane v19, v8  }
0x186: {  	vm14 =	vlt.f32 v24, v22;
	vm7 =	vmand vm8, vm7  }
0x187: {  	vm7 =	vmor vm14, vm7;
	vm8 =	veq.f32 v20, v18;
	vm15 =	vlt.s32 v21, v19  }
0x188: {  	vm7 =	vmxor vm7, vm4;
	vm12 =	vlt.f32 v20, v18;
	vm8 =	vmand vm8, vm15  }
0x189: {  	v22 =	vsel vm7, v24, v22;
	vm8 =	vmor vm12, vm8  }
0x18a: {  	v23 =	vsel vm7, v25, v23;
	v24 =	vperm.xlane v22, v2;
	vm7 =	vmxor vm8, vm4  }
0x18b: {  	v25 =	vperm.xlane v23, v2;
	v20 =	vsel vm7, v20, v18;
	v21 =	vsel vm7, v21, v19  }
0x18c: {  	v19 =	vperm.xlane v20, v2;
	v26 =	vperm.xlane v21, v2  }
0x18d: {  	v27 =	vld [tilespmem:$0x1C90];
	vm7 =	veq.f32 v24, v22;
	vm8 =	vlt.s32 v25, v23  }
0x18e: {  	v28 =	vld [tilespmem:$0x1D10];
	vm7 =	vmand vm7, vm8;
	vm8 =	veq.f32 v19, v20;
	vm13 =	vlt.s32 v26, v21  }
0x18f: {  	vm14 =	vlt.f32 v24, v22;
	vm15 =	vlt.f32 v19, v20;
	vm8 =	vmand vm8, vm13  }
0x190: {  	vm7 =	vmor vm14, vm7;
	vm8 =	vmor vm15, vm8  }
0x191: {  	vm7 =	vmxor vm7, vm0;
	vm8 =	vmxor vm8, vm0  }
0x192: {  	s29 =	sadd.s32 $0xFFFFFFF0, s29;
	[tilespmem:$0x1C80] =	vst v27;
	v18 =	vsel vm7, v24, v22;
	v20 =	vsel vm8, v19, v20  }
0x193: {  	[smem:$0x0] =	sst s29;
	[tilespmem:$0x1D00] =	vst v28;
	v19 =	vsel vm7, v25, v23;
	v21 =	vsel vm8, v26, v21;
	v22 =	vperm.xlane v20, v10  }
.LBB2_5:
0x194: {  	v23 =	vld [tilespmem:s28+$0xFFFFFFF0]  }
0x195: {  	v24 =	vld [tilespmem:s26+$0xFFFFFFF0];
	_ =	sdelay $0x1  }
0x196: {  	v25 =	vld [tilespmem:s25+$0xFFFFFFF0];
	_ =	sdelay $0x2  }
0x197: {  	v23 =	vsub.f32 v23, v15;
	v24 =	vsub.f32 v24, v16;
	_ =	sdelay $0x1  }
0x198: {  	v25 =	vsub.f32 v25, v17;
	v23 =	vmul.f32 v23, v23;
	v24 =	vmul.f32 v24, v24;
	_ =	sdelay $0x1  }
0x199: {  	v58 =	vmul.f32 v25, v25;
	v23 =	vadd.f32 v24, v23;
	_ =	sdelay $0x1  }
0x19a: {  	v23 =	vadd.f32 v58, v23;
	_ =	sdelay $0x1  }
0x19b: {  	vm7 =	vlt.f32 v23, v22  }
0x19c: {  	v59 =	vmpcnt.ones.xlane vm7;
	_ =	sdelay $0x1  }
0x19d: {  	(v2sf) =	vpush v59, $0x0;
	_ =	sdelay $0x7  }
0x19e: {  	v60 =	vsel vm7, $0x1, v11  }
0x19f: {  	(xrf0) =	vadd.scan.msk.s32 $0xffff, v60;
	_ =	sdelay $0x2  }
0x1a0: {  	v61 =	vmov s29  }
0x1a1: {  	v24 =	vadd.s32 $0xFFFFFFFF, v61  }
0x1a2: {  	v24 =	vbroadcast v24, $0x0  }
0x1a3: {  	v62, _, _ =	vpop (xrf0);
	s30 =	spop (v2sf)  }
0x1a4: {  	v24 =	vadd.s32 v62, v24;
	s29 =	sadd.s32 s29, s30  }
0x1a5: {  	p0 =	slt.s32 s29, $0x10  }
.Ltmp7:
0x1a6: {  	_ = 	snop;
	(pc) =	sbr.rel @p0 .LBB2_7-.Ltmp7, $4  }
0x1a7: {  	_ = 	snop  }
0x1a8: {  	s31 =	sadd.s32 $0xFFFFFFC0, s24  }
0x1a9: {  	v63 =	vor.u32 s31, v1;
	[tilespmem:v24+s17+$0x0] =	vst.idx.msk vm7, v23  }
0x1aa: {  	[tilespmem:v24+s18+$0x0] =	vst.idx.msk vm7, v63  }
0x1ab: {  	v22 =	vld [tilespmem:$0x1C80]  }
0x1ac: {  	v23 =	vld [tilespmem:$0x1D00];
	_ =	sdelay $0x4  }
0x1ad: {  	(xrf1) =	vsort.ascd.msk.f32 $0xffff, v22, v23;
	_ =	sdelay $0xd  }
0x1ae: {  	v22, v23, _ =	vpop (xrf1)  }
0x1af: {  	v24 =	vperm.xlane v22, v2;
	v25 =	vperm.xlane v23, v2;
	_ =	sdelay $0x1  }
0x1b0: {  	vm7 =	veq.f32 v24, v22;
	vm8 =	vlt.s32 v25, v23  }
0x1b1: {  	vm9 =	vlt.f32 v24, v22;
	vm7 =	vmand vm7, vm8  }
0x1b2: {  	vm7 =	vmor vm9, vm7  }
0x1b3: {  	vm7 =	vmxor vm7, vm0  }
0x1b4: {  	v22 =	vsel vm7, v24, v22;
	v23 =	vsel vm7, v25, v23  }
0x1b5: {  	v24 =	vperm.xlane v22, v3;
	v25 =	vperm.xlane v23, v3;
	_ =	sdelay $0x1  }
0x1b6: {  	vm7 =	veq.f32 v24, v22;
	vm8 =	vlt.s32 v25, v23  }
0x1b7: {  	vm13 =	vlt.f32 v24, v22;
	vm7 =	vmand vm7, vm8  }
0x1b8: {  	vm7 =	vmor vm13, vm7  }
0x1b9: {  	vm7 =	vmxor vm7, vm1  }
0x1ba: {  	v22 =	vsel vm7, v24, v22;
	v23 =	vsel vm7, v25, v23  }
0x1bb: {  	v22 =	vperm.xlane v22, v5;
	v23 =	vperm.xlane v23, v5;
	_ =	sdelay $0x1  }
0x1bc: {  	vm7 =	veq.f32 v22, v20;
	vm8 =	vlt.s32 v23, v21  }
0x1bd: {  	vm14 =	vlt.f32 v22, v20;
	vm7 =	vmand vm7, vm8  }
0x1be: {  	vm7 =	vmor vm14, vm7  }
0x1bf: {  	v20 =	vsel vm7, v22, v20;
	v21 =	vsel vm7, v23, v21  }
0x1c0: {  	v22 =	vperm.xlane v20, v6;
	v23 =	vperm.xlane v21, v6;
	_ =	sdelay $0x1  }
0x1c1: {  	vm7 =	veq.f32 v22, v20;
	vm8 =	vlt.s32 v23, v21  }
0x1c2: {  	vm15 =	vlt.f32 v22, v20;
	vm7 =	vmand vm7, vm8  }
0x1c3: {  	vm7 =	vmor vm15, vm7  }
0x1c4: {  	vm7 =	vmxor vm7, vm2  }
0x1c5: {  	v20 =	vsel vm7, v22, v20;
	v21 =	vsel vm7, v23, v21  }
0x1c6: {  	v22 =	vperm.xlane v20, v7;
	v23 =	vperm.xlane v21, v7;
	_ =	sdelay $0x1  }
0x1c7: {  	vm7 =	veq.f32 v22, v20;
	vm8 =	vlt.s32 v23, v21  }
0x1c8: {  	vm12 =	vlt.f32 v22, v20;
	vm7 =	vmand vm7, vm8  }
0x1c9: {  	vm7 =	vmor vm12, vm7  }
0x1ca: {  	vm7 =	vmxor vm7, vm3  }
0x1cb: {  	v20 =	vsel vm7, v22, v20;
	v21 =	vsel vm7, v23, v21  }
0x1cc: {  	v22 =	vperm.xlane v20, v8;
	v23 =	vperm.xlane v21, v8;
	_ =	sdelay $0x1  }
0x1cd: {  	vm7 =	veq.f32 v22, v20;
	vm8 =	vlt.s32 v23, v21  }
0x1ce: {  	vm13 =	vlt.f32 v22, v20;
	vm7 =	vmand vm7, vm8  }
0x1cf: {  	vm7 =	vmor vm13, vm7  }
0x1d0: {  	vm7 =	vmxor vm7, vm4  }
0x1d1: {  	v20 =	vsel vm7, v22, v20;
	v21 =	vsel vm7, v23, v21  }
0x1d2: {  	v22 =	vperm.xlane v20, v2;
	v23 =	vperm.xlane v21, v2;
	_ =	sdelay $0x1  }
0x1d3: {  	vm7 =	veq.f32 v22, v20;
	vm8 =	vlt.s32 v23, v21  }
0x1d4: {  	vm14 =	vlt.f32 v22, v20;
	vm7 =	vmand vm7, vm8  }
0x1d5: {  	vm7 =	vmor vm14, vm7  }
0x1d6: {  	vm7 =	vmxor vm7, vm0  }
0x1d7: {  	v20 =	vsel vm7, v22, v20;
	v21 =	vsel vm7, v23, v21  }
0x1d8: {  	v20 =	vperm.xlane v20, v5;
	v21 =	vperm.xlane v21, v5;
	_ =	sdelay $0x1  }
0x1d9: {  	vm7 =	veq.f32 v20, v18;
	vm8 =	vlt.s32 v21, v19  }
0x1da: {  	vm15 =	vlt.f32 v20, v18;
	vm7 =	vmand vm7, vm8  }
0x1db: {  	vm7 =	vmor vm15, vm7  }
0x1dc: {  	v22 =	vsel vm7, v20, v18;
	v23 =	vsel vm7, v21, v19  }
0x1dd: {  	v62 =	vperm.xlane v22, v6;
	v63 =	vperm.xlane v23, v6  }
0x1de: {  	v18 =	vsel vm7, v18, v20  }
0x1df: {  	v19 =	vsel vm7, v19, v21;
	vm8 =	veq.f32 v62, v22;
	vm12 =	vlt.s32 v63, v23  }
0x1e0: {  	v21 =	vperm.xlane v19, v6;
	vm10 =	vlt.f32 v62, v22;
	vm8 =	vmand vm8, vm12  }
0x1e1: {  	v20 =	vperm.xlane v18, v6;
	vm7 =	vmor vm10, vm8  }
0x1e2: {  	vm8 =	vlt.s32 v21, v19;
	vm7 =	vmxor vm7, vm2  }
0x1e3: {  	v22 =	vsel vm7, v62, v22;
	v23 =	vsel vm7, v63, v23;
	vm7 =	veq.f32 v20, v18  }
0x1e4: {  	vm13 =	vlt.f32 v20, v18;
	v24 =	vperm.xlane v22, v7;
	vm7 =	vmand vm7, vm8  }
0x1e5: {  	v25 =	vperm.xlane v23, v7;
	vm7 =	vmor vm13, vm7  }
0x1e6: {  	vm8 =	vlt.f32 v24, v22;
	vm14 =	veq.f32 v24, v22;
	vm7 =	vmxor vm7, vm2  }
0x1e7: {  	vm15 =	vlt.s32 v25, v23;
	v18 =	vsel vm7, v20, v18;
	v19 =	vsel vm7, v21, v19  }
0x1e8: {  	vm7 =	vmand vm14, vm15;
	v20 =	vperm.xlane v18, v7;
	v21 =	vperm.xlane v19, v7  }
0x1e9: {  	vm7 =	vmor vm8, vm7  }
0x1ea: {  	vm7 =	vmxor vm7, vm3;
	vm8 =	veq.f32 v20, v18;
	vm12 =	vlt.s32 v21, v19  }
0x1eb: {  	v22 =	vsel vm7, v24, v22;
	vm13 =	vlt.f32 v20, v18;
	vm8 =	vmand vm8, vm12  }
0x1ec: {  	v23 =	vsel vm7, v25, v23;
	v24 =	vperm.xlane v22, v8;
	vm7 =	vmor vm13, vm8  }
0x1ed: {  	v25 =	vperm.xlane v23, v8;
	vm7 =	vmxor vm7, vm3  }
0x1ee: {  	vm8 =	veq.f32 v24, v22;
	v18 =	vsel vm7, v20, v18;
	v19 =	vsel vm7, v21, v19  }
0x1ef: {  	vm7 =	vlt.s32 v25, v23;
	v20 =	vperm.xlane v18, v8;
	v21 =	vperm.xlane v19, v8  }
0x1f0: {  	vm14 =	vlt.f32 v24, v22;
	vm7 =	vmand vm8, vm7  }
0x1f1: {  	vm7 =	vmor vm14, vm7;
	vm8 =	veq.f32 v20, v18;
	vm15 =	vlt.s32 v21, v19  }
0x1f2: {  	vm7 =	vmxor vm7, vm4;
	vm12 =	vlt.f32 v20, v18;
	vm8 =	vmand vm8, vm15  }
0x1f3: {  	v22 =	vsel vm7, v24, v22;
	vm8 =	vmor vm12, vm8  }
0x1f4: {  	v23 =	vsel vm7, v25, v23;
	v24 =	vperm.xlane v22, v2;
	vm7 =	vmxor vm8, vm4  }
0x1f5: {  	v25 =	vperm.xlane v23, v2;
	v20 =	vsel vm7, v20, v18;
	v21 =	vsel vm7, v21, v19  }
0x1f6: {  	v19 =	vperm.xlane v20, v2;
	v26 =	vperm.xlane v21, v2  }
0x1f7: {  	v27 =	vld [tilespmem:$0x1C90];
	vm7 =	veq.f32 v24, v22;
	vm8 =	vlt.s32 v25, v23  }
0x1f8: {  	v28 =	vld [tilespmem:$0x1D10];
	vm7 =	vmand vm7, vm8;
	vm8 =	veq.f32 v19, v20;
	vm13 =	vlt.s32 v26, v21  }
0x1f9: {  	vm14 =	vlt.f32 v24, v22;
	vm15 =	vlt.f32 v19, v20;
	vm8 =	vmand vm8, vm13  }
0x1fa: {  	vm7 =	vmor vm14, vm7;
	vm8 =	vmor vm15, vm8  }
0x1fb: {  	vm7 =	vmxor vm7, vm0;
	vm8 =	vmxor vm8, vm0  }
0x1fc: {  	[tilespmem:$0x1C80] =	vst v27;
	v18 =	vsel vm7, v24, v22;
	v20 =	vsel vm8, v19, v20  }
0x1fd: {  	s29 =	sadd.s32 $0xFFFFFFF0, s29;
	[tilespmem:$0x1D00] =	vst v28;
	v19 =	vsel vm7, v25, v23;
	v21 =	vsel vm8, v26, v21;
	v22 =	vperm.xlane v20, v10  }
.LBB2_7:
0x1fe: {  	v23 =	vld [tilespmem:s28+$0x0]  }
0x1ff: {  	v24 =	vld [tilespmem:s26+$0x0];
	_ =	sdelay $0x1  }
0x200: {  	v25 =	vld [tilespmem:s25+$0x0];
	_ =	sdelay $0x2  }
0x201: {  	v23 =	vsub.f32 v23, v15;
	v24 =	vsub.f32 v24, v16;
	_ =	sdelay $0x1  }
0x202: {  	v25 =	vsub.f32 v25, v17;
	v23 =	vmul.f32 v23, v23;
	v24 =	vmul.f32 v24, v24;
	_ =	sdelay $0x1  }
0x203: {  	v58 =	vmul.f32 v25, v25;
	v23 =	vadd.f32 v24, v23;
	_ =	sdelay $0x1  }
0x204: {  	v23 =	vadd.f32 v58, v23;
	_ =	sdelay $0x1  }
0x205: {  	vm7 =	vlt.f32 v23, v22  }
0x206: {  	v59 =	vmpcnt.ones.xlane vm7;
	_ =	sdelay $0x1  }
0x207: {  	(v2sf) =	vpush v59, $0x0;
	_ =	sdelay $0x7  }
0x208: {  	v60 =	vsel vm7, $0x1, v11  }
0x209: {  	(xrf0) =	vadd.scan.msk.s32 $0xffff, v60;
	_ =	sdelay $0x2  }
0x20a: {  	v61 =	vmov s29  }
0x20b: {  	v24 =	vadd.s32 $0xFFFFFFFF, v61  }
0x20c: {  	v24 =	vbroadcast v24, $0x0  }
0x20d: {  	v62, _, _ =	vpop (xrf0);
	s30 =	spop (v2sf)  }
0x20e: {  	v24 =	vadd.s32 v62, v24;
	s29 =	sadd.s32 s29, s30  }
0x20f: {  	p0 =	slt.s32 s29, $0x10  }
.Ltmp8:
0x210: {  	_ = 	snop;
	(pc) =	sbr.rel @p0 .LBB2_9-.Ltmp8, $4  }
0x211: {  	_ = 	snop  }
0x212: {  	s31 =	sadd.s32 $0xFFFFFFD0, s24  }
0x213: {  	v63 =	vor.u32 s31, v1;
	[tilespmem:v24+s17+$0x0] =	vst.idx.msk vm7, v23  }
0x214: {  	[tilespmem:v24+s18+$0x0] =	vst.idx.msk vm7, v63  }
0x215: {  	v22 =	vld [tilespmem:$0x1C80]  }
0x216: {  	v23 =	vld [tilespmem:$0x1D00];
	_ =	sdelay $0x4  }
0x217: {  	(xrf1) =	vsort.ascd.msk.f32 $0xffff, v22, v23;
	_ =	sdelay $0xd  }
0x218: {  	v22, v23, _ =	vpop (xrf1)  }
0x219: {  	v24 =	vperm.xlane v22, v2;
	v25 =	vperm.xlane v23, v2;
	_ =	sdelay $0x1  }
0x21a: {  	vm7 =	veq.f32 v24, v22;
	vm8 =	vlt.s32 v25, v23  }
0x21b: {  	vm9 =	vlt.f32 v24, v22;
	vm7 =	vmand vm7, vm8  }
0x21c: {  	vm7 =	vmor vm9, vm7  }
0x21d: {  	vm7 =	vmxor vm7, vm0  }
0x21e: {  	v22 =	vsel vm7, v24, v22;
	v23 =	vsel vm7, v25, v23  }
0x21f: {  	v24 =	vperm.xlane v22, v3;
	v25 =	vperm.xlane v23, v3;
	_ =	sdelay $0x1  }
0x220: {  	vm7 =	veq.f32 v24, v22;
	vm8 =	vlt.s32 v25, v23  }
0x221: {  	vm13 =	vlt.f32 v24, v22;
	vm7 =	vmand vm7, vm8  }
0x222: {  	vm7 =	vmor vm13, vm7  }
0x223: {  	vm7 =	vmxor vm7, vm1  }
0x224: {  	v22 =	vsel vm7, v24, v22;
	v23 =	vsel vm7, v25, v23  }
0x225: {  	v22 =	vperm.xlane v22, v5;
	v23 =	vperm.xlane v23, v5;
	_ =	sdelay $0x1  }
0x226: {  	vm7 =	veq.f32 v22, v20;
	vm8 =	vlt.s32 v23, v21  }
0x227: {  	vm14 =	vlt.f32 v22, v20;
	vm7 =	vmand vm7, vm8  }
0x228: {  	vm7 =	vmor vm14, vm7  }
0x229: {  	v20 =	vsel vm7, v22, v20;
	v21 =	vsel vm7, v23, v21  }
0x22a: {  	v22 =	vperm.xlane v20, v6;
	v23 =	vperm.xlane v21, v6;
	_ =	sdelay $0x1  }
0x22b: {  	vm7 =	veq.f32 v22, v20;
	vm8 =	vlt.s32 v23, v21  }
0x22c: {  	vm15 =	vlt.f32 v22, v20;
	vm7 =	vmand vm7, vm8  }
0x22d: {  	vm7 =	vmor vm15, vm7  }
0x22e: {  	vm7 =	vmxor vm7, vm2  }
0x22f: {  	v20 =	vsel vm7, v22, v20;
	v21 =	vsel vm7, v23, v21  }
0x230: {  	v22 =	vperm.xlane v20, v7;
	v23 =	vperm.xlane v21, v7;
	_ =	sdelay $0x1  }
0x231: {  	vm7 =	veq.f32 v22, v20;
	vm8 =	vlt.s32 v23, v21  }
0x232: {  	vm12 =	vlt.f32 v22, v20;
	vm7 =	vmand vm7, vm8  }
0x233: {  	vm7 =	vmor vm12, vm7  }
0x234: {  	vm7 =	vmxor vm7, vm3  }
0x235: {  	v20 =	vsel vm7, v22, v20;
	v21 =	vsel vm7, v23, v21  }
0x236: {  	v22 =	vperm.xlane v20, v8;
	v23 =	vperm.xlane v21, v8;
	_ =	sdelay $0x1  }
0x237: {  	vm7 =	veq.f32 v22, v20;
	vm8 =	vlt.s32 v23, v21  }
0x238: {  	vm13 =	vlt.f32 v22, v20;
	vm7 =	vmand vm7, vm8  }
0x239: {  	vm7 =	vmor vm13, vm7  }
0x23a: {  	vm7 =	vmxor vm7, vm4  }
0x23b: {  	v20 =	vsel vm7, v22, v20;
	v21 =	vsel vm7, v23, v21  }
0x23c: {  	v22 =	vperm.xlane v20, v2;
	v23 =	vperm.xlane v21, v2;
	_ =	sdelay $0x1  }
0x23d: {  	vm7 =	veq.f32 v22, v20;
	vm8 =	vlt.s32 v23, v21  }
0x23e: {  	vm14 =	vlt.f32 v22, v20;
	vm7 =	vmand vm7, vm8  }
0x23f: {  	vm7 =	vmor vm14, vm7  }
0x240: {  	vm7 =	vmxor vm7, vm0  }
0x241: {  	v20 =	vsel vm7, v22, v20;
	v21 =	vsel vm7, v23, v21  }
0x242: {  	v20 =	vperm.xlane v20, v5;
	v21 =	vperm.xlane v21, v5;
	_ =	sdelay $0x1  }
0x243: {  	vm7 =	veq.f32 v20, v18;
	vm8 =	vlt.s32 v21, v19  }
0x244: {  	vm15 =	vlt.f32 v20, v18;
	vm7 =	vmand vm7, vm8  }
0x245: {  	vm7 =	vmor vm15, vm7  }
0x246: {  	v22 =	vsel vm7, v20, v18;
	v23 =	vsel vm7, v21, v19  }
0x247: {  	v62 =	vperm.xlane v22, v6;
	v63 =	vperm.xlane v23, v6  }
0x248: {  	v18 =	vsel vm7, v18, v20  }
0x249: {  	v19 =	vsel vm7, v19, v21;
	vm8 =	veq.f32 v62, v22;
	vm12 =	vlt.s32 v63, v23  }
0x24a: {  	v21 =	vperm.xlane v19, v6;
	vm10 =	vlt.f32 v62, v22;
	vm8 =	vmand vm8, vm12  }
0x24b: {  	v20 =	vperm.xlane v18, v6;
	vm7 =	vmor vm10, vm8  }
0x24c: {  	vm8 =	vlt.s32 v21, v19;
	vm7 =	vmxor vm7, vm2  }
0x24d: {  	v22 =	vsel vm7, v62, v22;
	v23 =	vsel vm7, v63, v23;
	vm7 =	veq.f32 v20, v18  }
0x24e: {  	vm13 =	vlt.f32 v20, v18;
	v24 =	vperm.xlane v22, v7;
	vm7 =	vmand vm7, vm8  }
0x24f: {  	v25 =	vperm.xlane v23, v7;
	vm7 =	vmor vm13, vm7  }
0x250: {  	vm8 =	vlt.f32 v24, v22;
	vm14 =	veq.f32 v24, v22;
	vm7 =	vmxor vm7, vm2  }
0x251: {  	vm15 =	vlt.s32 v25, v23;
	v18 =	vsel vm7, v20, v18;
	v19 =	vsel vm7, v21, v19  }
0x252: {  	vm7 =	vmand vm14, vm15;
	v20 =	vperm.xlane v18, v7;
	v21 =	vperm.xlane v19, v7  }
0x253: {  	vm7 =	vmor vm8, vm7  }
0x254: {  	vm7 =	vmxor vm7, vm3;
	vm8 =	veq.f32 v20, v18;
	vm12 =	vlt.s32 v21, v19  }
0x255: {  	v22 =	vsel vm7, v24, v22;
	vm13 =	vlt.f32 v20, v18;
	vm8 =	vmand vm8, vm12  }
0x256: {  	v23 =	vsel vm7, v25, v23;
	v24 =	vperm.xlane v22, v8;
	vm7 =	vmor vm13, vm8  }
0x257: {  	v25 =	vperm.xlane v23, v8;
	vm7 =	vmxor vm7, vm3  }
0x258: {  	vm8 =	veq.f32 v24, v22;
	v18 =	vsel vm7, v20, v18;
	v19 =	vsel vm7, v21, v19  }
0x259: {  	vm7 =	vlt.s32 v25, v23;
	v20 =	vperm.xlane v18, v8;
	v21 =	vperm.xlane v19, v8  }
0x25a: {  	vm14 =	vlt.f32 v24, v22;
	vm7 =	vmand vm8, vm7  }
0x25b: {  	vm7 =	vmor vm14, vm7;
	vm8 =	veq.f32 v20, v18;
	vm15 =	vlt.s32 v21, v19  }
0x25c: {  	vm7 =	vmxor vm7, vm4;
	vm12 =	vlt.f32 v20, v18;
	vm8 =	vmand vm8, vm15  }
0x25d: {  	v22 =	vsel vm7, v24, v22;
	vm8 =	vmor vm12, vm8  }
0x25e: {  	v23 =	vsel vm7, v25, v23;
	v24 =	vperm.xlane v22, v2;
	vm7 =	vmxor vm8, vm4  }
0x25f: {  	v25 =	vperm.xlane v23, v2;
	v20 =	vsel vm7, v20, v18;
	v21 =	vsel vm7, v21, v19  }
0x260: {  	v19 =	vperm.xlane v20, v2;
	v26 =	vperm.xlane v21, v2  }
0x261: {  	v27 =	vld [tilespmem:$0x1C90];
	vm7 =	veq.f32 v24, v22;
	vm8 =	vlt.s32 v25, v23  }
0x262: {  	v28 =	vld [tilespmem:$0x1D10];
	vm7 =	vmand vm7, vm8;
	vm8 =	veq.f32 v19, v20;
	vm13 =	vlt.s32 v26, v21  }
0x263: {  	vm14 =	vlt.f32 v24, v22;
	vm15 =	vlt.f32 v19, v20;
	vm8 =	vmand vm8, vm13  }
0x264: {  	vm7 =	vmor vm14, vm7;
	vm8 =	vmor vm15, vm8  }
0x265: {  	vm7 =	vmxor vm7, vm0;
	vm8 =	vmxor vm8, vm0  }
0x266: {  	s29 =	sadd.s32 $0xFFFFFFF0, s29;
	[tilespmem:$0x1C80] =	vst v27;
	v18 =	vsel vm7, v24, v22;
	v20 =	vsel vm8, v19, v20  }
0x267: {  	[smem:$0x0] =	sst s29;
	[tilespmem:$0x1D00] =	vst v28;
	v19 =	vsel vm7, v25, v23;
	v21 =	vsel vm8, v26, v21;
	v22 =	vperm.xlane v20, v10  }
.LBB2_9:
0x268: {  	v23 =	vld [tilespmem:s28+$0x10]  }
0x269: {  	v24 =	vld [tilespmem:s26+$0x10];
	_ =	sdelay $0x1  }
0x26a: {  	v25 =	vld [tilespmem:s25+$0x10];
	_ =	sdelay $0x2  }
0x26b: {  	v23 =	vsub.f32 v23, v15;
	v24 =	vsub.f32 v24, v16;
	_ =	sdelay $0x1  }
0x26c: {  	v25 =	vsub.f32 v25, v17;
	v23 =	vmul.f32 v23, v23;
	v24 =	vmul.f32 v24, v24;
	_ =	sdelay $0x1  }
0x26d: {  	v58 =	vmul.f32 v25, v25;
	v23 =	vadd.f32 v24, v23;
	_ =	sdelay $0x1  }
0x26e: {  	v23 =	vadd.f32 v58, v23;
	_ =	sdelay $0x1  }
0x26f: {  	vm7 =	vlt.f32 v23, v22  }
0x270: {  	v59 =	vmpcnt.ones.xlane vm7;
	_ =	sdelay $0x1  }
0x271: {  	(v2sf) =	vpush v59, $0x0;
	_ =	sdelay $0x7  }
0x272: {  	v60 =	vsel vm7, $0x1, v11  }
0x273: {  	(xrf0) =	vadd.scan.msk.s32 $0xffff, v60;
	_ =	sdelay $0x2  }
0x274: {  	v61 =	vmov s29  }
0x275: {  	v24 =	vadd.s32 $0xFFFFFFFF, v61  }
0x276: {  	v24 =	vbroadcast v24, $0x0  }
0x277: {  	v62, _, _ =	vpop (xrf0);
	s30 =	spop (v2sf)  }
0x278: {  	v24 =	vadd.s32 v62, v24;
	s29 =	sadd.s32 s29, s30  }
0x279: {  	p0 =	slt.s32 s29, $0x10  }
.Ltmp9:
0x27a: {  	_ = 	snop;
	(pc) =	sbr.rel @p0 .LBB2_11-.Ltmp9, $4  }
0x27b: {  	_ = 	snop  }
0x27c: {  	s31 =	sadd.s32 $0xFFFFFFE0, s24  }
0x27d: {  	v63 =	vor.u32 s31, v1;
	[tilespmem:v24+s17+$0x0] =	vst.idx.msk vm7, v23  }
0x27e: {  	[tilespmem:v24+s18+$0x0] =	vst.idx.msk vm7, v63  }
0x27f: {  	v22 =	vld [tilespmem:$0x1C80]  }
0x280: {  	v23 =	vld [tilespmem:$0x1D00];
	_ =	sdelay $0x4  }
0x281: {  	(xrf1) =	vsort.ascd.msk.f32 $0xffff, v22, v23;
	_ =	sdelay $0xd  }
0x282: {  	v22, v23, _ =	vpop (xrf1)  }
0x283: {  	v24 =	vperm.xlane v22, v2;
	v25 =	vperm.xlane v23, v2;
	_ =	sdelay $0x1  }
0x284: {  	vm7 =	veq.f32 v24, v22;
	vm8 =	vlt.s32 v25, v23  }
0x285: {  	vm9 =	vlt.f32 v24, v22;
	vm7 =	vmand vm7, vm8  }
0x286: {  	vm7 =	vmor vm9, vm7  }
0x287: {  	vm7 =	vmxor vm7, vm0  }
0x288: {  	v22 =	vsel vm7, v24, v22;
	v23 =	vsel vm7, v25, v23  }
0x289: {  	v24 =	vperm.xlane v22, v3;
	v25 =	vperm.xlane v23, v3;
	_ =	sdelay $0x1  }
0x28a: {  	vm7 =	veq.f32 v24, v22;
	vm8 =	vlt.s32 v25, v23  }
0x28b: {  	vm13 =	vlt.f32 v24, v22;
	vm7 =	vmand vm7, vm8  }
0x28c: {  	vm7 =	vmor vm13, vm7  }
0x28d: {  	vm7 =	vmxor vm7, vm1  }
0x28e: {  	v22 =	vsel vm7, v24, v22;
	v23 =	vsel vm7, v25, v23  }
0x28f: {  	v22 =	vperm.xlane v22, v5;
	v23 =	vperm.xlane v23, v5;
	_ =	sdelay $0x1  }
0x290: {  	vm7 =	veq.f32 v22, v20;
	vm8 =	vlt.s32 v23, v21  }
0x291: {  	vm14 =	vlt.f32 v22, v20;
	vm7 =	vmand vm7, vm8  }
0x292: {  	vm7 =	vmor vm14, vm7  }
0x293: {  	v20 =	vsel vm7, v22, v20;
	v21 =	vsel vm7, v23, v21  }
0x294: {  	v22 =	vperm.xlane v20, v6;
	v23 =	vperm.xlane v21, v6;
	_ =	sdelay $0x1  }
0x295: {  	vm7 =	veq.f32 v22, v20;
	vm8 =	vlt.s32 v23, v21  }
0x296: {  	vm15 =	vlt.f32 v22, v20;
	vm7 =	vmand vm7, vm8  }
0x297: {  	vm7 =	vmor vm15, vm7  }
0x298: {  	vm7 =	vmxor vm7, vm2  }
0x299: {  	v20 =	vsel vm7, v22, v20;
	v21 =	vsel vm7, v23, v21  }
0x29a: {  	v22 =	vperm.xlane v20, v7;
	v23 =	vperm.xlane v21, v7;
	_ =	sdelay $0x1  }
0x29b: {  	vm7 =	veq.f32 v22, v20;
	vm8 =	vlt.s32 v23, v21  }
0x29c: {  	vm12 =	vlt.f32 v22, v20;
	vm7 =	vmand vm7, vm8  }
0x29d: {  	vm7 =	vmor vm12, vm7  }
0x29e: {  	vm7 =	vmxor vm7, vm3  }
0x29f: {  	v20 =	vsel vm7, v22, v20;
	v21 =	vsel vm7, v23, v21  }
0x2a0: {  	v22 =	vperm.xlane v20, v8;
	v23 =	vperm.xlane v21, v8;
	_ =	sdelay $0x1  }
0x2a1: {  	vm7 =	veq.f32 v22, v20;
	vm8 =	vlt.s32 v23, v21  }
0x2a2: {  	vm13 =	vlt.f32 v22, v20;
	vm7 =	vmand vm7, vm8  }
0x2a3: {  	vm7 =	vmor vm13, vm7  }
0x2a4: {  	vm7 =	vmxor vm7, vm4  }
0x2a5: {  	v20 =	vsel vm7, v22, v20;
	v21 =	vsel vm7, v23, v21  }
0x2a6: {  	v22 =	vperm.xlane v20, v2;
	v23 =	vperm.xlane v21, v2;
	_ =	sdelay $0x1  }
0x2a7: {  	vm7 =	veq.f32 v22, v20;
	vm8 =	vlt.s32 v23, v21  }
0x2a8: {  	vm14 =	vlt.f32 v22, v20;
	vm7 =	vmand vm7, vm8  }
0x2a9: {  	vm7 =	vmor vm14, vm7  }
0x2aa: {  	vm7 =	vmxor vm7, vm0  }
0x2ab: {  	v20 =	vsel vm7, v22, v20;
	v21 =	vsel vm7, v23, v21  }
0x2ac: {  	v20 =	vperm.xlane v20, v5;
	v21 =	vperm.xlane v21, v5;
	_ =	sdelay $0x1  }
0x2ad: {  	vm7 =	veq.f32 v20, v18;
	vm8 =	vlt.s32 v21, v19  }
0x2ae: {  	vm15 =	vlt.f32 v20, v18;
	vm7 =	vmand vm7, vm8  }
0x2af: {  	vm7 =	vmor vm15, vm7  }
0x2b0: {  	v22 =	vsel vm7, v20, v18;
	v23 =	vsel vm7, v21, v19  }
0x2b1: {  	v62 =	vperm.xlane v22, v6;
	v63 =	vperm.xlane v23, v6  }
0x2b2: {  	v18 =	vsel vm7, v18, v20  }
0x2b3: {  	v19 =	vsel vm7, v19, v21;
	vm8 =	veq.f32 v62, v22;
	vm12 =	vlt.s32 v63, v23  }
0x2b4: {  	v21 =	vperm.xlane v19, v6;
	vm10 =	vlt.f32 v62, v22;
	vm8 =	vmand vm8, vm12  }
0x2b5: {  	v20 =	vperm.xlane v18, v6;
	vm7 =	vmor vm10, vm8  }
0x2b6: {  	vm8 =	vlt.s32 v21, v19;
	vm7 =	vmxor vm7, vm2  }
0x2b7: {  	v22 =	vsel vm7, v62, v22;
	v23 =	vsel vm7, v63, v23;
	vm7 =	veq.f32 v20, v18  }
0x2b8: {  	vm13 =	vlt.f32 v20, v18;
	v24 =	vperm.xlane v22, v7;
	vm7 =	vmand vm7, vm8  }
0x2b9: {  	v25 =	vperm.xlane v23, v7;
	vm7 =	vmor vm13, vm7  }
0x2ba: {  	vm8 =	vlt.f32 v24, v22;
	vm14 =	veq.f32 v24, v22;
	vm7 =	vmxor vm7, vm2  }
0x2bb: {  	vm15 =	vlt.s32 v25, v23;
	v18 =	vsel vm7, v20, v18;
	v19 =	vsel vm7, v21, v19  }
0x2bc: {  	vm7 =	vmand vm14, vm15;
	v20 =	vperm.xlane v18, v7;
	v21 =	vperm.xlane v19, v7  }
0x2bd: {  	vm7 =	vmor vm8, vm7  }
0x2be: {  	vm7 =	vmxor vm7, vm3;
	vm8 =	veq.f32 v20, v18;
	vm12 =	vlt.s32 v21, v19  }
0x2bf: {  	v22 =	vsel vm7, v24, v22;
	vm13 =	vlt.f32 v20, v18;
	vm8 =	vmand vm8, vm12  }
0x2c0: {  	v23 =	vsel vm7, v25, v23;
	v24 =	vperm.xlane v22, v8;
	vm7 =	vmor vm13, vm8  }
0x2c1: {  	v25 =	vperm.xlane v23, v8;
	vm7 =	vmxor vm7, vm3  }
0x2c2: {  	vm8 =	veq.f32 v24, v22;
	v18 =	vsel vm7, v20, v18;
	v19 =	vsel vm7, v21, v19  }
0x2c3: {  	vm7 =	vlt.s32 v25, v23;
	v20 =	vperm.xlane v18, v8;
	v21 =	vperm.xlane v19, v8  }
0x2c4: {  	vm14 =	vlt.f32 v24, v22;
	vm7 =	vmand vm8, vm7  }
0x2c5: {  	vm7 =	vmor vm14, vm7;
	vm8 =	veq.f32 v20, v18;
	vm15 =	vlt.s32 v21, v19  }
0x2c6: {  	vm7 =	vmxor vm7, vm4;
	vm12 =	vlt.f32 v20, v18;
	vm8 =	vmand vm8, vm15  }
0x2c7: {  	v22 =	vsel vm7, v24, v22;
	vm8 =	vmor vm12, vm8  }
0x2c8: {  	v23 =	vsel vm7, v25, v23;
	v24 =	vperm.xlane v22, v2;
	vm7 =	vmxor vm8, vm4  }
0x2c9: {  	v25 =	vperm.xlane v23, v2;
	v20 =	vsel vm7, v20, v18;
	v21 =	vsel vm7, v21, v19  }
0x2ca: {  	v19 =	vperm.xlane v20, v2;
	v26 =	vperm.xlane v21, v2  }
0x2cb: {  	v27 =	vld [tilespmem:$0x1C90];
	vm7 =	veq.f32 v24, v22;
	vm8 =	vlt.s32 v25, v23  }
0x2cc: {  	v28 =	vld [tilespmem:$0x1D10];
	vm7 =	vmand vm7, vm8;
	vm8 =	veq.f32 v19, v20;
	vm13 =	vlt.s32 v26, v21  }
0x2cd: {  	vm14 =	vlt.f32 v24, v22;
	vm15 =	vlt.f32 v19, v20;
	vm8 =	vmand vm8, vm13  }
0x2ce: {  	vm7 =	vmor vm14, vm7;
	vm8 =	vmor vm15, vm8  }
0x2cf: {  	vm7 =	vmxor vm7, vm0;
	vm8 =	vmxor vm8, vm0  }
0x2d0: {  	[tilespmem:$0x1C80] =	vst v27;
	v18 =	vsel vm7, v24, v22;
	v20 =	vsel vm8, v19, v20  }
0x2d1: {  	s29 =	sadd.s32 $0xFFFFFFF0, s29;
	[tilespmem:$0x1D00] =	vst v28;
	v19 =	vsel vm7, v25, v23;
	v21 =	vsel vm8, v26, v21;
	v22 =	vperm.xlane v20, v10  }
.LBB2_11:
0x2d2: {  	v23 =	vld [tilespmem:s28+$0x20]  }
0x2d3: {  	v24 =	vld [tilespmem:s26+$0x20];
	_ =	sdelay $0x1  }
0x2d4: {  	v25 =	vld [tilespmem:s25+$0x20];
	_ =	sdelay $0x2  }
0x2d5: {  	v23 =	vsub.f32 v23, v15;
	v24 =	vsub.f32 v24, v16;
	_ =	sdelay $0x1  }
0x2d6: {  	v25 =	vsub.f32 v25, v17;
	v23 =	vmul.f32 v23, v23;
	v24 =	vmul.f32 v24, v24;
	_ =	sdelay $0x1  }
0x2d7: {  	v58 =	vmul.f32 v25, v25;
	v23 =	vadd.f32 v24, v23;
	_ =	sdelay $0x1  }
0x2d8: {  	v23 =	vadd.f32 v58, v23;
	_ =	sdelay $0x1  }
0x2d9: {  	vm7 =	vlt.f32 v23, v22  }
0x2da: {  	v59 =	vmpcnt.ones.xlane vm7;
	_ =	sdelay $0x1  }
0x2db: {  	(v2sf) =	vpush v59, $0x0;
	_ =	sdelay $0x7  }
0x2dc: {  	v60 =	vsel vm7, $0x1, v11  }
0x2dd: {  	(xrf0) =	vadd.scan.msk.s32 $0xffff, v60;
	_ =	sdelay $0x2  }
0x2de: {  	v61 =	vmov s29  }
0x2df: {  	v24 =	vadd.s32 $0xFFFFFFFF, v61  }
0x2e0: {  	v24 =	vbroadcast v24, $0x0  }
0x2e1: {  	v62, _, _ =	vpop (xrf0);
	s30 =	spop (v2sf)  }
0x2e2: {  	v24 =	vadd.s32 v62, v24;
	s29 =	sadd.s32 s29, s30  }
0x2e3: {  	p0 =	slt.s32 s29, $0x10  }
.Ltmp10:
0x2e4: {  	_ = 	snop;
	(pc) =	sbr.rel @p0 .LBB2_13-.Ltmp10, $4  }
0x2e5: {  	_ = 	snop  }
0x2e6: {  	s31 =	sadd.s32 $0xFFFFFFF0, s24  }
0x2e7: {  	v63 =	vor.u32 s31, v1;
	[tilespmem:v24+s17+$0x0] =	vst.idx.msk vm7, v23  }
0x2e8: {  	[tilespmem:v24+s18+$0x0] =	vst.idx.msk vm7, v63  }
0x2e9: {  	v22 =	vld [tilespmem:$0x1C80]  }
0x2ea: {  	v23 =	vld [tilespmem:$0x1D00];
	_ =	sdelay $0x4  }
0x2eb: {  	(xrf1) =	vsort.ascd.msk.f32 $0xffff, v22, v23;
	_ =	sdelay $0xd  }
0x2ec: {  	v22, v23, _ =	vpop (xrf1)  }
0x2ed: {  	v24 =	vperm.xlane v22, v2;
	v25 =	vperm.xlane v23, v2;
	_ =	sdelay $0x1  }
0x2ee: {  	vm7 =	veq.f32 v24, v22;
	vm8 =	vlt.s32 v25, v23  }
0x2ef: {  	vm9 =	vlt.f32 v24, v22;
	vm7 =	vmand vm7, vm8  }
0x2f0: {  	vm7 =	vmor vm9, vm7  }
0x2f1: {  	vm7 =	vmxor vm7, vm0  }
0x2f2: {  	v22 =	vsel vm7, v24, v22;
	v23 =	vsel vm7, v25, v23  }
0x2f3: {  	v24 =	vperm.xlane v22, v3;
	v25 =	vperm.xlane v23, v3;
	_ =	sdelay $0x1  }
0x2f4: {  	vm7 =	veq.f32 v24, v22;
	vm8 =	vlt.s32 v25, v23  }
0x2f5: {  	vm13 =	vlt.f32 v24, v22;
	vm7 =	vmand vm7, vm8  }
0x2f6: {  	vm7 =	vmor vm13, vm7  }
0x2f7: {  	vm7 =	vmxor vm7, vm1  }
0x2f8: {  	v22 =	vsel vm7, v24, v22;
	v23 =	vsel vm7, v25, v23  }
0x2f9: {  	v22 =	vperm.xlane v22, v5;
	v23 =	vperm.xlane v23, v5;
	_ =	sdelay $0x1  }
0x2fa: {  	vm7 =	veq.f32 v22, v20;
	vm8 =	vlt.s32 v23, v21  }
0x2fb: {  	vm14 =	vlt.f32 v22, v20;
	vm7 =	vmand vm7, vm8  }
0x2fc: {  	vm7 =	vmor vm14, vm7  }
0x2fd: {  	v20 =	vsel vm7, v22, v20;
	v21 =	vsel vm7, v23, v21  }
0x2fe: {  	v22 =	vperm.xlane v20, v6;
	v23 =	vperm.xlane v21, v6;
	_ =	sdelay $0x1  }
0x2ff: {  	vm7 =	veq.f32 v22, v20;
	vm8 =	vlt.s32 v23, v21  }
0x300: {  	vm15 =	vlt.f32 v22, v20;
	vm7 =	vmand vm7, vm8  }
0x301: {  	vm7 =	vmor vm15, vm7  }
0x302: {  	vm7 =	vmxor vm7, vm2  }
0x303: {  	v20 =	vsel vm7, v22, v20;
	v21 =	vsel vm7, v23, v21  }
0x304: {  	v22 =	vperm.xlane v20, v7;
	v23 =	vperm.xlane v21, v7;
	_ =	sdelay $0x1  }
0x305: {  	vm7 =	veq.f32 v22, v20;
	vm8 =	vlt.s32 v23, v21  }
0x306: {  	vm12 =	vlt.f32 v22, v20;
	vm7 =	vmand vm7, vm8  }
0x307: {  	vm7 =	vmor vm12, vm7  }
0x308: {  	vm7 =	vmxor vm7, vm3  }
0x309: {  	v20 =	vsel vm7, v22, v20;
	v21 =	vsel vm7, v23, v21  }
0x30a: {  	v22 =	vperm.xlane v20, v8;
	v23 =	vperm.xlane v21, v8;
	_ =	sdelay $0x1  }
0x30b: {  	vm7 =	veq.f32 v22, v20;
	vm8 =	vlt.s32 v23, v21  }
0x30c: {  	vm13 =	vlt.f32 v22, v20;
	vm7 =	vmand vm7, vm8  }
0x30d: {  	vm7 =	vmor vm13, vm7  }
0x30e: {  	vm7 =	vmxor vm7, vm4  }
0x30f: {  	v20 =	vsel vm7, v22, v20;
	v21 =	vsel vm7, v23, v21  }
0x310: {  	v22 =	vperm.xlane v20, v2;
	v23 =	vperm.xlane v21, v2;
	_ =	sdelay $0x1  }
0x311: {  	vm7 =	veq.f32 v22, v20;
	vm8 =	vlt.s32 v23, v21  }
0x312: {  	vm14 =	vlt.f32 v22, v20;
	vm7 =	vmand vm7, vm8  }
0x313: {  	vm7 =	vmor vm14, vm7  }
0x314: {  	vm7 =	vmxor vm7, vm0  }
0x315: {  	v20 =	vsel vm7, v22, v20;
	v21 =	vsel vm7, v23, v21  }
0x316: {  	v20 =	vperm.xlane v20, v5;
	v21 =	vperm.xlane v21, v5;
	_ =	sdelay $0x1  }
0x317: {  	vm7 =	veq.f32 v20, v18;
	vm8 =	vlt.s32 v21, v19  }
0x318: {  	vm15 =	vlt.f32 v20, v18;
	vm7 =	vmand vm7, vm8  }
0x319: {  	vm7 =	vmor vm15, vm7  }
0x31a: {  	v22 =	vsel vm7, v20, v18;
	v23 =	vsel vm7, v21, v19  }
0x31b: {  	v62 =	vperm.xlane v22, v6;
	v63 =	vperm.xlane v23, v6  }
0x31c: {  	v18 =	vsel vm7, v18, v20  }
0x31d: {  	v19 =	vsel vm7, v19, v21;
	vm8 =	veq.f32 v62, v22;
	vm12 =	vlt.s32 v63, v23  }
0x31e: {  	v21 =	vperm.xlane v19, v6;
	vm10 =	vlt.f32 v62, v22;
	vm8 =	vmand vm8, vm12  }
0x31f: {  	v20 =	vperm.xlane v18, v6;
	vm7 =	vmor vm10, vm8  }
0x320: {  	vm8 =	vlt.s32 v21, v19;
	vm7 =	vmxor vm7, vm2  }
0x321: {  	v22 =	vsel vm7, v62, v22;
	v23 =	vsel vm7, v63, v23;
	vm7 =	veq.f32 v20, v18  }
0x322: {  	vm13 =	vlt.f32 v20, v18;
	v24 =	vperm.xlane v22, v7;
	vm7 =	vmand vm7, vm8  }
0x323: {  	v25 =	vperm.xlane v23, v7;
	vm7 =	vmor vm13, vm7  }
0x324: {  	vm8 =	vlt.f32 v24, v22;
	vm14 =	veq.f32 v24, v22;
	vm7 =	vmxor vm7, vm2  }
0x325: {  	vm15 =	vlt.s32 v25, v23;
	v18 =	vsel vm7, v20, v18;
	v19 =	vsel vm7, v21, v19  }
0x326: {  	vm7 =	vmand vm14, vm15;
	v20 =	vperm.xlane v18, v7;
	v21 =	vperm.xlane v19, v7  }
0x327: {  	vm7 =	vmor vm8, vm7  }
0x328: {  	vm7 =	vmxor vm7, vm3;
	vm8 =	veq.f32 v20, v18;
	vm12 =	vlt.s32 v21, v19  }
0x329: {  	v22 =	vsel vm7, v24, v22;
	vm13 =	vlt.f32 v20, v18;
	vm8 =	vmand vm8, vm12  }
0x32a: {  	v23 =	vsel vm7, v25, v23;
	v24 =	vperm.xlane v22, v8;
	vm7 =	vmor vm13, vm8  }
0x32b: {  	v25 =	vperm.xlane v23, v8;
	vm7 =	vmxor vm7, vm3  }
0x32c: {  	vm8 =	veq.f32 v24, v22;
	v18 =	vsel vm7, v20, v18;
	v19 =	vsel vm7, v21, v19  }
0x32d: {  	vm7 =	vlt.s32 v25, v23;
	v20 =	vperm.xlane v18, v8;
	v21 =	vperm.xlane v19, v8  }
0x32e: {  	vm14 =	vlt.f32 v24, v22;
	vm7 =	vmand vm8, vm7  }
0x32f: {  	vm7 =	vmor vm14, vm7;
	vm8 =	veq.f32 v20, v18;
	vm15 =	vlt.s32 v21, v19  }
0x330: {  	vm7 =	vmxor vm7, vm4;
	vm12 =	vlt.f32 v20, v18;
	vm8 =	vmand vm8, vm15  }
0x331: {  	v22 =	vsel vm7, v24, v22;
	vm8 =	vmor vm12, vm8  }
0x332: {  	v23 =	vsel vm7, v25, v23;
	v24 =	vperm.xlane v22, v2;
	vm7 =	vmxor vm8, vm4  }
0x333: {  	v25 =	vperm.xlane v23, v2;
	v20 =	vsel vm7, v20, v18;
	v21 =	vsel vm7, v21, v19  }
0x334: {  	v19 =	vperm.xlane v20, v2;
	v26 =	vperm.xlane v21, v2  }
0x335: {  	v27 =	vld [tilespmem:$0x1C90];
	vm7 =	veq.f32 v24, v22;
	vm8 =	vlt.s32 v25, v23  }
0x336: {  	v28 =	vld [tilespmem:$0x1D10];
	vm7 =	vmand vm7, vm8;
	vm8 =	veq.f32 v19, v20;
	vm13 =	vlt.s32 v26, v21  }
0x337: {  	vm14 =	vlt.f32 v24, v22;
	vm15 =	vlt.f32 v19, v20;
	vm8 =	vmand vm8, vm13  }
0x338: {  	vm7 =	vmor vm14, vm7;
	vm8 =	vmor vm15, vm8  }
0x339: {  	vm7 =	vmxor vm7, vm0;
	vm8 =	vmxor vm8, vm0  }
0x33a: {  	[tilespmem:$0x1C80] =	vst v27;
	v18 =	vsel vm7, v24, v22;
	v20 =	vsel vm8, v19, v20  }
0x33b: {  	s29 =	sadd.s32 $0xFFFFFFF0, s29;
	[tilespmem:$0x1D00] =	vst v28;
	v19 =	vsel vm7, v25, v23;
	v21 =	vsel vm8, v26, v21;
	v22 =	vperm.xlane v20, v10  }
.LBB2_13:
0x33c: {  	v23 =	vld [tilespmem:s28+$0x30]  }
0x33d: {  	v24 =	vld [tilespmem:s26+$0x30];
	_ =	sdelay $0x1  }
0x33e: {  	v25 =	vld [tilespmem:s25+$0x30];
	_ =	sdelay $0x2  }
0x33f: {  	v23 =	vsub.f32 v23, v15;
	v24 =	vsub.f32 v24, v16;
	_ =	sdelay $0x1  }
0x340: {  	v25 =	vsub.f32 v25, v17;
	v23 =	vmul.f32 v23, v23;
	v24 =	vmul.f32 v24, v24;
	_ =	sdelay $0x1  }
0x341: {  	v58 =	vmul.f32 v25, v25;
	v23 =	vadd.f32 v24, v23;
	_ =	sdelay $0x1  }
0x342: {  	v23 =	vadd.f32 v58, v23;
	_ =	sdelay $0x1  }
0x343: {  	vm7 =	vlt.f32 v23, v22  }
0x344: {  	v59 =	vmpcnt.ones.xlane vm7;
	_ =	sdelay $0x1  }
0x345: {  	(v2sf) =	vpush v59, $0x0;
	_ =	sdelay $0x7  }
0x346: {  	v60 =	vsel vm7, $0x1, v11  }
0x347: {  	(xrf0) =	vadd.scan.msk.s32 $0xffff, v60;
	_ =	sdelay $0x2  }
0x348: {  	v61 =	vmov s29  }
0x349: {  	v24 =	vadd.s32 $0xFFFFFFFF, v61  }
0x34a: {  	v24 =	vbroadcast v24, $0x0  }
0x34b: {  	v62, _, _ =	vpop (xrf0);
	s30 =	spop (v2sf)  }
0x34c: {  	v24 =	vadd.s32 v62, v24;
	s29 =	sadd.s32 s29, s30  }
0x34d: {  	p0 =	slt.s32 s29, $0x10  }
.Ltmp11:
0x34e: {  	_ = 	snop;
	(pc) =	sbr.rel @p0 .LBB2_15-.Ltmp11, $3  }
0x34f: {  	_ =	sdelay $0x1  }
0x350: {  	v63 =	vor.u32 s24, v1;
	[tilespmem:v24+s17+$0x0] =	vst.idx.msk vm7, v23  }
0x351: {  	[tilespmem:v24+s18+$0x0] =	vst.idx.msk vm7, v63;
	[smem:$0x0] =	sst s29  }
0x352: {  	v22 =	vld [tilespmem:$0x1C80]  }
0x353: {  	v23 =	vld [tilespmem:$0x1D00];
	_ =	sdelay $0x4  }
0x354: {  	(xrf1) =	vsort.ascd.msk.f32 $0xffff, v22, v23;
	_ =	sdelay $0xd  }
0x355: {  	v22, v23, _ =	vpop (xrf1)  }
0x356: {  	v24 =	vperm.xlane v22, v2;
	v25 =	vperm.xlane v23, v2;
	_ =	sdelay $0x1  }
0x357: {  	vm7 =	veq.f32 v24, v22;
	vm8 =	vlt.s32 v25, v23  }
0x358: {  	vm9 =	vlt.f32 v24, v22;
	vm7 =	vmand vm7, vm8  }
0x359: {  	vm7 =	vmor vm9, vm7  }
0x35a: {  	vm7 =	vmxor vm7, vm0  }
0x35b: {  	v22 =	vsel vm7, v24, v22;
	v23 =	vsel vm7, v25, v23  }
0x35c: {  	v24 =	vperm.xlane v22, v3;
	v25 =	vperm.xlane v23, v3;
	_ =	sdelay $0x1  }
0x35d: {  	vm7 =	veq.f32 v24, v22;
	vm8 =	vlt.s32 v25, v23  }
0x35e: {  	vm13 =	vlt.f32 v24, v22;
	vm7 =	vmand vm7, vm8  }
0x35f: {  	vm7 =	vmor vm13, vm7  }
0x360: {  	vm7 =	vmxor vm7, vm1  }
0x361: {  	v22 =	vsel vm7, v24, v22;
	v23 =	vsel vm7, v25, v23  }
0x362: {  	v22 =	vperm.xlane v22, v5;
	v23 =	vperm.xlane v23, v5;
	_ =	sdelay $0x1  }
0x363: {  	vm7 =	veq.f32 v22, v20;
	vm8 =	vlt.s32 v23, v21  }
0x364: {  	vm14 =	vlt.f32 v22, v20;
	vm7 =	vmand vm7, vm8  }
0x365: {  	vm7 =	vmor vm14, vm7  }
0x366: {  	v20 =	vsel vm7, v22, v20;
	v21 =	vsel vm7, v23, v21  }
0x367: {  	v22 =	vperm.xlane v20, v6;
	v23 =	vperm.xlane v21, v6;
	_ =	sdelay $0x1  }
0x368: {  	vm7 =	veq.f32 v22, v20;
	vm8 =	vlt.s32 v23, v21  }
0x369: {  	vm15 =	vlt.f32 v22, v20;
	vm7 =	vmand vm7, vm8  }
0x36a: {  	vm7 =	vmor vm15, vm7  }
0x36b: {  	vm7 =	vmxor vm7, vm2  }
0x36c: {  	v20 =	vsel vm7, v22, v20;
	v21 =	vsel vm7, v23, v21  }
0x36d: {  	v22 =	vperm.xlane v20, v7;
	v23 =	vperm.xlane v21, v7;
	_ =	sdelay $0x1  }
0x36e: {  	vm7 =	veq.f32 v22, v20;
	vm8 =	vlt.s32 v23, v21  }
0x36f: {  	vm12 =	vlt.f32 v22, v20;
	vm7 =	vmand vm7, vm8  }
0x370: {  	vm7 =	vmor vm12, vm7  }
0x371: {  	vm7 =	vmxor vm7, vm3  }
0x372: {  	v20 =	vsel vm7, v22, v20;
	v21 =	vsel vm7, v23, v21  }
0x373: {  	v22 =	vperm.xlane v20, v8;
	v23 =	vperm.xlane v21, v8;
	_ =	sdelay $0x1  }
0x374: {  	vm7 =	veq.f32 v22, v20;
	vm8 =	vlt.s32 v23, v21  }
0x375: {  	vm13 =	vlt.f32 v22, v20;
	vm7 =	vmand vm7, vm8  }
0x376: {  	vm7 =	vmor vm13, vm7  }
0x377: {  	vm7 =	vmxor vm7, vm4  }
0x378: {  	v20 =	vsel vm7, v22, v20;
	v21 =	vsel vm7, v23, v21  }
0x379: {  	v22 =	vperm.xlane v20, v2;
	v23 =	vperm.xlane v21, v2;
	_ =	sdelay $0x1  }
0x37a: {  	vm7 =	veq.f32 v22, v20;
	vm8 =	vlt.s32 v23, v21  }
0x37b: {  	vm14 =	vlt.f32 v22, v20;
	vm7 =	vmand vm7, vm8  }
0x37c: {  	vm7 =	vmor vm14, vm7  }
0x37d: {  	vm7 =	vmxor vm7, vm0  }
0x37e: {  	v20 =	vsel vm7, v22, v20;
	v21 =	vsel vm7, v23, v21  }
0x37f: {  	v20 =	vperm.xlane v20, v5;
	v21 =	vperm.xlane v21, v5;
	_ =	sdelay $0x1  }
0x380: {  	vm7 =	veq.f32 v20, v18;
	vm8 =	vlt.s32 v21, v19  }
0x381: {  	vm15 =	vlt.f32 v20, v18;
	vm7 =	vmand vm7, vm8  }
0x382: {  	vm7 =	vmor vm15, vm7  }
0x383: {  	v22 =	vsel vm7, v20, v18;
	v23 =	vsel vm7, v21, v19  }
0x384: {  	v62 =	vperm.xlane v22, v6;
	v63 =	vperm.xlane v23, v6  }
0x385: {  	v18 =	vsel vm7, v18, v20  }
0x386: {  	v19 =	vsel vm7, v19, v21;
	vm8 =	veq.f32 v62, v22;
	vm12 =	vlt.s32 v63, v23  }
0x387: {  	v21 =	vperm.xlane v19, v6;
	vm10 =	vlt.f32 v62, v22;
	vm8 =	vmand vm8, vm12  }
0x388: {  	v20 =	vperm.xlane v18, v6;
	vm7 =	vmor vm10, vm8  }
0x389: {  	vm8 =	vlt.s32 v21, v19;
	vm7 =	vmxor vm7, vm2  }
0x38a: {  	v22 =	vsel vm7, v62, v22;
	v23 =	vsel vm7, v63, v23;
	vm7 =	veq.f32 v20, v18  }
0x38b: {  	vm13 =	vlt.f32 v20, v18;
	v24 =	vperm.xlane v22, v7;
	vm7 =	vmand vm7, vm8  }
0x38c: {  	v25 =	vperm.xlane v23, v7;
	vm7 =	vmor vm13, vm7  }
0x38d: {  	vm8 =	vlt.f32 v24, v22;
	vm14 =	veq.f32 v24, v22;
	vm7 =	vmxor vm7, vm2  }
0x38e: {  	vm15 =	vlt.s32 v25, v23;
	v18 =	vsel vm7, v20, v18;
	v19 =	vsel vm7, v21, v19  }
0x38f: {  	vm7 =	vmand vm14, vm15;
	v20 =	vperm.xlane v18, v7;
	v21 =	vperm.xlane v19, v7  }
0x390: {  	vm7 =	vmor vm8, vm7  }
0x391: {  	vm7 =	vmxor vm7, vm3;
	vm8 =	veq.f32 v20, v18;
	vm12 =	vlt.s32 v21, v19  }
0x392: {  	v22 =	vsel vm7, v24, v22;
	vm13 =	vlt.f32 v20, v18;
	vm8 =	vmand vm8, vm12  }
0x393: {  	v23 =	vsel vm7, v25, v23;
	v24 =	vperm.xlane v22, v8;
	vm7 =	vmor vm13, vm8  }
0x394: {  	v25 =	vperm.xlane v23, v8;
	vm7 =	vmxor vm7, vm3  }
0x395: {  	vm8 =	veq.f32 v24, v22;
	v18 =	vsel vm7, v20, v18;
	v19 =	vsel vm7, v21, v19  }
0x396: {  	vm7 =	vlt.s32 v25, v23;
	v20 =	vperm.xlane v18, v8;
	v21 =	vperm.xlane v19, v8  }
0x397: {  	vm14 =	vlt.f32 v24, v22;
	vm7 =	vmand vm8, vm7  }
0x398: {  	vm7 =	vmor vm14, vm7;
	vm8 =	veq.f32 v20, v18;
	vm15 =	vlt.s32 v21, v19  }
0x399: {  	vm7 =	vmxor vm7, vm4;
	vm12 =	vlt.f32 v20, v18;
	vm8 =	vmand vm8, vm15  }
0x39a: {  	v22 =	vsel vm7, v24, v22;
	vm8 =	vmor vm12, vm8  }
0x39b: {  	v23 =	vsel vm7, v25, v23;
	v24 =	vperm.xlane v22, v2;
	vm7 =	vmxor vm8, vm4  }
0x39c: {  	v25 =	vperm.xlane v23, v2;
	v20 =	vsel vm7, v20, v18;
	v21 =	vsel vm7, v21, v19  }
0x39d: {  	v19 =	vperm.xlane v20, v2;
	v26 =	vperm.xlane v21, v2  }
0x39e: {  	v27 =	vld [tilespmem:$0x1C90];
	vm7 =	veq.f32 v24, v22;
	vm8 =	vlt.s32 v25, v23  }
0x39f: {  	v28 =	vld [tilespmem:$0x1D10];
	vm7 =	vmand vm7, vm8;
	vm8 =	veq.f32 v19, v20;
	vm13 =	vlt.s32 v26, v21  }
.Ltmp12:
0x3a0: {  	vm14 =	vlt.f32 v24, v22;
	vm15 =	vlt.f32 v19, v20;
	vm8 =	vmand vm8, vm13;
	(pc) =	sbr.rel .LBB2_15-.Ltmp12, $4  }
0x3a1: {  	vm7 =	vmor vm14, vm7;
	vm8 =	vmor vm15, vm8  }
0x3a2: {  	vm7 =	vmxor vm7, vm0;
	vm8 =	vmxor vm8, vm0  }
0x3a3: {  	s29 =	sadd.s32 $0xFFFFFFF0, s29;
	[tilespmem:$0x1C80] =	vst v27;
	v18 =	vsel vm7, v24, v22;
	v20 =	vsel vm8, v19, v20  }
0x3a4: {  	[smem:$0x0] =	sst s29;
	[tilespmem:$0x1D00] =	vst v28;
	v19 =	vsel vm7, v25, v23;
	v21 =	vsel vm8, v26, v21;
	v22 =	vperm.xlane v20, v10  }
.LBB2_16:
0x3a5: {  	p0 =	slt.s32 s29, $0x1  }
.Ltmp13:
0x3a6: {  	_ = 	snop;
	(pc) =	sbr.rel @p0 .LBB2_18-.Ltmp13, $1  }
0x3a7: {  	_ =	sdelay $0x3  }
0x3a8: {  	v15 =	vld [tilespmem:$0x1C80]  }
0x3a9: {  	v16 =	vld [tilespmem:$0x1D00];
	_ =	sdelay $0x2  }
0x3aa: {  	v17 =	vmov s29  }
0x3ab: {  	vm7 =	vgt.s32 v17, v1;
	v17 =	vor.u32 $0x1800, v1  }
0x3ac: {  	v15 =	vnsel vm7, $0x7F800000, v15;
	v16 =	vsel vm7, v16, v17  }
0x3ad: {  	(xrf1) =	vsort.ascd.msk.f32 $0xffff, v15, v16;
	_ =	sdelay $0xd  }
0x3ae: {  	v15, v16, _ =	vpop (xrf1)  }
0x3af: {  	v17 =	vperm.xlane v15, v2;
	v22 =	vperm.xlane v16, v2;
	_ =	sdelay $0x1  }
0x3b0: {  	vm7 =	veq.f32 v17, v15;
	vm8 =	vlt.s32 v22, v16  }
0x3b1: {  	vm9 =	vlt.f32 v17, v15;
	vm7 =	vmand vm7, vm8  }
0x3b2: {  	vm7 =	vmor vm9, vm7  }
0x3b3: {  	vm7 =	vmxor vm7, vm0  }
0x3b4: {  	v15 =	vsel vm7, v17, v15;
	v16 =	vsel vm7, v22, v16  }
0x3b5: {  	v17 =	vperm.xlane v15, v3;
	v22 =	vperm.xlane v16, v3;
	_ =	sdelay $0x1  }
0x3b6: {  	vm7 =	veq.f32 v17, v15;
	vm8 =	vlt.s32 v22, v16  }
0x3b7: {  	vm12 =	vlt.f32 v17, v15;
	vm7 =	vmand vm7, vm8  }
0x3b8: {  	vm7 =	vmor vm12, vm7  }
0x3b9: {  	vm7 =	vmxor vm7, vm1  }
0x3ba: {  	v15 =	vsel vm7, v17, v15;
	v16 =	vsel vm7, v22, v16  }
0x3bb: {  	v15 =	vperm.xlane v15, v5;
	v16 =	vperm.xlane v16, v5;
	_ =	sdelay $0x1  }
0x3bc: {  	vm7 =	veq.f32 v15, v20;
	vm8 =	vlt.s32 v16, v21  }
0x3bd: {  	vm13 =	vlt.f32 v15, v20;
	vm7 =	vmand vm7, vm8  }
0x3be: {  	vm7 =	vmor vm13, vm7  }
0x3bf: {  	v15 =	vsel vm7, v15, v20;
	v16 =	vsel vm7, v16, v21  }
0x3c0: {  	v17 =	vperm.xlane v15, v6;
	v20 =	vperm.xlane v16, v6;
	_ =	sdelay $0x1  }
0x3c1: {  	vm7 =	veq.f32 v17, v15;
	vm8 =	vlt.s32 v20, v16  }
0x3c2: {  	vm14 =	vlt.f32 v17, v15;
	vm7 =	vmand vm7, vm8  }
0x3c3: {  	vm7 =	vmor vm14, vm7  }
0x3c4: {  	vm7 =	vmxor vm7, vm2  }
0x3c5: {  	v15 =	vsel vm7, v17, v15;
	v16 =	vsel vm7, v20, v16  }
0x3c6: {  	v17 =	vperm.xlane v15, v7;
	v20 =	vperm.xlane v16, v7;
	_ =	sdelay $0x1  }
0x3c7: {  	vm7 =	veq.f32 v17, v15;
	vm8 =	vlt.s32 v20, v16  }
0x3c8: {  	vm15 =	vlt.f32 v17, v15;
	vm7 =	vmand vm7, vm8  }
0x3c9: {  	vm7 =	vmor vm15, vm7  }
0x3ca: {  	vm7 =	vmxor vm7, vm3  }
0x3cb: {  	v15 =	vsel vm7, v17, v15;
	v16 =	vsel vm7, v20, v16  }
0x3cc: {  	v17 =	vperm.xlane v15, v8;
	v20 =	vperm.xlane v16, v8;
	_ =	sdelay $0x1  }
0x3cd: {  	vm7 =	veq.f32 v17, v15;
	vm8 =	vlt.s32 v20, v16  }
0x3ce: {  	vm12 =	vlt.f32 v17, v15;
	vm7 =	vmand vm7, vm8  }
0x3cf: {  	vm7 =	vmor vm12, vm7  }
0x3d0: {  	vm7 =	vmxor vm7, vm4  }
0x3d1: {  	v15 =	vsel vm7, v17, v15;
	v16 =	vsel vm7, v20, v16  }
0x3d2: {  	v17 =	vperm.xlane v15, v2;
	v20 =	vperm.xlane v16, v2;
	_ =	sdelay $0x1  }
0x3d3: {  	vm7 =	veq.f32 v17, v15;
	vm8 =	vlt.s32 v20, v16  }
0x3d4: {  	vm13 =	vlt.f32 v17, v15;
	vm7 =	vmand vm7, vm8  }
0x3d5: {  	vm7 =	vmor vm13, vm7  }
0x3d6: {  	vm7 =	vmxor vm7, vm0  }
0x3d7: {  	v15 =	vsel vm7, v17, v15;
	v16 =	vsel vm7, v20, v16  }
0x3d8: {  	v15 =	vperm.xlane v15, v5;
	v16 =	vperm.xlane v16, v5;
	_ =	sdelay $0x1  }
0x3d9: {  	vm7 =	veq.f32 v15, v18;
	vm8 =	vlt.s32 v16, v19  }
0x3da: {  	vm14 =	vlt.f32 v15, v18;
	vm7 =	vmand vm7, vm8  }
0x3db: {  	vm7 =	vmor vm14, vm7  }
0x3dc: {  	v17 =	vsel vm7, v15, v18;
	v20 =	vsel vm7, v16, v19  }
0x3dd: {  	v21 =	vperm.xlane v17, v6;
	v22 =	vperm.xlane v20, v6  }
0x3de: {  	v15 =	vsel vm7, v18, v15  }
0x3df: {  	v16 =	vsel vm7, v19, v16;
	vm8 =	veq.f32 v21, v17;
	vm15 =	vlt.s32 v22, v20  }
0x3e0: {  	v19 =	vperm.xlane v16, v6;
	vm10 =	vlt.f32 v21, v17;
	vm8 =	vmand vm8, vm15  }
0x3e1: {  	v18 =	vperm.xlane v15, v6;
	vm7 =	vmor vm10, vm8  }
0x3e2: {  	vm8 =	vlt.s32 v19, v16;
	vm7 =	vmxor vm7, vm2  }
0x3e3: {  	v17 =	vsel vm7, v21, v17;
	v20 =	vsel vm7, v22, v20;
	vm7 =	veq.f32 v18, v15  }
0x3e4: {  	vm12 =	vlt.f32 v18, v15;
	v21 =	vperm.xlane v17, v7;
	vm7 =	vmand vm7, vm8  }
0x3e5: {  	v22 =	vperm.xlane v20, v7;
	vm7 =	vmor vm12, vm7  }
0x3e6: {  	vm8 =	vlt.f32 v21, v17;
	vm13 =	veq.f32 v21, v17;
	vm7 =	vmxor vm7, vm2  }
0x3e7: {  	vm14 =	vlt.s32 v22, v20;
	v15 =	vsel vm7, v18, v15;
	v16 =	vsel vm7, v19, v16  }
0x3e8: {  	vm7 =	vmand vm13, vm14;
	v18 =	vperm.xlane v15, v7;
	v19 =	vperm.xlane v16, v7  }
0x3e9: {  	vm7 =	vmor vm8, vm7  }
0x3ea: {  	vm7 =	vmxor vm7, vm3;
	vm8 =	veq.f32 v18, v15;
	vm15 =	vlt.s32 v19, v16  }
0x3eb: {  	v17 =	vsel vm7, v21, v17;
	vm12 =	vlt.f32 v18, v15;
	vm8 =	vmand vm8, vm15  }
0x3ec: {  	v20 =	vsel vm7, v22, v20;
	v21 =	vperm.xlane v17, v8;
	vm7 =	vmor vm12, vm8  }
0x3ed: {  	v22 =	vperm.xlane v20, v8;
	vm7 =	vmxor vm7, vm3  }
0x3ee: {  	vm8 =	veq.f32 v21, v17;
	v15 =	vsel vm7, v18, v15;
	v16 =	vsel vm7, v19, v16  }
0x3ef: {  	vm7 =	vlt.s32 v22, v20;
	v18 =	vperm.xlane v15, v8;
	v19 =	vperm.xlane v16, v8  }
0x3f0: {  	vm13 =	vlt.f32 v21, v17;
	vm7 =	vmand vm8, vm7  }
0x3f1: {  	vm7 =	vmor vm13, vm7;
	vm8 =	veq.f32 v18, v15;
	vm14 =	vlt.s32 v19, v16  }
0x3f2: {  	vm7 =	vmxor vm7, vm4;
	vm15 =	vlt.f32 v18, v15;
	vm8 =	vmand vm8, vm14  }
0x3f3: {  	v17 =	vsel vm7, v21, v17;
	vm8 =	vmor vm15, vm8  }
0x3f4: {  	v20 =	vsel vm7, v22, v20;
	v21 =	vperm.xlane v17, v2;
	vm7 =	vmxor vm8, vm4  }
0x3f5: {  	v22 =	vperm.xlane v20, v2;
	v15 =	vsel vm7, v18, v15;
	v16 =	vsel vm7, v19, v16  }
0x3f6: {  	v23 =	vperm.xlane v15, v2;
	v24 =	vperm.xlane v16, v2  }
0x3f7: {  	vm7 =	vlt.f32 v21, v17;
	vm8 =	veq.f32 v21, v17;
	vm12 =	vlt.s32 v22, v20  }
.Ltmp14:
0x3f8: {  	vm8 =	vmand vm8, vm12;
	vm13 =	veq.f32 v23, v15;
	vm14 =	vlt.s32 v24, v16;
	(pc) =	sbr.rel .LBB2_18-.Ltmp14, $4  }
0x3f9: {  	vm7 =	vmor vm7, vm8;
	vm15 =	vlt.f32 v23, v15;
	vm8 =	vmand vm13, vm14  }
0x3fa: {  	vm7 =	vmxor vm7, vm0;
	vm8 =	vmor vm15, vm8  }
0x3fb: {  	v18 =	vsel vm7, v21, v17;
	vm8 =	vmxor vm8, vm0  }
0x3fc: {  	v19 =	vsel vm7, v22, v20;
	v20 =	vsel vm8, v23, v15;
	v21 =	vsel vm8, v24, v16  }
.LBB2_20:
0x3fd: {  	_ =	sfence.sel $0x180000  }
0x3fe: {  	[bflag:$0x0] =	sbarrier.arrive $0xFFFF  }
0x3ff: {  	p0 =	sne.s32 s2, $0x0;
	_ =	strace $0x90000047  }
0x400: {  	s0 =	sadd.s32 @!p0 $0x100000, s0;
	[bflag:$0x2] =	sbarrier.arrive $0xFFFF  }
0x401: {  	[sflag:s0] =	ssyncadd.tile.s32 @!p0 $0x1;
	_ =	shalt  }
.Lfunc_end2:
_tile_overlayer_lowered:
.L_overlay_start_2:
0x402: {  	(tag) =	ssettag $0x2  }
0x403: {  	s0 =	rddreg [dreg:$0x0];
	s2 =	stileid.u32  }
0x404: {  	s1 =	rddreg [dreg:$0x1];
	p0 =	sne.s32 s2, $0x0  }
0x405: {  	s3 =	rddreg [dreg:$0x2];
	[bflag:$0x3] =	sbarrier.arrive $0xFFFF;
	s2 =	simm.s32 @!p0 $0x1C01  }
0x406: {  	[timem:s3], [sflag:s2] =	dma.local @!p0 [hbm:s0], s1  }
0x407: {  	s0 =	simm.s32 @!p0 $0x1  }
0x408: {  	_ =	swait.ge @!p0 [sflag:s0], s1  }
0x409: {  	s1 =	ssub.s32 @!p0 $0x0, s1;
	[sflag:s0] =	ssyncset.done @!p0 $0x0  }
0x40a: {  	[sflag:s0] =	ssyncadd.s32 @!p0 s1  }
0x40b: {  	[bflag:$0x3] =	sbarrier.arrive $0xFFFF  }
0x40c: {  	_ =	shalt  }

</sc_bundles>
